<compile_context>
chip_gen: v7x
topology: tpu7x:2x2x1
jax: 0.10.2.dev20260603
libtpu: 0.0.44.dev20260713+nightly
codegen_flags: <defaults>
</compile_context>

<pallas_src>
import functools

import jax
import jax.numpy as jnp
from jax import lax
from jax.experimental import pallas as pl
from jax.experimental.pallas import tpu as pltpu
from jax.experimental.pallas import tpu_sc as plsc

B, L = 4096, 200
D = 64
HIDDEN = 256
NUM_CLASSES = 10

NC, NS = 2, 16
NW = NC * NS
BPW = B // NW
IPW = BPW * L
CH0, CH1 = 104, 96
NSLOT = 6

_mesh = plsc.VectorSubcoreMesh(core_axis_name="c", subcore_axis_name="s")


@functools.partial(
    pl.kernel,
    out_type=jax.ShapeDtypeStruct((B, D), jnp.float32),
    mesh=_mesh,
    scratch_types=[
        pltpu.VMEM((IPW,), jnp.int32),
        pltpu.VMEM((NSLOT, L, D), jnp.float32),
        pltpu.VMEM((BPW, D), jnp.float32),
        [pltpu.SemaphoreType.DMA] * NSLOT,
    ],
    compiler_params=pltpu.CompilerParams(
        use_tc_tiling_on_sc=False, needs_layout_passes=False),
)
def _pool(flat_hbm, table_hbm, out_hbm, idx_v, buf_v, out_v, sems):
    wid = lax.axis_index("c") * NS + lax.axis_index("s")
    ibase = wid * IPW

    inv_l = jnp.float32(1.0 / L)

    pltpu.sync_copy(flat_hbm.at[pl.ds(ibase, IPW)], idx_v)

    def issue(r, slot):
        pltpu.async_copy(
            table_hbm.at[idx_v.at[pl.ds(r * L, CH0)]],
            buf_v.at[slot, pl.ds(0, CH0)], sems[slot])
        pltpu.async_copy(
            table_hbm.at[idx_v.at[pl.ds(r * L + CH0, CH1)]],
            buf_v.at[slot, pl.ds(CH0, CH1)], sems[slot])

    def drain(r, slot):
        pltpu.make_async_copy(
            table_hbm.at[idx_v.at[pl.ds(r * L, CH0)]],
            buf_v.at[slot, pl.ds(0, CH0)], sems[slot]).wait()
        pltpu.make_async_copy(
            table_hbm.at[idx_v.at[pl.ds(r * L + CH0, CH1)]],
            buf_v.at[slot, pl.ds(CH0, CH1)], sems[slot]).wait()

    def reduce(r, slot):
        def rbody(j, accs):
            new = list(accs)
            for k in range(4):
                row = 4 * j + k
                for d in range(4):
                    new[d] = new[d] + buf_v[slot, row, pl.ds(16 * d, 16)]
            return tuple(new)

        z = jnp.zeros((16,), jnp.float32)
        accs = lax.fori_loop(0, L // 4, rbody, (z, z, z, z))
        for d in range(4):
            out_v[r, pl.ds(16 * d, 16)] = accs[d] * inv_l

    for s in range(NSLOT):
        issue(s, s)

    n_full = BPW // NSLOT

    def body(g, carry):
        r0 = NSLOT * g
        for s in range(NSLOT):
            drain(r0 + s, s)
            reduce(r0 + s, s)

            @pl.when(r0 + s + NSLOT < BPW)
            def _():
                issue(r0 + s + NSLOT, s)

        return carry

    lax.fori_loop(0, n_full, body, 0)
    for s in range(BPW - n_full * NSLOT):
        drain(n_full * NSLOT + s, s)
        reduce(n_full * NSLOT + s, s)

    pltpu.sync_copy(out_v, out_hbm.at[pl.ds(wid * BPW, BPW)])


def _mlp_body(xw_ref, xb_ref, w1a_ref, w1b_ref, b1_ref, w2_ref, b2_ref, o_ref):
    h = jnp.dot(xw_ref[...], w1a_ref[...], preferred_element_type=jnp.float32)
    h = h + jnp.dot(xb_ref[...], w1b_ref[...], preferred_element_type=jnp.float32)
    h = jnp.maximum(h + b1_ref[...], 0.0)
    o = jnp.dot(h, w2_ref[...], preferred_element_type=jnp.float32)
    o_ref[...] = o + b2_ref[...]


_BM = 512


def _mlp(pw, pb, w1a, w1b, b1r, w2p, b2p):
    return pl.pallas_call(
        _mlp_body,
        grid=(B // _BM,),
        in_specs=[
            pl.BlockSpec((_BM, D), lambda i: (i, 0)),
            pl.BlockSpec((_BM, D), lambda i: (i, 0)),
            pl.BlockSpec((D, HIDDEN), lambda i: (0, 0)),
            pl.BlockSpec((D, HIDDEN), lambda i: (0, 0)),
            pl.BlockSpec((1, HIDDEN), lambda i: (0, 0)),
            pl.BlockSpec((HIDDEN, 128), lambda i: (0, 0)),
            pl.BlockSpec((1, 128), lambda i: (0, 0)),
        ],
        out_specs=pl.BlockSpec((_BM, 128), lambda i: (i, 0)),
        out_shape=jax.ShapeDtypeStruct((B, 128), jnp.float32),
    )(pw, pb, w1a, w1b, b1r, w2p, b2p)


def kernel(words, bigram, emb, emb_bigram, W1, b1, W2, b2):
    pooled_b = _pool(bigram.reshape(-1), emb_bigram)
    pooled_w = _pool(words.reshape(-1), emb)

    w1t = W1.T
    b1r = b1.reshape(1, HIDDEN)
    w2p = jnp.zeros((HIDDEN, 128), W2.dtype).at[:, :NUM_CLASSES].set(W2.T)
    b2p = jnp.zeros((1, 128), b2.dtype).at[0, :NUM_CLASSES].set(b2)
    out = _mlp(pooled_w, pooled_b, w1t[:D], w1t[D:], b1r, w2p, b2p)
    return out[:, :NUM_CLASSES]

# --- scband reference (transcript-rebuilt; emitter-appended) ---
"""Pipeline reference for scband-fast-text-53214644797495 (READ-ONLY COPY).

The authoritative reference and input builder live on the scoring server;
editing this copy changes nothing except your own understanding.
"""

import jax, jax.numpy as jnp
import numpy as np

B, L = 4096, 200
V_WORD, V_BIGRAM, D = 100000, 1000000, 64
HIDDEN, NUM_CLASSES = 256, 10


def setup_inputs(seed: int = 0) -> dict:
    key = jax.random.key(seed)
    ks = jax.random.split(key, 8)
    words = jax.random.randint(ks[0], (B, L), 0, V_WORD, dtype=jnp.int32)
    bigram = jax.random.randint(ks[1], (B, L), 0, V_BIGRAM, dtype=jnp.int32)
    emb = jax.random.normal(ks[2], (V_WORD, D), dtype=jnp.float32)
    emb_bigram = jax.random.normal(ks[3], (V_BIGRAM, D), dtype=jnp.float32)
    W1 = jax.random.normal(ks[4], (HIDDEN, D * 2), dtype=jnp.float32) * (1.0 / np.sqrt(D * 2))
    b1 = jnp.zeros((HIDDEN,), dtype=jnp.float32)
    W2 = jax.random.normal(ks[5], (NUM_CLASSES, HIDDEN), dtype=jnp.float32) * (1.0 / np.sqrt(HIDDEN))
    b2 = jnp.zeros((NUM_CLASSES,), dtype=jnp.float32)
    return {"words": words, "bigram": bigram, "emb": emb, "emb_bigram": emb_bigram,
            "W1": W1, "b1": b1, "W2": W2, "b2": b2}


def reference(words, bigram, emb, emb_bigram, W1, b1, W2, b2):
    # Embedding lookups (gather)
    out = jnp.take(emb, words, axis=0)              # [B, L, D]
    out_bigram = jnp.take(emb_bigram, bigram, axis=0)  # [B, L, D]
    out = jnp.concatenate((out, out_bigram), axis=-1)  # [B, L, 2D]
    out = out.mean(axis=1)                          # [B, 2D]
    # dropout is identity in eval mode
    out = out @ W1.T + b1                           # fc1
    out = jax.nn.relu(out)
    out = out @ W2.T + b2                           # fc2
    return out

if __name__ == "__main__":
    import jax
    _d = setup_inputs()
    print(jax.jit(kernel)(*tuple(_d.values())))

</pallas_src>

<mosaic_0001>
#map = affine_map<(d0, d1) -> (0)>
#map1 = affine_map<(d0, d1) -> (0, 0)>
module attributes {stable_mosaic.version = 14 : i64} {
  func.func @_pool(%arg0: i32, %arg1: i32, %arg2: memref<819200xi32, #tpu.memory_space<hbm>>, %arg3: memref<1000000x64xf32, #tpu.memory_space<hbm>>, %arg4: memref<4096x64xf32, #tpu.memory_space<hbm>>, %arg5: memref<25600xi32, #tpu.memory_space<vmem>>, %arg6: memref<6x200x64xf32, #tpu.memory_space<vmem>>, %arg7: memref<128x64xf32, #tpu.memory_space<vmem>>, %arg8: memref<!tpu.dma_semaphore, #tpu.memory_space<semaphore_mem>>, %arg9: memref<!tpu.dma_semaphore, #tpu.memory_space<semaphore_mem>>, %arg10: memref<!tpu.dma_semaphore, #tpu.memory_space<semaphore_mem>>, %arg11: memref<!tpu.dma_semaphore, #tpu.memory_space<semaphore_mem>>, %arg12: memref<!tpu.dma_semaphore, #tpu.memory_space<semaphore_mem>>, %arg13: memref<!tpu.dma_semaphore, #tpu.memory_space<semaphore_mem>>) attributes {dimension_semantics = [#tpu.dimension_semantics<core_parallel>, #tpu.dimension_semantics<subcore_parallel>], iteration_bounds = array<i64: 2, 16>, scalar_prefetch = 0 : i64, scratch_operands = 9 : i64, tpu.core_type = #tpu.core_type<sc_vector_subcore>, window_params = [{transform_indices = #map}, {transform_indices = #map1}, {transform_indices = #map1}]} {
    %mul3A = arith.constant 16 : i32
    %mul3A_0 = arith.muli %arg0, %mul3A : i32
    %add3A = arith.addi %mul3A_0, %arg1 : i32
    %mul3A_1 = arith.constant 25600 : i32
    %mul3A_2 = arith.muli %add3A, %mul3A_1 : i32
    "tpu.region"() ({
      %run_scoped3A = tpu.sem_alloc : memref<!tpu.dma_semaphore, #tpu.memory_space<semaphore_mem>>
      %dma_start3A_239 = tpu.memref_slice %arg2[%mul3A_2] : memref<819200xi32, #tpu.memory_space<hbm>> -> memref<25600xi32, #tpu.memory_space<hbm>>
      %dma_start3A_240 = tpu.memref_slice %arg2[%mul3A_2] : memref<819200xi32, #tpu.memory_space<hbm>> -> memref<25600xi32, #tpu.memory_space<hbm>>
      tpu.enqueue_dma source(%dma_start3A_240 : memref<25600xi32, #tpu.memory_space<hbm>>) target(%arg5 : memref<25600xi32, #tpu.memory_space<vmem>>) target_semaphore(%run_scoped3A : memref<!tpu.dma_semaphore, #tpu.memory_space<semaphore_mem>>)
      %dma_wait3A_241 = tpu.memref_slice %arg2[%mul3A_2] : memref<819200xi32, #tpu.memory_space<hbm>> -> memref<25600xi32, #tpu.memory_space<hbm>>
      %dma_wait3A_242 = tpu.memref_slice %arg2[%mul3A_2] : memref<819200xi32, #tpu.memory_space<hbm>> -> memref<25600xi32, #tpu.memory_space<hbm>>
      tpu.wait_dma2 semaphore(%run_scoped3A : memref<!tpu.dma_semaphore, #tpu.memory_space<semaphore_mem>>) src(%dma_wait3A_242 : memref<25600xi32, #tpu.memory_space<hbm>>) dst(%arg5 : memref<25600xi32, #tpu.memory_space<vmem>>)
      tpu.yield
    }) : () -> ()
    %dma_start3A = arith.constant 0 : i32
    %dma_start3A_3 = arith.constant 0 : i32
    %dma_start3A_4 = arith.constant 0 : i32
    %dma_start3A_5 = tpu.memref_slice %arg6[%dma_start3A, %dma_start3A_3, %dma_start3A_4] : memref<6x200x64xf32, #tpu.memory_space<vmem>> -> memref<1x104x64xf32, #tpu.memory_space<vmem>>
    %dma_start3A_6 = tpu.memref_squeeze %dma_start3A_5 : memref<1x104x64xf32, #tpu.memory_space<vmem>> -> memref<104x64xf32, #tpu.memory_space<vmem>>
    %dma_start3A_7 = arith.constant 0 : i32
    %dma_start3A_8 = tpu.memref_slice %arg5[%dma_start3A_7] : memref<25600xi32, #tpu.memory_space<vmem>> -> memref<104xi32, #tpu.memory_space<vmem>>
    %dma_start3A_9 = arith.constant 0 : i32
    %dma_start3A_10 = arith.constant 0 : i32
    %dma_start3A_11 = tpu.memref_slice %arg3[%dma_start3A_9, %dma_start3A_10] : memref<1000000x64xf32, #tpu.memory_space<hbm>> -> memref<1000000x64xf32, #tpu.memory_space<hbm>>
    tpu.enqueue_indirect_dma source(%dma_start3A_11 : memref<1000000x64xf32, #tpu.memory_space<hbm>>) target(%dma_start3A_6 : memref<104x64xf32, #tpu.memory_space<vmem>>) offsets(%dma_start3A_8 : memref<104xi32, #tpu.memory_space<vmem>>) semaphore(%arg8 : memref<!tpu.dma_semaphore, #tpu.memory_space<semaphore_mem>>)
    %dma_start3A_12 = arith.constant 0 : i32
    %dma_start3A_13 = arith.constant 104 : i32
    %dma_start3A_14 = arith.constant 0 : i32
    %dma_start3A_15 = tpu.memref_slice %arg6[%dma_start3A_12, %dma_start3A_13, %dma_start3A_14] : memref<6x200x64xf32, #tpu.memory_space<vmem>> -> memref<1x96x64xf32, #tpu.memory_space<vmem>>
    %dma_start3A_16 = tpu.memref_squeeze %dma_start3A_15 : memref<1x96x64xf32, #tpu.memory_space<vmem>> -> memref<96x64xf32, #tpu.memory_space<vmem>>
    %dma_start3A_17 = arith.constant 104 : i32
    %dma_start3A_18 = tpu.memref_slice %arg5[%dma_start3A_17] : memref<25600xi32, #tpu.memory_space<vmem>> -> memref<96xi32, #tpu.memory_space<vmem>>
    %dma_start3A_19 = arith.constant 0 : i32
    %dma_start3A_20 = arith.constant 0 : i32
    %dma_start3A_21 = tpu.memref_slice %arg3[%dma_start3A_19, %dma_start3A_20] : memref<1000000x64xf32, #tpu.memory_space<hbm>> -> memref<1000000x64xf32, #tpu.memory_space<hbm>>
    tpu.enqueue_indirect_dma source(%dma_start3A_21 : memref<1000000x64xf32, #tpu.memory_space<hbm>>) target(%dma_start3A_16 : memref<96x64xf32, #tpu.memory_space<vmem>>) offsets(%dma_start3A_18 : memref<96xi32, #tpu.memory_space<vmem>>) semaphore(%arg8 : memref<!tpu.dma_semaphore, #tpu.memory_space<semaphore_mem>>)
    %dma_start3A_22 = arith.constant 1 : i32
    %dma_start3A_23 = arith.constant 0 : i32
    %dma_start3A_24 = arith.constant 0 : i32
    %dma_start3A_25 = tpu.memref_slice %arg6[%dma_start3A_22, %dma_start3A_23, %dma_start3A_24] : memref<6x200x64xf32, #tpu.memory_space<vmem>> -> memref<1x104x64xf32, #tpu.memory_space<vmem>>
    %dma_start3A_26 = tpu.memref_squeeze %dma_start3A_25 : memref<1x104x64xf32, #tpu.memory_space<vmem>> -> memref<104x64xf32, #tpu.memory_space<vmem>>
    %dma_start3A_27 = arith.constant 200 : i32
    %dma_start3A_28 = tpu.memref_slice %arg5[%dma_start3A_27] : memref<25600xi32, #tpu.memory_space<vmem>> -> memref<104xi32, #tpu.memory_space<vmem>>
    %dma_start3A_29 = arith.constant 0 : i32
    %dma_start3A_30 = arith.constant 0 : i32
    %dma_start3A_31 = tpu.memref_slice %arg3[%dma_start3A_29, %dma_start3A_30] : memref<1000000x64xf32, #tpu.memory_space<hbm>> -> memref<1000000x64xf32, #tpu.memory_space<hbm>>
    tpu.enqueue_indirect_dma source(%dma_start3A_31 : memref<1000000x64xf32, #tpu.memory_space<hbm>>) target(%dma_start3A_26 : memref<104x64xf32, #tpu.memory_space<vmem>>) offsets(%dma_start3A_28 : memref<104xi32, #tpu.memory_space<vmem>>) semaphore(%arg9 : memref<!tpu.dma_semaphore, #tpu.memory_space<semaphore_mem>>)
    %dma_start3A_32 = arith.constant 1 : i32
    %dma_start3A_33 = arith.constant 104 : i32
    %dma_start3A_34 = arith.constant 0 : i32
    %dma_start3A_35 = tpu.memref_slice %arg6[%dma_start3A_32, %dma_start3A_33, %dma_start3A_34] : memref<6x200x64xf32, #tpu.memory_space<vmem>> -> memref<1x96x64xf32, #tpu.memory_space<vmem>>
    %dma_start3A_36 = tpu.memref_squeeze %dma_start3A_35 : memref<1x96x64xf32, #tpu.memory_space<vmem>> -> memref<96x64xf32, #tpu.memory_space<vmem>>
    %dma_start3A_37 = arith.constant 304 : i32
    %dma_start3A_38 = tpu.memref_slice %arg5[%dma_start3A_37] : memref<25600xi32, #tpu.memory_space<vmem>> -> memref<96xi32, #tpu.memory_space<vmem>>
    %dma_start3A_39 = arith.constant 0 : i32
    %dma_start3A_40 = arith.constant 0 : i32
    %dma_start3A_41 = tpu.memref_slice %arg3[%dma_start3A_39, %dma_start3A_40] : memref<1000000x64xf32, #tpu.memory_space<hbm>> -> memref<1000000x64xf32, #tpu.memory_space<hbm>>
    tpu.enqueue_indirect_dma source(%dma_start3A_41 : memref<1000000x64xf32, #tpu.memory_space<hbm>>) target(%dma_start3A_36 : memref<96x64xf32, #tpu.memory_space<vmem>>) offsets(%dma_start3A_38 : memref<96xi32, #tpu.memory_space<vmem>>) semaphore(%arg9 : memref<!tpu.dma_semaphore, #tpu.memory_space<semaphore_mem>>)
    %dma_start3A_42 = arith.constant 2 : i32
    %dma_start3A_43 = arith.constant 0 : i32
    %dma_start3A_44 = arith.constant 0 : i32
    %dma_start3A_45 = tpu.memref_slice %arg6[%dma_start3A_42, %dma_start3A_43, %dma_start3A_44] : memref<6x200x64xf32, #tpu.memory_space<vmem>> -> memref<1x104x64xf32, #tpu.memory_space<vmem>>
    %dma_start3A_46 = tpu.memref_squeeze %dma_start3A_45 : memref<1x104x64xf32, #tpu.memory_space<vmem>> -> memref<104x64xf32, #tpu.memory_space<vmem>>
    %dma_start3A_47 = arith.constant 400 : i32
    %dma_start3A_48 = tpu.memref_slice %arg5[%dma_start3A_47] : memref<25600xi32, #tpu.memory_space<vmem>> -> memref<104xi32, #tpu.memory_space<vmem>>
    %dma_start3A_49 = arith.constant 0 : i32
    %dma_start3A_50 = arith.constant 0 : i32
    %dma_start3A_51 = tpu.memref_slice %arg3[%dma_start3A_49, %dma_start3A_50] : memref<1000000x64xf32, #tpu.memory_space<hbm>> -> memref<1000000x64xf32, #tpu.memory_space<hbm>>
    tpu.enqueue_indirect_dma source(%dma_start3A_51 : memref<1000000x64xf32, #tpu.memory_space<hbm>>) target(%dma_start3A_46 : memref<104x64xf32, #tpu.memory_space<vmem>>) offsets(%dma_start3A_48 : memref<104xi32, #tpu.memory_space<vmem>>) semaphore(%arg10 : memref<!tpu.dma_semaphore, #tpu.memory_space<semaphore_mem>>)
    %dma_start3A_52 = arith.constant 2 : i32
    %dma_start3A_53 = arith.constant 104 : i32
    %dma_start3A_54 = arith.constant 0 : i32
    %dma_start3A_55 = tpu.memref_slice %arg6[%dma_start3A_52, %dma_start3A_53, %dma_start3A_54] : memref<6x200x64xf32, #tpu.memory_space<vmem>> -> memref<1x96x64xf32, #tpu.memory_space<vmem>>
    %dma_start3A_56 = tpu.memref_squeeze %dma_start3A_55 : memref<1x96x64xf32, #tpu.memory_space<vmem>> -> memref<96x64xf32, #tpu.memory_space<vmem>>
    %dma_start3A_57 = arith.constant 504 : i32
    %dma_start3A_58 = tpu.memref_slice %arg5[%dma_start3A_57] : memref<25600xi32, #tpu.memory_space<vmem>> -> memref<96xi32, #tpu.memory_space<vmem>>
    %dma_start3A_59 = arith.constant 0 : i32
    %dma_start3A_60 = arith.constant 0 : i32
    %dma_start3A_61 = tpu.memref_slice %arg3[%dma_start3A_59, %dma_start3A_60] : memref<1000000x64xf32, #tpu.memory_space<hbm>> -> memref<1000000x64xf32, #tpu.memory_space<hbm>>
    tpu.enqueue_indirect_dma source(%dma_start3A_61 : memref<1000000x64xf32, #tpu.memory_space<hbm>>) target(%dma_start3A_56 : memref<96x64xf32, #tpu.memory_space<vmem>>) offsets(%dma_start3A_58 : memref<96xi32, #tpu.memory_space<vmem>>) semaphore(%arg10 : memref<!tpu.dma_semaphore, #tpu.memory_space<semaphore_mem>>)
    %dma_start3A_62 = arith.constant 3 : i32
    %dma_start3A_63 = arith.constant 0 : i32
    %dma_start3A_64 = arith.constant 0 : i32
    %dma_start3A_65 = tpu.memref_slice %arg6[%dma_start3A_62, %dma_start3A_63, %dma_start3A_64] : memref<6x200x64xf32, #tpu.memory_space<vmem>> -> memref<1x104x64xf32, #tpu.memory_space<vmem>>
    %dma_start3A_66 = tpu.memref_squeeze %dma_start3A_65 : memref<1x104x64xf32, #tpu.memory_space<vmem>> -> memref<104x64xf32, #tpu.memory_space<vmem>>
    %dma_start3A_67 = arith.constant 600 : i32
    %dma_start3A_68 = tpu.memref_slice %arg5[%dma_start3A_67] : memref<25600xi32, #tpu.memory_space<vmem>> -> memref<104xi32, #tpu.memory_space<vmem>>
    %dma_start3A_69 = arith.constant 0 : i32
    %dma_start3A_70 = arith.constant 0 : i32
    %dma_start3A_71 = tpu.memref_slice %arg3[%dma_start3A_69, %dma_start3A_70] : memref<1000000x64xf32, #tpu.memory_space<hbm>> -> memref<1000000x64xf32, #tpu.memory_space<hbm>>
    tpu.enqueue_indirect_dma source(%dma_start3A_71 : memref<1000000x64xf32, #tpu.memory_space<hbm>>) target(%dma_start3A_66 : memref<104x64xf32, #tpu.memory_space<vmem>>) offsets(%dma_start3A_68 : memref<104xi32, #tpu.memory_space<vmem>>) semaphore(%arg11 : memref<!tpu.dma_semaphore, #tpu.memory_space<semaphore_mem>>)
    %dma_start3A_72 = arith.constant 3 : i32
    %dma_start3A_73 = arith.constant 104 : i32
    %dma_start3A_74 = arith.constant 0 : i32
    %dma_start3A_75 = tpu.memref_slice %arg6[%dma_start3A_72, %dma_start3A_73, %dma_start3A_74] : memref<6x200x64xf32, #tpu.memory_space<vmem>> -> memref<1x96x64xf32, #tpu.memory_space<vmem>>
    %dma_start3A_76 = tpu.memref_squeeze %dma_start3A_75 : memref<1x96x64xf32, #tpu.memory_space<vmem>> -> memref<96x64xf32, #tpu.memory_space<vmem>>
    %dma_start3A_77 = arith.constant 704 : i32
    %dma_start3A_78 = tpu.memref_slice %arg5[%dma_start3A_77] : memref<25600xi32, #tpu.memory_space<vmem>> -> memref<96xi32, #tpu.memory_space<vmem>>
    %dma_start3A_79 = arith.constant 0 : i32
    %dma_start3A_80 = arith.constant 0 : i32
    %dma_start3A_81 = tpu.memref_slice %arg3[%dma_start3A_79, %dma_start3A_80] : memref<1000000x64xf32, #tpu.memory_space<hbm>> -> memref<1000000x64xf32, #tpu.memory_space<hbm>>
    tpu.enqueue_indirect_dma source(%dma_start3A_81 : memref<1000000x64xf32, #tpu.memory_space<hbm>>) target(%dma_start3A_76 : memref<96x64xf32, #tpu.memory_space<vmem>>) offsets(%dma_start3A_78 : memref<96xi32, #tpu.memory_space<vmem>>) semaphore(%arg11 : memref<!tpu.dma_semaphore, #tpu.memory_space<semaphore_mem>>)
    %dma_start3A_82 = arith.constant 4 : i32
    %dma_start3A_83 = arith.constant 0 : i32
    %dma_start3A_84 = arith.constant 0 : i32
    %dma_start3A_85 = tpu.memref_slice %arg6[%dma_start3A_82, %dma_start3A_83, %dma_start3A_84] : memref<6x200x64xf32, #tpu.memory_space<vmem>> -> memref<1x104x64xf32, #tpu.memory_space<vmem>>
    %dma_start3A_86 = tpu.memref_squeeze %dma_start3A_85 : memref<1x104x64xf32, #tpu.memory_space<vmem>> -> memref<104x64xf32, #tpu.memory_space<vmem>>
    %dma_start3A_87 = arith.constant 800 : i32
    %dma_start3A_88 = tpu.memref_slice %arg5[%dma_start3A_87] : memref<25600xi32, #tpu.memory_space<vmem>> -> memref<104xi32, #tpu.memory_space<vmem>>
    %dma_start3A_89 = arith.constant 0 : i32
    %dma_start3A_90 = arith.constant 0 : i32
    %dma_start3A_91 = tpu.memref_slice %arg3[%dma_start3A_89, %dma_start3A_90] : memref<1000000x64xf32, #tpu.memory_space<hbm>> -> memref<1000000x64xf32, #tpu.memory_space<hbm>>
    tpu.enqueue_indirect_dma source(%dma_start3A_91 : memref<1000000x64xf32, #tpu.memory_space<hbm>>) target(%dma_start3A_86 : memref<104x64xf32, #tpu.memory_space<vmem>>) offsets(%dma_start3A_88 : memref<104xi32, #tpu.memory_space<vmem>>) semaphore(%arg12 : memref<!tpu.dma_semaphore, #tpu.memory_space<semaphore_mem>>)
    %dma_start3A_92 = arith.constant 4 : i32
    %dma_start3A_93 = arith.constant 104 : i32
    %dma_start3A_94 = arith.constant 0 : i32
    %dma_start3A_95 = tpu.memref_slice %arg6[%dma_start3A_92, %dma_start3A_93, %dma_start3A_94] : memref<6x200x64xf32, #tpu.memory_space<vmem>> -> memref<1x96x64xf32, #tpu.memory_space<vmem>>
    %dma_start3A_96 = tpu.memref_squeeze %dma_start3A_95 : memref<1x96x64xf32, #tpu.memory_space<vmem>> -> memref<96x64xf32, #tpu.memory_space<vmem>>
    %dma_start3A_97 = arith.constant 904 : i32
    %dma_start3A_98 = tpu.memref_slice %arg5[%dma_start3A_97] : memref<25600xi32, #tpu.memory_space<vmem>> -> memref<96xi32, #tpu.memory_space<vmem>>
    %dma_start3A_99 = arith.constant 0 : i32
    %dma_start3A_100 = arith.constant 0 : i32
    %dma_start3A_101 = tpu.memref_slice %arg3[%dma_start3A_99, %dma_start3A_100] : memref<1000000x64xf32, #tpu.memory_space<hbm>> -> memref<1000000x64xf32, #tpu.memory_space<hbm>>
    tpu.enqueue_indirect_dma source(%dma_start3A_101 : memref<1000000x64xf32, #tpu.memory_space<hbm>>) target(%dma_start3A_96 : memref<96x64xf32, #tpu.memory_space<vmem>>) offsets(%dma_start3A_98 : memref<96xi32, #tpu.memory_space<vmem>>) semaphore(%arg12 : memref<!tpu.dma_semaphore, #tpu.memory_space<semaphore_mem>>)
    %dma_start3A_102 = arith.constant 5 : i32
    %dma_start3A_103 = arith.constant 0 : i32
    %dma_start3A_104 = arith.constant 0 : i32
    %dma_start3A_105 = tpu.memref_slice %arg6[%dma_start3A_102, %dma_start3A_103, %dma_start3A_104] : memref<6x200x64xf32, #tpu.memory_space<vmem>> -> memref<1x104x64xf32, #tpu.memory_space<vmem>>
    %dma_start3A_106 = tpu.memref_squeeze %dma_start3A_105 : memref<1x104x64xf32, #tpu.memory_space<vmem>> -> memref<104x64xf32, #tpu.memory_space<vmem>>
    %dma_start3A_107 = arith.constant 1000 : i32
    %dma_start3A_108 = tpu.memref_slice %arg5[%dma_start3A_107] : memref<25600xi32, #tpu.memory_space<vmem>> -> memref<104xi32, #tpu.memory_space<vmem>>
    %dma_start3A_109 = arith.constant 0 : i32
    %dma_start3A_110 = arith.constant 0 : i32
    %dma_start3A_111 = tpu.memref_slice %arg3[%dma_start3A_109, %dma_start3A_110] : memref<1000000x64xf32, #tpu.memory_space<hbm>> -> memref<1000000x64xf32, #tpu.memory_space<hbm>>
    tpu.enqueue_indirect_dma source(%dma_start3A_111 : memref<1000000x64xf32, #tpu.memory_space<hbm>>) target(%dma_start3A_106 : memref<104x64xf32, #tpu.memory_space<vmem>>) offsets(%dma_start3A_108 : memref<104xi32, #tpu.memory_space<vmem>>) semaphore(%arg13 : memref<!tpu.dma_semaphore, #tpu.memory_space<semaphore_mem>>)
    %dma_start3A_112 = arith.constant 5 : i32
    %dma_start3A_113 = arith.constant 104 : i32
    %dma_start3A_114 = arith.constant 0 : i32
    %dma_start3A_115 = tpu.memref_slice %arg6[%dma_start3A_112, %dma_start3A_113, %dma_start3A_114] : memref<6x200x64xf32, #tpu.memory_space<vmem>> -> memref<1x96x64xf32, #tpu.memory_space<vmem>>
    %dma_start3A_116 = tpu.memref_squeeze %dma_start3A_115 : memref<1x96x64xf32, #tpu.memory_space<vmem>> -> memref<96x64xf32, #tpu.memory_space<vmem>>
    %dma_start3A_117 = arith.constant 1104 : i32
    %dma_start3A_118 = tpu.memref_slice %arg5[%dma_start3A_117] : memref<25600xi32, #tpu.memory_space<vmem>> -> memref<96xi32, #tpu.memory_space<vmem>>
    %dma_start3A_119 = arith.constant 0 : i32
    %dma_start3A_120 = arith.constant 0 : i32
    %dma_start3A_121 = tpu.memref_slice %arg3[%dma_start3A_119, %dma_start3A_120] : memref<1000000x64xf32, #tpu.memory_space<hbm>> -> memref<1000000x64xf32, #tpu.memory_space<hbm>>
    tpu.enqueue_indirect_dma source(%dma_start3A_121 : memref<1000000x64xf32, #tpu.memory_space<hbm>>) target(%dma_start3A_116 : memref<96x64xf32, #tpu.memory_space<vmem>>) offsets(%dma_start3A_118 : memref<96xi32, #tpu.memory_space<vmem>>) semaphore(%arg13 : memref<!tpu.dma_semaphore, #tpu.memory_space<semaphore_mem>>)
    %scan3A = arith.constant 0 : i32
    %scan3A_122 = arith.constant 5.000000e-03 : f32
    %scan3A_123 = arith.constant 0 : i32
    %scan3A_124 = arith.constant 21 : i32
    %scan3A_125 = arith.addi %scan3A_123, %scan3A_124 : i32
    %scan3A_126 = arith.constant 1 : i32
    scf.for %scan3A_239 = %scan3A_123 to %scan3A_125 step %scan3A_126  : i32 {
      %mul3A_240 = arith.constant 6 : i32
      %mul3A_241 = arith.muli %mul3A_240, %scan3A_239 : i32
      %add3A_242 = arith.constant 0 : i32
      %add3A_243 = arith.addi %mul3A_241, %add3A_242 : i32
      %mul3A_244 = arith.constant 200 : i32
      %mul3A_245 = arith.muli %add3A_243, %mul3A_244 : i32
      %dma_wait3A_246 = arith.constant 0 : i32
      %dma_wait3A_247 = arith.constant 0 : i32
      %dma_wait3A_248 = arith.constant 0 : i32
      %dma_wait3A_249 = tpu.memref_slice %arg6[%dma_wait3A_246, %dma_wait3A_247, %dma_wait3A_248] : memref<6x200x64xf32, #tpu.memory_space<vmem>> -> memref<1x104x64xf32, #tpu.memory_space<vmem>>
      %dma_wait3A_250 = tpu.memref_squeeze %dma_wait3A_249 : memref<1x104x64xf32, #tpu.memory_space<vmem>> -> memref<104x64xf32, #tpu.memory_space<vmem>>
      %dma_wait3A_251 = tpu.memref_slice %arg5[%mul3A_245] : memref<25600xi32, #tpu.memory_space<vmem>> -> memref<104xi32, #tpu.memory_space<vmem>>
      %dma_wait3A_252 = arith.constant 0 : i32
      %dma_wait3A_253 = arith.constant 0 : i32
      %dma_wait3A_254 = tpu.memref_slice %arg3[%dma_wait3A_252, %dma_wait3A_253] : memref<1000000x64xf32, #tpu.memory_space<hbm>> -> memref<1000000x64xf32, #tpu.memory_space<hbm>>
      tpu.wait_indirect_dma semaphore(%arg8 : memref<!tpu.dma_semaphore, #tpu.memory_space<semaphore_mem>>) src(%dma_wait3A_254 : memref<1000000x64xf32, #tpu.memory_space<hbm>>) dst(%dma_wait3A_250 : memref<104x64xf32, #tpu.memory_space<vmem>>)
      %mul3A_255 = arith.constant 200 : i32
      %mul3A_256 = arith.muli %add3A_243, %mul3A_255 : i32
      %add3A_257 = arith.constant 104 : i32
      %add3A_258 = arith.addi %mul3A_256, %add3A_257 : i32
      %dma_wait3A_259 = arith.constant 0 : i32
      %dma_wait3A_260 = arith.constant 104 : i32
      %dma_wait3A_261 = arith.constant 0 : i32
      %dma_wait3A_262 = tpu.memref_slice %arg6[%dma_wait3A_259, %dma_wait3A_260, %dma_wait3A_261] : memref<6x200x64xf32, #tpu.memory_space<vmem>> -> memref<1x96x64xf32, #tpu.memory_space<vmem>>
      %dma_wait3A_263 = tpu.memref_squeeze %dma_wait3A_262 : memref<1x96x64xf32, #tpu.memory_space<vmem>> -> memref<96x64xf32, #tpu.memory_space<vmem>>
      %dma_wait3A_264 = tpu.memref_slice %arg5[%add3A_258] : memref<25600xi32, #tpu.memory_space<vmem>> -> memref<96xi32, #tpu.memory_space<vmem>>
      %dma_wait3A_265 = arith.constant 0 : i32
      %dma_wait3A_266 = arith.constant 0 : i32
      %dma_wait3A_267 = tpu.memref_slice %arg3[%dma_wait3A_265, %dma_wait3A_266] : memref<1000000x64xf32, #tpu.memory_space<hbm>> -> memref<1000000x64xf32, #tpu.memory_space<hbm>>
      tpu.wait_indirect_dma semaphore(%arg8 : memref<!tpu.dma_semaphore, #tpu.memory_space<semaphore_mem>>) src(%dma_wait3A_267 : memref<1000000x64xf32, #tpu.memory_space<hbm>>) dst(%dma_wait3A_263 : memref<96x64xf32, #tpu.memory_space<vmem>>)
      %add3A_268 = arith.constant 0 : i32
      %add3A_269 = arith.addi %mul3A_241, %add3A_268 : i32
      %broadcast_in_dim3A_270 = arith.constant 0.000000e+00 : f32
      %broadcast_in_dim3A_271 = vector.broadcast %broadcast_in_dim3A_270 : f32 to vector<16xf32>
      %scan3A_272 = arith.constant 0 : i32
      %scan3A_273 = arith.constant 50 : i32
      %scan3A_274 = arith.addi %scan3A_272, %scan3A_273 : i32
      %scan3A_275 = arith.constant 1 : i32
      %scan3A_276:4 = scf.for %scan3A_629 = %scan3A_272 to %scan3A_274 step %scan3A_275 iter_args(%scan3A_630 = %broadcast_in_dim3A_271, %scan3A_631 = %broadcast_in_dim3A_271, %scan3A_632 = %broadcast_in_dim3A_271, %scan3A_633 = %broadcast_in_dim3A_271) -> (vector<16xf32>, vector<16xf32>, vector<16xf32>, vector<16xf32>)  : i32 {
        %mul3A_634 = arith.constant 4 : i32
        %mul3A_635 = arith.muli %mul3A_634, %scan3A_629 : i32
        %add3A_636 = arith.constant 0 : i32
        %add3A_637 = arith.addi %mul3A_635, %add3A_636 : i32
        %get3A = arith.constant 0 : i32
        %get3A_638 = arith.index_cast %get3A : i32 to index
        %get3A_639 = arith.index_cast %add3A_637 : i32 to index
        %get3A_640 = arith.constant 0 : index
        %get3A_641 = tpu.vector_load %arg6[%get3A_638, %get3A_639, %get3A_640] {strides = array<i32>} : memref<6x200x64xf32, #tpu.memory_space<vmem>>, vector<16xf32>,
        %add3A_642 = arith.addf %scan3A_630, %get3A_641 : vector<16xf32>
        %get3A_643 = arith.constant 0 : i32
        %get3A_644 = arith.index_cast %get3A_643 : i32 to index
        %get3A_645 = arith.index_cast %add3A_637 : i32 to index
        %get3A_646 = arith.constant 16 : index
        %get3A_647 = tpu.vector_load %arg6[%get3A_644, %get3A_645, %get3A_646] {strides = array<i32>} : memref<6x200x64xf32, #tpu.memory_space<vmem>>, vector<16xf32>,
        %add3A_648 = arith.addf %scan3A_631, %get3A_647 : vector<16xf32>
        %get3A_649 = arith.constant 0 : i32
        %get3A_650 = arith.index_cast %get3A_649 : i32 to index
        %get3A_651 = arith.index_cast %add3A_637 : i32 to index
        %get3A_652 = arith.constant 32 : index
        %get3A_653 = tpu.vector_load %arg6[%get3A_650, %get3A_651, %get3A_652] {strides = array<i32>} : memref<6x200x64xf32, #tpu.memory_space<vmem>>, vector<16xf32>,
        %add3A_654 = arith.addf %scan3A_632, %get3A_653 : vector<16xf32>
        %get3A_655 = arith.constant 0 : i32
        %get3A_656 = arith.index_cast %get3A_655 : i32 to index
        %get3A_657 = arith.index_cast %add3A_637 : i32 to index
        %get3A_658 = arith.constant 48 : index
        %get3A_659 = tpu.vector_load %arg6[%get3A_656, %get3A_657, %get3A_658] {strides = array<i32>} : memref<6x200x64xf32, #tpu.memory_space<vmem>>, vector<16xf32>,
        %add3A_660 = arith.addf %scan3A_633, %get3A_659 : vector<16xf32>
        %mul3A_661 = arith.constant 4 : i32
        %mul3A_662 = arith.muli %mul3A_661, %scan3A_629 : i32
        %add3A_663 = arith.constant 1 : i32
        %add3A_664 = arith.addi %mul3A_662, %add3A_663 : i32
        %get3A_665 = arith.constant 0 : i32
        %get3A_666 = arith.index_cast %get3A_665 : i32 to index
        %get3A_667 = arith.index_cast %add3A_664 : i32 to index
        %get3A_668 = arith.constant 0 : index
        %get3A_669 = tpu.vector_load %arg6[%get3A_666, %get3A_667, %get3A_668] {strides = array<i32>} : memref<6x200x64xf32, #tpu.memory_space<vmem>>, vector<16xf32>,
        %add3A_670 = arith.addf %add3A_642, %get3A_669 : vector<16xf32>
        %get3A_671 = arith.constant 0 : i32
        %get3A_672 = arith.index_cast %get3A_671 : i32 to index
        %get3A_673 = arith.index_cast %add3A_664 : i32 to index
        %get3A_674 = arith.constant 16 : index
        %get3A_675 = tpu.vector_load %arg6[%get3A_672, %get3A_673, %get3A_674] {strides = array<i32>} : memref<6x200x64xf32, #tpu.memory_space<vmem>>, vector<16xf32>,
        %add3A_676 = arith.addf %add3A_648, %get3A_675 : vector<16xf32>
        %get3A_677 = arith.constant 0 : i32
        %get3A_678 = arith.index_cast %get3A_677 : i32 to index
        %get3A_679 = arith.index_cast %add3A_664 : i32 to index
        %get3A_680 = arith.constant 32 : index
        %get3A_681 = tpu.vector_load %arg6[%get3A_678, %get3A_679, %get3A_680] {strides = array<i32>} : memref<6x200x64xf32, #tpu.memory_space<vmem>>, vector<16xf32>,
        %add3A_682 = arith.addf %add3A_654, %get3A_681 : vector<16xf32>
        %get3A_683 = arith.constant 0 : i32
        %get3A_684 = arith.index_cast %get3A_683 : i32 to index
        %get3A_685 = arith.index_cast %add3A_664 : i32 to index
        %get3A_686 = arith.constant 48 : index
        %get3A_687 = tpu.vector_load %arg6[%get3A_684, %get3A_685, %get3A_686] {strides = array<i32>} : memref<6x200x64xf32, #tpu.memory_space<vmem>>, vector<16xf32>,
        %add3A_688 = arith.addf %add3A_660, %get3A_687 : vector<16xf32>
        %mul3A_689 = arith.constant 4 : i32
        %mul3A_690 = arith.muli %mul3A_689, %scan3A_629 : i32
        %add3A_691 = arith.constant 2 : i32
        %add3A_692 = arith.addi %mul3A_690, %add3A_691 : i32
        %get3A_693 = arith.constant 0 : i32
        %get3A_694 = arith.index_cast %get3A_693 : i32 to index
        %get3A_695 = arith.index_cast %add3A_692 : i32 to index
        %get3A_696 = arith.constant 0 : index
        %get3A_697 = tpu.vector_load %arg6[%get3A_694, %get3A_695, %get3A_696] {strides = array<i32>} : memref<6x200x64xf32, #tpu.memory_space<vmem>>, vector<16xf32>,
        %add3A_698 = arith.addf %add3A_670, %get3A_697 : vector<16xf32>
        %get3A_699 = arith.constant 0 : i32
        %get3A_700 = arith.index_cast %get3A_699 : i32 to index
        %get3A_701 = arith.index_cast %add3A_692 : i32 to index
        %get3A_702 = arith.constant 16 : index
        %get3A_703 = tpu.vector_load %arg6[%get3A_700, %get3A_701, %get3A_702] {strides = array<i32>} : memref<6x200x64xf32, #tpu.memory_space<vmem>>, vector<16xf32>,
        %add3A_704 = arith.addf %add3A_676, %get3A_703 : vector<16xf32>
        %get3A_705 = arith.constant 0 : i32
        %get3A_706 = arith.index_cast %get3A_705 : i32 to index
        %get3A_707 = arith.index_cast %add3A_692 : i32 to index
        %get3A_708 = arith.constant 32 : index
        %get3A_709 = tpu.vector_load %arg6[%get3A_706, %get3A_707, %get3A_708] {strides = array<i32>} : memref<6x200x64xf32, #tpu.memory_space<vmem>>, vector<16xf32>,
        %add3A_710 = arith.addf %add3A_682, %get3A_709 : vector<16xf32>
        %get3A_711 = arith.constant 0 : i32
        %get3A_712 = arith.index_cast %get3A_711 : i32 to index
        %get3A_713 = arith.index_cast %add3A_692 : i32 to index
        %get3A_714 = arith.constant 48 : index
        %get3A_715 = tpu.vector_load %arg6[%get3A_712, %get3A_713, %get3A_714] {strides = array<i32>} : memref<6x200x64xf32, #tpu.memory_space<vmem>>, vector<16xf32>,
        %add3A_716 = arith.addf %add3A_688, %get3A_715 : vector<16xf32>
        %mul3A_717 = arith.constant 4 : i32
        %mul3A_718 = arith.muli %mul3A_717, %scan3A_629 : i32
        %add3A_719 = arith.constant 3 : i32
        %add3A_720 = arith.addi %mul3A_718, %add3A_719 : i32
        %get3A_721 = arith.constant 0 : i32
        %get3A_722 = arith.index_cast %get3A_721 : i32 to index
        %get3A_723 = arith.index_cast %add3A_720 : i32 to index
        %get3A_724 = arith.constant 0 : index
        %get3A_725 = tpu.vector_load %arg6[%get3A_722, %get3A_723, %get3A_724] {strides = array<i32>} : memref<6x200x64xf32, #tpu.memory_space<vmem>>, vector<16xf32>,
        %add3A_726 = arith.addf %add3A_698, %get3A_725 : vector<16xf32>
        %get3A_727 = arith.constant 0 : i32
        %get3A_728 = arith.index_cast %get3A_727 : i32 to index
        %get3A_729 = arith.index_cast %add3A_720 : i32 to index
        %get3A_730 = arith.constant 16 : index
        %get3A_731 = tpu.vector_load %arg6[%get3A_728, %get3A_729, %get3A_730] {strides = array<i32>} : memref<6x200x64xf32, #tpu.memory_space<vmem>>, vector<16xf32>,
        %add3A_732 = arith.addf %add3A_704, %get3A_731 : vector<16xf32>
        %get3A_733 = arith.constant 0 : i32
        %get3A_734 = arith.index_cast %get3A_733 : i32 to index
        %get3A_735 = arith.index_cast %add3A_720 : i32 to index
        %get3A_736 = arith.constant 32 : index
        %get3A_737 = tpu.vector_load %arg6[%get3A_734, %get3A_735, %get3A_736] {strides = array<i32>} : memref<6x200x64xf32, #tpu.memory_space<vmem>>, vector<16xf32>,
        %add3A_738 = arith.addf %add3A_710, %get3A_737 : vector<16xf32>
        %get3A_739 = arith.constant 0 : i32
        %get3A_740 = arith.index_cast %get3A_739 : i32 to index
        %get3A_741 = arith.index_cast %add3A_720 : i32 to index
        %get3A_742 = arith.constant 48 : index
        %get3A_743 = tpu.vector_load %arg6[%get3A_740, %get3A_741, %get3A_742] {strides = array<i32>} : memref<6x200x64xf32, #tpu.memory_space<vmem>>, vector<16xf32>,
        %add3A_744 = arith.addf %add3A_716, %get3A_743 : vector<16xf32>
        scf.yield %add3A_726, %add3A_732, %add3A_738, %add3A_744 : vector<16xf32>, vector<16xf32>, vector<16xf32>, vector<16xf32>
      }
      %scan3A_277 = arith.constant 50 : i32
      %mul3A_278 = vector.broadcast %scan3A_122 : f32 to vector<16xf32>
      %mul3A_279 = arith.mulf %scan3A_276#0, %mul3A_278 : vector<16xf32>
      %swap3A_280 = arith.index_cast %add3A_269 : i32 to index
      %swap3A_281 = arith.constant 0 : index
      %swap3A_282 = tpu.vector_load %arg7[%swap3A_280, %swap3A_281] {strides = array<i32>} : memref<128x64xf32, #tpu.memory_space<vmem>>, vector<16xf32>,
      tpu.vector_store %arg7[%swap3A_280, %swap3A_281], %mul3A_279 {strides = array<i32>} : memref<128x64xf32, #tpu.memory_space<vmem>>, vector<16xf32>,
      %mul3A_283 = vector.broadcast %scan3A_122 : f32 to vector<16xf32>
      %mul3A_284 = arith.mulf %scan3A_276#1, %mul3A_283 : vector<16xf32>
      %swap3A_285 = arith.index_cast %add3A_269 : i32 to index
      %swap3A_286 = arith.constant 16 : index
      %swap3A_287 = tpu.vector_load %arg7[%swap3A_285, %swap3A_286] {strides = array<i32>} : memref<128x64xf32, #tpu.memory_space<vmem>>, vector<16xf32>,
      tpu.vector_store %arg7[%swap3A_285, %swap3A_286], %mul3A_284 {strides = array<i32>} : memref<128x64xf32, #tpu.memory_space<vmem>>, vector<16xf32>,
      %mul3A_288 = vector.broadcast %scan3A_122 : f32 to vector<16xf32>
      %mul3A_289 = arith.mulf %scan3A_276#2, %mul3A_288 : vector<16xf32>
      %swap3A_290 = arith.index_cast %add3A_269 : i32 to index
      %swap3A_291 = arith.constant 32 : index
      %swap3A_292 = tpu.vector_load %arg7[%swap3A_290, %swap3A_291] {strides = array<i32>} : memref<128x64xf32, #tpu.memory_space<vmem>>, vector<16xf32>,
      tpu.vector_store %arg7[%swap3A_290, %swap3A_291], %mul3A_289 {strides = array<i32>} : memref<128x64xf32, #tpu.memory_space<vmem>>, vector<16xf32>,
      %mul3A_293 = vector.broadcast %scan3A_122 : f32 to vector<16xf32>
      %mul3A_294 = arith.mulf %scan3A_276#3, %mul3A_293 : vector<16xf32>
      %swap3A_295 = arith.index_cast %add3A_269 : i32 to index
      %swap3A_296 = arith.constant 48 : index
      %swap3A_297 = tpu.vector_load %arg7[%swap3A_295, %swap3A_296] {strides = array<i32>} : memref<128x64xf32, #tpu.memory_space<vmem>>, vector<16xf32>,
      tpu.vector_store %arg7[%swap3A_295, %swap3A_296], %mul3A_294 {strides = array<i32>} : memref<128x64xf32, #tpu.memory_space<vmem>>, vector<16xf32>,
      %add3A_298 = arith.constant 0 : i32
      %add3A_299 = arith.addi %mul3A_241, %add3A_298 : i32
      %add3A_300 = arith.constant 6 : i32
      %add3A_301 = arith.addi %add3A_299, %add3A_300 : i32
      %lt3A = arith.constant 128 : i32
      %lt3A_302 = arith.cmpi slt, %add3A_301, %lt3A : i32
      %convert_element_type3A = arith.extui %lt3A_302 : i1 to i32
      %cond3A = arith.constant 0 : i32
      %cond3A_303 = arith.cmpi ne, %convert_element_type3A, %cond3A : i32
      scf.if %cond3A_303 {
        %add3A_629 = arith.constant 0 : i32
        %add3A_630 = arith.addi %mul3A_241, %add3A_629 : i32
        %add3A_631 = arith.constant 6 : i32
        %add3A_632 = arith.addi %add3A_630, %add3A_631 : i32
        %mul3A_633 = arith.constant 200 : i32
        %mul3A_634 = arith.muli %add3A_632, %mul3A_633 : i32
        %dma_start3A_635 = arith.constant 0 : i32
        %dma_start3A_636 = arith.constant 0 : i32
        %dma_start3A_637 = arith.constant 0 : i32
        %dma_start3A_638 = tpu.memref_slice %arg6[%dma_start3A_635, %dma_start3A_636, %dma_start3A_637] : memref<6x200x64xf32, #tpu.memory_space<vmem>> -> memref<1x104x64xf32, #tpu.memory_space<vmem>>
        %dma_start3A_639 = tpu.memref_squeeze %dma_start3A_638 : memref<1x104x64xf32, #tpu.memory_space<vmem>> -> memref<104x64xf32, #tpu.memory_space<vmem>>
        %dma_start3A_640 = tpu.memref_slice %arg5[%mul3A_634] : memref<25600xi32, #tpu.memory_space<vmem>> -> memref<104xi32, #tpu.memory_space<vmem>>
        %dma_start3A_641 = arith.constant 0 : i32
        %dma_start3A_642 = arith.constant 0 : i32
        %dma_start3A_643 = tpu.memref_slice %arg3[%dma_start3A_641, %dma_start3A_642] : memref<1000000x64xf32, #tpu.memory_space<hbm>> -> memref<1000000x64xf32, #tpu.memory_space<hbm>>
        tpu.enqueue_indirect_dma source(%dma_start3A_643 : memref<1000000x64xf32, #tpu.memory_space<hbm>>) target(%dma_start3A_639 : memref<104x64xf32, #tpu.memory_space<vmem>>) offsets(%dma_start3A_640 : memref<104xi32, #tpu.memory_space<vmem>>) semaphore(%arg8 : memref<!tpu.dma_semaphore, #tpu.memory_space<semaphore_mem>>)
        %mul3A_644 = arith.constant 200 : i32
        %mul3A_645 = arith.muli %add3A_632, %mul3A_644 : i32
        %add3A_646 = arith.constant 104 : i32
        %add3A_647 = arith.addi %mul3A_645, %add3A_646 : i32
        %dma_start3A_648 = arith.constant 0 : i32
        %dma_start3A_649 = arith.constant 104 : i32
        %dma_start3A_650 = arith.constant 0 : i32
        %dma_start3A_651 = tpu.memref_slice %arg6[%dma_start3A_648, %dma_start3A_649, %dma_start3A_650] : memref<6x200x64xf32, #tpu.memory_space<vmem>> -> memref<1x96x64xf32, #tpu.memory_space<vmem>>
        %dma_start3A_652 = tpu.memref_squeeze %dma_start3A_651 : memref<1x96x64xf32, #tpu.memory_space<vmem>> -> memref<96x64xf32, #tpu.memory_space<vmem>>
        %dma_start3A_653 = tpu.memref_slice %arg5[%add3A_647] : memref<25600xi32, #tpu.memory_space<vmem>> -> memref<96xi32, #tpu.memory_space<vmem>>
        %dma_start3A_654 = arith.constant 0 : i32
        %dma_start3A_655 = arith.constant 0 : i32
        %dma_start3A_656 = tpu.memref_slice %arg3[%dma_start3A_654, %dma_start3A_655] : memref<1000000x64xf32, #tpu.memory_space<hbm>> -> memref<1000000x64xf32, #tpu.memory_space<hbm>>
        tpu.enqueue_indirect_dma source(%dma_start3A_656 : memref<1000000x64xf32, #tpu.memory_space<hbm>>) target(%dma_start3A_652 : memref<96x64xf32, #tpu.memory_space<vmem>>) offsets(%dma_start3A_653 : memref<96xi32, #tpu.memory_space<vmem>>) semaphore(%arg8 : memref<!tpu.dma_semaphore, #tpu.memory_space<semaphore_mem>>)
      } else {
      }
      %add3A_304 = arith.constant 1 : i32
      %add3A_305 = arith.addi %mul3A_241, %add3A_304 : i32
      %mul3A_306 = arith.constant 200 : i32
      %mul3A_307 = arith.muli %add3A_305, %mul3A_306 : i32
      %dma_wait3A_308 = arith.constant 1 : i32
      %dma_wait3A_309 = arith.constant 0 : i32
      %dma_wait3A_310 = arith.constant 0 : i32
      %dma_wait3A_311 = tpu.memref_slice %arg6[%dma_wait3A_308, %dma_wait3A_309, %dma_wait3A_310] : memref<6x200x64xf32, #tpu.memory_space<vmem>> -> memref<1x104x64xf32, #tpu.memory_space<vmem>>
      %dma_wait3A_312 = tpu.memref_squeeze %dma_wait3A_311 : memref<1x104x64xf32, #tpu.memory_space<vmem>> -> memref<104x64xf32, #tpu.memory_space<vmem>>
      %dma_wait3A_313 = tpu.memref_slice %arg5[%mul3A_307] : memref<25600xi32, #tpu.memory_space<vmem>> -> memref<104xi32, #tpu.memory_space<vmem>>
      %dma_wait3A_314 = arith.constant 0 : i32
      %dma_wait3A_315 = arith.constant 0 : i32
      %dma_wait3A_316 = tpu.memref_slice %arg3[%dma_wait3A_314, %dma_wait3A_315] : memref<1000000x64xf32, #tpu.memory_space<hbm>> -> memref<1000000x64xf32, #tpu.memory_space<hbm>>
      tpu.wait_indirect_dma semaphore(%arg9 : memref<!tpu.dma_semaphore, #tpu.memory_space<semaphore_mem>>) src(%dma_wait3A_316 : memref<1000000x64xf32, #tpu.memory_space<hbm>>) dst(%dma_wait3A_312 : memref<104x64xf32, #tpu.memory_space<vmem>>)
      %mul3A_317 = arith.constant 200 : i32
      %mul3A_318 = arith.muli %add3A_305, %mul3A_317 : i32
      %add3A_319 = arith.constant 104 : i32
      %add3A_320 = arith.addi %mul3A_318, %add3A_319 : i32
      %dma_wait3A_321 = arith.constant 1 : i32
      %dma_wait3A_322 = arith.constant 104 : i32
      %dma_wait3A_323 = arith.constant 0 : i32
      %dma_wait3A_324 = tpu.memref_slice %arg6[%dma_wait3A_321, %dma_wait3A_322, %dma_wait3A_323] : memref<6x200x64xf32, #tpu.memory_space<vmem>> -> memref<1x96x64xf32, #tpu.memory_space<vmem>>
      %dma_wait3A_325 = tpu.memref_squeeze %dma_wait3A_324 : memref<1x96x64xf32, #tpu.memory_space<vmem>> -> memref<96x64xf32, #tpu.memory_space<vmem>>
      %dma_wait3A_326 = tpu.memref_slice %arg5[%add3A_320] : memref<25600xi32, #tpu.memory_space<vmem>> -> memref<96xi32, #tpu.memory_space<vmem>>
      %dma_wait3A_327 = arith.constant 0 : i32
      %dma_wait3A_328 = arith.constant 0 : i32
      %dma_wait3A_329 = tpu.memref_slice %arg3[%dma_wait3A_327, %dma_wait3A_328] : memref<1000000x64xf32, #tpu.memory_space<hbm>> -> memref<1000000x64xf32, #tpu.memory_space<hbm>>
      tpu.wait_indirect_dma semaphore(%arg9 : memref<!tpu.dma_semaphore, #tpu.memory_space<semaphore_mem>>) src(%dma_wait3A_329 : memref<1000000x64xf32, #tpu.memory_space<hbm>>) dst(%dma_wait3A_325 : memref<96x64xf32, #tpu.memory_space<vmem>>)
      %add3A_330 = arith.constant 1 : i32
      %add3A_331 = arith.addi %mul3A_241, %add3A_330 : i32
      %broadcast_in_dim3A_332 = arith.constant 0.000000e+00 : f32
      %broadcast_in_dim3A_333 = vector.broadcast %broadcast_in_dim3A_332 : f32 to vector<16xf32>
      %scan3A_334 = arith.constant 0 : i32
      %scan3A_335 = arith.constant 50 : i32
      %scan3A_336 = arith.addi %scan3A_334, %scan3A_335 : i32
      %scan3A_337 = arith.constant 1 : i32
      %scan3A_338:4 = scf.for %scan3A_629 = %scan3A_334 to %scan3A_336 step %scan3A_337 iter_args(%scan3A_630 = %broadcast_in_dim3A_333, %scan3A_631 = %broadcast_in_dim3A_333, %scan3A_632 = %broadcast_in_dim3A_333, %scan3A_633 = %broadcast_in_dim3A_333) -> (vector<16xf32>, vector<16xf32>, vector<16xf32>, vector<16xf32>)  : i32 {
        %mul3A_634 = arith.constant 4 : i32
        %mul3A_635 = arith.muli %mul3A_634, %scan3A_629 : i32
        %add3A_636 = arith.constant 0 : i32
        %add3A_637 = arith.addi %mul3A_635, %add3A_636 : i32
        %get3A = arith.constant 1 : i32
        %get3A_638 = arith.index_cast %get3A : i32 to index
        %get3A_639 = arith.index_cast %add3A_637 : i32 to index
        %get3A_640 = arith.constant 0 : index
        %get3A_641 = tpu.vector_load %arg6[%get3A_638, %get3A_639, %get3A_640] {strides = array<i32>} : memref<6x200x64xf32, #tpu.memory_space<vmem>>, vector<16xf32>,
        %add3A_642 = arith.addf %scan3A_630, %get3A_641 : vector<16xf32>
        %get3A_643 = arith.constant 1 : i32
        %get3A_644 = arith.index_cast %get3A_643 : i32 to index
        %get3A_645 = arith.index_cast %add3A_637 : i32 to index
        %get3A_646 = arith.constant 16 : index
        %get3A_647 = tpu.vector_load %arg6[%get3A_644, %get3A_645, %get3A_646] {strides = array<i32>} : memref<6x200x64xf32, #tpu.memory_space<vmem>>, vector<16xf32>,
        %add3A_648 = arith.addf %scan3A_631, %get3A_647 : vector<16xf32>
        %get3A_649 = arith.constant 1 : i32
        %get3A_650 = arith.index_cast %get3A_649 : i32 to index
        %get3A_651 = arith.index_cast %add3A_637 : i32 to index
        %get3A_652 = arith.constant 32 : index
        %get3A_653 = tpu.vector_load %arg6[%get3A_650, %get3A_651, %get3A_652] {strides = array<i32>} : memref<6x200x64xf32, #tpu.memory_space<vmem>>, vector<16xf32>,
        %add3A_654 = arith.addf %scan3A_632, %get3A_653 : vector<16xf32>
        %get3A_655 = arith.constant 1 : i32
        %get3A_656 = arith.index_cast %get3A_655 : i32 to index
        %get3A_657 = arith.index_cast %add3A_637 : i32 to index
        %get3A_658 = arith.constant 48 : index
        %get3A_659 = tpu.vector_load %arg6[%get3A_656, %get3A_657, %get3A_658] {strides = array<i32>} : memref<6x200x64xf32, #tpu.memory_space<vmem>>, vector<16xf32>,
        %add3A_660 = arith.addf %scan3A_633, %get3A_659 : vector<16xf32>
        %mul3A_661 = arith.constant 4 : i32
        %mul3A_662 = arith.muli %mul3A_661, %scan3A_629 : i32
        %add3A_663 = arith.constant 1 : i32
        %add3A_664 = arith.addi %mul3A_662, %add3A_663 : i32
        %get3A_665 = arith.constant 1 : i32
        %get3A_666 = arith.index_cast %get3A_665 : i32 to index
        %get3A_667 = arith.index_cast %add3A_664 : i32 to index
        %get3A_668 = arith.constant 0 : index
        %get3A_669 = tpu.vector_load %arg6[%get3A_666, %get3A_667, %get3A_668] {strides = array<i32>} : memref<6x200x64xf32, #tpu.memory_space<vmem>>, vector<16xf32>,
        %add3A_670 = arith.addf %add3A_642, %get3A_669 : vector<16xf32>
        %get3A_671 = arith.constant 1 : i32
        %get3A_672 = arith.index_cast %get3A_671 : i32 to index
        %get3A_673 = arith.index_cast %add3A_664 : i32 to index
        %get3A_674 = arith.constant 16 : index
        %get3A_675 = tpu.vector_load %arg6[%get3A_672, %get3A_673, %get3A_674] {strides = array<i32>} : memref<6x200x64xf32, #tpu.memory_space<vmem>>, vector<16xf32>,
        %add3A_676 = arith.addf %add3A_648, %get3A_675 : vector<16xf32>
        %get3A_677 = arith.constant 1 : i32
        %get3A_678 = arith.index_cast %get3A_677 : i32 to index
        %get3A_679 = arith.index_cast %add3A_664 : i32 to index
        %get3A_680 = arith.constant 32 : index
        %get3A_681 = tpu.vector_load %arg6[%get3A_678, %get3A_679, %get3A_680] {strides = array<i32>} : memref<6x200x64xf32, #tpu.memory_space<vmem>>, vector<16xf32>,
        %add3A_682 = arith.addf %add3A_654, %get3A_681 : vector<16xf32>
        %get3A_683 = arith.constant 1 : i32
        %get3A_684 = arith.index_cast %get3A_683 : i32 to index
        %get3A_685 = arith.index_cast %add3A_664 : i32 to index
        %get3A_686 = arith.constant 48 : index
        %get3A_687 = tpu.vector_load %arg6[%get3A_684, %get3A_685, %get3A_686] {strides = array<i32>} : memref<6x200x64xf32, #tpu.memory_space<vmem>>, vector<16xf32>,
        %add3A_688 = arith.addf %add3A_660, %get3A_687 : vector<16xf32>
        %mul3A_689 = arith.constant 4 : i32
        %mul3A_690 = arith.muli %mul3A_689, %scan3A_629 : i32
        %add3A_691 = arith.constant 2 : i32
        %add3A_692 = arith.addi %mul3A_690, %add3A_691 : i32
        %get3A_693 = arith.constant 1 : i32
        %get3A_694 = arith.index_cast %get3A_693 : i32 to index
        %get3A_695 = arith.index_cast %add3A_692 : i32 to index
        %get3A_696 = arith.constant 0 : index
        %get3A_697 = tpu.vector_load %arg6[%get3A_694, %get3A_695, %get3A_696] {strides = array<i32>} : memref<6x200x64xf32, #tpu.memory_space<vmem>>, vector<16xf32>,
        %add3A_698 = arith.addf %add3A_670, %get3A_697 : vector<16xf32>
        %get3A_699 = arith.constant 1 : i32
        %get3A_700 = arith.index_cast %get3A_699 : i32 to index
        %get3A_701 = arith.index_cast %add3A_692 : i32 to index
        %get3A_702 = arith.constant 16 : index
        %get3A_703 = tpu.vector_load %arg6[%get3A_700, %get3A_701, %get3A_702] {strides = array<i32>} : memref<6x200x64xf32, #tpu.memory_space<vmem>>, vector<16xf32>,
        %add3A_704 = arith.addf %add3A_676, %get3A_703 : vector<16xf32>
        %get3A_705 = arith.constant 1 : i32
        %get3A_706 = arith.index_cast %get3A_705 : i32 to index
        %get3A_707 = arith.index_cast %add3A_692 : i32 to index
        %get3A_708 = arith.constant 32 : index
        %get3A_709 = tpu.vector_load %arg6[%get3A_706, %get3A_707, %get3A_708] {strides = array<i32>} : memref<6x200x64xf32, #tpu.memory_space<vmem>>, vector<16xf32>,
        %add3A_710 = arith.addf %add3A_682, %get3A_709 : vector<16xf32>
        %get3A_711 = arith.constant 1 : i32
        %get3A_712 = arith.index_cast %get3A_711 : i32 to index
        %get3A_713 = arith.index_cast %add3A_692 : i32 to index
        %get3A_714 = arith.constant 48 : index
        %get3A_715 = tpu.vector_load %arg6[%get3A_712, %get3A_713, %get3A_714] {strides = array<i32>} : memref<6x200x64xf32, #tpu.memory_space<vmem>>, vector<16xf32>,
        %add3A_716 = arith.addf %add3A_688, %get3A_715 : vector<16xf32>
        %mul3A_717 = arith.constant 4 : i32
        %mul3A_718 = arith.muli %mul3A_717, %scan3A_629 : i32
        %add3A_719 = arith.constant 3 : i32
        %add3A_720 = arith.addi %mul3A_718, %add3A_719 : i32
        %get3A_721 = arith.constant 1 : i32
        %get3A_722 = arith.index_cast %get3A_721 : i32 to index
        %get3A_723 = arith.index_cast %add3A_720 : i32 to index
        %get3A_724 = arith.constant 0 : index
        %get3A_725 = tpu.vector_load %arg6[%get3A_722, %get3A_723, %get3A_724] {strides = array<i32>} : memref<6x200x64xf32, #tpu.memory_space<vmem>>, vector<16xf32>,
        %add3A_726 = arith.addf %add3A_698, %get3A_725 : vector<16xf32>
        %get3A_727 = arith.constant 1 : i32
        %get3A_728 = arith.index_cast %get3A_727 : i32 to index
        %get3A_729 = arith.index_cast %add3A_720 : i32 to index
        %get3A_730 = arith.constant 16 : index
        %get3A_731 = tpu.vector_load %arg6[%get3A_728, %get3A_729, %get3A_730] {strides = array<i32>} : memref<6x200x64xf32, #tpu.memory_space<vmem>>, vector<16xf32>,
        %add3A_732 = arith.addf %add3A_704, %get3A_731 : vector<16xf32>
        %get3A_733 = arith.constant 1 : i32
        %get3A_734 = arith.index_cast %get3A_733 : i32 to index
        %get3A_735 = arith.index_cast %add3A_720 : i32 to index
        %get3A_736 = arith.constant 32 : index
        %get3A_737 = tpu.vector_load %arg6[%get3A_734, %get3A_735, %get3A_736] {strides = array<i32>} : memref<6x200x64xf32, #tpu.memory_space<vmem>>, vector<16xf32>,
        %add3A_738 = arith.addf %add3A_710, %get3A_737 : vector<16xf32>
        %get3A_739 = arith.constant 1 : i32
        %get3A_740 = arith.index_cast %get3A_739 : i32 to index
        %get3A_741 = arith.index_cast %add3A_720 : i32 to index
        %get3A_742 = arith.constant 48 : index
        %get3A_743 = tpu.vector_load %arg6[%get3A_740, %get3A_741, %get3A_742] {strides = array<i32>} : memref<6x200x64xf32, #tpu.memory_space<vmem>>, vector<16xf32>,
        %add3A_744 = arith.addf %add3A_716, %get3A_743 : vector<16xf32>
        scf.yield %add3A_726, %add3A_732, %add3A_738, %add3A_744 : vector<16xf32>, vector<16xf32>, vector<16xf32>, vector<16xf32>
      }
      %scan3A_339 = arith.constant 50 : i32
      %mul3A_340 = vector.broadcast %scan3A_122 : f32 to vector<16xf32>
      %mul3A_341 = arith.mulf %scan3A_338#0, %mul3A_340 : vector<16xf32>
      %swap3A_342 = arith.index_cast %add3A_331 : i32 to index
      %swap3A_343 = arith.constant 0 : index
      %swap3A_344 = tpu.vector_load %arg7[%swap3A_342, %swap3A_343] {strides = array<i32>} : memref<128x64xf32, #tpu.memory_space<vmem>>, vector<16xf32>,
      tpu.vector_store %arg7[%swap3A_342, %swap3A_343], %mul3A_341 {strides = array<i32>} : memref<128x64xf32, #tpu.memory_space<vmem>>, vector<16xf32>,
      %mul3A_345 = vector.broadcast %scan3A_122 : f32 to vector<16xf32>
      %mul3A_346 = arith.mulf %scan3A_338#1, %mul3A_345 : vector<16xf32>
      %swap3A_347 = arith.index_cast %add3A_331 : i32 to index
      %swap3A_348 = arith.constant 16 : index
      %swap3A_349 = tpu.vector_load %arg7[%swap3A_347, %swap3A_348] {strides = array<i32>} : memref<128x64xf32, #tpu.memory_space<vmem>>, vector<16xf32>,
      tpu.vector_store %arg7[%swap3A_347, %swap3A_348], %mul3A_346 {strides = array<i32>} : memref<128x64xf32, #tpu.memory_space<vmem>>, vector<16xf32>,
      %mul3A_350 = vector.broadcast %scan3A_122 : f32 to vector<16xf32>
      %mul3A_351 = arith.mulf %scan3A_338#2, %mul3A_350 : vector<16xf32>
      %swap3A_352 = arith.index_cast %add3A_331 : i32 to index
      %swap3A_353 = arith.constant 32 : index
      %swap3A_354 = tpu.vector_load %arg7[%swap3A_352, %swap3A_353] {strides = array<i32>} : memref<128x64xf32, #tpu.memory_space<vmem>>, vector<16xf32>,
      tpu.vector_store %arg7[%swap3A_352, %swap3A_353], %mul3A_351 {strides = array<i32>} : memref<128x64xf32, #tpu.memory_space<vmem>>, vector<16xf32>,
      %mul3A_355 = vector.broadcast %scan3A_122 : f32 to vector<16xf32>
      %mul3A_356 = arith.mulf %scan3A_338#3, %mul3A_355 : vector<16xf32>
      %swap3A_357 = arith.index_cast %add3A_331 : i32 to index
      %swap3A_358 = arith.constant 48 : index
      %swap3A_359 = tpu.vector_load %arg7[%swap3A_357, %swap3A_358] {strides = array<i32>} : memref<128x64xf32, #tpu.memory_space<vmem>>, vector<16xf32>,
      tpu.vector_store %arg7[%swap3A_357, %swap3A_358], %mul3A_356 {strides = array<i32>} : memref<128x64xf32, #tpu.memory_space<vmem>>, vector<16xf32>,
      %add3A_360 = arith.constant 1 : i32
      %add3A_361 = arith.addi %mul3A_241, %add3A_360 : i32
      %add3A_362 = arith.constant 6 : i32
      %add3A_363 = arith.addi %add3A_361, %add3A_362 : i32
      %lt3A_364 = arith.constant 128 : i32
      %lt3A_365 = arith.cmpi slt, %add3A_363, %lt3A_364 : i32
      %convert_element_type3A_366 = arith.extui %lt3A_365 : i1 to i32
      %cond3A_367 = arith.constant 0 : i32
      %cond3A_368 = arith.cmpi ne, %convert_element_type3A_366, %cond3A_367 : i32
      scf.if %cond3A_368 {
        %add3A_629 = arith.constant 1 : i32
        %add3A_630 = arith.addi %mul3A_241, %add3A_629 : i32
        %add3A_631 = arith.constant 6 : i32
        %add3A_632 = arith.addi %add3A_630, %add3A_631 : i32
        %mul3A_633 = arith.constant 200 : i32
        %mul3A_634 = arith.muli %add3A_632, %mul3A_633 : i32
        %dma_start3A_635 = arith.constant 1 : i32
        %dma_start3A_636 = arith.constant 0 : i32
        %dma_start3A_637 = arith.constant 0 : i32
        %dma_start3A_638 = tpu.memref_slice %arg6[%dma_start3A_635, %dma_start3A_636, %dma_start3A_637] : memref<6x200x64xf32, #tpu.memory_space<vmem>> -> memref<1x104x64xf32, #tpu.memory_space<vmem>>
        %dma_start3A_639 = tpu.memref_squeeze %dma_start3A_638 : memref<1x104x64xf32, #tpu.memory_space<vmem>> -> memref<104x64xf32, #tpu.memory_space<vmem>>
        %dma_start3A_640 = tpu.memref_slice %arg5[%mul3A_634] : memref<25600xi32, #tpu.memory_space<vmem>> -> memref<104xi32, #tpu.memory_space<vmem>>
        %dma_start3A_641 = arith.constant 0 : i32
        %dma_start3A_642 = arith.constant 0 : i32
        %dma_start3A_643 = tpu.memref_slice %arg3[%dma_start3A_641, %dma_start3A_642] : memref<1000000x64xf32, #tpu.memory_space<hbm>> -> memref<1000000x64xf32, #tpu.memory_space<hbm>>
        tpu.enqueue_indirect_dma source(%dma_start3A_643 : memref<1000000x64xf32, #tpu.memory_space<hbm>>) target(%dma_start3A_639 : memref<104x64xf32, #tpu.memory_space<vmem>>) offsets(%dma_start3A_640 : memref<104xi32, #tpu.memory_space<vmem>>) semaphore(%arg9 : memref<!tpu.dma_semaphore, #tpu.memory_space<semaphore_mem>>)
        %mul3A_644 = arith.constant 200 : i32
        %mul3A_645 = arith.muli %add3A_632, %mul3A_644 : i32
        %add3A_646 = arith.constant 104 : i32
        %add3A_647 = arith.addi %mul3A_645, %add3A_646 : i32
        %dma_start3A_648 = arith.constant 1 : i32
        %dma_start3A_649 = arith.constant 104 : i32
        %dma_start3A_650 = arith.constant 0 : i32
        %dma_start3A_651 = tpu.memref_slice %arg6[%dma_start3A_648, %dma_start3A_649, %dma_start3A_650] : memref<6x200x64xf32, #tpu.memory_space<vmem>> -> memref<1x96x64xf32, #tpu.memory_space<vmem>>
        %dma_start3A_652 = tpu.memref_squeeze %dma_start3A_651 : memref<1x96x64xf32, #tpu.memory_space<vmem>> -> memref<96x64xf32, #tpu.memory_space<vmem>>
        %dma_start3A_653 = tpu.memref_slice %arg5[%add3A_647] : memref<25600xi32, #tpu.memory_space<vmem>> -> memref<96xi32, #tpu.memory_space<vmem>>
        %dma_start3A_654 = arith.constant 0 : i32
        %dma_start3A_655 = arith.constant 0 : i32
        %dma_start3A_656 = tpu.memref_slice %arg3[%dma_start3A_654, %dma_start3A_655] : memref<1000000x64xf32, #tpu.memory_space<hbm>> -> memref<1000000x64xf32, #tpu.memory_space<hbm>>
        tpu.enqueue_indirect_dma source(%dma_start3A_656 : memref<1000000x64xf32, #tpu.memory_space<hbm>>) target(%dma_start3A_652 : memref<96x64xf32, #tpu.memory_space<vmem>>) offsets(%dma_start3A_653 : memref<96xi32, #tpu.memory_space<vmem>>) semaphore(%arg9 : memref<!tpu.dma_semaphore, #tpu.memory_space<semaphore_mem>>)
      } else {
      }
      %add3A_369 = arith.constant 2 : i32
      %add3A_370 = arith.addi %mul3A_241, %add3A_369 : i32
      %mul3A_371 = arith.constant 200 : i32
      %mul3A_372 = arith.muli %add3A_370, %mul3A_371 : i32
      %dma_wait3A_373 = arith.constant 2 : i32
      %dma_wait3A_374 = arith.constant 0 : i32
      %dma_wait3A_375 = arith.constant 0 : i32
      %dma_wait3A_376 = tpu.memref_slice %arg6[%dma_wait3A_373, %dma_wait3A_374, %dma_wait3A_375] : memref<6x200x64xf32, #tpu.memory_space<vmem>> -> memref<1x104x64xf32, #tpu.memory_space<vmem>>
      %dma_wait3A_377 = tpu.memref_squeeze %dma_wait3A_376 : memref<1x104x64xf32, #tpu.memory_space<vmem>> -> memref<104x64xf32, #tpu.memory_space<vmem>>
      %dma_wait3A_378 = tpu.memref_slice %arg5[%mul3A_372] : memref<25600xi32, #tpu.memory_space<vmem>> -> memref<104xi32, #tpu.memory_space<vmem>>
      %dma_wait3A_379 = arith.constant 0 : i32
      %dma_wait3A_380 = arith.constant 0 : i32
      %dma_wait3A_381 = tpu.memref_slice %arg3[%dma_wait3A_379, %dma_wait3A_380] : memref<1000000x64xf32, #tpu.memory_space<hbm>> -> memref<1000000x64xf32, #tpu.memory_space<hbm>>
      tpu.wait_indirect_dma semaphore(%arg10 : memref<!tpu.dma_semaphore, #tpu.memory_space<semaphore_mem>>) src(%dma_wait3A_381 : memref<1000000x64xf32, #tpu.memory_space<hbm>>) dst(%dma_wait3A_377 : memref<104x64xf32, #tpu.memory_space<vmem>>)
      %mul3A_382 = arith.constant 200 : i32
      %mul3A_383 = arith.muli %add3A_370, %mul3A_382 : i32
      %add3A_384 = arith.constant 104 : i32
      %add3A_385 = arith.addi %mul3A_383, %add3A_384 : i32
      %dma_wait3A_386 = arith.constant 2 : i32
      %dma_wait3A_387 = arith.constant 104 : i32
      %dma_wait3A_388 = arith.constant 0 : i32
      %dma_wait3A_389 = tpu.memref_slice %arg6[%dma_wait3A_386, %dma_wait3A_387, %dma_wait3A_388] : memref<6x200x64xf32, #tpu.memory_space<vmem>> -> memref<1x96x64xf32, #tpu.memory_space<vmem>>
      %dma_wait3A_390 = tpu.memref_squeeze %dma_wait3A_389 : memref<1x96x64xf32, #tpu.memory_space<vmem>> -> memref<96x64xf32, #tpu.memory_space<vmem>>
      %dma_wait3A_391 = tpu.memref_slice %arg5[%add3A_385] : memref<25600xi32, #tpu.memory_space<vmem>> -> memref<96xi32, #tpu.memory_space<vmem>>
      %dma_wait3A_392 = arith.constant 0 : i32
      %dma_wait3A_393 = arith.constant 0 : i32
      %dma_wait3A_394 = tpu.memref_slice %arg3[%dma_wait3A_392, %dma_wait3A_393] : memref<1000000x64xf32, #tpu.memory_space<hbm>> -> memref<1000000x64xf32, #tpu.memory_space<hbm>>
      tpu.wait_indirect_dma semaphore(%arg10 : memref<!tpu.dma_semaphore, #tpu.memory_space<semaphore_mem>>) src(%dma_wait3A_394 : memref<1000000x64xf32, #tpu.memory_space<hbm>>) dst(%dma_wait3A_390 : memref<96x64xf32, #tpu.memory_space<vmem>>)
      %add3A_395 = arith.constant 2 : i32
      %add3A_396 = arith.addi %mul3A_241, %add3A_395 : i32
      %broadcast_in_dim3A_397 = arith.constant 0.000000e+00 : f32
      %broadcast_in_dim3A_398 = vector.broadcast %broadcast_in_dim3A_397 : f32 to vector<16xf32>
      %scan3A_399 = arith.constant 0 : i32
      %scan3A_400 = arith.constant 50 : i32
      %scan3A_401 = arith.addi %scan3A_399, %scan3A_400 : i32
      %scan3A_402 = arith.constant 1 : i32
      %scan3A_403:4 = scf.for %scan3A_629 = %scan3A_399 to %scan3A_401 step %scan3A_402 iter_args(%scan3A_630 = %broadcast_in_dim3A_398, %scan3A_631 = %broadcast_in_dim3A_398, %scan3A_632 = %broadcast_in_dim3A_398, %scan3A_633 = %broadcast_in_dim3A_398) -> (vector<16xf32>, vector<16xf32>, vector<16xf32>, vector<16xf32>)  : i32 {
        %mul3A_634 = arith.constant 4 : i32
        %mul3A_635 = arith.muli %mul3A_634, %scan3A_629 : i32
        %add3A_636 = arith.constant 0 : i32
        %add3A_637 = arith.addi %mul3A_635, %add3A_636 : i32
        %get3A = arith.constant 2 : i32
        %get3A_638 = arith.index_cast %get3A : i32 to index
        %get3A_639 = arith.index_cast %add3A_637 : i32 to index
        %get3A_640 = arith.constant 0 : index
        %get3A_641 = tpu.vector_load %arg6[%get3A_638, %get3A_639, %get3A_640] {strides = array<i32>} : memref<6x200x64xf32, #tpu.memory_space<vmem>>, vector<16xf32>,
        %add3A_642 = arith.addf %scan3A_630, %get3A_641 : vector<16xf32>
        %get3A_643 = arith.constant 2 : i32
        %get3A_644 = arith.index_cast %get3A_643 : i32 to index
        %get3A_645 = arith.index_cast %add3A_637 : i32 to index
        %get3A_646 = arith.constant 16 : index
        %get3A_647 = tpu.vector_load %arg6[%get3A_644, %get3A_645, %get3A_646] {strides = array<i32>} : memref<6x200x64xf32, #tpu.memory_space<vmem>>, vector<16xf32>,
        %add3A_648 = arith.addf %scan3A_631, %get3A_647 : vector<16xf32>
        %get3A_649 = arith.constant 2 : i32
        %get3A_650 = arith.index_cast %get3A_649 : i32 to index
        %get3A_651 = arith.index_cast %add3A_637 : i32 to index
        %get3A_652 = arith.constant 32 : index
        %get3A_653 = tpu.vector_load %arg6[%get3A_650, %get3A_651, %get3A_652] {strides = array<i32>} : memref<6x200x64xf32, #tpu.memory_space<vmem>>, vector<16xf32>,
        %add3A_654 = arith.addf %scan3A_632, %get3A_653 : vector<16xf32>
        %get3A_655 = arith.constant 2 : i32
        %get3A_656 = arith.index_cast %get3A_655 : i32 to index
        %get3A_657 = arith.index_cast %add3A_637 : i32 to index
        %get3A_658 = arith.constant 48 : index
        %get3A_659 = tpu.vector_load %arg6[%get3A_656, %get3A_657, %get3A_658] {strides = array<i32>} : memref<6x200x64xf32, #tpu.memory_space<vmem>>, vector<16xf32>,
        %add3A_660 = arith.addf %scan3A_633, %get3A_659 : vector<16xf32>
        %mul3A_661 = arith.constant 4 : i32
        %mul3A_662 = arith.muli %mul3A_661, %scan3A_629 : i32
        %add3A_663 = arith.constant 1 : i32
        %add3A_664 = arith.addi %mul3A_662, %add3A_663 : i32
        %get3A_665 = arith.constant 2 : i32
        %get3A_666 = arith.index_cast %get3A_665 : i32 to index
        %get3A_667 = arith.index_cast %add3A_664 : i32 to index
        %get3A_668 = arith.constant 0 : index
        %get3A_669 = tpu.vector_load %arg6[%get3A_666, %get3A_667, %get3A_668] {strides = array<i32>} : memref<6x200x64xf32, #tpu.memory_space<vmem>>, vector<16xf32>,
        %add3A_670 = arith.addf %add3A_642, %get3A_669 : vector<16xf32>
        %get3A_671 = arith.constant 2 : i32
        %get3A_672 = arith.index_cast %get3A_671 : i32 to index
        %get3A_673 = arith.index_cast %add3A_664 : i32 to index
        %get3A_674 = arith.constant 16 : index
        %get3A_675 = tpu.vector_load %arg6[%get3A_672, %get3A_673, %get3A_674] {strides = array<i32>} : memref<6x200x64xf32, #tpu.memory_space<vmem>>, vector<16xf32>,
        %add3A_676 = arith.addf %add3A_648, %get3A_675 : vector<16xf32>
        %get3A_677 = arith.constant 2 : i32
        %get3A_678 = arith.index_cast %get3A_677 : i32 to index
        %get3A_679 = arith.index_cast %add3A_664 : i32 to index
        %get3A_680 = arith.constant 32 : index
        %get3A_681 = tpu.vector_load %arg6[%get3A_678, %get3A_679, %get3A_680] {strides = array<i32>} : memref<6x200x64xf32, #tpu.memory_space<vmem>>, vector<16xf32>,
        %add3A_682 = arith.addf %add3A_654, %get3A_681 : vector<16xf32>
        %get3A_683 = arith.constant 2 : i32
        %get3A_684 = arith.index_cast %get3A_683 : i32 to index
        %get3A_685 = arith.index_cast %add3A_664 : i32 to index
        %get3A_686 = arith.constant 48 : index
        %get3A_687 = tpu.vector_load %arg6[%get3A_684, %get3A_685, %get3A_686] {strides = array<i32>} : memref<6x200x64xf32, #tpu.memory_space<vmem>>, vector<16xf32>,
        %add3A_688 = arith.addf %add3A_660, %get3A_687 : vector<16xf32>
        %mul3A_689 = arith.constant 4 : i32
        %mul3A_690 = arith.muli %mul3A_689, %scan3A_629 : i32
        %add3A_691 = arith.constant 2 : i32
        %add3A_692 = arith.addi %mul3A_690, %add3A_691 : i32
        %get3A_693 = arith.constant 2 : i32
        %get3A_694 = arith.index_cast %get3A_693 : i32 to index
        %get3A_695 = arith.index_cast %add3A_692 : i32 to index
        %get3A_696 = arith.constant 0 : index
        %get3A_697 = tpu.vector_load %arg6[%get3A_694, %get3A_695, %get3A_696] {strides = array<i32>} : memref<6x200x64xf32, #tpu.memory_space<vmem>>, vector<16xf32>,
        %add3A_698 = arith.addf %add3A_670, %get3A_697 : vector<16xf32>
        %get3A_699 = arith.constant 2 : i32
        %get3A_700 = arith.index_cast %get3A_699 : i32 to index
        %get3A_701 = arith.index_cast %add3A_692 : i32 to index
        %get3A_702 = arith.constant 16 : index
        %get3A_703 = tpu.vector_load %arg6[%get3A_700, %get3A_701, %get3A_702] {strides = array<i32>} : memref<6x200x64xf32, #tpu.memory_space<vmem>>, vector<16xf32>,
        %add3A_704 = arith.addf %add3A_676, %get3A_703 : vector<16xf32>
        %get3A_705 = arith.constant 2 : i32
        %get3A_706 = arith.index_cast %get3A_705 : i32 to index
        %get3A_707 = arith.index_cast %add3A_692 : i32 to index
        %get3A_708 = arith.constant 32 : index
        %get3A_709 = tpu.vector_load %arg6[%get3A_706, %get3A_707, %get3A_708] {strides = array<i32>} : memref<6x200x64xf32, #tpu.memory_space<vmem>>, vector<16xf32>,
        %add3A_710 = arith.addf %add3A_682, %get3A_709 : vector<16xf32>
        %get3A_711 = arith.constant 2 : i32
        %get3A_712 = arith.index_cast %get3A_711 : i32 to index
        %get3A_713 = arith.index_cast %add3A_692 : i32 to index
        %get3A_714 = arith.constant 48 : index
        %get3A_715 = tpu.vector_load %arg6[%get3A_712, %get3A_713, %get3A_714] {strides = array<i32>} : memref<6x200x64xf32, #tpu.memory_space<vmem>>, vector<16xf32>,
        %add3A_716 = arith.addf %add3A_688, %get3A_715 : vector<16xf32>
        %mul3A_717 = arith.constant 4 : i32
        %mul3A_718 = arith.muli %mul3A_717, %scan3A_629 : i32
        %add3A_719 = arith.constant 3 : i32
        %add3A_720 = arith.addi %mul3A_718, %add3A_719 : i32
        %get3A_721 = arith.constant 2 : i32
        %get3A_722 = arith.index_cast %get3A_721 : i32 to index
        %get3A_723 = arith.index_cast %add3A_720 : i32 to index
        %get3A_724 = arith.constant 0 : index
        %get3A_725 = tpu.vector_load %arg6[%get3A_722, %get3A_723, %get3A_724] {strides = array<i32>} : memref<6x200x64xf32, #tpu.memory_space<vmem>>, vector<16xf32>,
        %add3A_726 = arith.addf %add3A_698, %get3A_725 : vector<16xf32>
        %get3A_727 = arith.constant 2 : i32
        %get3A_728 = arith.index_cast %get3A_727 : i32 to index
        %get3A_729 = arith.index_cast %add3A_720 : i32 to index
        %get3A_730 = arith.constant 16 : index
        %get3A_731 = tpu.vector_load %arg6[%get3A_728, %get3A_729, %get3A_730] {strides = array<i32>} : memref<6x200x64xf32, #tpu.memory_space<vmem>>, vector<16xf32>,
        %add3A_732 = arith.addf %add3A_704, %get3A_731 : vector<16xf32>
        %get3A_733 = arith.constant 2 : i32
        %get3A_734 = arith.index_cast %get3A_733 : i32 to index
        %get3A_735 = arith.index_cast %add3A_720 : i32 to index
        %get3A_736 = arith.constant 32 : index
        %get3A_737 = tpu.vector_load %arg6[%get3A_734, %get3A_735, %get3A_736] {strides = array<i32>} : memref<6x200x64xf32, #tpu.memory_space<vmem>>, vector<16xf32>,
        %add3A_738 = arith.addf %add3A_710, %get3A_737 : vector<16xf32>
        %get3A_739 = arith.constant 2 : i32
        %get3A_740 = arith.index_cast %get3A_739 : i32 to index
        %get3A_741 = arith.index_cast %add3A_720 : i32 to index
        %get3A_742 = arith.constant 48 : index
        %get3A_743 = tpu.vector_load %arg6[%get3A_740, %get3A_741, %get3A_742] {strides = array<i32>} : memref<6x200x64xf32, #tpu.memory_space<vmem>>, vector<16xf32>,
        %add3A_744 = arith.addf %add3A_716, %get3A_743 : vector<16xf32>
        scf.yield %add3A_726, %add3A_732, %add3A_738, %add3A_744 : vector<16xf32>, vector<16xf32>, vector<16xf32>, vector<16xf32>
      }
      %scan3A_404 = arith.constant 50 : i32
      %mul3A_405 = vector.broadcast %scan3A_122 : f32 to vector<16xf32>
      %mul3A_406 = arith.mulf %scan3A_403#0, %mul3A_405 : vector<16xf32>
      %swap3A_407 = arith.index_cast %add3A_396 : i32 to index
      %swap3A_408 = arith.constant 0 : index
      %swap3A_409 = tpu.vector_load %arg7[%swap3A_407, %swap3A_408] {strides = array<i32>} : memref<128x64xf32, #tpu.memory_space<vmem>>, vector<16xf32>,
      tpu.vector_store %arg7[%swap3A_407, %swap3A_408], %mul3A_406 {strides = array<i32>} : memref<128x64xf32, #tpu.memory_space<vmem>>, vector<16xf32>,
      %mul3A_410 = vector.broadcast %scan3A_122 : f32 to vector<16xf32>
      %mul3A_411 = arith.mulf %scan3A_403#1, %mul3A_410 : vector<16xf32>
      %swap3A_412 = arith.index_cast %add3A_396 : i32 to index
      %swap3A_413 = arith.constant 16 : index
      %swap3A_414 = tpu.vector_load %arg7[%swap3A_412, %swap3A_413] {strides = array<i32>} : memref<128x64xf32, #tpu.memory_space<vmem>>, vector<16xf32>,
      tpu.vector_store %arg7[%swap3A_412, %swap3A_413], %mul3A_411 {strides = array<i32>} : memref<128x64xf32, #tpu.memory_space<vmem>>, vector<16xf32>,
      %mul3A_415 = vector.broadcast %scan3A_122 : f32 to vector<16xf32>
      %mul3A_416 = arith.mulf %scan3A_403#2, %mul3A_415 : vector<16xf32>
      %swap3A_417 = arith.index_cast %add3A_396 : i32 to index
      %swap3A_418 = arith.constant 32 : index
      %swap3A_419 = tpu.vector_load %arg7[%swap3A_417, %swap3A_418] {strides = array<i32>} : memref<128x64xf32, #tpu.memory_space<vmem>>, vector<16xf32>,
      tpu.vector_store %arg7[%swap3A_417, %swap3A_418], %mul3A_416 {strides = array<i32>} : memref<128x64xf32, #tpu.memory_space<vmem>>, vector<16xf32>,
      %mul3A_420 = vector.broadcast %scan3A_122 : f32 to vector<16xf32>
      %mul3A_421 = arith.mulf %scan3A_403#3, %mul3A_420 : vector<16xf32>
      %swap3A_422 = arith.index_cast %add3A_396 : i32 to index
      %swap3A_423 = arith.constant 48 : index
      %swap3A_424 = tpu.vector_load %arg7[%swap3A_422, %swap3A_423] {strides = array<i32>} : memref<128x64xf32, #tpu.memory_space<vmem>>, vector<16xf32>,
      tpu.vector_store %arg7[%swap3A_422, %swap3A_423], %mul3A_421 {strides = array<i32>} : memref<128x64xf32, #tpu.memory_space<vmem>>, vector<16xf32>,
      %add3A_425 = arith.constant 2 : i32
      %add3A_426 = arith.addi %mul3A_241, %add3A_425 : i32
      %add3A_427 = arith.constant 6 : i32
      %add3A_428 = arith.addi %add3A_426, %add3A_427 : i32
      %lt3A_429 = arith.constant 128 : i32
      %lt3A_430 = arith.cmpi slt, %add3A_428, %lt3A_429 : i32
      %convert_element_type3A_431 = arith.extui %lt3A_430 : i1 to i32
      %cond3A_432 = arith.constant 0 : i32
      %cond3A_433 = arith.cmpi ne, %convert_element_type3A_431, %cond3A_432 : i32
      scf.if %cond3A_433 {
        %add3A_629 = arith.constant 2 : i32
        %add3A_630 = arith.addi %mul3A_241, %add3A_629 : i32
        %add3A_631 = arith.constant 6 : i32
        %add3A_632 = arith.addi %add3A_630, %add3A_631 : i32
        %mul3A_633 = arith.constant 200 : i32
        %mul3A_634 = arith.muli %add3A_632, %mul3A_633 : i32
        %dma_start3A_635 = arith.constant 2 : i32
        %dma_start3A_636 = arith.constant 0 : i32
        %dma_start3A_637 = arith.constant 0 : i32
        %dma_start3A_638 = tpu.memref_slice %arg6[%dma_start3A_635, %dma_start3A_636, %dma_start3A_637] : memref<6x200x64xf32, #tpu.memory_space<vmem>> -> memref<1x104x64xf32, #tpu.memory_space<vmem>>
        %dma_start3A_639 = tpu.memref_squeeze %dma_start3A_638 : memref<1x104x64xf32, #tpu.memory_space<vmem>> -> memref<104x64xf32, #tpu.memory_space<vmem>>
        %dma_start3A_640 = tpu.memref_slice %arg5[%mul3A_634] : memref<25600xi32, #tpu.memory_space<vmem>> -> memref<104xi32, #tpu.memory_space<vmem>>
        %dma_start3A_641 = arith.constant 0 : i32
        %dma_start3A_642 = arith.constant 0 : i32
        %dma_start3A_643 = tpu.memref_slice %arg3[%dma_start3A_641, %dma_start3A_642] : memref<1000000x64xf32, #tpu.memory_space<hbm>> -> memref<1000000x64xf32, #tpu.memory_space<hbm>>
        tpu.enqueue_indirect_dma source(%dma_start3A_643 : memref<1000000x64xf32, #tpu.memory_space<hbm>>) target(%dma_start3A_639 : memref<104x64xf32, #tpu.memory_space<vmem>>) offsets(%dma_start3A_640 : memref<104xi32, #tpu.memory_space<vmem>>) semaphore(%arg10 : memref<!tpu.dma_semaphore, #tpu.memory_space<semaphore_mem>>)
        %mul3A_644 = arith.constant 200 : i32
        %mul3A_645 = arith.muli %add3A_632, %mul3A_644 : i32
        %add3A_646 = arith.constant 104 : i32
        %add3A_647 = arith.addi %mul3A_645, %add3A_646 : i32
        %dma_start3A_648 = arith.constant 2 : i32
        %dma_start3A_649 = arith.constant 104 : i32
        %dma_start3A_650 = arith.constant 0 : i32
        %dma_start3A_651 = tpu.memref_slice %arg6[%dma_start3A_648, %dma_start3A_649, %dma_start3A_650] : memref<6x200x64xf32, #tpu.memory_space<vmem>> -> memref<1x96x64xf32, #tpu.memory_space<vmem>>
        %dma_start3A_652 = tpu.memref_squeeze %dma_start3A_651 : memref<1x96x64xf32, #tpu.memory_space<vmem>> -> memref<96x64xf32, #tpu.memory_space<vmem>>
        %dma_start3A_653 = tpu.memref_slice %arg5[%add3A_647] : memref<25600xi32, #tpu.memory_space<vmem>> -> memref<96xi32, #tpu.memory_space<vmem>>
        %dma_start3A_654 = arith.constant 0 : i32
        %dma_start3A_655 = arith.constant 0 : i32
        %dma_start3A_656 = tpu.memref_slice %arg3[%dma_start3A_654, %dma_start3A_655] : memref<1000000x64xf32, #tpu.memory_space<hbm>> -> memref<1000000x64xf32, #tpu.memory_space<hbm>>
        tpu.enqueue_indirect_dma source(%dma_start3A_656 : memref<1000000x64xf32, #tpu.memory_space<hbm>>) target(%dma_start3A_652 : memref<96x64xf32, #tpu.memory_space<vmem>>) offsets(%dma_start3A_653 : memref<96xi32, #tpu.memory_space<vmem>>) semaphore(%arg10 : memref<!tpu.dma_semaphore, #tpu.memory_space<semaphore_mem>>)
      } else {
      }
      %add3A_434 = arith.constant 3 : i32
      %add3A_435 = arith.addi %mul3A_241, %add3A_434 : i32
      %mul3A_436 = arith.constant 200 : i32
      %mul3A_437 = arith.muli %add3A_435, %mul3A_436 : i32
      %dma_wait3A_438 = arith.constant 3 : i32
      %dma_wait3A_439 = arith.constant 0 : i32
      %dma_wait3A_440 = arith.constant 0 : i32
      %dma_wait3A_441 = tpu.memref_slice %arg6[%dma_wait3A_438, %dma_wait3A_439, %dma_wait3A_440] : memref<6x200x64xf32, #tpu.memory_space<vmem>> -> memref<1x104x64xf32, #tpu.memory_space<vmem>>
      %dma_wait3A_442 = tpu.memref_squeeze %dma_wait3A_441 : memref<1x104x64xf32, #tpu.memory_space<vmem>> -> memref<104x64xf32, #tpu.memory_space<vmem>>
      %dma_wait3A_443 = tpu.memref_slice %arg5[%mul3A_437] : memref<25600xi32, #tpu.memory_space<vmem>> -> memref<104xi32, #tpu.memory_space<vmem>>
      %dma_wait3A_444 = arith.constant 0 : i32
      %dma_wait3A_445 = arith.constant 0 : i32
      %dma_wait3A_446 = tpu.memref_slice %arg3[%dma_wait3A_444, %dma_wait3A_445] : memref<1000000x64xf32, #tpu.memory_space<hbm>> -> memref<1000000x64xf32, #tpu.memory_space<hbm>>
      tpu.wait_indirect_dma semaphore(%arg11 : memref<!tpu.dma_semaphore, #tpu.memory_space<semaphore_mem>>) src(%dma_wait3A_446 : memref<1000000x64xf32, #tpu.memory_space<hbm>>) dst(%dma_wait3A_442 : memref<104x64xf32, #tpu.memory_space<vmem>>)
      %mul3A_447 = arith.constant 200 : i32
      %mul3A_448 = arith.muli %add3A_435, %mul3A_447 : i32
      %add3A_449 = arith.constant 104 : i32
      %add3A_450 = arith.addi %mul3A_448, %add3A_449 : i32
      %dma_wait3A_451 = arith.constant 3 : i32
      %dma_wait3A_452 = arith.constant 104 : i32
      %dma_wait3A_453 = arith.constant 0 : i32
      %dma_wait3A_454 = tpu.memref_slice %arg6[%dma_wait3A_451, %dma_wait3A_452, %dma_wait3A_453] : memref<6x200x64xf32, #tpu.memory_space<vmem>> -> memref<1x96x64xf32, #tpu.memory_space<vmem>>
      %dma_wait3A_455 = tpu.memref_squeeze %dma_wait3A_454 : memref<1x96x64xf32, #tpu.memory_space<vmem>> -> memref<96x64xf32, #tpu.memory_space<vmem>>
      %dma_wait3A_456 = tpu.memref_slice %arg5[%add3A_450] : memref<25600xi32, #tpu.memory_space<vmem>> -> memref<96xi32, #tpu.memory_space<vmem>>
      %dma_wait3A_457 = arith.constant 0 : i32
      %dma_wait3A_458 = arith.constant 0 : i32
      %dma_wait3A_459 = tpu.memref_slice %arg3[%dma_wait3A_457, %dma_wait3A_458] : memref<1000000x64xf32, #tpu.memory_space<hbm>> -> memref<1000000x64xf32, #tpu.memory_space<hbm>>
      tpu.wait_indirect_dma semaphore(%arg11 : memref<!tpu.dma_semaphore, #tpu.memory_space<semaphore_mem>>) src(%dma_wait3A_459 : memref<1000000x64xf32, #tpu.memory_space<hbm>>) dst(%dma_wait3A_455 : memref<96x64xf32, #tpu.memory_space<vmem>>)
      %add3A_460 = arith.constant 3 : i32
      %add3A_461 = arith.addi %mul3A_241, %add3A_460 : i32
      %broadcast_in_dim3A_462 = arith.constant 0.000000e+00 : f32
      %broadcast_in_dim3A_463 = vector.broadcast %broadcast_in_dim3A_462 : f32 to vector<16xf32>
      %scan3A_464 = arith.constant 0 : i32
      %scan3A_465 = arith.constant 50 : i32
      %scan3A_466 = arith.addi %scan3A_464, %scan3A_465 : i32
      %scan3A_467 = arith.constant 1 : i32
      %scan3A_468:4 = scf.for %scan3A_629 = %scan3A_464 to %scan3A_466 step %scan3A_467 iter_args(%scan3A_630 = %broadcast_in_dim3A_463, %scan3A_631 = %broadcast_in_dim3A_463, %scan3A_632 = %broadcast_in_dim3A_463, %scan3A_633 = %broadcast_in_dim3A_463) -> (vector<16xf32>, vector<16xf32>, vector<16xf32>, vector<16xf32>)  : i32 {
        %mul3A_634 = arith.constant 4 : i32
        %mul3A_635 = arith.muli %mul3A_634, %scan3A_629 : i32
        %add3A_636 = arith.constant 0 : i32
        %add3A_637 = arith.addi %mul3A_635, %add3A_636 : i32
        %get3A = arith.constant 3 : i32
        %get3A_638 = arith.index_cast %get3A : i32 to index
        %get3A_639 = arith.index_cast %add3A_637 : i32 to index
        %get3A_640 = arith.constant 0 : index
        %get3A_641 = tpu.vector_load %arg6[%get3A_638, %get3A_639, %get3A_640] {strides = array<i32>} : memref<6x200x64xf32, #tpu.memory_space<vmem>>, vector<16xf32>,
        %add3A_642 = arith.addf %scan3A_630, %get3A_641 : vector<16xf32>
        %get3A_643 = arith.constant 3 : i32
        %get3A_644 = arith.index_cast %get3A_643 : i32 to index
        %get3A_645 = arith.index_cast %add3A_637 : i32 to index
        %get3A_646 = arith.constant 16 : index
        %get3A_647 = tpu.vector_load %arg6[%get3A_644, %get3A_645, %get3A_646] {strides = array<i32>} : memref<6x200x64xf32, #tpu.memory_space<vmem>>, vector<16xf32>,
        %add3A_648 = arith.addf %scan3A_631, %get3A_647 : vector<16xf32>
        %get3A_649 = arith.constant 3 : i32
        %get3A_650 = arith.index_cast %get3A_649 : i32 to index
        %get3A_651 = arith.index_cast %add3A_637 : i32 to index
        %get3A_652 = arith.constant 32 : index
        %get3A_653 = tpu.vector_load %arg6[%get3A_650, %get3A_651, %get3A_652] {strides = array<i32>} : memref<6x200x64xf32, #tpu.memory_space<vmem>>, vector<16xf32>,
        %add3A_654 = arith.addf %scan3A_632, %get3A_653 : vector<16xf32>
        %get3A_655 = arith.constant 3 : i32
        %get3A_656 = arith.index_cast %get3A_655 : i32 to index
        %get3A_657 = arith.index_cast %add3A_637 : i32 to index
        %get3A_658 = arith.constant 48 : index
        %get3A_659 = tpu.vector_load %arg6[%get3A_656, %get3A_657, %get3A_658] {strides = array<i32>} : memref<6x200x64xf32, #tpu.memory_space<vmem>>, vector<16xf32>,
        %add3A_660 = arith.addf %scan3A_633, %get3A_659 : vector<16xf32>
        %mul3A_661 = arith.constant 4 : i32
        %mul3A_662 = arith.muli %mul3A_661, %scan3A_629 : i32
        %add3A_663 = arith.constant 1 : i32
        %add3A_664 = arith.addi %mul3A_662, %add3A_663 : i32
        %get3A_665 = arith.constant 3 : i32
        %get3A_666 = arith.index_cast %get3A_665 : i32 to index
        %get3A_667 = arith.index_cast %add3A_664 : i32 to index
        %get3A_668 = arith.constant 0 : index
        %get3A_669 = tpu.vector_load %arg6[%get3A_666, %get3A_667, %get3A_668] {strides = array<i32>} : memref<6x200x64xf32, #tpu.memory_space<vmem>>, vector<16xf32>,
        %add3A_670 = arith.addf %add3A_642, %get3A_669 : vector<16xf32>
        %get3A_671 = arith.constant 3 : i32
        %get3A_672 = arith.index_cast %get3A_671 : i32 to index
        %get3A_673 = arith.index_cast %add3A_664 : i32 to index
        %get3A_674 = arith.constant 16 : index
        %get3A_675 = tpu.vector_load %arg6[%get3A_672, %get3A_673, %get3A_674] {strides = array<i32>} : memref<6x200x64xf32, #tpu.memory_space<vmem>>, vector<16xf32>,
        %add3A_676 = arith.addf %add3A_648, %get3A_675 : vector<16xf32>
        %get3A_677 = arith.constant 3 : i32
        %get3A_678 = arith.index_cast %get3A_677 : i32 to index
        %get3A_679 = arith.index_cast %add3A_664 : i32 to index
        %get3A_680 = arith.constant 32 : index
        %get3A_681 = tpu.vector_load %arg6[%get3A_678, %get3A_679, %get3A_680] {strides = array<i32>} : memref<6x200x64xf32, #tpu.memory_space<vmem>>, vector<16xf32>,
        %add3A_682 = arith.addf %add3A_654, %get3A_681 : vector<16xf32>
        %get3A_683 = arith.constant 3 : i32
        %get3A_684 = arith.index_cast %get3A_683 : i32 to index
        %get3A_685 = arith.index_cast %add3A_664 : i32 to index
        %get3A_686 = arith.constant 48 : index
        %get3A_687 = tpu.vector_load %arg6[%get3A_684, %get3A_685, %get3A_686] {strides = array<i32>} : memref<6x200x64xf32, #tpu.memory_space<vmem>>, vector<16xf32>,
        %add3A_688 = arith.addf %add3A_660, %get3A_687 : vector<16xf32>
        %mul3A_689 = arith.constant 4 : i32
        %mul3A_690 = arith.muli %mul3A_689, %scan3A_629 : i32
        %add3A_691 = arith.constant 2 : i32
        %add3A_692 = arith.addi %mul3A_690, %add3A_691 : i32
        %get3A_693 = arith.constant 3 : i32
        %get3A_694 = arith.index_cast %get3A_693 : i32 to index
        %get3A_695 = arith.index_cast %add3A_692 : i32 to index
        %get3A_696 = arith.constant 0 : index
        %get3A_697 = tpu.vector_load %arg6[%get3A_694, %get3A_695, %get3A_696] {strides = array<i32>} : memref<6x200x64xf32, #tpu.memory_space<vmem>>, vector<16xf32>,
        %add3A_698 = arith.addf %add3A_670, %get3A_697 : vector<16xf32>
        %get3A_699 = arith.constant 3 : i32
        %get3A_700 = arith.index_cast %get3A_699 : i32 to index
        %get3A_701 = arith.index_cast %add3A_692 : i32 to index
        %get3A_702 = arith.constant 16 : index
        %get3A_703 = tpu.vector_load %arg6[%get3A_700, %get3A_701, %get3A_702] {strides = array<i32>} : memref<6x200x64xf32, #tpu.memory_space<vmem>>, vector<16xf32>,
        %add3A_704 = arith.addf %add3A_676, %get3A_703 : vector<16xf32>
        %get3A_705 = arith.constant 3 : i32
        %get3A_706 = arith.index_cast %get3A_705 : i32 to index
        %get3A_707 = arith.index_cast %add3A_692 : i32 to index
        %get3A_708 = arith.constant 32 : index
        %get3A_709 = tpu.vector_load %arg6[%get3A_706, %get3A_707, %get3A_708] {strides = array<i32>} : memref<6x200x64xf32, #tpu.memory_space<vmem>>, vector<16xf32>,
        %add3A_710 = arith.addf %add3A_682, %get3A_709 : vector<16xf32>
        %get3A_711 = arith.constant 3 : i32
        %get3A_712 = arith.index_cast %get3A_711 : i32 to index
        %get3A_713 = arith.index_cast %add3A_692 : i32 to index
        %get3A_714 = arith.constant 48 : index
        %get3A_715 = tpu.vector_load %arg6[%get3A_712, %get3A_713, %get3A_714] {strides = array<i32>} : memref<6x200x64xf32, #tpu.memory_space<vmem>>, vector<16xf32>,
        %add3A_716 = arith.addf %add3A_688, %get3A_715 : vector<16xf32>
        %mul3A_717 = arith.constant 4 : i32
        %mul3A_718 = arith.muli %mul3A_717, %scan3A_629 : i32
        %add3A_719 = arith.constant 3 : i32
        %add3A_720 = arith.addi %mul3A_718, %add3A_719 : i32
        %get3A_721 = arith.constant 3 : i32
        %get3A_722 = arith.index_cast %get3A_721 : i32 to index
        %get3A_723 = arith.index_cast %add3A_720 : i32 to index
        %get3A_724 = arith.constant 0 : index
        %get3A_725 = tpu.vector_load %arg6[%get3A_722, %get3A_723, %get3A_724] {strides = array<i32>} : memref<6x200x64xf32, #tpu.memory_space<vmem>>, vector<16xf32>,
        %add3A_726 = arith.addf %add3A_698, %get3A_725 : vector<16xf32>
        %get3A_727 = arith.constant 3 : i32
        %get3A_728 = arith.index_cast %get3A_727 : i32 to index
        %get3A_729 = arith.index_cast %add3A_720 : i32 to index
        %get3A_730 = arith.constant 16 : index
        %get3A_731 = tpu.vector_load %arg6[%get3A_728, %get3A_729, %get3A_730] {strides = array<i32>} : memref<6x200x64xf32, #tpu.memory_space<vmem>>, vector<16xf32>,
        %add3A_732 = arith.addf %add3A_704, %get3A_731 : vector<16xf32>
        %get3A_733 = arith.constant 3 : i32
        %get3A_734 = arith.index_cast %get3A_733 : i32 to index
        %get3A_735 = arith.index_cast %add3A_720 : i32 to index
        %get3A_736 = arith.constant 32 : index
        %get3A_737 = tpu.vector_load %arg6[%get3A_734, %get3A_735, %get3A_736] {strides = array<i32>} : memref<6x200x64xf32, #tpu.memory_space<vmem>>, vector<16xf32>,
        %add3A_738 = arith.addf %add3A_710, %get3A_737 : vector<16xf32>
        %get3A_739 = arith.constant 3 : i32
        %get3A_740 = arith.index_cast %get3A_739 : i32 to index
        %get3A_741 = arith.index_cast %add3A_720 : i32 to index
        %get3A_742 = arith.constant 48 : index
        %get3A_743 = tpu.vector_load %arg6[%get3A_740, %get3A_741, %get3A_742] {strides = array<i32>} : memref<6x200x64xf32, #tpu.memory_space<vmem>>, vector<16xf32>,
        %add3A_744 = arith.addf %add3A_716, %get3A_743 : vector<16xf32>
        scf.yield %add3A_726, %add3A_732, %add3A_738, %add3A_744 : vector<16xf32>, vector<16xf32>, vector<16xf32>, vector<16xf32>
      }
      %scan3A_469 = arith.constant 50 : i32
      %mul3A_470 = vector.broadcast %scan3A_122 : f32 to vector<16xf32>
      %mul3A_471 = arith.mulf %scan3A_468#0, %mul3A_470 : vector<16xf32>
      %swap3A_472 = arith.index_cast %add3A_461 : i32 to index
      %swap3A_473 = arith.constant 0 : index
      %swap3A_474 = tpu.vector_load %arg7[%swap3A_472, %swap3A_473] {strides = array<i32>} : memref<128x64xf32, #tpu.memory_space<vmem>>, vector<16xf32>,
      tpu.vector_store %arg7[%swap3A_472, %swap3A_473], %mul3A_471 {strides = array<i32>} : memref<128x64xf32, #tpu.memory_space<vmem>>, vector<16xf32>,
      %mul3A_475 = vector.broadcast %scan3A_122 : f32 to vector<16xf32>
      %mul3A_476 = arith.mulf %scan3A_468#1, %mul3A_475 : vector<16xf32>
      %swap3A_477 = arith.index_cast %add3A_461 : i32 to index
      %swap3A_478 = arith.constant 16 : index
      %swap3A_479 = tpu.vector_load %arg7[%swap3A_477, %swap3A_478] {strides = array<i32>} : memref<128x64xf32, #tpu.memory_space<vmem>>, vector<16xf32>,
      tpu.vector_store %arg7[%swap3A_477, %swap3A_478], %mul3A_476 {strides = array<i32>} : memref<128x64xf32, #tpu.memory_space<vmem>>, vector<16xf32>,
      %mul3A_480 = vector.broadcast %scan3A_122 : f32 to vector<16xf32>
      %mul3A_481 = arith.mulf %scan3A_468#2, %mul3A_480 : vector<16xf32>
      %swap3A_482 = arith.index_cast %add3A_461 : i32 to index
      %swap3A_483 = arith.constant 32 : index
      %swap3A_484 = tpu.vector_load %arg7[%swap3A_482, %swap3A_483] {strides = array<i32>} : memref<128x64xf32, #tpu.memory_space<vmem>>, vector<16xf32>,
      tpu.vector_store %arg7[%swap3A_482, %swap3A_483], %mul3A_481 {strides = array<i32>} : memref<128x64xf32, #tpu.memory_space<vmem>>, vector<16xf32>,
      %mul3A_485 = vector.broadcast %scan3A_122 : f32 to vector<16xf32>
      %mul3A_486 = arith.mulf %scan3A_468#3, %mul3A_485 : vector<16xf32>
      %swap3A_487 = arith.index_cast %add3A_461 : i32 to index
      %swap3A_488 = arith.constant 48 : index
      %swap3A_489 = tpu.vector_load %arg7[%swap3A_487, %swap3A_488] {strides = array<i32>} : memref<128x64xf32, #tpu.memory_space<vmem>>, vector<16xf32>,
      tpu.vector_store %arg7[%swap3A_487, %swap3A_488], %mul3A_486 {strides = array<i32>} : memref<128x64xf32, #tpu.memory_space<vmem>>, vector<16xf32>,
      %add3A_490 = arith.constant 3 : i32
      %add3A_491 = arith.addi %mul3A_241, %add3A_490 : i32
      %add3A_492 = arith.constant 6 : i32
      %add3A_493 = arith.addi %add3A_491, %add3A_492 : i32
      %lt3A_494 = arith.constant 128 : i32
      %lt3A_495 = arith.cmpi slt, %add3A_493, %lt3A_494 : i32
      %convert_element_type3A_496 = arith.extui %lt3A_495 : i1 to i32
      %cond3A_497 = arith.constant 0 : i32
      %cond3A_498 = arith.cmpi ne, %convert_element_type3A_496, %cond3A_497 : i32
      scf.if %cond3A_498 {
        %add3A_629 = arith.constant 3 : i32
        %add3A_630 = arith.addi %mul3A_241, %add3A_629 : i32
        %add3A_631 = arith.constant 6 : i32
        %add3A_632 = arith.addi %add3A_630, %add3A_631 : i32
        %mul3A_633 = arith.constant 200 : i32
        %mul3A_634 = arith.muli %add3A_632, %mul3A_633 : i32
        %dma_start3A_635 = arith.constant 3 : i32
        %dma_start3A_636 = arith.constant 0 : i32
        %dma_start3A_637 = arith.constant 0 : i32
        %dma_start3A_638 = tpu.memref_slice %arg6[%dma_start3A_635, %dma_start3A_636, %dma_start3A_637] : memref<6x200x64xf32, #tpu.memory_space<vmem>> -> memref<1x104x64xf32, #tpu.memory_space<vmem>>
        %dma_start3A_639 = tpu.memref_squeeze %dma_start3A_638 : memref<1x104x64xf32, #tpu.memory_space<vmem>> -> memref<104x64xf32, #tpu.memory_space<vmem>>
        %dma_start3A_640 = tpu.memref_slice %arg5[%mul3A_634] : memref<25600xi32, #tpu.memory_space<vmem>> -> memref<104xi32, #tpu.memory_space<vmem>>
        %dma_start3A_641 = arith.constant 0 : i32
        %dma_start3A_642 = arith.constant 0 : i32
        %dma_start3A_643 = tpu.memref_slice %arg3[%dma_start3A_641, %dma_start3A_642] : memref<1000000x64xf32, #tpu.memory_space<hbm>> -> memref<1000000x64xf32, #tpu.memory_space<hbm>>
        tpu.enqueue_indirect_dma source(%dma_start3A_643 : memref<1000000x64xf32, #tpu.memory_space<hbm>>) target(%dma_start3A_639 : memref<104x64xf32, #tpu.memory_space<vmem>>) offsets(%dma_start3A_640 : memref<104xi32, #tpu.memory_space<vmem>>) semaphore(%arg11 : memref<!tpu.dma_semaphore, #tpu.memory_space<semaphore_mem>>)
        %mul3A_644 = arith.constant 200 : i32
        %mul3A_645 = arith.muli %add3A_632, %mul3A_644 : i32
        %add3A_646 = arith.constant 104 : i32
        %add3A_647 = arith.addi %mul3A_645, %add3A_646 : i32
        %dma_start3A_648 = arith.constant 3 : i32
        %dma_start3A_649 = arith.constant 104 : i32
        %dma_start3A_650 = arith.constant 0 : i32
        %dma_start3A_651 = tpu.memref_slice %arg6[%dma_start3A_648, %dma_start3A_649, %dma_start3A_650] : memref<6x200x64xf32, #tpu.memory_space<vmem>> -> memref<1x96x64xf32, #tpu.memory_space<vmem>>
        %dma_start3A_652 = tpu.memref_squeeze %dma_start3A_651 : memref<1x96x64xf32, #tpu.memory_space<vmem>> -> memref<96x64xf32, #tpu.memory_space<vmem>>
        %dma_start3A_653 = tpu.memref_slice %arg5[%add3A_647] : memref<25600xi32, #tpu.memory_space<vmem>> -> memref<96xi32, #tpu.memory_space<vmem>>
        %dma_start3A_654 = arith.constant 0 : i32
        %dma_start3A_655 = arith.constant 0 : i32
        %dma_start3A_656 = tpu.memref_slice %arg3[%dma_start3A_654, %dma_start3A_655] : memref<1000000x64xf32, #tpu.memory_space<hbm>> -> memref<1000000x64xf32, #tpu.memory_space<hbm>>
        tpu.enqueue_indirect_dma source(%dma_start3A_656 : memref<1000000x64xf32, #tpu.memory_space<hbm>>) target(%dma_start3A_652 : memref<96x64xf32, #tpu.memory_space<vmem>>) offsets(%dma_start3A_653 : memref<96xi32, #tpu.memory_space<vmem>>) semaphore(%arg11 : memref<!tpu.dma_semaphore, #tpu.memory_space<semaphore_mem>>)
      } else {
      }
      %add3A_499 = arith.constant 4 : i32
      %add3A_500 = arith.addi %mul3A_241, %add3A_499 : i32
      %mul3A_501 = arith.constant 200 : i32
      %mul3A_502 = arith.muli %add3A_500, %mul3A_501 : i32
      %dma_wait3A_503 = arith.constant 4 : i32
      %dma_wait3A_504 = arith.constant 0 : i32
      %dma_wait3A_505 = arith.constant 0 : i32
      %dma_wait3A_506 = tpu.memref_slice %arg6[%dma_wait3A_503, %dma_wait3A_504, %dma_wait3A_505] : memref<6x200x64xf32, #tpu.memory_space<vmem>> -> memref<1x104x64xf32, #tpu.memory_space<vmem>>
      %dma_wait3A_507 = tpu.memref_squeeze %dma_wait3A_506 : memref<1x104x64xf32, #tpu.memory_space<vmem>> -> memref<104x64xf32, #tpu.memory_space<vmem>>
      %dma_wait3A_508 = tpu.memref_slice %arg5[%mul3A_502] : memref<25600xi32, #tpu.memory_space<vmem>> -> memref<104xi32, #tpu.memory_space<vmem>>
      %dma_wait3A_509 = arith.constant 0 : i32
      %dma_wait3A_510 = arith.constant 0 : i32
      %dma_wait3A_511 = tpu.memref_slice %arg3[%dma_wait3A_509, %dma_wait3A_510] : memref<1000000x64xf32, #tpu.memory_space<hbm>> -> memref<1000000x64xf32, #tpu.memory_space<hbm>>
      tpu.wait_indirect_dma semaphore(%arg12 : memref<!tpu.dma_semaphore, #tpu.memory_space<semaphore_mem>>) src(%dma_wait3A_511 : memref<1000000x64xf32, #tpu.memory_space<hbm>>) dst(%dma_wait3A_507 : memref<104x64xf32, #tpu.memory_space<vmem>>)
      %mul3A_512 = arith.constant 200 : i32
      %mul3A_513 = arith.muli %add3A_500, %mul3A_512 : i32
      %add3A_514 = arith.constant 104 : i32
      %add3A_515 = arith.addi %mul3A_513, %add3A_514 : i32
      %dma_wait3A_516 = arith.constant 4 : i32
      %dma_wait3A_517 = arith.constant 104 : i32
      %dma_wait3A_518 = arith.constant 0 : i32
      %dma_wait3A_519 = tpu.memref_slice %arg6[%dma_wait3A_516, %dma_wait3A_517, %dma_wait3A_518] : memref<6x200x64xf32, #tpu.memory_space<vmem>> -> memref<1x96x64xf32, #tpu.memory_space<vmem>>
      %dma_wait3A_520 = tpu.memref_squeeze %dma_wait3A_519 : memref<1x96x64xf32, #tpu.memory_space<vmem>> -> memref<96x64xf32, #tpu.memory_space<vmem>>
      %dma_wait3A_521 = tpu.memref_slice %arg5[%add3A_515] : memref<25600xi32, #tpu.memory_space<vmem>> -> memref<96xi32, #tpu.memory_space<vmem>>
      %dma_wait3A_522 = arith.constant 0 : i32
      %dma_wait3A_523 = arith.constant 0 : i32
      %dma_wait3A_524 = tpu.memref_slice %arg3[%dma_wait3A_522, %dma_wait3A_523] : memref<1000000x64xf32, #tpu.memory_space<hbm>> -> memref<1000000x64xf32, #tpu.memory_space<hbm>>
      tpu.wait_indirect_dma semaphore(%arg12 : memref<!tpu.dma_semaphore, #tpu.memory_space<semaphore_mem>>) src(%dma_wait3A_524 : memref<1000000x64xf32, #tpu.memory_space<hbm>>) dst(%dma_wait3A_520 : memref<96x64xf32, #tpu.memory_space<vmem>>)
      %add3A_525 = arith.constant 4 : i32
      %add3A_526 = arith.addi %mul3A_241, %add3A_525 : i32
      %broadcast_in_dim3A_527 = arith.constant 0.000000e+00 : f32
      %broadcast_in_dim3A_528 = vector.broadcast %broadcast_in_dim3A_527 : f32 to vector<16xf32>
      %scan3A_529 = arith.constant 0 : i32
      %scan3A_530 = arith.constant 50 : i32
      %scan3A_531 = arith.addi %scan3A_529, %scan3A_530 : i32
      %scan3A_532 = arith.constant 1 : i32
      %scan3A_533:4 = scf.for %scan3A_629 = %scan3A_529 to %scan3A_531 step %scan3A_532 iter_args(%scan3A_630 = %broadcast_in_dim3A_528, %scan3A_631 = %broadcast_in_dim3A_528, %scan3A_632 = %broadcast_in_dim3A_528, %scan3A_633 = %broadcast_in_dim3A_528) -> (vector<16xf32>, vector<16xf32>, vector<16xf32>, vector<16xf32>)  : i32 {
        %mul3A_634 = arith.constant 4 : i32
        %mul3A_635 = arith.muli %mul3A_634, %scan3A_629 : i32
        %add3A_636 = arith.constant 0 : i32
        %add3A_637 = arith.addi %mul3A_635, %add3A_636 : i32
        %get3A = arith.constant 4 : i32
        %get3A_638 = arith.index_cast %get3A : i32 to index
        %get3A_639 = arith.index_cast %add3A_637 : i32 to index
        %get3A_640 = arith.constant 0 : index
        %get3A_641 = tpu.vector_load %arg6[%get3A_638, %get3A_639, %get3A_640] {strides = array<i32>} : memref<6x200x64xf32, #tpu.memory_space<vmem>>, vector<16xf32>,
        %add3A_642 = arith.addf %scan3A_630, %get3A_641 : vector<16xf32>
        %get3A_643 = arith.constant 4 : i32
        %get3A_644 = arith.index_cast %get3A_643 : i32 to index
        %get3A_645 = arith.index_cast %add3A_637 : i32 to index
        %get3A_646 = arith.constant 16 : index
        %get3A_647 = tpu.vector_load %arg6[%get3A_644, %get3A_645, %get3A_646] {strides = array<i32>} : memref<6x200x64xf32, #tpu.memory_space<vmem>>, vector<16xf32>,
        %add3A_648 = arith.addf %scan3A_631, %get3A_647 : vector<16xf32>
        %get3A_649 = arith.constant 4 : i32
        %get3A_650 = arith.index_cast %get3A_649 : i32 to index
        %get3A_651 = arith.index_cast %add3A_637 : i32 to index
        %get3A_652 = arith.constant 32 : index
        %get3A_653 = tpu.vector_load %arg6[%get3A_650, %get3A_651, %get3A_652] {strides = array<i32>} : memref<6x200x64xf32, #tpu.memory_space<vmem>>, vector<16xf32>,
        %add3A_654 = arith.addf %scan3A_632, %get3A_653 : vector<16xf32>
        %get3A_655 = arith.constant 4 : i32
        %get3A_656 = arith.index_cast %get3A_655 : i32 to index
        %get3A_657 = arith.index_cast %add3A_637 : i32 to index
        %get3A_658 = arith.constant 48 : index
        %get3A_659 = tpu.vector_load %arg6[%get3A_656, %get3A_657, %get3A_658] {strides = array<i32>} : memref<6x200x64xf32, #tpu.memory_space<vmem>>, vector<16xf32>,
        %add3A_660 = arith.addf %scan3A_633, %get3A_659 : vector<16xf32>
        %mul3A_661 = arith.constant 4 : i32
        %mul3A_662 = arith.muli %mul3A_661, %scan3A_629 : i32
        %add3A_663 = arith.constant 1 : i32
        %add3A_664 = arith.addi %mul3A_662, %add3A_663 : i32
        %get3A_665 = arith.constant 4 : i32
        %get3A_666 = arith.index_cast %get3A_665 : i32 to index
        %get3A_667 = arith.index_cast %add3A_664 : i32 to index
        %get3A_668 = arith.constant 0 : index
        %get3A_669 = tpu.vector_load %arg6[%get3A_666, %get3A_667, %get3A_668] {strides = array<i32>} : memref<6x200x64xf32, #tpu.memory_space<vmem>>, vector<16xf32>,
        %add3A_670 = arith.addf %add3A_642, %get3A_669 : vector<16xf32>
        %get3A_671 = arith.constant 4 : i32
        %get3A_672 = arith.index_cast %get3A_671 : i32 to index
        %get3A_673 = arith.index_cast %add3A_664 : i32 to index
        %get3A_674 = arith.constant 16 : index
        %get3A_675 = tpu.vector_load %arg6[%get3A_672, %get3A_673, %get3A_674] {strides = array<i32>} : memref<6x200x64xf32, #tpu.memory_space<vmem>>, vector<16xf32>,
        %add3A_676 = arith.addf %add3A_648, %get3A_675 : vector<16xf32>
        %get3A_677 = arith.constant 4 : i32
        %get3A_678 = arith.index_cast %get3A_677 : i32 to index
        %get3A_679 = arith.index_cast %add3A_664 : i32 to index
        %get3A_680 = arith.constant 32 : index
        %get3A_681 = tpu.vector_load %arg6[%get3A_678, %get3A_679, %get3A_680] {strides = array<i32>} : memref<6x200x64xf32, #tpu.memory_space<vmem>>, vector<16xf32>,
        %add3A_682 = arith.addf %add3A_654, %get3A_681 : vector<16xf32>
        %get3A_683 = arith.constant 4 : i32
        %get3A_684 = arith.index_cast %get3A_683 : i32 to index
        %get3A_685 = arith.index_cast %add3A_664 : i32 to index
        %get3A_686 = arith.constant 48 : index
        %get3A_687 = tpu.vector_load %arg6[%get3A_684, %get3A_685, %get3A_686] {strides = array<i32>} : memref<6x200x64xf32, #tpu.memory_space<vmem>>, vector<16xf32>,
        %add3A_688 = arith.addf %add3A_660, %get3A_687 : vector<16xf32>
        %mul3A_689 = arith.constant 4 : i32
        %mul3A_690 = arith.muli %mul3A_689, %scan3A_629 : i32
        %add3A_691 = arith.constant 2 : i32
        %add3A_692 = arith.addi %mul3A_690, %add3A_691 : i32
        %get3A_693 = arith.constant 4 : i32
        %get3A_694 = arith.index_cast %get3A_693 : i32 to index
        %get3A_695 = arith.index_cast %add3A_692 : i32 to index
        %get3A_696 = arith.constant 0 : index
        %get3A_697 = tpu.vector_load %arg6[%get3A_694, %get3A_695, %get3A_696] {strides = array<i32>} : memref<6x200x64xf32, #tpu.memory_space<vmem>>, vector<16xf32>,
        %add3A_698 = arith.addf %add3A_670, %get3A_697 : vector<16xf32>
        %get3A_699 = arith.constant 4 : i32
        %get3A_700 = arith.index_cast %get3A_699 : i32 to index
        %get3A_701 = arith.index_cast %add3A_692 : i32 to index
        %get3A_702 = arith.constant 16 : index
        %get3A_703 = tpu.vector_load %arg6[%get3A_700, %get3A_701, %get3A_702] {strides = array<i32>} : memref<6x200x64xf32, #tpu.memory_space<vmem>>, vector<16xf32>,
        %add3A_704 = arith.addf %add3A_676, %get3A_703 : vector<16xf32>
        %get3A_705 = arith.constant 4 : i32
        %get3A_706 = arith.index_cast %get3A_705 : i32 to index
        %get3A_707 = arith.index_cast %add3A_692 : i32 to index
        %get3A_708 = arith.constant 32 : index
        %get3A_709 = tpu.vector_load %arg6[%get3A_706, %get3A_707, %get3A_708] {strides = array<i32>} : memref<6x200x64xf32, #tpu.memory_space<vmem>>, vector<16xf32>,
        %add3A_710 = arith.addf %add3A_682, %get3A_709 : vector<16xf32>
        %get3A_711 = arith.constant 4 : i32
        %get3A_712 = arith.index_cast %get3A_711 : i32 to index
        %get3A_713 = arith.index_cast %add3A_692 : i32 to index
        %get3A_714 = arith.constant 48 : index
        %get3A_715 = tpu.vector_load %arg6[%get3A_712, %get3A_713, %get3A_714] {strides = array<i32>} : memref<6x200x64xf32, #tpu.memory_space<vmem>>, vector<16xf32>,
        %add3A_716 = arith.addf %add3A_688, %get3A_715 : vector<16xf32>
        %mul3A_717 = arith.constant 4 : i32
        %mul3A_718 = arith.muli %mul3A_717, %scan3A_629 : i32
        %add3A_719 = arith.constant 3 : i32
        %add3A_720 = arith.addi %mul3A_718, %add3A_719 : i32
        %get3A_721 = arith.constant 4 : i32
        %get3A_722 = arith.index_cast %get3A_721 : i32 to index
        %get3A_723 = arith.index_cast %add3A_720 : i32 to index
        %get3A_724 = arith.constant 0 : index
        %get3A_725 = tpu.vector_load %arg6[%get3A_722, %get3A_723, %get3A_724] {strides = array<i32>} : memref<6x200x64xf32, #tpu.memory_space<vmem>>, vector<16xf32>,
        %add3A_726 = arith.addf %add3A_698, %get3A_725 : vector<16xf32>
        %get3A_727 = arith.constant 4 : i32
        %get3A_728 = arith.index_cast %get3A_727 : i32 to index
        %get3A_729 = arith.index_cast %add3A_720 : i32 to index
        %get3A_730 = arith.constant 16 : index
        %get3A_731 = tpu.vector_load %arg6[%get3A_728, %get3A_729, %get3A_730] {strides = array<i32>} : memref<6x200x64xf32, #tpu.memory_space<vmem>>, vector<16xf32>,
        %add3A_732 = arith.addf %add3A_704, %get3A_731 : vector<16xf32>
        %get3A_733 = arith.constant 4 : i32
        %get3A_734 = arith.index_cast %get3A_733 : i32 to index
        %get3A_735 = arith.index_cast %add3A_720 : i32 to index
        %get3A_736 = arith.constant 32 : index
        %get3A_737 = tpu.vector_load %arg6[%get3A_734, %get3A_735, %get3A_736] {strides = array<i32>} : memref<6x200x64xf32, #tpu.memory_space<vmem>>, vector<16xf32>,
        %add3A_738 = arith.addf %add3A_710, %get3A_737 : vector<16xf32>
        %get3A_739 = arith.constant 4 : i32
        %get3A_740 = arith.index_cast %get3A_739 : i32 to index
        %get3A_741 = arith.index_cast %add3A_720 : i32 to index
        %get3A_742 = arith.constant 48 : index
        %get3A_743 = tpu.vector_load %arg6[%get3A_740, %get3A_741, %get3A_742] {strides = array<i32>} : memref<6x200x64xf32, #tpu.memory_space<vmem>>, vector<16xf32>,
        %add3A_744 = arith.addf %add3A_716, %get3A_743 : vector<16xf32>
        scf.yield %add3A_726, %add3A_732, %add3A_738, %add3A_744 : vector<16xf32>, vector<16xf32>, vector<16xf32>, vector<16xf32>
      }
      %scan3A_534 = arith.constant 50 : i32
      %mul3A_535 = vector.broadcast %scan3A_122 : f32 to vector<16xf32>
      %mul3A_536 = arith.mulf %scan3A_533#0, %mul3A_535 : vector<16xf32>
      %swap3A_537 = arith.index_cast %add3A_526 : i32 to index
      %swap3A_538 = arith.constant 0 : index
      %swap3A_539 = tpu.vector_load %arg7[%swap3A_537, %swap3A_538] {strides = array<i32>} : memref<128x64xf32, #tpu.memory_space<vmem>>, vector<16xf32>,
      tpu.vector_store %arg7[%swap3A_537, %swap3A_538], %mul3A_536 {strides = array<i32>} : memref<128x64xf32, #tpu.memory_space<vmem>>, vector<16xf32>,
      %mul3A_540 = vector.broadcast %scan3A_122 : f32 to vector<16xf32>
      %mul3A_541 = arith.mulf %scan3A_533#1, %mul3A_540 : vector<16xf32>
      %swap3A_542 = arith.index_cast %add3A_526 : i32 to index
      %swap3A_543 = arith.constant 16 : index
      %swap3A_544 = tpu.vector_load %arg7[%swap3A_542, %swap3A_543] {strides = array<i32>} : memref<128x64xf32, #tpu.memory_space<vmem>>, vector<16xf32>,
      tpu.vector_store %arg7[%swap3A_542, %swap3A_543], %mul3A_541 {strides = array<i32>} : memref<128x64xf32, #tpu.memory_space<vmem>>, vector<16xf32>,
      %mul3A_545 = vector.broadcast %scan3A_122 : f32 to vector<16xf32>
      %mul3A_546 = arith.mulf %scan3A_533#2, %mul3A_545 : vector<16xf32>
      %swap3A_547 = arith.index_cast %add3A_526 : i32 to index
      %swap3A_548 = arith.constant 32 : index
      %swap3A_549 = tpu.vector_load %arg7[%swap3A_547, %swap3A_548] {strides = array<i32>} : memref<128x64xf32, #tpu.memory_space<vmem>>, vector<16xf32>,
      tpu.vector_store %arg7[%swap3A_547, %swap3A_548], %mul3A_546 {strides = array<i32>} : memref<128x64xf32, #tpu.memory_space<vmem>>, vector<16xf32>,
      %mul3A_550 = vector.broadcast %scan3A_122 : f32 to vector<16xf32>
      %mul3A_551 = arith.mulf %scan3A_533#3, %mul3A_550 : vector<16xf32>
      %swap3A_552 = arith.index_cast %add3A_526 : i32 to index
      %swap3A_553 = arith.constant 48 : index
      %swap3A_554 = tpu.vector_load %arg7[%swap3A_552, %swap3A_553] {strides = array<i32>} : memref<128x64xf32, #tpu.memory_space<vmem>>, vector<16xf32>,
      tpu.vector_store %arg7[%swap3A_552, %swap3A_553], %mul3A_551 {strides = array<i32>} : memref<128x64xf32, #tpu.memory_space<vmem>>, vector<16xf32>,
      %add3A_555 = arith.constant 4 : i32
      %add3A_556 = arith.addi %mul3A_241, %add3A_555 : i32
      %add3A_557 = arith.constant 6 : i32
      %add3A_558 = arith.addi %add3A_556, %add3A_557 : i32
      %lt3A_559 = arith.constant 128 : i32
      %lt3A_560 = arith.cmpi slt, %add3A_558, %lt3A_559 : i32
      %convert_element_type3A_561 = arith.extui %lt3A_560 : i1 to i32
      %cond3A_562 = arith.constant 0 : i32
      %cond3A_563 = arith.cmpi ne, %convert_element_type3A_561, %cond3A_562 : i32
      scf.if %cond3A_563 {
        %add3A_629 = arith.constant 4 : i32
        %add3A_630 = arith.addi %mul3A_241, %add3A_629 : i32
        %add3A_631 = arith.constant 6 : i32
        %add3A_632 = arith.addi %add3A_630, %add3A_631 : i32
        %mul3A_633 = arith.constant 200 : i32
        %mul3A_634 = arith.muli %add3A_632, %mul3A_633 : i32
        %dma_start3A_635 = arith.constant 4 : i32
        %dma_start3A_636 = arith.constant 0 : i32
        %dma_start3A_637 = arith.constant 0 : i32
        %dma_start3A_638 = tpu.memref_slice %arg6[%dma_start3A_635, %dma_start3A_636, %dma_start3A_637] : memref<6x200x64xf32, #tpu.memory_space<vmem>> -> memref<1x104x64xf32, #tpu.memory_space<vmem>>
        %dma_start3A_639 = tpu.memref_squeeze %dma_start3A_638 : memref<1x104x64xf32, #tpu.memory_space<vmem>> -> memref<104x64xf32, #tpu.memory_space<vmem>>
        %dma_start3A_640 = tpu.memref_slice %arg5[%mul3A_634] : memref<25600xi32, #tpu.memory_space<vmem>> -> memref<104xi32, #tpu.memory_space<vmem>>
        %dma_start3A_641 = arith.constant 0 : i32
        %dma_start3A_642 = arith.constant 0 : i32
        %dma_start3A_643 = tpu.memref_slice %arg3[%dma_start3A_641, %dma_start3A_642] : memref<1000000x64xf32, #tpu.memory_space<hbm>> -> memref<1000000x64xf32, #tpu.memory_space<hbm>>
        tpu.enqueue_indirect_dma source(%dma_start3A_643 : memref<1000000x64xf32, #tpu.memory_space<hbm>>) target(%dma_start3A_639 : memref<104x64xf32, #tpu.memory_space<vmem>>) offsets(%dma_start3A_640 : memref<104xi32, #tpu.memory_space<vmem>>) semaphore(%arg12 : memref<!tpu.dma_semaphore, #tpu.memory_space<semaphore_mem>>)
        %mul3A_644 = arith.constant 200 : i32
        %mul3A_645 = arith.muli %add3A_632, %mul3A_644 : i32
        %add3A_646 = arith.constant 104 : i32
        %add3A_647 = arith.addi %mul3A_645, %add3A_646 : i32
        %dma_start3A_648 = arith.constant 4 : i32
        %dma_start3A_649 = arith.constant 104 : i32
        %dma_start3A_650 = arith.constant 0 : i32
        %dma_start3A_651 = tpu.memref_slice %arg6[%dma_start3A_648, %dma_start3A_649, %dma_start3A_650] : memref<6x200x64xf32, #tpu.memory_space<vmem>> -> memref<1x96x64xf32, #tpu.memory_space<vmem>>
        %dma_start3A_652 = tpu.memref_squeeze %dma_start3A_651 : memref<1x96x64xf32, #tpu.memory_space<vmem>> -> memref<96x64xf32, #tpu.memory_space<vmem>>
        %dma_start3A_653 = tpu.memref_slice %arg5[%add3A_647] : memref<25600xi32, #tpu.memory_space<vmem>> -> memref<96xi32, #tpu.memory_space<vmem>>
        %dma_start3A_654 = arith.constant 0 : i32
        %dma_start3A_655 = arith.constant 0 : i32
        %dma_start3A_656 = tpu.memref_slice %arg3[%dma_start3A_654, %dma_start3A_655] : memref<1000000x64xf32, #tpu.memory_space<hbm>> -> memref<1000000x64xf32, #tpu.memory_space<hbm>>
        tpu.enqueue_indirect_dma source(%dma_start3A_656 : memref<1000000x64xf32, #tpu.memory_space<hbm>>) target(%dma_start3A_652 : memref<96x64xf32, #tpu.memory_space<vmem>>) offsets(%dma_start3A_653 : memref<96xi32, #tpu.memory_space<vmem>>) semaphore(%arg12 : memref<!tpu.dma_semaphore, #tpu.memory_space<semaphore_mem>>)
      } else {
      }
      %add3A_564 = arith.constant 5 : i32
      %add3A_565 = arith.addi %mul3A_241, %add3A_564 : i32
      %mul3A_566 = arith.constant 200 : i32
      %mul3A_567 = arith.muli %add3A_565, %mul3A_566 : i32
      %dma_wait3A_568 = arith.constant 5 : i32
      %dma_wait3A_569 = arith.constant 0 : i32
      %dma_wait3A_570 = arith.constant 0 : i32
      %dma_wait3A_571 = tpu.memref_slice %arg6[%dma_wait3A_568, %dma_wait3A_569, %dma_wait3A_570] : memref<6x200x64xf32, #tpu.memory_space<vmem>> -> memref<1x104x64xf32, #tpu.memory_space<vmem>>
      %dma_wait3A_572 = tpu.memref_squeeze %dma_wait3A_571 : memref<1x104x64xf32, #tpu.memory_space<vmem>> -> memref<104x64xf32, #tpu.memory_space<vmem>>
      %dma_wait3A_573 = tpu.memref_slice %arg5[%mul3A_567] : memref<25600xi32, #tpu.memory_space<vmem>> -> memref<104xi32, #tpu.memory_space<vmem>>
      %dma_wait3A_574 = arith.constant 0 : i32
      %dma_wait3A_575 = arith.constant 0 : i32
      %dma_wait3A_576 = tpu.memref_slice %arg3[%dma_wait3A_574, %dma_wait3A_575] : memref<1000000x64xf32, #tpu.memory_space<hbm>> -> memref<1000000x64xf32, #tpu.memory_space<hbm>>
      tpu.wait_indirect_dma semaphore(%arg13 : memref<!tpu.dma_semaphore, #tpu.memory_space<semaphore_mem>>) src(%dma_wait3A_576 : memref<1000000x64xf32, #tpu.memory_space<hbm>>) dst(%dma_wait3A_572 : memref<104x64xf32, #tpu.memory_space<vmem>>)
      %mul3A_577 = arith.constant 200 : i32
      %mul3A_578 = arith.muli %add3A_565, %mul3A_577 : i32
      %add3A_579 = arith.constant 104 : i32
      %add3A_580 = arith.addi %mul3A_578, %add3A_579 : i32
      %dma_wait3A_581 = arith.constant 5 : i32
      %dma_wait3A_582 = arith.constant 104 : i32
      %dma_wait3A_583 = arith.constant 0 : i32
      %dma_wait3A_584 = tpu.memref_slice %arg6[%dma_wait3A_581, %dma_wait3A_582, %dma_wait3A_583] : memref<6x200x64xf32, #tpu.memory_space<vmem>> -> memref<1x96x64xf32, #tpu.memory_space<vmem>>
      %dma_wait3A_585 = tpu.memref_squeeze %dma_wait3A_584 : memref<1x96x64xf32, #tpu.memory_space<vmem>> -> memref<96x64xf32, #tpu.memory_space<vmem>>
      %dma_wait3A_586 = tpu.memref_slice %arg5[%add3A_580] : memref<25600xi32, #tpu.memory_space<vmem>> -> memref<96xi32, #tpu.memory_space<vmem>>
      %dma_wait3A_587 = arith.constant 0 : i32
      %dma_wait3A_588 = arith.constant 0 : i32
      %dma_wait3A_589 = tpu.memref_slice %arg3[%dma_wait3A_587, %dma_wait3A_588] : memref<1000000x64xf32, #tpu.memory_space<hbm>> -> memref<1000000x64xf32, #tpu.memory_space<hbm>>
      tpu.wait_indirect_dma semaphore(%arg13 : memref<!tpu.dma_semaphore, #tpu.memory_space<semaphore_mem>>) src(%dma_wait3A_589 : memref<1000000x64xf32, #tpu.memory_space<hbm>>) dst(%dma_wait3A_585 : memref<96x64xf32, #tpu.memory_space<vmem>>)
      %add3A_590 = arith.constant 5 : i32
      %add3A_591 = arith.addi %mul3A_241, %add3A_590 : i32
      %broadcast_in_dim3A_592 = arith.constant 0.000000e+00 : f32
      %broadcast_in_dim3A_593 = vector.broadcast %broadcast_in_dim3A_592 : f32 to vector<16xf32>
      %scan3A_594 = arith.constant 0 : i32
      %scan3A_595 = arith.constant 50 : i32
      %scan3A_596 = arith.addi %scan3A_594, %scan3A_595 : i32
      %scan3A_597 = arith.constant 1 : i32
      %scan3A_598:4 = scf.for %scan3A_629 = %scan3A_594 to %scan3A_596 step %scan3A_597 iter_args(%scan3A_630 = %broadcast_in_dim3A_593, %scan3A_631 = %broadcast_in_dim3A_593, %scan3A_632 = %broadcast_in_dim3A_593, %scan3A_633 = %broadcast_in_dim3A_593) -> (vector<16xf32>, vector<16xf32>, vector<16xf32>, vector<16xf32>)  : i32 {
        %mul3A_634 = arith.constant 4 : i32
        %mul3A_635 = arith.muli %mul3A_634, %scan3A_629 : i32
        %add3A_636 = arith.constant 0 : i32
        %add3A_637 = arith.addi %mul3A_635, %add3A_636 : i32
        %get3A = arith.constant 5 : i32
        %get3A_638 = arith.index_cast %get3A : i32 to index
        %get3A_639 = arith.index_cast %add3A_637 : i32 to index
        %get3A_640 = arith.constant 0 : index
        %get3A_641 = tpu.vector_load %arg6[%get3A_638, %get3A_639, %get3A_640] {strides = array<i32>} : memref<6x200x64xf32, #tpu.memory_space<vmem>>, vector<16xf32>,
        %add3A_642 = arith.addf %scan3A_630, %get3A_641 : vector<16xf32>
        %get3A_643 = arith.constant 5 : i32
        %get3A_644 = arith.index_cast %get3A_643 : i32 to index
        %get3A_645 = arith.index_cast %add3A_637 : i32 to index
        %get3A_646 = arith.constant 16 : index
        %get3A_647 = tpu.vector_load %arg6[%get3A_644, %get3A_645, %get3A_646] {strides = array<i32>} : memref<6x200x64xf32, #tpu.memory_space<vmem>>, vector<16xf32>,
        %add3A_648 = arith.addf %scan3A_631, %get3A_647 : vector<16xf32>
        %get3A_649 = arith.constant 5 : i32
        %get3A_650 = arith.index_cast %get3A_649 : i32 to index
        %get3A_651 = arith.index_cast %add3A_637 : i32 to index
        %get3A_652 = arith.constant 32 : index
        %get3A_653 = tpu.vector_load %arg6[%get3A_650, %get3A_651, %get3A_652] {strides = array<i32>} : memref<6x200x64xf32, #tpu.memory_space<vmem>>, vector<16xf32>,
        %add3A_654 = arith.addf %scan3A_632, %get3A_653 : vector<16xf32>
        %get3A_655 = arith.constant 5 : i32
        %get3A_656 = arith.index_cast %get3A_655 : i32 to index
        %get3A_657 = arith.index_cast %add3A_637 : i32 to index
        %get3A_658 = arith.constant 48 : index
        %get3A_659 = tpu.vector_load %arg6[%get3A_656, %get3A_657, %get3A_658] {strides = array<i32>} : memref<6x200x64xf32, #tpu.memory_space<vmem>>, vector<16xf32>,
        %add3A_660 = arith.addf %scan3A_633, %get3A_659 : vector<16xf32>
        %mul3A_661 = arith.constant 4 : i32
        %mul3A_662 = arith.muli %mul3A_661, %scan3A_629 : i32
        %add3A_663 = arith.constant 1 : i32
        %add3A_664 = arith.addi %mul3A_662, %add3A_663 : i32
        %get3A_665 = arith.constant 5 : i32
        %get3A_666 = arith.index_cast %get3A_665 : i32 to index
        %get3A_667 = arith.index_cast %add3A_664 : i32 to index
        %get3A_668 = arith.constant 0 : index
        %get3A_669 = tpu.vector_load %arg6[%get3A_666, %get3A_667, %get3A_668] {strides = array<i32>} : memref<6x200x64xf32, #tpu.memory_space<vmem>>, vector<16xf32>,
        %add3A_670 = arith.addf %add3A_642, %get3A_669 : vector<16xf32>
        %get3A_671 = arith.constant 5 : i32
        %get3A_672 = arith.index_cast %get3A_671 : i32 to index
        %get3A_673 = arith.index_cast %add3A_664 : i32 to index
        %get3A_674 = arith.constant 16 : index
        %get3A_675 = tpu.vector_load %arg6[%get3A_672, %get3A_673, %get3A_674] {strides = array<i32>} : memref<6x200x64xf32, #tpu.memory_space<vmem>>, vector<16xf32>,
        %add3A_676 = arith.addf %add3A_648, %get3A_675 : vector<16xf32>
        %get3A_677 = arith.constant 5 : i32
        %get3A_678 = arith.index_cast %get3A_677 : i32 to index
        %get3A_679 = arith.index_cast %add3A_664 : i32 to index
        %get3A_680 = arith.constant 32 : index
        %get3A_681 = tpu.vector_load %arg6[%get3A_678, %get3A_679, %get3A_680] {strides = array<i32>} : memref<6x200x64xf32, #tpu.memory_space<vmem>>, vector<16xf32>,
        %add3A_682 = arith.addf %add3A_654, %get3A_681 : vector<16xf32>
        %get3A_683 = arith.constant 5 : i32
        %get3A_684 = arith.index_cast %get3A_683 : i32 to index
        %get3A_685 = arith.index_cast %add3A_664 : i32 to index
        %get3A_686 = arith.constant 48 : index
        %get3A_687 = tpu.vector_load %arg6[%get3A_684, %get3A_685, %get3A_686] {strides = array<i32>} : memref<6x200x64xf32, #tpu.memory_space<vmem>>, vector<16xf32>,
        %add3A_688 = arith.addf %add3A_660, %get3A_687 : vector<16xf32>
        %mul3A_689 = arith.constant 4 : i32
        %mul3A_690 = arith.muli %mul3A_689, %scan3A_629 : i32
        %add3A_691 = arith.constant 2 : i32
        %add3A_692 = arith.addi %mul3A_690, %add3A_691 : i32
        %get3A_693 = arith.constant 5 : i32
        %get3A_694 = arith.index_cast %get3A_693 : i32 to index
        %get3A_695 = arith.index_cast %add3A_692 : i32 to index
        %get3A_696 = arith.constant 0 : index
        %get3A_697 = tpu.vector_load %arg6[%get3A_694, %get3A_695, %get3A_696] {strides = array<i32>} : memref<6x200x64xf32, #tpu.memory_space<vmem>>, vector<16xf32>,
        %add3A_698 = arith.addf %add3A_670, %get3A_697 : vector<16xf32>
        %get3A_699 = arith.constant 5 : i32
        %get3A_700 = arith.index_cast %get3A_699 : i32 to index
        %get3A_701 = arith.index_cast %add3A_692 : i32 to index
        %get3A_702 = arith.constant 16 : index
        %get3A_703 = tpu.vector_load %arg6[%get3A_700, %get3A_701, %get3A_702] {strides = array<i32>} : memref<6x200x64xf32, #tpu.memory_space<vmem>>, vector<16xf32>,
        %add3A_704 = arith.addf %add3A_676, %get3A_703 : vector<16xf32>
        %get3A_705 = arith.constant 5 : i32
        %get3A_706 = arith.index_cast %get3A_705 : i32 to index
        %get3A_707 = arith.index_cast %add3A_692 : i32 to index
        %get3A_708 = arith.constant 32 : index
        %get3A_709 = tpu.vector_load %arg6[%get3A_706, %get3A_707, %get3A_708] {strides = array<i32>} : memref<6x200x64xf32, #tpu.memory_space<vmem>>, vector<16xf32>,
        %add3A_710 = arith.addf %add3A_682, %get3A_709 : vector<16xf32>
        %get3A_711 = arith.constant 5 : i32
        %get3A_712 = arith.index_cast %get3A_711 : i32 to index
        %get3A_713 = arith.index_cast %add3A_692 : i32 to index
        %get3A_714 = arith.constant 48 : index
        %get3A_715 = tpu.vector_load %arg6[%get3A_712, %get3A_713, %get3A_714] {strides = array<i32>} : memref<6x200x64xf32, #tpu.memory_space<vmem>>, vector<16xf32>,
        %add3A_716 = arith.addf %add3A_688, %get3A_715 : vector<16xf32>
        %mul3A_717 = arith.constant 4 : i32
        %mul3A_718 = arith.muli %mul3A_717, %scan3A_629 : i32
        %add3A_719 = arith.constant 3 : i32
        %add3A_720 = arith.addi %mul3A_718, %add3A_719 : i32
        %get3A_721 = arith.constant 5 : i32
        %get3A_722 = arith.index_cast %get3A_721 : i32 to index
        %get3A_723 = arith.index_cast %add3A_720 : i32 to index
        %get3A_724 = arith.constant 0 : index
        %get3A_725 = tpu.vector_load %arg6[%get3A_722, %get3A_723, %get3A_724] {strides = array<i32>} : memref<6x200x64xf32, #tpu.memory_space<vmem>>, vector<16xf32>,
        %add3A_726 = arith.addf %add3A_698, %get3A_725 : vector<16xf32>
        %get3A_727 = arith.constant 5 : i32
        %get3A_728 = arith.index_cast %get3A_727 : i32 to index
        %get3A_729 = arith.index_cast %add3A_720 : i32 to index
        %get3A_730 = arith.constant 16 : index
        %get3A_731 = tpu.vector_load %arg6[%get3A_728, %get3A_729, %get3A_730] {strides = array<i32>} : memref<6x200x64xf32, #tpu.memory_space<vmem>>, vector<16xf32>,
        %add3A_732 = arith.addf %add3A_704, %get3A_731 : vector<16xf32>
        %get3A_733 = arith.constant 5 : i32
        %get3A_734 = arith.index_cast %get3A_733 : i32 to index
        %get3A_735 = arith.index_cast %add3A_720 : i32 to index
        %get3A_736 = arith.constant 32 : index
        %get3A_737 = tpu.vector_load %arg6[%get3A_734, %get3A_735, %get3A_736] {strides = array<i32>} : memref<6x200x64xf32, #tpu.memory_space<vmem>>, vector<16xf32>,
        %add3A_738 = arith.addf %add3A_710, %get3A_737 : vector<16xf32>
        %get3A_739 = arith.constant 5 : i32
        %get3A_740 = arith.index_cast %get3A_739 : i32 to index
        %get3A_741 = arith.index_cast %add3A_720 : i32 to index
        %get3A_742 = arith.constant 48 : index
        %get3A_743 = tpu.vector_load %arg6[%get3A_740, %get3A_741, %get3A_742] {strides = array<i32>} : memref<6x200x64xf32, #tpu.memory_space<vmem>>, vector<16xf32>,
        %add3A_744 = arith.addf %add3A_716, %get3A_743 : vector<16xf32>
        scf.yield %add3A_726, %add3A_732, %add3A_738, %add3A_744 : vector<16xf32>, vector<16xf32>, vector<16xf32>, vector<16xf32>
      }
      %scan3A_599 = arith.constant 50 : i32
      %mul3A_600 = vector.broadcast %scan3A_122 : f32 to vector<16xf32>
      %mul3A_601 = arith.mulf %scan3A_598#0, %mul3A_600 : vector<16xf32>
      %swap3A_602 = arith.index_cast %add3A_591 : i32 to index
      %swap3A_603 = arith.constant 0 : index
      %swap3A_604 = tpu.vector_load %arg7[%swap3A_602, %swap3A_603] {strides = array<i32>} : memref<128x64xf32, #tpu.memory_space<vmem>>, vector<16xf32>,
      tpu.vector_store %arg7[%swap3A_602, %swap3A_603], %mul3A_601 {strides = array<i32>} : memref<128x64xf32, #tpu.memory_space<vmem>>, vector<16xf32>,
      %mul3A_605 = vector.broadcast %scan3A_122 : f32 to vector<16xf32>
      %mul3A_606 = arith.mulf %scan3A_598#1, %mul3A_605 : vector<16xf32>
      %swap3A_607 = arith.index_cast %add3A_591 : i32 to index
      %swap3A_608 = arith.constant 16 : index
      %swap3A_609 = tpu.vector_load %arg7[%swap3A_607, %swap3A_608] {strides = array<i32>} : memref<128x64xf32, #tpu.memory_space<vmem>>, vector<16xf32>,
      tpu.vector_store %arg7[%swap3A_607, %swap3A_608], %mul3A_606 {strides = array<i32>} : memref<128x64xf32, #tpu.memory_space<vmem>>, vector<16xf32>,
      %mul3A_610 = vector.broadcast %scan3A_122 : f32 to vector<16xf32>
      %mul3A_611 = arith.mulf %scan3A_598#2, %mul3A_610 : vector<16xf32>
      %swap3A_612 = arith.index_cast %add3A_591 : i32 to index
      %swap3A_613 = arith.constant 32 : index
      %swap3A_614 = tpu.vector_load %arg7[%swap3A_612, %swap3A_613] {strides = array<i32>} : memref<128x64xf32, #tpu.memory_space<vmem>>, vector<16xf32>,
      tpu.vector_store %arg7[%swap3A_612, %swap3A_613], %mul3A_611 {strides = array<i32>} : memref<128x64xf32, #tpu.memory_space<vmem>>, vector<16xf32>,
      %mul3A_615 = vector.broadcast %scan3A_122 : f32 to vector<16xf32>
      %mul3A_616 = arith.mulf %scan3A_598#3, %mul3A_615 : vector<16xf32>
      %swap3A_617 = arith.index_cast %add3A_591 : i32 to index
      %swap3A_618 = arith.constant 48 : index
      %swap3A_619 = tpu.vector_load %arg7[%swap3A_617, %swap3A_618] {strides = array<i32>} : memref<128x64xf32, #tpu.memory_space<vmem>>, vector<16xf32>,
      tpu.vector_store %arg7[%swap3A_617, %swap3A_618], %mul3A_616 {strides = array<i32>} : memref<128x64xf32, #tpu.memory_space<vmem>>, vector<16xf32>,
      %add3A_620 = arith.constant 5 : i32
      %add3A_621 = arith.addi %mul3A_241, %add3A_620 : i32
      %add3A_622 = arith.constant 6 : i32
      %add3A_623 = arith.addi %add3A_621, %add3A_622 : i32
      %lt3A_624 = arith.constant 128 : i32
      %lt3A_625 = arith.cmpi slt, %add3A_623, %lt3A_624 : i32
      %convert_element_type3A_626 = arith.extui %lt3A_625 : i1 to i32
      %cond3A_627 = arith.constant 0 : i32
      %cond3A_628 = arith.cmpi ne, %convert_element_type3A_626, %cond3A_627 : i32
      scf.if %cond3A_628 {
        %add3A_629 = arith.constant 5 : i32
        %add3A_630 = arith.addi %mul3A_241, %add3A_629 : i32
        %add3A_631 = arith.constant 6 : i32
        %add3A_632 = arith.addi %add3A_630, %add3A_631 : i32
        %mul3A_633 = arith.constant 200 : i32
        %mul3A_634 = arith.muli %add3A_632, %mul3A_633 : i32
        %dma_start3A_635 = arith.constant 5 : i32
        %dma_start3A_636 = arith.constant 0 : i32
        %dma_start3A_637 = arith.constant 0 : i32
        %dma_start3A_638 = tpu.memref_slice %arg6[%dma_start3A_635, %dma_start3A_636, %dma_start3A_637] : memref<6x200x64xf32, #tpu.memory_space<vmem>> -> memref<1x104x64xf32, #tpu.memory_space<vmem>>
        %dma_start3A_639 = tpu.memref_squeeze %dma_start3A_638 : memref<1x104x64xf32, #tpu.memory_space<vmem>> -> memref<104x64xf32, #tpu.memory_space<vmem>>
        %dma_start3A_640 = tpu.memref_slice %arg5[%mul3A_634] : memref<25600xi32, #tpu.memory_space<vmem>> -> memref<104xi32, #tpu.memory_space<vmem>>
        %dma_start3A_641 = arith.constant 0 : i32
        %dma_start3A_642 = arith.constant 0 : i32
        %dma_start3A_643 = tpu.memref_slice %arg3[%dma_start3A_641, %dma_start3A_642] : memref<1000000x64xf32, #tpu.memory_space<hbm>> -> memref<1000000x64xf32, #tpu.memory_space<hbm>>
        tpu.enqueue_indirect_dma source(%dma_start3A_643 : memref<1000000x64xf32, #tpu.memory_space<hbm>>) target(%dma_start3A_639 : memref<104x64xf32, #tpu.memory_space<vmem>>) offsets(%dma_start3A_640 : memref<104xi32, #tpu.memory_space<vmem>>) semaphore(%arg13 : memref<!tpu.dma_semaphore, #tpu.memory_space<semaphore_mem>>)
        %mul3A_644 = arith.constant 200 : i32
        %mul3A_645 = arith.muli %add3A_632, %mul3A_644 : i32
        %add3A_646 = arith.constant 104 : i32
        %add3A_647 = arith.addi %mul3A_645, %add3A_646 : i32
        %dma_start3A_648 = arith.constant 5 : i32
        %dma_start3A_649 = arith.constant 104 : i32
        %dma_start3A_650 = arith.constant 0 : i32
        %dma_start3A_651 = tpu.memref_slice %arg6[%dma_start3A_648, %dma_start3A_649, %dma_start3A_650] : memref<6x200x64xf32, #tpu.memory_space<vmem>> -> memref<1x96x64xf32, #tpu.memory_space<vmem>>
        %dma_start3A_652 = tpu.memref_squeeze %dma_start3A_651 : memref<1x96x64xf32, #tpu.memory_space<vmem>> -> memref<96x64xf32, #tpu.memory_space<vmem>>
        %dma_start3A_653 = tpu.memref_slice %arg5[%add3A_647] : memref<25600xi32, #tpu.memory_space<vmem>> -> memref<96xi32, #tpu.memory_space<vmem>>
        %dma_start3A_654 = arith.constant 0 : i32
        %dma_start3A_655 = arith.constant 0 : i32
        %dma_start3A_656 = tpu.memref_slice %arg3[%dma_start3A_654, %dma_start3A_655] : memref<1000000x64xf32, #tpu.memory_space<hbm>> -> memref<1000000x64xf32, #tpu.memory_space<hbm>>
        tpu.enqueue_indirect_dma source(%dma_start3A_656 : memref<1000000x64xf32, #tpu.memory_space<hbm>>) target(%dma_start3A_652 : memref<96x64xf32, #tpu.memory_space<vmem>>) offsets(%dma_start3A_653 : memref<96xi32, #tpu.memory_space<vmem>>) semaphore(%arg13 : memref<!tpu.dma_semaphore, #tpu.memory_space<semaphore_mem>>)
      } else {
      }
    }
    %scan3A_127 = arith.constant 21 : i32
    %dma_wait3A = arith.constant 0 : i32
    %dma_wait3A_128 = arith.constant 0 : i32
    %dma_wait3A_129 = arith.constant 0 : i32
    %dma_wait3A_130 = tpu.memref_slice %arg6[%dma_wait3A, %dma_wait3A_128, %dma_wait3A_129] : memref<6x200x64xf32, #tpu.memory_space<vmem>> -> memref<1x104x64xf32, #tpu.memory_space<vmem>>
    %dma_wait3A_131 = tpu.memref_squeeze %dma_wait3A_130 : memref<1x104x64xf32, #tpu.memory_space<vmem>> -> memref<104x64xf32, #tpu.memory_space<vmem>>
    %dma_wait3A_132 = arith.constant 25200 : i32
    %dma_wait3A_133 = tpu.memref_slice %arg5[%dma_wait3A_132] : memref<25600xi32, #tpu.memory_space<vmem>> -> memref<104xi32, #tpu.memory_space<vmem>>
    %dma_wait3A_134 = arith.constant 0 : i32
    %dma_wait3A_135 = arith.constant 0 : i32
    %dma_wait3A_136 = tpu.memref_slice %arg3[%dma_wait3A_134, %dma_wait3A_135] : memref<1000000x64xf32, #tpu.memory_space<hbm>> -> memref<1000000x64xf32, #tpu.memory_space<hbm>>
    tpu.wait_indirect_dma semaphore(%arg8 : memref<!tpu.dma_semaphore, #tpu.memory_space<semaphore_mem>>) src(%dma_wait3A_136 : memref<1000000x64xf32, #tpu.memory_space<hbm>>) dst(%dma_wait3A_131 : memref<104x64xf32, #tpu.memory_space<vmem>>)
    %dma_wait3A_137 = arith.constant 0 : i32
    %dma_wait3A_138 = arith.constant 104 : i32
    %dma_wait3A_139 = arith.constant 0 : i32
    %dma_wait3A_140 = tpu.memref_slice %arg6[%dma_wait3A_137, %dma_wait3A_138, %dma_wait3A_139] : memref<6x200x64xf32, #tpu.memory_space<vmem>> -> memref<1x96x64xf32, #tpu.memory_space<vmem>>
    %dma_wait3A_141 = tpu.memref_squeeze %dma_wait3A_140 : memref<1x96x64xf32, #tpu.memory_space<vmem>> -> memref<96x64xf32, #tpu.memory_space<vmem>>
    %dma_wait3A_142 = arith.constant 25304 : i32
    %dma_wait3A_143 = tpu.memref_slice %arg5[%dma_wait3A_142] : memref<25600xi32, #tpu.memory_space<vmem>> -> memref<96xi32, #tpu.memory_space<vmem>>
    %dma_wait3A_144 = arith.constant 0 : i32
    %dma_wait3A_145 = arith.constant 0 : i32
    %dma_wait3A_146 = tpu.memref_slice %arg3[%dma_wait3A_144, %dma_wait3A_145] : memref<1000000x64xf32, #tpu.memory_space<hbm>> -> memref<1000000x64xf32, #tpu.memory_space<hbm>>
    tpu.wait_indirect_dma semaphore(%arg8 : memref<!tpu.dma_semaphore, #tpu.memory_space<semaphore_mem>>) src(%dma_wait3A_146 : memref<1000000x64xf32, #tpu.memory_space<hbm>>) dst(%dma_wait3A_141 : memref<96x64xf32, #tpu.memory_space<vmem>>)
    %broadcast_in_dim3A = arith.constant 0.000000e+00 : f32
    %broadcast_in_dim3A_147 = vector.broadcast %broadcast_in_dim3A : f32 to vector<16xf32>
    %scan3A_148 = arith.constant 0 : i32
    %scan3A_149 = arith.constant 50 : i32
    %scan3A_150 = arith.addi %scan3A_148, %scan3A_149 : i32
    %scan3A_151 = arith.constant 1 : i32
    %scan3A_152:4 = scf.for %scan3A_239 = %scan3A_148 to %scan3A_150 step %scan3A_151 iter_args(%scan3A_240 = %broadcast_in_dim3A_147, %scan3A_241 = %broadcast_in_dim3A_147, %scan3A_242 = %broadcast_in_dim3A_147, %scan3A_243 = %broadcast_in_dim3A_147) -> (vector<16xf32>, vector<16xf32>, vector<16xf32>, vector<16xf32>)  : i32 {
      %mul3A_244 = arith.constant 4 : i32
      %mul3A_245 = arith.muli %mul3A_244, %scan3A_239 : i32
      %add3A_246 = arith.constant 0 : i32
      %add3A_247 = arith.addi %mul3A_245, %add3A_246 : i32
      %get3A = arith.constant 0 : i32
      %get3A_248 = arith.index_cast %get3A : i32 to index
      %get3A_249 = arith.index_cast %add3A_247 : i32 to index
      %get3A_250 = arith.constant 0 : index
      %get3A_251 = tpu.vector_load %arg6[%get3A_248, %get3A_249, %get3A_250] {strides = array<i32>} : memref<6x200x64xf32, #tpu.memory_space<vmem>>, vector<16xf32>,
      %add3A_252 = arith.addf %scan3A_240, %get3A_251 : vector<16xf32>
      %get3A_253 = arith.constant 0 : i32
      %get3A_254 = arith.index_cast %get3A_253 : i32 to index
      %get3A_255 = arith.index_cast %add3A_247 : i32 to index
      %get3A_256 = arith.constant 16 : index
      %get3A_257 = tpu.vector_load %arg6[%get3A_254, %get3A_255, %get3A_256] {strides = array<i32>} : memref<6x200x64xf32, #tpu.memory_space<vmem>>, vector<16xf32>,
      %add3A_258 = arith.addf %scan3A_241, %get3A_257 : vector<16xf32>
      %get3A_259 = arith.constant 0 : i32
      %get3A_260 = arith.index_cast %get3A_259 : i32 to index
      %get3A_261 = arith.index_cast %add3A_247 : i32 to index
      %get3A_262 = arith.constant 32 : index
      %get3A_263 = tpu.vector_load %arg6[%get3A_260, %get3A_261, %get3A_262] {strides = array<i32>} : memref<6x200x64xf32, #tpu.memory_space<vmem>>, vector<16xf32>,
      %add3A_264 = arith.addf %scan3A_242, %get3A_263 : vector<16xf32>
      %get3A_265 = arith.constant 0 : i32
      %get3A_266 = arith.index_cast %get3A_265 : i32 to index
      %get3A_267 = arith.index_cast %add3A_247 : i32 to index
      %get3A_268 = arith.constant 48 : index
      %get3A_269 = tpu.vector_load %arg6[%get3A_266, %get3A_267, %get3A_268] {strides = array<i32>} : memref<6x200x64xf32, #tpu.memory_space<vmem>>, vector<16xf32>,
      %add3A_270 = arith.addf %scan3A_243, %get3A_269 : vector<16xf32>
      %mul3A_271 = arith.constant 4 : i32
      %mul3A_272 = arith.muli %mul3A_271, %scan3A_239 : i32
      %add3A_273 = arith.constant 1 : i32
      %add3A_274 = arith.addi %mul3A_272, %add3A_273 : i32
      %get3A_275 = arith.constant 0 : i32
      %get3A_276 = arith.index_cast %get3A_275 : i32 to index
      %get3A_277 = arith.index_cast %add3A_274 : i32 to index
      %get3A_278 = arith.constant 0 : index
      %get3A_279 = tpu.vector_load %arg6[%get3A_276, %get3A_277, %get3A_278] {strides = array<i32>} : memref<6x200x64xf32, #tpu.memory_space<vmem>>, vector<16xf32>,
      %add3A_280 = arith.addf %add3A_252, %get3A_279 : vector<16xf32>
      %get3A_281 = arith.constant 0 : i32
      %get3A_282 = arith.index_cast %get3A_281 : i32 to index
      %get3A_283 = arith.index_cast %add3A_274 : i32 to index
      %get3A_284 = arith.constant 16 : index
      %get3A_285 = tpu.vector_load %arg6[%get3A_282, %get3A_283, %get3A_284] {strides = array<i32>} : memref<6x200x64xf32, #tpu.memory_space<vmem>>, vector<16xf32>,
      %add3A_286 = arith.addf %add3A_258, %get3A_285 : vector<16xf32>
      %get3A_287 = arith.constant 0 : i32
      %get3A_288 = arith.index_cast %get3A_287 : i32 to index
      %get3A_289 = arith.index_cast %add3A_274 : i32 to index
      %get3A_290 = arith.constant 32 : index
      %get3A_291 = tpu.vector_load %arg6[%get3A_288, %get3A_289, %get3A_290] {strides = array<i32>} : memref<6x200x64xf32, #tpu.memory_space<vmem>>, vector<16xf32>,
      %add3A_292 = arith.addf %add3A_264, %get3A_291 : vector<16xf32>
      %get3A_293 = arith.constant 0 : i32
      %get3A_294 = arith.index_cast %get3A_293 : i32 to index
      %get3A_295 = arith.index_cast %add3A_274 : i32 to index
      %get3A_296 = arith.constant 48 : index
      %get3A_297 = tpu.vector_load %arg6[%get3A_294, %get3A_295, %get3A_296] {strides = array<i32>} : memref<6x200x64xf32, #tpu.memory_space<vmem>>, vector<16xf32>,
      %add3A_298 = arith.addf %add3A_270, %get3A_297 : vector<16xf32>
      %mul3A_299 = arith.constant 4 : i32
      %mul3A_300 = arith.muli %mul3A_299, %scan3A_239 : i32
      %add3A_301 = arith.constant 2 : i32
      %add3A_302 = arith.addi %mul3A_300, %add3A_301 : i32
      %get3A_303 = arith.constant 0 : i32
      %get3A_304 = arith.index_cast %get3A_303 : i32 to index
      %get3A_305 = arith.index_cast %add3A_302 : i32 to index
      %get3A_306 = arith.constant 0 : index
      %get3A_307 = tpu.vector_load %arg6[%get3A_304, %get3A_305, %get3A_306] {strides = array<i32>} : memref<6x200x64xf32, #tpu.memory_space<vmem>>, vector<16xf32>,
      %add3A_308 = arith.addf %add3A_280, %get3A_307 : vector<16xf32>
      %get3A_309 = arith.constant 0 : i32
      %get3A_310 = arith.index_cast %get3A_309 : i32 to index
      %get3A_311 = arith.index_cast %add3A_302 : i32 to index
      %get3A_312 = arith.constant 16 : index
      %get3A_313 = tpu.vector_load %arg6[%get3A_310, %get3A_311, %get3A_312] {strides = array<i32>} : memref<6x200x64xf32, #tpu.memory_space<vmem>>, vector<16xf32>,
      %add3A_314 = arith.addf %add3A_286, %get3A_313 : vector<16xf32>
      %get3A_315 = arith.constant 0 : i32
      %get3A_316 = arith.index_cast %get3A_315 : i32 to index
      %get3A_317 = arith.index_cast %add3A_302 : i32 to index
      %get3A_318 = arith.constant 32 : index
      %get3A_319 = tpu.vector_load %arg6[%get3A_316, %get3A_317, %get3A_318] {strides = array<i32>} : memref<6x200x64xf32, #tpu.memory_space<vmem>>, vector<16xf32>,
      %add3A_320 = arith.addf %add3A_292, %get3A_319 : vector<16xf32>
      %get3A_321 = arith.constant 0 : i32
      %get3A_322 = arith.index_cast %get3A_321 : i32 to index
      %get3A_323 = arith.index_cast %add3A_302 : i32 to index
      %get3A_324 = arith.constant 48 : index
      %get3A_325 = tpu.vector_load %arg6[%get3A_322, %get3A_323, %get3A_324] {strides = array<i32>} : memref<6x200x64xf32, #tpu.memory_space<vmem>>, vector<16xf32>,
      %add3A_326 = arith.addf %add3A_298, %get3A_325 : vector<16xf32>
      %mul3A_327 = arith.constant 4 : i32
      %mul3A_328 = arith.muli %mul3A_327, %scan3A_239 : i32
      %add3A_329 = arith.constant 3 : i32
      %add3A_330 = arith.addi %mul3A_328, %add3A_329 : i32
      %get3A_331 = arith.constant 0 : i32
      %get3A_332 = arith.index_cast %get3A_331 : i32 to index
      %get3A_333 = arith.index_cast %add3A_330 : i32 to index
      %get3A_334 = arith.constant 0 : index
      %get3A_335 = tpu.vector_load %arg6[%get3A_332, %get3A_333, %get3A_334] {strides = array<i32>} : memref<6x200x64xf32, #tpu.memory_space<vmem>>, vector<16xf32>,
      %add3A_336 = arith.addf %add3A_308, %get3A_335 : vector<16xf32>
      %get3A_337 = arith.constant 0 : i32
      %get3A_338 = arith.index_cast %get3A_337 : i32 to index
      %get3A_339 = arith.index_cast %add3A_330 : i32 to index
      %get3A_340 = arith.constant 16 : index
      %get3A_341 = tpu.vector_load %arg6[%get3A_338, %get3A_339, %get3A_340] {strides = array<i32>} : memref<6x200x64xf32, #tpu.memory_space<vmem>>, vector<16xf32>,
      %add3A_342 = arith.addf %add3A_314, %get3A_341 : vector<16xf32>
      %get3A_343 = arith.constant 0 : i32
      %get3A_344 = arith.index_cast %get3A_343 : i32 to index
      %get3A_345 = arith.index_cast %add3A_330 : i32 to index
      %get3A_346 = arith.constant 32 : index
      %get3A_347 = tpu.vector_load %arg6[%get3A_344, %get3A_345, %get3A_346] {strides = array<i32>} : memref<6x200x64xf32, #tpu.memory_space<vmem>>, vector<16xf32>,
      %add3A_348 = arith.addf %add3A_320, %get3A_347 : vector<16xf32>
      %get3A_349 = arith.constant 0 : i32
      %get3A_350 = arith.index_cast %get3A_349 : i32 to index
      %get3A_351 = arith.index_cast %add3A_330 : i32 to index
      %get3A_352 = arith.constant 48 : index
      %get3A_353 = tpu.vector_load %arg6[%get3A_350, %get3A_351, %get3A_352] {strides = array<i32>} : memref<6x200x64xf32, #tpu.memory_space<vmem>>, vector<16xf32>,
      %add3A_354 = arith.addf %add3A_326, %get3A_353 : vector<16xf32>
      scf.yield %add3A_336, %add3A_342, %add3A_348, %add3A_354 : vector<16xf32>, vector<16xf32>, vector<16xf32>, vector<16xf32>
    }
    %scan3A_153 = arith.constant 50 : i32
    %mul3A_154 = arith.constant 5.000000e-03 : f32
    %mul3A_155 = vector.broadcast %mul3A_154 : f32 to vector<16xf32>
    %mul3A_156 = arith.mulf %scan3A_152#0, %mul3A_155 : vector<16xf32>
    %swap3A = arith.constant 126 : i32
    %swap3A_157 = arith.index_cast %swap3A : i32 to index
    %swap3A_158 = arith.constant 0 : index
    %swap3A_159 = tpu.vector_load %arg7[%swap3A_157, %swap3A_158] {strides = array<i32>} : memref<128x64xf32, #tpu.memory_space<vmem>>, vector<16xf32>,
    tpu.vector_store %arg7[%swap3A_157, %swap3A_158], %mul3A_156 {strides = array<i32>} : memref<128x64xf32, #tpu.memory_space<vmem>>, vector<16xf32>,
    %mul3A_160 = arith.constant 5.000000e-03 : f32
    %mul3A_161 = vector.broadcast %mul3A_160 : f32 to vector<16xf32>
    %mul3A_162 = arith.mulf %scan3A_152#1, %mul3A_161 : vector<16xf32>
    %swap3A_163 = arith.constant 126 : i32
    %swap3A_164 = arith.index_cast %swap3A_163 : i32 to index
    %swap3A_165 = arith.constant 16 : index
    %swap3A_166 = tpu.vector_load %arg7[%swap3A_164, %swap3A_165] {strides = array<i32>} : memref<128x64xf32, #tpu.memory_space<vmem>>, vector<16xf32>,
    tpu.vector_store %arg7[%swap3A_164, %swap3A_165], %mul3A_162 {strides = array<i32>} : memref<128x64xf32, #tpu.memory_space<vmem>>, vector<16xf32>,
    %mul3A_167 = arith.constant 5.000000e-03 : f32
    %mul3A_168 = vector.broadcast %mul3A_167 : f32 to vector<16xf32>
    %mul3A_169 = arith.mulf %scan3A_152#2, %mul3A_168 : vector<16xf32>
    %swap3A_170 = arith.constant 126 : i32
    %swap3A_171 = arith.index_cast %swap3A_170 : i32 to index
    %swap3A_172 = arith.constant 32 : index
    %swap3A_173 = tpu.vector_load %arg7[%swap3A_171, %swap3A_172] {strides = array<i32>} : memref<128x64xf32, #tpu.memory_space<vmem>>, vector<16xf32>,
    tpu.vector_store %arg7[%swap3A_171, %swap3A_172], %mul3A_169 {strides = array<i32>} : memref<128x64xf32, #tpu.memory_space<vmem>>, vector<16xf32>,
    %mul3A_174 = arith.constant 5.000000e-03 : f32
    %mul3A_175 = vector.broadcast %mul3A_174 : f32 to vector<16xf32>
    %mul3A_176 = arith.mulf %scan3A_152#3, %mul3A_175 : vector<16xf32>
    %swap3A_177 = arith.constant 126 : i32
    %swap3A_178 = arith.index_cast %swap3A_177 : i32 to index
    %swap3A_179 = arith.constant 48 : index
    %swap3A_180 = tpu.vector_load %arg7[%swap3A_178, %swap3A_179] {strides = array<i32>} : memref<128x64xf32, #tpu.memory_space<vmem>>, vector<16xf32>,
    tpu.vector_store %arg7[%swap3A_178, %swap3A_179], %mul3A_176 {strides = array<i32>} : memref<128x64xf32, #tpu.memory_space<vmem>>, vector<16xf32>,
    %dma_wait3A_181 = arith.constant 1 : i32
    %dma_wait3A_182 = arith.constant 0 : i32
    %dma_wait3A_183 = arith.constant 0 : i32
    %dma_wait3A_184 = tpu.memref_slice %arg6[%dma_wait3A_181, %dma_wait3A_182, %dma_wait3A_183] : memref<6x200x64xf32, #tpu.memory_space<vmem>> -> memref<1x104x64xf32, #tpu.memory_space<vmem>>
    %dma_wait3A_185 = tpu.memref_squeeze %dma_wait3A_184 : memref<1x104x64xf32, #tpu.memory_space<vmem>> -> memref<104x64xf32, #tpu.memory_space<vmem>>
    %dma_wait3A_186 = arith.constant 25400 : i32
    %dma_wait3A_187 = tpu.memref_slice %arg5[%dma_wait3A_186] : memref<25600xi32, #tpu.memory_space<vmem>> -> memref<104xi32, #tpu.memory_space<vmem>>
    %dma_wait3A_188 = arith.constant 0 : i32
    %dma_wait3A_189 = arith.constant 0 : i32
    %dma_wait3A_190 = tpu.memref_slice %arg3[%dma_wait3A_188, %dma_wait3A_189] : memref<1000000x64xf32, #tpu.memory_space<hbm>> -> memref<1000000x64xf32, #tpu.memory_space<hbm>>
    tpu.wait_indirect_dma semaphore(%arg9 : memref<!tpu.dma_semaphore, #tpu.memory_space<semaphore_mem>>) src(%dma_wait3A_190 : memref<1000000x64xf32, #tpu.memory_space<hbm>>) dst(%dma_wait3A_185 : memref<104x64xf32, #tpu.memory_space<vmem>>)
    %dma_wait3A_191 = arith.constant 1 : i32
    %dma_wait3A_192 = arith.constant 104 : i32
    %dma_wait3A_193 = arith.constant 0 : i32
    %dma_wait3A_194 = tpu.memref_slice %arg6[%dma_wait3A_191, %dma_wait3A_192, %dma_wait3A_193] : memref<6x200x64xf32, #tpu.memory_space<vmem>> -> memref<1x96x64xf32, #tpu.memory_space<vmem>>
    %dma_wait3A_195 = tpu.memref_squeeze %dma_wait3A_194 : memref<1x96x64xf32, #tpu.memory_space<vmem>> -> memref<96x64xf32, #tpu.memory_space<vmem>>
    %dma_wait3A_196 = arith.constant 25504 : i32
    %dma_wait3A_197 = tpu.memref_slice %arg5[%dma_wait3A_196] : memref<25600xi32, #tpu.memory_space<vmem>> -> memref<96xi32, #tpu.memory_space<vmem>>
    %dma_wait3A_198 = arith.constant 0 : i32
    %dma_wait3A_199 = arith.constant 0 : i32
    %dma_wait3A_200 = tpu.memref_slice %arg3[%dma_wait3A_198, %dma_wait3A_199] : memref<1000000x64xf32, #tpu.memory_space<hbm>> -> memref<1000000x64xf32, #tpu.memory_space<hbm>>
    tpu.wait_indirect_dma semaphore(%arg9 : memref<!tpu.dma_semaphore, #tpu.memory_space<semaphore_mem>>) src(%dma_wait3A_200 : memref<1000000x64xf32, #tpu.memory_space<hbm>>) dst(%dma_wait3A_195 : memref<96x64xf32, #tpu.memory_space<vmem>>)
    %broadcast_in_dim3A_201 = arith.constant 0.000000e+00 : f32
    %broadcast_in_dim3A_202 = vector.broadcast %broadcast_in_dim3A_201 : f32 to vector<16xf32>
    %scan3A_203 = arith.constant 0 : i32
    %scan3A_204 = arith.constant 50 : i32
    %scan3A_205 = arith.addi %scan3A_203, %scan3A_204 : i32
    %scan3A_206 = arith.constant 1 : i32
    %scan3A_207:4 = scf.for %scan3A_239 = %scan3A_203 to %scan3A_205 step %scan3A_206 iter_args(%scan3A_240 = %broadcast_in_dim3A_202, %scan3A_241 = %broadcast_in_dim3A_202, %scan3A_242 = %broadcast_in_dim3A_202, %scan3A_243 = %broadcast_in_dim3A_202) -> (vector<16xf32>, vector<16xf32>, vector<16xf32>, vector<16xf32>)  : i32 {
      %mul3A_244 = arith.constant 4 : i32
      %mul3A_245 = arith.muli %mul3A_244, %scan3A_239 : i32
      %add3A_246 = arith.constant 0 : i32
      %add3A_247 = arith.addi %mul3A_245, %add3A_246 : i32
      %get3A = arith.constant 1 : i32
      %get3A_248 = arith.index_cast %get3A : i32 to index
      %get3A_249 = arith.index_cast %add3A_247 : i32 to index
      %get3A_250 = arith.constant 0 : index
      %get3A_251 = tpu.vector_load %arg6[%get3A_248, %get3A_249, %get3A_250] {strides = array<i32>} : memref<6x200x64xf32, #tpu.memory_space<vmem>>, vector<16xf32>,
      %add3A_252 = arith.addf %scan3A_240, %get3A_251 : vector<16xf32>
      %get3A_253 = arith.constant 1 : i32
      %get3A_254 = arith.index_cast %get3A_253 : i32 to index
      %get3A_255 = arith.index_cast %add3A_247 : i32 to index
      %get3A_256 = arith.constant 16 : index
      %get3A_257 = tpu.vector_load %arg6[%get3A_254, %get3A_255, %get3A_256] {strides = array<i32>} : memref<6x200x64xf32, #tpu.memory_space<vmem>>, vector<16xf32>,
      %add3A_258 = arith.addf %scan3A_241, %get3A_257 : vector<16xf32>
      %get3A_259 = arith.constant 1 : i32
      %get3A_260 = arith.index_cast %get3A_259 : i32 to index
      %get3A_261 = arith.index_cast %add3A_247 : i32 to index
      %get3A_262 = arith.constant 32 : index
      %get3A_263 = tpu.vector_load %arg6[%get3A_260, %get3A_261, %get3A_262] {strides = array<i32>} : memref<6x200x64xf32, #tpu.memory_space<vmem>>, vector<16xf32>,
      %add3A_264 = arith.addf %scan3A_242, %get3A_263 : vector<16xf32>
      %get3A_265 = arith.constant 1 : i32
      %get3A_266 = arith.index_cast %get3A_265 : i32 to index
      %get3A_267 = arith.index_cast %add3A_247 : i32 to index
      %get3A_268 = arith.constant 48 : index
      %get3A_269 = tpu.vector_load %arg6[%get3A_266, %get3A_267, %get3A_268] {strides = array<i32>} : memref<6x200x64xf32, #tpu.memory_space<vmem>>, vector<16xf32>,
      %add3A_270 = arith.addf %scan3A_243, %get3A_269 : vector<16xf32>
      %mul3A_271 = arith.constant 4 : i32
      %mul3A_272 = arith.muli %mul3A_271, %scan3A_239 : i32
      %add3A_273 = arith.constant 1 : i32
      %add3A_274 = arith.addi %mul3A_272, %add3A_273 : i32
      %get3A_275 = arith.constant 1 : i32
      %get3A_276 = arith.index_cast %get3A_275 : i32 to index
      %get3A_277 = arith.index_cast %add3A_274 : i32 to index
      %get3A_278 = arith.constant 0 : index
      %get3A_279 = tpu.vector_load %arg6[%get3A_276, %get3A_277, %get3A_278] {strides = array<i32>} : memref<6x200x64xf32, #tpu.memory_space<vmem>>, vector<16xf32>,
      %add3A_280 = arith.addf %add3A_252, %get3A_279 : vector<16xf32>
      %get3A_281 = arith.constant 1 : i32
      %get3A_282 = arith.index_cast %get3A_281 : i32 to index
      %get3A_283 = arith.index_cast %add3A_274 : i32 to index
      %get3A_284 = arith.constant 16 : index
      %get3A_285 = tpu.vector_load %arg6[%get3A_282, %get3A_283, %get3A_284] {strides = array<i32>} : memref<6x200x64xf32, #tpu.memory_space<vmem>>, vector<16xf32>,
      %add3A_286 = arith.addf %add3A_258, %get3A_285 : vector<16xf32>
      %get3A_287 = arith.constant 1 : i32
      %get3A_288 = arith.index_cast %get3A_287 : i32 to index
      %get3A_289 = arith.index_cast %add3A_274 : i32 to index
      %get3A_290 = arith.constant 32 : index
      %get3A_291 = tpu.vector_load %arg6[%get3A_288, %get3A_289, %get3A_290] {strides = array<i32>} : memref<6x200x64xf32, #tpu.memory_space<vmem>>, vector<16xf32>,
      %add3A_292 = arith.addf %add3A_264, %get3A_291 : vector<16xf32>
      %get3A_293 = arith.constant 1 : i32
      %get3A_294 = arith.index_cast %get3A_293 : i32 to index
      %get3A_295 = arith.index_cast %add3A_274 : i32 to index
      %get3A_296 = arith.constant 48 : index
      %get3A_297 = tpu.vector_load %arg6[%get3A_294, %get3A_295, %get3A_296] {strides = array<i32>} : memref<6x200x64xf32, #tpu.memory_space<vmem>>, vector<16xf32>,
      %add3A_298 = arith.addf %add3A_270, %get3A_297 : vector<16xf32>
      %mul3A_299 = arith.constant 4 : i32
      %mul3A_300 = arith.muli %mul3A_299, %scan3A_239 : i32
      %add3A_301 = arith.constant 2 : i32
      %add3A_302 = arith.addi %mul3A_300, %add3A_301 : i32
      %get3A_303 = arith.constant 1 : i32
      %get3A_304 = arith.index_cast %get3A_303 : i32 to index
      %get3A_305 = arith.index_cast %add3A_302 : i32 to index
      %get3A_306 = arith.constant 0 : index
      %get3A_307 = tpu.vector_load %arg6[%get3A_304, %get3A_305, %get3A_306] {strides = array<i32>} : memref<6x200x64xf32, #tpu.memory_space<vmem>>, vector<16xf32>,
      %add3A_308 = arith.addf %add3A_280, %get3A_307 : vector<16xf32>
      %get3A_309 = arith.constant 1 : i32
      %get3A_310 = arith.index_cast %get3A_309 : i32 to index
      %get3A_311 = arith.index_cast %add3A_302 : i32 to index
      %get3A_312 = arith.constant 16 : index
      %get3A_313 = tpu.vector_load %arg6[%get3A_310, %get3A_311, %get3A_312] {strides = array<i32>} : memref<6x200x64xf32, #tpu.memory_space<vmem>>, vector<16xf32>,
      %add3A_314 = arith.addf %add3A_286, %get3A_313 : vector<16xf32>
      %get3A_315 = arith.constant 1 : i32
      %get3A_316 = arith.index_cast %get3A_315 : i32 to index
      %get3A_317 = arith.index_cast %add3A_302 : i32 to index
      %get3A_318 = arith.constant 32 : index
      %get3A_319 = tpu.vector_load %arg6[%get3A_316, %get3A_317, %get3A_318] {strides = array<i32>} : memref<6x200x64xf32, #tpu.memory_space<vmem>>, vector<16xf32>,
      %add3A_320 = arith.addf %add3A_292, %get3A_319 : vector<16xf32>
      %get3A_321 = arith.constant 1 : i32
      %get3A_322 = arith.index_cast %get3A_321 : i32 to index
      %get3A_323 = arith.index_cast %add3A_302 : i32 to index
      %get3A_324 = arith.constant 48 : index
      %get3A_325 = tpu.vector_load %arg6[%get3A_322, %get3A_323, %get3A_324] {strides = array<i32>} : memref<6x200x64xf32, #tpu.memory_space<vmem>>, vector<16xf32>,
      %add3A_326 = arith.addf %add3A_298, %get3A_325 : vector<16xf32>
      %mul3A_327 = arith.constant 4 : i32
      %mul3A_328 = arith.muli %mul3A_327, %scan3A_239 : i32
      %add3A_329 = arith.constant 3 : i32
      %add3A_330 = arith.addi %mul3A_328, %add3A_329 : i32
      %get3A_331 = arith.constant 1 : i32
      %get3A_332 = arith.index_cast %get3A_331 : i32 to index
      %get3A_333 = arith.index_cast %add3A_330 : i32 to index
      %get3A_334 = arith.constant 0 : index
      %get3A_335 = tpu.vector_load %arg6[%get3A_332, %get3A_333, %get3A_334] {strides = array<i32>} : memref<6x200x64xf32, #tpu.memory_space<vmem>>, vector<16xf32>,
      %add3A_336 = arith.addf %add3A_308, %get3A_335 : vector<16xf32>
      %get3A_337 = arith.constant 1 : i32
      %get3A_338 = arith.index_cast %get3A_337 : i32 to index
      %get3A_339 = arith.index_cast %add3A_330 : i32 to index
      %get3A_340 = arith.constant 16 : index
      %get3A_341 = tpu.vector_load %arg6[%get3A_338, %get3A_339, %get3A_340] {strides = array<i32>} : memref<6x200x64xf32, #tpu.memory_space<vmem>>, vector<16xf32>,
      %add3A_342 = arith.addf %add3A_314, %get3A_341 : vector<16xf32>
      %get3A_343 = arith.constant 1 : i32
      %get3A_344 = arith.index_cast %get3A_343 : i32 to index
      %get3A_345 = arith.index_cast %add3A_330 : i32 to index
      %get3A_346 = arith.constant 32 : index
      %get3A_347 = tpu.vector_load %arg6[%get3A_344, %get3A_345, %get3A_346] {strides = array<i32>} : memref<6x200x64xf32, #tpu.memory_space<vmem>>, vector<16xf32>,
      %add3A_348 = arith.addf %add3A_320, %get3A_347 : vector<16xf32>
      %get3A_349 = arith.constant 1 : i32
      %get3A_350 = arith.index_cast %get3A_349 : i32 to index
      %get3A_351 = arith.index_cast %add3A_330 : i32 to index
      %get3A_352 = arith.constant 48 : index
      %get3A_353 = tpu.vector_load %arg6[%get3A_350, %get3A_351, %get3A_352] {strides = array<i32>} : memref<6x200x64xf32, #tpu.memory_space<vmem>>, vector<16xf32>,
      %add3A_354 = arith.addf %add3A_326, %get3A_353 : vector<16xf32>
      scf.yield %add3A_336, %add3A_342, %add3A_348, %add3A_354 : vector<16xf32>, vector<16xf32>, vector<16xf32>, vector<16xf32>
    }
    %scan3A_208 = arith.constant 50 : i32
    %mul3A_209 = arith.constant 5.000000e-03 : f32
    %mul3A_210 = vector.broadcast %mul3A_209 : f32 to vector<16xf32>
    %mul3A_211 = arith.mulf %scan3A_207#0, %mul3A_210 : vector<16xf32>
    %swap3A_212 = arith.constant 127 : i32
    %swap3A_213 = arith.index_cast %swap3A_212 : i32 to index
    %swap3A_214 = arith.constant 0 : index
    %swap3A_215 = tpu.vector_load %arg7[%swap3A_213, %swap3A_214] {strides = array<i32>} : memref<128x64xf32, #tpu.memory_space<vmem>>, vector<16xf32>,
    tpu.vector_store %arg7[%swap3A_213, %swap3A_214], %mul3A_211 {strides = array<i32>} : memref<128x64xf32, #tpu.memory_space<vmem>>, vector<16xf32>,
    %mul3A_216 = arith.constant 5.000000e-03 : f32
    %mul3A_217 = vector.broadcast %mul3A_216 : f32 to vector<16xf32>
    %mul3A_218 = arith.mulf %scan3A_207#1, %mul3A_217 : vector<16xf32>
    %swap3A_219 = arith.constant 127 : i32
    %swap3A_220 = arith.index_cast %swap3A_219 : i32 to index
    %swap3A_221 = arith.constant 16 : index
    %swap3A_222 = tpu.vector_load %arg7[%swap3A_220, %swap3A_221] {strides = array<i32>} : memref<128x64xf32, #tpu.memory_space<vmem>>, vector<16xf32>,
    tpu.vector_store %arg7[%swap3A_220, %swap3A_221], %mul3A_218 {strides = array<i32>} : memref<128x64xf32, #tpu.memory_space<vmem>>, vector<16xf32>,
    %mul3A_223 = arith.constant 5.000000e-03 : f32
    %mul3A_224 = vector.broadcast %mul3A_223 : f32 to vector<16xf32>
    %mul3A_225 = arith.mulf %scan3A_207#2, %mul3A_224 : vector<16xf32>
    %swap3A_226 = arith.constant 127 : i32
    %swap3A_227 = arith.index_cast %swap3A_226 : i32 to index
    %swap3A_228 = arith.constant 32 : index
    %swap3A_229 = tpu.vector_load %arg7[%swap3A_227, %swap3A_228] {strides = array<i32>} : memref<128x64xf32, #tpu.memory_space<vmem>>, vector<16xf32>,
    tpu.vector_store %arg7[%swap3A_227, %swap3A_228], %mul3A_225 {strides = array<i32>} : memref<128x64xf32, #tpu.memory_space<vmem>>, vector<16xf32>,
    %mul3A_230 = arith.constant 5.000000e-03 : f32
    %mul3A_231 = vector.broadcast %mul3A_230 : f32 to vector<16xf32>
    %mul3A_232 = arith.mulf %scan3A_207#3, %mul3A_231 : vector<16xf32>
    %swap3A_233 = arith.constant 127 : i32
    %swap3A_234 = arith.index_cast %swap3A_233 : i32 to index
    %swap3A_235 = arith.constant 48 : index
    %swap3A_236 = tpu.vector_load %arg7[%swap3A_234, %swap3A_235] {strides = array<i32>} : memref<128x64xf32, #tpu.memory_space<vmem>>, vector<16xf32>,
    tpu.vector_store %arg7[%swap3A_234, %swap3A_235], %mul3A_232 {strides = array<i32>} : memref<128x64xf32, #tpu.memory_space<vmem>>, vector<16xf32>,
    %mul3A_237 = arith.constant 128 : i32
    %mul3A_238 = arith.muli %add3A, %mul3A_237 : i32
    "tpu.region"() ({
      %run_scoped3A = tpu.sem_alloc : memref<!tpu.dma_semaphore, #tpu.memory_space<semaphore_mem>>
      %dma_start3A_239 = arith.constant 0 : i32
      %dma_start3A_240 = tpu.memref_slice %arg4[%mul3A_238, %dma_start3A_239] : memref<4096x64xf32, #tpu.memory_space<hbm>> -> memref<128x64xf32, #tpu.memory_space<hbm>>
      %dma_start3A_241 = arith.constant 0 : i32
      %dma_start3A_242 = tpu.memref_slice %arg4[%mul3A_238, %dma_start3A_241] : memref<4096x64xf32, #tpu.memory_space<hbm>> -> memref<128x64xf32, #tpu.memory_space<hbm>>
      tpu.enqueue_dma source(%arg7 : memref<128x64xf32, #tpu.memory_space<vmem>>) target(%dma_start3A_242 : memref<128x64xf32, #tpu.memory_space<hbm>>) target_semaphore(%run_scoped3A : memref<!tpu.dma_semaphore, #tpu.memory_space<semaphore_mem>>)
      %dma_wait3A_243 = arith.constant 0 : i32
      %dma_wait3A_244 = tpu.memref_slice %arg4[%mul3A_238, %dma_wait3A_243] : memref<4096x64xf32, #tpu.memory_space<hbm>> -> memref<128x64xf32, #tpu.memory_space<hbm>>
      %dma_wait3A_245 = arith.constant 0 : i32
      %dma_wait3A_246 = tpu.memref_slice %arg4[%mul3A_238, %dma_wait3A_245] : memref<4096x64xf32, #tpu.memory_space<hbm>> -> memref<128x64xf32, #tpu.memory_space<hbm>>
      tpu.wait_dma2 semaphore(%run_scoped3A : memref<!tpu.dma_semaphore, #tpu.memory_space<semaphore_mem>>) src(%arg7 : memref<128x64xf32, #tpu.memory_space<vmem>>) dst(%dma_wait3A_246 : memref<128x64xf32, #tpu.memory_space<hbm>>)
      tpu.yield
    }) : () -> ()
    return
  }
}

#map = affine_map<(d0, d1) -> (0)>
#map1 = affine_map<(d0, d1) -> (0, 0)>
module attributes {stable_mosaic.version = 14 : i64} {
  func.func @_pool(%arg0: i32, %arg1: i32, %arg2: memref<819200xi32, #tpu.memory_space<hbm>>, %arg3: memref<100000x64xf32, #tpu.memory_space<hbm>>, %arg4: memref<4096x64xf32, #tpu.memory_space<hbm>>, %arg5: memref<25600xi32, #tpu.memory_space<vmem>>, %arg6: memref<6x200x64xf32, #tpu.memory_space<vmem>>, %arg7: memref<128x64xf32, #tpu.memory_space<vmem>>, %arg8: memref<!tpu.dma_semaphore, #tpu.memory_space<semaphore_mem>>, %arg9: memref<!tpu.dma_semaphore, #tpu.memory_space<semaphore_mem>>, %arg10: memref<!tpu.dma_semaphore, #tpu.memory_space<semaphore_mem>>, %arg11: memref<!tpu.dma_semaphore, #tpu.memory_space<semaphore_mem>>, %arg12: memref<!tpu.dma_semaphore, #tpu.memory_space<semaphore_mem>>, %arg13: memref<!tpu.dma_semaphore, #tpu.memory_space<semaphore_mem>>) attributes {dimension_semantics = [#tpu.dimension_semantics<core_parallel>, #tpu.dimension_semantics<subcore_parallel>], iteration_bounds = array<i64: 2, 16>, scalar_prefetch = 0 : i64, scratch_operands = 9 : i64, tpu.core_type = #tpu.core_type<sc_vector_subcore>, window_params = [{transform_indices = #map}, {transform_indices = #map1}, {transform_indices = #map1}]} {
    %mul3A = arith.constant 16 : i32
    %mul3A_0 = arith.muli %arg0, %mul3A : i32
    %add3A = arith.addi %mul3A_0, %arg1 : i32
    %mul3A_1 = arith.constant 25600 : i32
    %mul3A_2 = arith.muli %add3A, %mul3A_1 : i32
    "tpu.region"() ({
      %run_scoped3A = tpu.sem_alloc : memref<!tpu.dma_semaphore, #tpu.memory_space<semaphore_mem>>
      %dma_start3A_239 = tpu.memref_slice %arg2[%mul3A_2] : memref<819200xi32, #tpu.memory_space<hbm>> -> memref<25600xi32, #tpu.memory_space<hbm>>
      %dma_start3A_240 = tpu.memref_slice %arg2[%mul3A_2] : memref<819200xi32, #tpu.memory_space<hbm>> -> memref<25600xi32, #tpu.memory_space<hbm>>
      tpu.enqueue_dma source(%dma_start3A_240 : memref<25600xi32, #tpu.memory_space<hbm>>) target(%arg5 : memref<25600xi32, #tpu.memory_space<vmem>>) target_semaphore(%run_scoped3A : memref<!tpu.dma_semaphore, #tpu.memory_space<semaphore_mem>>)
      %dma_wait3A_241 = tpu.memref_slice %arg2[%mul3A_2] : memref<819200xi32, #tpu.memory_space<hbm>> -> memref<25600xi32, #tpu.memory_space<hbm>>
      %dma_wait3A_242 = tpu.memref_slice %arg2[%mul3A_2] : memref<819200xi32, #tpu.memory_space<hbm>> -> memref<25600xi32, #tpu.memory_space<hbm>>
      tpu.wait_dma2 semaphore(%run_scoped3A : memref<!tpu.dma_semaphore, #tpu.memory_space<semaphore_mem>>) src(%dma_wait3A_242 : memref<25600xi32, #tpu.memory_space<hbm>>) dst(%arg5 : memref<25600xi32, #tpu.memory_space<vmem>>)
      tpu.yield
    }) : () -> ()
    %dma_start3A = arith.constant 0 : i32
    %dma_start3A_3 = arith.constant 0 : i32
    %dma_start3A_4 = arith.constant 0 : i32
    %dma_start3A_5 = tpu.memref_slice %arg6[%dma_start3A, %dma_start3A_3, %dma_start3A_4] : memref<6x200x64xf32, #tpu.memory_space<vmem>> -> memref<1x104x64xf32, #tpu.memory_space<vmem>>
    %dma_start3A_6 = tpu.memref_squeeze %dma_start3A_5 : memref<1x104x64xf32, #tpu.memory_space<vmem>> -> memref<104x64xf32, #tpu.memory_space<vmem>>
    %dma_start3A_7 = arith.constant 0 : i32
    %dma_start3A_8 = tpu.memref_slice %arg5[%dma_start3A_7] : memref<25600xi32, #tpu.memory_space<vmem>> -> memref<104xi32, #tpu.memory_space<vmem>>
    %dma_start3A_9 = arith.constant 0 : i32
    %dma_start3A_10 = arith.constant 0 : i32
    %dma_start3A_11 = tpu.memref_slice %arg3[%dma_start3A_9, %dma_start3A_10] : memref<100000x64xf32, #tpu.memory_space<hbm>> -> memref<100000x64xf32, #tpu.memory_space<hbm>>
    tpu.enqueue_indirect_dma source(%dma_start3A_11 : memref<100000x64xf32, #tpu.memory_space<hbm>>) target(%dma_start3A_6 : memref<104x64xf32, #tpu.memory_space<vmem>>) offsets(%dma_start3A_8 : memref<104xi32, #tpu.memory_space<vmem>>) semaphore(%arg8 : memref<!tpu.dma_semaphore, #tpu.memory_space<semaphore_mem>>)
    %dma_start3A_12 = arith.constant 0 : i32
    %dma_start3A_13 = arith.constant 104 : i32
    %dma_start3A_14 = arith.constant 0 : i32
    %dma_start3A_15 = tpu.memref_slice %arg6[%dma_start3A_12, %dma_start3A_13, %dma_start3A_14] : memref<6x200x64xf32, #tpu.memory_space<vmem>> -> memref<1x96x64xf32, #tpu.memory_space<vmem>>
    %dma_start3A_16 = tpu.memref_squeeze %dma_start3A_15 : memref<1x96x64xf32, #tpu.memory_space<vmem>> -> memref<96x64xf32, #tpu.memory_space<vmem>>
    %dma_start3A_17 = arith.constant 104 : i32
    %dma_start3A_18 = tpu.memref_slice %arg5[%dma_start3A_17] : memref<25600xi32, #tpu.memory_space<vmem>> -> memref<96xi32, #tpu.memory_space<vmem>>
    %dma_start3A_19 = arith.constant 0 : i32
    %dma_start3A_20 = arith.constant 0 : i32
    %dma_start3A_21 = tpu.memref_slice %arg3[%dma_start3A_19, %dma_start3A_20] : memref<100000x64xf32, #tpu.memory_space<hbm>> -> memref<100000x64xf32, #tpu.memory_space<hbm>>
    tpu.enqueue_indirect_dma source(%dma_start3A_21 : memref<100000x64xf32, #tpu.memory_space<hbm>>) target(%dma_start3A_16 : memref<96x64xf32, #tpu.memory_space<vmem>>) offsets(%dma_start3A_18 : memref<96xi32, #tpu.memory_space<vmem>>) semaphore(%arg8 : memref<!tpu.dma_semaphore, #tpu.memory_space<semaphore_mem>>)
    %dma_start3A_22 = arith.constant 1 : i32
    %dma_start3A_23 = arith.constant 0 : i32
    %dma_start3A_24 = arith.constant 0 : i32
    %dma_start3A_25 = tpu.memref_slice %arg6[%dma_start3A_22, %dma_start3A_23, %dma_start3A_24] : memref<6x200x64xf32, #tpu.memory_space<vmem>> -> memref<1x104x64xf32, #tpu.memory_space<vmem>>
    %dma_start3A_26 = tpu.memref_squeeze %dma_start3A_25 : memref<1x104x64xf32, #tpu.memory_space<vmem>> -> memref<104x64xf32, #tpu.memory_space<vmem>>
    %dma_start3A_27 = arith.constant 200 : i32
    %dma_start3A_28 = tpu.memref_slice %arg5[%dma_start3A_27] : memref<25600xi32, #tpu.memory_space<vmem>> -> memref<104xi32, #tpu.memory_space<vmem>>
    %dma_start3A_29 = arith.constant 0 : i32
    %dma_start3A_30 = arith.constant 0 : i32
    %dma_start3A_31 = tpu.memref_slice %arg3[%dma_start3A_29, %dma_start3A_30] : memref<100000x64xf32, #tpu.memory_space<hbm>> -> memref<100000x64xf32, #tpu.memory_space<hbm>>
    tpu.enqueue_indirect_dma source(%dma_start3A_31 : memref<100000x64xf32, #tpu.memory_space<hbm>>) target(%dma_start3A_26 : memref<104x64xf32, #tpu.memory_space<vmem>>) offsets(%dma_start3A_28 : memref<104xi32, #tpu.memory_space<vmem>>) semaphore(%arg9 : memref<!tpu.dma_semaphore, #tpu.memory_space<semaphore_mem>>)
    %dma_start3A_32 = arith.constant 1 : i32
    %dma_start3A_33 = arith.constant 104 : i32
    %dma_start3A_34 = arith.constant 0 : i32
    %dma_start3A_35 = tpu.memref_slice %arg6[%dma_start3A_32, %dma_start3A_33, %dma_start3A_34] : memref<6x200x64xf32, #tpu.memory_space<vmem>> -> memref<1x96x64xf32, #tpu.memory_space<vmem>>
    %dma_start3A_36 = tpu.memref_squeeze %dma_start3A_35 : memref<1x96x64xf32, #tpu.memory_space<vmem>> -> memref<96x64xf32, #tpu.memory_space<vmem>>
    %dma_start3A_37 = arith.constant 304 : i32
    %dma_start3A_38 = tpu.memref_slice %arg5[%dma_start3A_37] : memref<25600xi32, #tpu.memory_space<vmem>> -> memref<96xi32, #tpu.memory_space<vmem>>
    %dma_start3A_39 = arith.constant 0 : i32
    %dma_start3A_40 = arith.constant 0 : i32
    %dma_start3A_41 = tpu.memref_slice %arg3[%dma_start3A_39, %dma_start3A_40] : memref<100000x64xf32, #tpu.memory_space<hbm>> -> memref<100000x64xf32, #tpu.memory_space<hbm>>
    tpu.enqueue_indirect_dma source(%dma_start3A_41 : memref<100000x64xf32, #tpu.memory_space<hbm>>) target(%dma_start3A_36 : memref<96x64xf32, #tpu.memory_space<vmem>>) offsets(%dma_start3A_38 : memref<96xi32, #tpu.memory_space<vmem>>) semaphore(%arg9 : memref<!tpu.dma_semaphore, #tpu.memory_space<semaphore_mem>>)
    %dma_start3A_42 = arith.constant 2 : i32
    %dma_start3A_43 = arith.constant 0 : i32
    %dma_start3A_44 = arith.constant 0 : i32
    %dma_start3A_45 = tpu.memref_slice %arg6[%dma_start3A_42, %dma_start3A_43, %dma_start3A_44] : memref<6x200x64xf32, #tpu.memory_space<vmem>> -> memref<1x104x64xf32, #tpu.memory_space<vmem>>
    %dma_start3A_46 = tpu.memref_squeeze %dma_start3A_45 : memref<1x104x64xf32, #tpu.memory_space<vmem>> -> memref<104x64xf32, #tpu.memory_space<vmem>>
    %dma_start3A_47 = arith.constant 400 : i32
    %dma_start3A_48 = tpu.memref_slice %arg5[%dma_start3A_47] : memref<25600xi32, #tpu.memory_space<vmem>> -> memref<104xi32, #tpu.memory_space<vmem>>
    %dma_start3A_49 = arith.constant 0 : i32
    %dma_start3A_50 = arith.constant 0 : i32
    %dma_start3A_51 = tpu.memref_slice %arg3[%dma_start3A_49, %dma_start3A_50] : memref<100000x64xf32, #tpu.memory_space<hbm>> -> memref<100000x64xf32, #tpu.memory_space<hbm>>
    tpu.enqueue_indirect_dma source(%dma_start3A_51 : memref<100000x64xf32, #tpu.memory_space<hbm>>) target(%dma_start3A_46 : memref<104x64xf32, #tpu.memory_space<vmem>>) offsets(%dma_start3A_48 : memref<104xi32, #tpu.memory_space<vmem>>) semaphore(%arg10 : memref<!tpu.dma_semaphore, #tpu.memory_space<semaphore_mem>>)
    %dma_start3A_52 = arith.constant 2 : i32
    %dma_start3A_53 = arith.constant 104 : i32
    %dma_start3A_54 = arith.constant 0 : i32
    %dma_start3A_55 = tpu.memref_slice %arg6[%dma_start3A_52, %dma_start3A_53, %dma_start3A_54] : memref<6x200x64xf32, #tpu.memory_space<vmem>> -> memref<1x96x64xf32, #tpu.memory_space<vmem>>
    %dma_start3A_56 = tpu.memref_squeeze %dma_start3A_55 : memref<1x96x64xf32, #tpu.memory_space<vmem>> -> memref<96x64xf32, #tpu.memory_space<vmem>>
    %dma_start3A_57 = arith.constant 504 : i32
    %dma_start3A_58 = tpu.memref_slice %arg5[%dma_start3A_57] : memref<25600xi32, #tpu.memory_space<vmem>> -> memref<96xi32, #tpu.memory_space<vmem>>
    %dma_start3A_59 = arith.constant 0 : i32
    %dma_start3A_60 = arith.constant 0 : i32
    %dma_start3A_61 = tpu.memref_slice %arg3[%dma_start3A_59, %dma_start3A_60] : memref<100000x64xf32, #tpu.memory_space<hbm>> -> memref<100000x64xf32, #tpu.memory_space<hbm>>
    tpu.enqueue_indirect_dma source(%dma_start3A_61 : memref<100000x64xf32, #tpu.memory_space<hbm>>) target(%dma_start3A_56 : memref<96x64xf32, #tpu.memory_space<vmem>>) offsets(%dma_start3A_58 : memref<96xi32, #tpu.memory_space<vmem>>) semaphore(%arg10 : memref<!tpu.dma_semaphore, #tpu.memory_space<semaphore_mem>>)
    %dma_start3A_62 = arith.constant 3 : i32
    %dma_start3A_63 = arith.constant 0 : i32
    %dma_start3A_64 = arith.constant 0 : i32
    %dma_start3A_65 = tpu.memref_slice %arg6[%dma_start3A_62, %dma_start3A_63, %dma_start3A_64] : memref<6x200x64xf32, #tpu.memory_space<vmem>> -> memref<1x104x64xf32, #tpu.memory_space<vmem>>
    %dma_start3A_66 = tpu.memref_squeeze %dma_start3A_65 : memref<1x104x64xf32, #tpu.memory_space<vmem>> -> memref<104x64xf32, #tpu.memory_space<vmem>>
    %dma_start3A_67 = arith.constant 600 : i32
    %dma_start3A_68 = tpu.memref_slice %arg5[%dma_start3A_67] : memref<25600xi32, #tpu.memory_space<vmem>> -> memref<104xi32, #tpu.memory_space<vmem>>
    %dma_start3A_69 = arith.constant 0 : i32
    %dma_start3A_70 = arith.constant 0 : i32
    %dma_start3A_71 = tpu.memref_slice %arg3[%dma_start3A_69, %dma_start3A_70] : memref<100000x64xf32, #tpu.memory_space<hbm>> -> memref<100000x64xf32, #tpu.memory_space<hbm>>
    tpu.enqueue_indirect_dma source(%dma_start3A_71 : memref<100000x64xf32, #tpu.memory_space<hbm>>) target(%dma_start3A_66 : memref<104x64xf32, #tpu.memory_space<vmem>>) offsets(%dma_start3A_68 : memref<104xi32, #tpu.memory_space<vmem>>) semaphore(%arg11 : memref<!tpu.dma_semaphore, #tpu.memory_space<semaphore_mem>>)
    %dma_start3A_72 = arith.constant 3 : i32
    %dma_start3A_73 = arith.constant 104 : i32
    %dma_start3A_74 = arith.constant 0 : i32
    %dma_start3A_75 = tpu.memref_slice %arg6[%dma_start3A_72, %dma_start3A_73, %dma_start3A_74] : memref<6x200x64xf32, #tpu.memory_space<vmem>> -> memref<1x96x64xf32, #tpu.memory_space<vmem>>
    %dma_start3A_76 = tpu.memref_squeeze %dma_start3A_75 : memref<1x96x64xf32, #tpu.memory_space<vmem>> -> memref<96x64xf32, #tpu.memory_space<vmem>>
    %dma_start3A_77 = arith.constant 704 : i32
    %dma_start3A_78 = tpu.memref_slice %arg5[%dma_start3A_77] : memref<25600xi32, #tpu.memory_space<vmem>> -> memref<96xi32, #tpu.memory_space<vmem>>
    %dma_start3A_79 = arith.constant 0 : i32
    %dma_start3A_80 = arith.constant 0 : i32
    %dma_start3A_81 = tpu.memref_slice %arg3[%dma_start3A_79, %dma_start3A_80] : memref<100000x64xf32, #tpu.memory_space<hbm>> -> memref<100000x64xf32, #tpu.memory_space<hbm>>
    tpu.enqueue_indirect_dma source(%dma_start3A_81 : memref<100000x64xf32, #tpu.memory_space<hbm>>) target(%dma_start3A_76 : memref<96x64xf32, #tpu.memory_space<vmem>>) offsets(%dma_start3A_78 : memref<96xi32, #tpu.memory_space<vmem>>) semaphore(%arg11 : memref<!tpu.dma_semaphore, #tpu.memory_space<semaphore_mem>>)
    %dma_start3A_82 = arith.constant 4 : i32
    %dma_start3A_83 = arith.constant 0 : i32
    %dma_start3A_84 = arith.constant 0 : i32
    %dma_start3A_85 = tpu.memref_slice %arg6[%dma_start3A_82, %dma_start3A_83, %dma_start3A_84] : memref<6x200x64xf32, #tpu.memory_space<vmem>> -> memref<1x104x64xf32, #tpu.memory_space<vmem>>
    %dma_start3A_86 = tpu.memref_squeeze %dma_start3A_85 : memref<1x104x64xf32, #tpu.memory_space<vmem>> -> memref<104x64xf32, #tpu.memory_space<vmem>>
    %dma_start3A_87 = arith.constant 800 : i32
    %dma_start3A_88 = tpu.memref_slice %arg5[%dma_start3A_87] : memref<25600xi32, #tpu.memory_space<vmem>> -> memref<104xi32, #tpu.memory_space<vmem>>
    %dma_start3A_89 = arith.constant 0 : i32
    %dma_start3A_90 = arith.constant 0 : i32
    %dma_start3A_91 = tpu.memref_slice %arg3[%dma_start3A_89, %dma_start3A_90] : memref<100000x64xf32, #tpu.memory_space<hbm>> -> memref<100000x64xf32, #tpu.memory_space<hbm>>
    tpu.enqueue_indirect_dma source(%dma_start3A_91 : memref<100000x64xf32, #tpu.memory_space<hbm>>) target(%dma_start3A_86 : memref<104x64xf32, #tpu.memory_space<vmem>>) offsets(%dma_start3A_88 : memref<104xi32, #tpu.memory_space<vmem>>) semaphore(%arg12 : memref<!tpu.dma_semaphore, #tpu.memory_space<semaphore_mem>>)
    %dma_start3A_92 = arith.constant 4 : i32
    %dma_start3A_93 = arith.constant 104 : i32
    %dma_start3A_94 = arith.constant 0 : i32
    %dma_start3A_95 = tpu.memref_slice %arg6[%dma_start3A_92, %dma_start3A_93, %dma_start3A_94] : memref<6x200x64xf32, #tpu.memory_space<vmem>> -> memref<1x96x64xf32, #tpu.memory_space<vmem>>
    %dma_start3A_96 = tpu.memref_squeeze %dma_start3A_95 : memref<1x96x64xf32, #tpu.memory_space<vmem>> -> memref<96x64xf32, #tpu.memory_space<vmem>>
    %dma_start3A_97 = arith.constant 904 : i32
    %dma_start3A_98 = tpu.memref_slice %arg5[%dma_start3A_97] : memref<25600xi32, #tpu.memory_space<vmem>> -> memref<96xi32, #tpu.memory_space<vmem>>
    %dma_start3A_99 = arith.constant 0 : i32
    %dma_start3A_100 = arith.constant 0 : i32
    %dma_start3A_101 = tpu.memref_slice %arg3[%dma_start3A_99, %dma_start3A_100] : memref<100000x64xf32, #tpu.memory_space<hbm>> -> memref<100000x64xf32, #tpu.memory_space<hbm>>
    tpu.enqueue_indirect_dma source(%dma_start3A_101 : memref<100000x64xf32, #tpu.memory_space<hbm>>) target(%dma_start3A_96 : memref<96x64xf32, #tpu.memory_space<vmem>>) offsets(%dma_start3A_98 : memref<96xi32, #tpu.memory_space<vmem>>) semaphore(%arg12 : memref<!tpu.dma_semaphore, #tpu.memory_space<semaphore_mem>>)
    %dma_start3A_102 = arith.constant 5 : i32
    %dma_start3A_103 = arith.constant 0 : i32
    %dma_start3A_104 = arith.constant 0 : i32
    %dma_start3A_105 = tpu.memref_slice %arg6[%dma_start3A_102, %dma_start3A_103, %dma_start3A_104] : memref<6x200x64xf32, #tpu.memory_space<vmem>> -> memref<1x104x64xf32, #tpu.memory_space<vmem>>
    %dma_start3A_106 = tpu.memref_squeeze %dma_start3A_105 : memref<1x104x64xf32, #tpu.memory_space<vmem>> -> memref<104x64xf32, #tpu.memory_space<vmem>>
    %dma_start3A_107 = arith.constant 1000 : i32
    %dma_start3A_108 = tpu.memref_slice %arg5[%dma_start3A_107] : memref<25600xi32, #tpu.memory_space<vmem>> -> memref<104xi32, #tpu.memory_space<vmem>>
    %dma_start3A_109 = arith.constant 0 : i32
    %dma_start3A_110 = arith.constant 0 : i32
    %dma_start3A_111 = tpu.memref_slice %arg3[%dma_start3A_109, %dma_start3A_110] : memref<100000x64xf32, #tpu.memory_space<hbm>> -> memref<100000x64xf32, #tpu.memory_space<hbm>>
    tpu.enqueue_indirect_dma source(%dma_start3A_111 : memref<100000x64xf32, #tpu.memory_space<hbm>>) target(%dma_start3A_106 : memref<104x64xf32, #tpu.memory_space<vmem>>) offsets(%dma_start3A_108 : memref<104xi32, #tpu.memory_space<vmem>>) semaphore(%arg13 : memref<!tpu.dma_semaphore, #tpu.memory_space<semaphore_mem>>)
    %dma_start3A_112 = arith.constant 5 : i32
    %dma_start3A_113 = arith.constant 104 : i32
    %dma_start3A_114 = arith.constant 0 : i32
    %dma_start3A_115 = tpu.memref_slice %arg6[%dma_start3A_112, %dma_start3A_113, %dma_start3A_114] : memref<6x200x64xf32, #tpu.memory_space<vmem>> -> memref<1x96x64xf32, #tpu.memory_space<vmem>>
    %dma_start3A_116 = tpu.memref_squeeze %dma_start3A_115 : memref<1x96x64xf32, #tpu.memory_space<vmem>> -> memref<96x64xf32, #tpu.memory_space<vmem>>
    %dma_start3A_117 = arith.constant 1104 : i32
    %dma_start3A_118 = tpu.memref_slice %arg5[%dma_start3A_117] : memref<25600xi32, #tpu.memory_space<vmem>> -> memref<96xi32, #tpu.memory_space<vmem>>
    %dma_start3A_119 = arith.constant 0 : i32
    %dma_start3A_120 = arith.constant 0 : i32
    %dma_start3A_121 = tpu.memref_slice %arg3[%dma_start3A_119, %dma_start3A_120] : memref<100000x64xf32, #tpu.memory_space<hbm>> -> memref<100000x64xf32, #tpu.memory_space<hbm>>
    tpu.enqueue_indirect_dma source(%dma_start3A_121 : memref<100000x64xf32, #tpu.memory_space<hbm>>) target(%dma_start3A_116 : memref<96x64xf32, #tpu.memory_space<vmem>>) offsets(%dma_start3A_118 : memref<96xi32, #tpu.memory_space<vmem>>) semaphore(%arg13 : memref<!tpu.dma_semaphore, #tpu.memory_space<semaphore_mem>>)
    %scan3A = arith.constant 0 : i32
    %scan3A_122 = arith.constant 5.000000e-03 : f32
    %scan3A_123 = arith.constant 0 : i32
    %scan3A_124 = arith.constant 21 : i32
    %scan3A_125 = arith.addi %scan3A_123, %scan3A_124 : i32
    %scan3A_126 = arith.constant 1 : i32
    scf.for %scan3A_239 = %scan3A_123 to %scan3A_125 step %scan3A_126  : i32 {
      %mul3A_240 = arith.constant 6 : i32
      %mul3A_241 = arith.muli %mul3A_240, %scan3A_239 : i32
      %add3A_242 = arith.constant 0 : i32
      %add3A_243 = arith.addi %mul3A_241, %add3A_242 : i32
      %mul3A_244 = arith.constant 200 : i32
      %mul3A_245 = arith.muli %add3A_243, %mul3A_244 : i32
      %dma_wait3A_246 = arith.constant 0 : i32
      %dma_wait3A_247 = arith.constant 0 : i32
      %dma_wait3A_248 = arith.constant 0 : i32
      %dma_wait3A_249 = tpu.memref_slice %arg6[%dma_wait3A_246, %dma_wait3A_247, %dma_wait3A_248] : memref<6x200x64xf32, #tpu.memory_space<vmem>> -> memref<1x104x64xf32, #tpu.memory_space<vmem>>
      %dma_wait3A_250 = tpu.memref_squeeze %dma_wait3A_249 : memref<1x104x64xf32, #tpu.memory_space<vmem>> -> memref<104x64xf32, #tpu.memory_space<vmem>>
      %dma_wait3A_251 = tpu.memref_slice %arg5[%mul3A_245] : memref<25600xi32, #tpu.memory_space<vmem>> -> memref<104xi32, #tpu.memory_space<vmem>>
      %dma_wait3A_252 = arith.constant 0 : i32
      %dma_wait3A_253 = arith.constant 0 : i32
      %dma_wait3A_254 = tpu.memref_slice %arg3[%dma_wait3A_252, %dma_wait3A_253] : memref<100000x64xf32, #tpu.memory_space<hbm>> -> memref<100000x64xf32, #tpu.memory_space<hbm>>
      tpu.wait_indirect_dma semaphore(%arg8 : memref<!tpu.dma_semaphore, #tpu.memory_space<semaphore_mem>>) src(%dma_wait3A_254 : memref<100000x64xf32, #tpu.memory_space<hbm>>) dst(%dma_wait3A_250 : memref<104x64xf32, #tpu.memory_space<vmem>>)
      %mul3A_255 = arith.constant 200 : i32
      %mul3A_256 = arith.muli %add3A_243, %mul3A_255 : i32
      %add3A_257 = arith.constant 104 : i32
      %add3A_258 = arith.addi %mul3A_256, %add3A_257 : i32
      %dma_wait3A_259 = arith.constant 0 : i32
      %dma_wait3A_260 = arith.constant 104 : i32
      %dma_wait3A_261 = arith.constant 0 : i32
      %dma_wait3A_262 = tpu.memref_slice %arg6[%dma_wait3A_259, %dma_wait3A_260, %dma_wait3A_261] : memref<6x200x64xf32, #tpu.memory_space<vmem>> -> memref<1x96x64xf32, #tpu.memory_space<vmem>>
      %dma_wait3A_263 = tpu.memref_squeeze %dma_wait3A_262 : memref<1x96x64xf32, #tpu.memory_space<vmem>> -> memref<96x64xf32, #tpu.memory_space<vmem>>
      %dma_wait3A_264 = tpu.memref_slice %arg5[%add3A_258] : memref<25600xi32, #tpu.memory_space<vmem>> -> memref<96xi32, #tpu.memory_space<vmem>>
      %dma_wait3A_265 = arith.constant 0 : i32
      %dma_wait3A_266 = arith.constant 0 : i32
      %dma_wait3A_267 = tpu.memref_slice %arg3[%dma_wait3A_265, %dma_wait3A_266] : memref<100000x64xf32, #tpu.memory_space<hbm>> -> memref<100000x64xf32, #tpu.memory_space<hbm>>
      tpu.wait_indirect_dma semaphore(%arg8 : memref<!tpu.dma_semaphore, #tpu.memory_space<semaphore_mem>>) src(%dma_wait3A_267 : memref<100000x64xf32, #tpu.memory_space<hbm>>) dst(%dma_wait3A_263 : memref<96x64xf32, #tpu.memory_space<vmem>>)
      %add3A_268 = arith.constant 0 : i32
      %add3A_269 = arith.addi %mul3A_241, %add3A_268 : i32
      %broadcast_in_dim3A_270 = arith.constant 0.000000e+00 : f32
      %broadcast_in_dim3A_271 = vector.broadcast %broadcast_in_dim3A_270 : f32 to vector<16xf32>
      %scan3A_272 = arith.constant 0 : i32
      %scan3A_273 = arith.constant 50 : i32
      %scan3A_274 = arith.addi %scan3A_272, %scan3A_273 : i32
      %scan3A_275 = arith.constant 1 : i32
      %scan3A_276:4 = scf.for %scan3A_629 = %scan3A_272 to %scan3A_274 step %scan3A_275 iter_args(%scan3A_630 = %broadcast_in_dim3A_271, %scan3A_631 = %broadcast_in_dim3A_271, %scan3A_632 = %broadcast_in_dim3A_271, %scan3A_633 = %broadcast_in_dim3A_271) -> (vector<16xf32>, vector<16xf32>, vector<16xf32>, vector<16xf32>)  : i32 {
        %mul3A_634 = arith.constant 4 : i32
        %mul3A_635 = arith.muli %mul3A_634, %scan3A_629 : i32
        %add3A_636 = arith.constant 0 : i32
        %add3A_637 = arith.addi %mul3A_635, %add3A_636 : i32
        %get3A = arith.constant 0 : i32
        %get3A_638 = arith.index_cast %get3A : i32 to index
        %get3A_639 = arith.index_cast %add3A_637 : i32 to index
        %get3A_640 = arith.constant 0 : index
        %get3A_641 = tpu.vector_load %arg6[%get3A_638, %get3A_639, %get3A_640] {strides = array<i32>} : memref<6x200x64xf32, #tpu.memory_space<vmem>>, vector<16xf32>,
        %add3A_642 = arith.addf %scan3A_630, %get3A_641 : vector<16xf32>
        %get3A_643 = arith.constant 0 : i32
        %get3A_644 = arith.index_cast %get3A_643 : i32 to index
        %get3A_645 = arith.index_cast %add3A_637 : i32 to index
        %get3A_646 = arith.constant 16 : index
        %get3A_647 = tpu.vector_load %arg6[%get3A_644, %get3A_645, %get3A_646] {strides = array<i32>} : memref<6x200x64xf32, #tpu.memory_space<vmem>>, vector<16xf32>,
        %add3A_648 = arith.addf %scan3A_631, %get3A_647 : vector<16xf32>
        %get3A_649 = arith.constant 0 : i32
        %get3A_650 = arith.index_cast %get3A_649 : i32 to index
        %get3A_651 = arith.index_cast %add3A_637 : i32 to index
        %get3A_652 = arith.constant 32 : index
        %get3A_653 = tpu.vector_load %arg6[%get3A_650, %get3A_651, %get3A_652] {strides = array<i32>} : memref<6x200x64xf32, #tpu.memory_space<vmem>>, vector<16xf32>,
        %add3A_654 = arith.addf %scan3A_632, %get3A_653 : vector<16xf32>
        %get3A_655 = arith.constant 0 : i32
        %get3A_656 = arith.index_cast %get3A_655 : i32 to index
        %get3A_657 = arith.index_cast %add3A_637 : i32 to index
        %get3A_658 = arith.constant 48 : index
        %get3A_659 = tpu.vector_load %arg6[%get3A_656, %get3A_657, %get3A_658] {strides = array<i32>} : memref<6x200x64xf32, #tpu.memory_space<vmem>>, vector<16xf32>,
        %add3A_660 = arith.addf %scan3A_633, %get3A_659 : vector<16xf32>
        %mul3A_661 = arith.constant 4 : i32
        %mul3A_662 = arith.muli %mul3A_661, %scan3A_629 : i32
        %add3A_663 = arith.constant 1 : i32
        %add3A_664 = arith.addi %mul3A_662, %add3A_663 : i32
        %get3A_665 = arith.constant 0 : i32
        %get3A_666 = arith.index_cast %get3A_665 : i32 to index
        %get3A_667 = arith.index_cast %add3A_664 : i32 to index
        %get3A_668 = arith.constant 0 : index
        %get3A_669 = tpu.vector_load %arg6[%get3A_666, %get3A_667, %get3A_668] {strides = array<i32>} : memref<6x200x64xf32, #tpu.memory_space<vmem>>, vector<16xf32>,
        %add3A_670 = arith.addf %add3A_642, %get3A_669 : vector<16xf32>
        %get3A_671 = arith.constant 0 : i32
        %get3A_672 = arith.index_cast %get3A_671 : i32 to index
        %get3A_673 = arith.index_cast %add3A_664 : i32 to index
        %get3A_674 = arith.constant 16 : index
        %get3A_675 = tpu.vector_load %arg6[%get3A_672, %get3A_673, %get3A_674] {strides = array<i32>} : memref<6x200x64xf32, #tpu.memory_space<vmem>>, vector<16xf32>,
        %add3A_676 = arith.addf %add3A_648, %get3A_675 : vector<16xf32>
        %get3A_677 = arith.constant 0 : i32
        %get3A_678 = arith.index_cast %get3A_677 : i32 to index
        %get3A_679 = arith.index_cast %add3A_664 : i32 to index
        %get3A_680 = arith.constant 32 : index
        %get3A_681 = tpu.vector_load %arg6[%get3A_678, %get3A_679, %get3A_680] {strides = array<i32>} : memref<6x200x64xf32, #tpu.memory_space<vmem>>, vector<16xf32>,
        %add3A_682 = arith.addf %add3A_654, %get3A_681 : vector<16xf32>
        %get3A_683 = arith.constant 0 : i32
        %get3A_684 = arith.index_cast %get3A_683 : i32 to index
        %get3A_685 = arith.index_cast %add3A_664 : i32 to index
        %get3A_686 = arith.constant 48 : index
        %get3A_687 = tpu.vector_load %arg6[%get3A_684, %get3A_685, %get3A_686] {strides = array<i32>} : memref<6x200x64xf32, #tpu.memory_space<vmem>>, vector<16xf32>,
        %add3A_688 = arith.addf %add3A_660, %get3A_687 : vector<16xf32>
        %mul3A_689 = arith.constant 4 : i32
        %mul3A_690 = arith.muli %mul3A_689, %scan3A_629 : i32
        %add3A_691 = arith.constant 2 : i32
        %add3A_692 = arith.addi %mul3A_690, %add3A_691 : i32
        %get3A_693 = arith.constant 0 : i32
        %get3A_694 = arith.index_cast %get3A_693 : i32 to index
        %get3A_695 = arith.index_cast %add3A_692 : i32 to index
        %get3A_696 = arith.constant 0 : index
        %get3A_697 = tpu.vector_load %arg6[%get3A_694, %get3A_695, %get3A_696] {strides = array<i32>} : memref<6x200x64xf32, #tpu.memory_space<vmem>>, vector<16xf32>,
        %add3A_698 = arith.addf %add3A_670, %get3A_697 : vector<16xf32>
        %get3A_699 = arith.constant 0 : i32
        %get3A_700 = arith.index_cast %get3A_699 : i32 to index
        %get3A_701 = arith.index_cast %add3A_692 : i32 to index
        %get3A_702 = arith.constant 16 : index
        %get3A_703 = tpu.vector_load %arg6[%get3A_700, %get3A_701, %get3A_702] {strides = array<i32>} : memref<6x200x64xf32, #tpu.memory_space<vmem>>, vector<16xf32>,
        %add3A_704 = arith.addf %add3A_676, %get3A_703 : vector<16xf32>
        %get3A_705 = arith.constant 0 : i32
        %get3A_706 = arith.index_cast %get3A_705 : i32 to index
        %get3A_707 = arith.index_cast %add3A_692 : i32 to index
        %get3A_708 = arith.constant 32 : index
        %get3A_709 = tpu.vector_load %arg6[%get3A_706, %get3A_707, %get3A_708] {strides = array<i32>} : memref<6x200x64xf32, #tpu.memory_space<vmem>>, vector<16xf32>,
        %add3A_710 = arith.addf %add3A_682, %get3A_709 : vector<16xf32>
        %get3A_711 = arith.constant 0 : i32
        %get3A_712 = arith.index_cast %get3A_711 : i32 to index
        %get3A_713 = arith.index_cast %add3A_692 : i32 to index
        %get3A_714 = arith.constant 48 : index
        %get3A_715 = tpu.vector_load %arg6[%get3A_712, %get3A_713, %get3A_714] {strides = array<i32>} : memref<6x200x64xf32, #tpu.memory_space<vmem>>, vector<16xf32>,
        %add3A_716 = arith.addf %add3A_688, %get3A_715 : vector<16xf32>
        %mul3A_717 = arith.constant 4 : i32
        %mul3A_718 = arith.muli %mul3A_717, %scan3A_629 : i32
        %add3A_719 = arith.constant 3 : i32
        %add3A_720 = arith.addi %mul3A_718, %add3A_719 : i32
        %get3A_721 = arith.constant 0 : i32
        %get3A_722 = arith.index_cast %get3A_721 : i32 to index
        %get3A_723 = arith.index_cast %add3A_720 : i32 to index
        %get3A_724 = arith.constant 0 : index
        %get3A_725 = tpu.vector_load %arg6[%get3A_722, %get3A_723, %get3A_724] {strides = array<i32>} : memref<6x200x64xf32, #tpu.memory_space<vmem>>, vector<16xf32>,
        %add3A_726 = arith.addf %add3A_698, %get3A_725 : vector<16xf32>
        %get3A_727 = arith.constant 0 : i32
        %get3A_728 = arith.index_cast %get3A_727 : i32 to index
        %get3A_729 = arith.index_cast %add3A_720 : i32 to index
        %get3A_730 = arith.constant 16 : index
        %get3A_731 = tpu.vector_load %arg6[%get3A_728, %get3A_729, %get3A_730] {strides = array<i32>} : memref<6x200x64xf32, #tpu.memory_space<vmem>>, vector<16xf32>,
        %add3A_732 = arith.addf %add3A_704, %get3A_731 : vector<16xf32>
        %get3A_733 = arith.constant 0 : i32
        %get3A_734 = arith.index_cast %get3A_733 : i32 to index
        %get3A_735 = arith.index_cast %add3A_720 : i32 to index
        %get3A_736 = arith.constant 32 : index
        %get3A_737 = tpu.vector_load %arg6[%get3A_734, %get3A_735, %get3A_736] {strides = array<i32>} : memref<6x200x64xf32, #tpu.memory_space<vmem>>, vector<16xf32>,
        %add3A_738 = arith.addf %add3A_710, %get3A_737 : vector<16xf32>
        %get3A_739 = arith.constant 0 : i32
        %get3A_740 = arith.index_cast %get3A_739 : i32 to index
        %get3A_741 = arith.index_cast %add3A_720 : i32 to index
        %get3A_742 = arith.constant 48 : index
        %get3A_743 = tpu.vector_load %arg6[%get3A_740, %get3A_741, %get3A_742] {strides = array<i32>} : memref<6x200x64xf32, #tpu.memory_space<vmem>>, vector<16xf32>,
        %add3A_744 = arith.addf %add3A_716, %get3A_743 : vector<16xf32>
        scf.yield %add3A_726, %add3A_732, %add3A_738, %add3A_744 : vector<16xf32>, vector<16xf32>, vector<16xf32>, vector<16xf32>
      }
      %scan3A_277 = arith.constant 50 : i32
      %mul3A_278 = vector.broadcast %scan3A_122 : f32 to vector<16xf32>
      %mul3A_279 = arith.mulf %scan3A_276#0, %mul3A_278 : vector<16xf32>
      %swap3A_280 = arith.index_cast %add3A_269 : i32 to index
      %swap3A_281 = arith.constant 0 : index
      %swap3A_282 = tpu.vector_load %arg7[%swap3A_280, %swap3A_281] {strides = array<i32>} : memref<128x64xf32, #tpu.memory_space<vmem>>, vector<16xf32>,
      tpu.vector_store %arg7[%swap3A_280, %swap3A_281], %mul3A_279 {strides = array<i32>} : memref<128x64xf32, #tpu.memory_space<vmem>>, vector<16xf32>,
      %mul3A_283 = vector.broadcast %scan3A_122 : f32 to vector<16xf32>
      %mul3A_284 = arith.mulf %scan3A_276#1, %mul3A_283 : vector<16xf32>
      %swap3A_285 = arith.index_cast %add3A_269 : i32 to index
      %swap3A_286 = arith.constant 16 : index
      %swap3A_287 = tpu.vector_load %arg7[%swap3A_285, %swap3A_286] {strides = array<i32>} : memref<128x64xf32, #tpu.memory_space<vmem>>, vector<16xf32>,
      tpu.vector_store %arg7[%swap3A_285, %swap3A_286], %mul3A_284 {strides = array<i32>} : memref<128x64xf32, #tpu.memory_space<vmem>>, vector<16xf32>,
      %mul3A_288 = vector.broadcast %scan3A_122 : f32 to vector<16xf32>
      %mul3A_289 = arith.mulf %scan3A_276#2, %mul3A_288 : vector<16xf32>
      %swap3A_290 = arith.index_cast %add3A_269 : i32 to index
      %swap3A_291 = arith.constant 32 : index
      %swap3A_292 = tpu.vector_load %arg7[%swap3A_290, %swap3A_291] {strides = array<i32>} : memref<128x64xf32, #tpu.memory_space<vmem>>, vector<16xf32>,
      tpu.vector_store %arg7[%swap3A_290, %swap3A_291], %mul3A_289 {strides = array<i32>} : memref<128x64xf32, #tpu.memory_space<vmem>>, vector<16xf32>,
      %mul3A_293 = vector.broadcast %scan3A_122 : f32 to vector<16xf32>
      %mul3A_294 = arith.mulf %scan3A_276#3, %mul3A_293 : vector<16xf32>
      %swap3A_295 = arith.index_cast %add3A_269 : i32 to index
      %swap3A_296 = arith.constant 48 : index
      %swap3A_297 = tpu.vector_load %arg7[%swap3A_295, %swap3A_296] {strides = array<i32>} : memref<128x64xf32, #tpu.memory_space<vmem>>, vector<16xf32>,
      tpu.vector_store %arg7[%swap3A_295, %swap3A_296], %mul3A_294 {strides = array<i32>} : memref<128x64xf32, #tpu.memory_space<vmem>>, vector<16xf32>,
      %add3A_298 = arith.constant 0 : i32
      %add3A_299 = arith.addi %mul3A_241, %add3A_298 : i32
      %add3A_300 = arith.constant 6 : i32
      %add3A_301 = arith.addi %add3A_299, %add3A_300 : i32
      %lt3A = arith.constant 128 : i32
      %lt3A_302 = arith.cmpi slt, %add3A_301, %lt3A : i32
      %convert_element_type3A = arith.extui %lt3A_302 : i1 to i32
      %cond3A = arith.constant 0 : i32
      %cond3A_303 = arith.cmpi ne, %convert_element_type3A, %cond3A : i32
      scf.if %cond3A_303 {
        %add3A_629 = arith.constant 0 : i32
        %add3A_630 = arith.addi %mul3A_241, %add3A_629 : i32
        %add3A_631 = arith.constant 6 : i32
        %add3A_632 = arith.addi %add3A_630, %add3A_631 : i32
        %mul3A_633 = arith.constant 200 : i32
        %mul3A_634 = arith.muli %add3A_632, %mul3A_633 : i32
        %dma_start3A_635 = arith.constant 0 : i32
        %dma_start3A_636 = arith.constant 0 : i32
        %dma_start3A_637 = arith.constant 0 : i32
        %dma_start3A_638 = tpu.memref_slice %arg6[%dma_start3A_635, %dma_start3A_636, %dma_start3A_637] : memref<6x200x64xf32, #tpu.memory_space<vmem>> -> memref<1x104x64xf32, #tpu.memory_space<vmem>>
        %dma_start3A_639 = tpu.memref_squeeze %dma_start3A_638 : memref<1x104x64xf32, #tpu.memory_space<vmem>> -> memref<104x64xf32, #tpu.memory_space<vmem>>
        %dma_start3A_640 = tpu.memref_slice %arg5[%mul3A_634] : memref<25600xi32, #tpu.memory_space<vmem>> -> memref<104xi32, #tpu.memory_space<vmem>>
        %dma_start3A_641 = arith.constant 0 : i32
        %dma_start3A_642 = arith.constant 0 : i32
        %dma_start3A_643 = tpu.memref_slice %arg3[%dma_start3A_641, %dma_start3A_642] : memref<100000x64xf32, #tpu.memory_space<hbm>> -> memref<100000x64xf32, #tpu.memory_space<hbm>>
        tpu.enqueue_indirect_dma source(%dma_start3A_643 : memref<100000x64xf32, #tpu.memory_space<hbm>>) target(%dma_start3A_639 : memref<104x64xf32, #tpu.memory_space<vmem>>) offsets(%dma_start3A_640 : memref<104xi32, #tpu.memory_space<vmem>>) semaphore(%arg8 : memref<!tpu.dma_semaphore, #tpu.memory_space<semaphore_mem>>)
        %mul3A_644 = arith.constant 200 : i32
        %mul3A_645 = arith.muli %add3A_632, %mul3A_644 : i32
        %add3A_646 = arith.constant 104 : i32
        %add3A_647 = arith.addi %mul3A_645, %add3A_646 : i32
        %dma_start3A_648 = arith.constant 0 : i32
        %dma_start3A_649 = arith.constant 104 : i32
        %dma_start3A_650 = arith.constant 0 : i32
        %dma_start3A_651 = tpu.memref_slice %arg6[%dma_start3A_648, %dma_start3A_649, %dma_start3A_650] : memref<6x200x64xf32, #tpu.memory_space<vmem>> -> memref<1x96x64xf32, #tpu.memory_space<vmem>>
        %dma_start3A_652 = tpu.memref_squeeze %dma_start3A_651 : memref<1x96x64xf32, #tpu.memory_space<vmem>> -> memref<96x64xf32, #tpu.memory_space<vmem>>
        %dma_start3A_653 = tpu.memref_slice %arg5[%add3A_647] : memref<25600xi32, #tpu.memory_space<vmem>> -> memref<96xi32, #tpu.memory_space<vmem>>
        %dma_start3A_654 = arith.constant 0 : i32
        %dma_start3A_655 = arith.constant 0 : i32
        %dma_start3A_656 = tpu.memref_slice %arg3[%dma_start3A_654, %dma_start3A_655] : memref<100000x64xf32, #tpu.memory_space<hbm>> -> memref<100000x64xf32, #tpu.memory_space<hbm>>
        tpu.enqueue_indirect_dma source(%dma_start3A_656 : memref<100000x64xf32, #tpu.memory_space<hbm>>) target(%dma_start3A_652 : memref<96x64xf32, #tpu.memory_space<vmem>>) offsets(%dma_start3A_653 : memref<96xi32, #tpu.memory_space<vmem>>) semaphore(%arg8 : memref<!tpu.dma_semaphore, #tpu.memory_space<semaphore_mem>>)
      } else {
      }
      %add3A_304 = arith.constant 1 : i32
      %add3A_305 = arith.addi %mul3A_241, %add3A_304 : i32
      %mul3A_306 = arith.constant 200 : i32
      %mul3A_307 = arith.muli %add3A_305, %mul3A_306 : i32
      %dma_wait3A_308 = arith.constant 1 : i32
      %dma_wait3A_309 = arith.constant 0 : i32
      %dma_wait3A_310 = arith.constant 0 : i32
      %dma_wait3A_311 = tpu.memref_slice %arg6[%dma_wait3A_308, %dma_wait3A_309, %dma_wait3A_310] : memref<6x200x64xf32, #tpu.memory_space<vmem>> -> memref<1x104x64xf32, #tpu.memory_space<vmem>>
      %dma_wait3A_312 = tpu.memref_squeeze %dma_wait3A_311 : memref<1x104x64xf32, #tpu.memory_space<vmem>> -> memref<104x64xf32, #tpu.memory_space<vmem>>
      %dma_wait3A_313 = tpu.memref_slice %arg5[%mul3A_307] : memref<25600xi32, #tpu.memory_space<vmem>> -> memref<104xi32, #tpu.memory_space<vmem>>
      %dma_wait3A_314 = arith.constant 0 : i32
      %dma_wait3A_315 = arith.constant 0 : i32
      %dma_wait3A_316 = tpu.memref_slice %arg3[%dma_wait3A_314, %dma_wait3A_315] : memref<100000x64xf32, #tpu.memory_space<hbm>> -> memref<100000x64xf32, #tpu.memory_space<hbm>>
      tpu.wait_indirect_dma semaphore(%arg9 : memref<!tpu.dma_semaphore, #tpu.memory_space<semaphore_mem>>) src(%dma_wait3A_316 : memref<100000x64xf32, #tpu.memory_space<hbm>>) dst(%dma_wait3A_312 : memref<104x64xf32, #tpu.memory_space<vmem>>)
      %mul3A_317 = arith.constant 200 : i32
      %mul3A_318 = arith.muli %add3A_305, %mul3A_317 : i32
      %add3A_319 = arith.constant 104 : i32
      %add3A_320 = arith.addi %mul3A_318, %add3A_319 : i32
      %dma_wait3A_321 = arith.constant 1 : i32
      %dma_wait3A_322 = arith.constant 104 : i32
      %dma_wait3A_323 = arith.constant 0 : i32
      %dma_wait3A_324 = tpu.memref_slice %arg6[%dma_wait3A_321, %dma_wait3A_322, %dma_wait3A_323] : memref<6x200x64xf32, #tpu.memory_space<vmem>> -> memref<1x96x64xf32, #tpu.memory_space<vmem>>
      %dma_wait3A_325 = tpu.memref_squeeze %dma_wait3A_324 : memref<1x96x64xf32, #tpu.memory_space<vmem>> -> memref<96x64xf32, #tpu.memory_space<vmem>>
      %dma_wait3A_326 = tpu.memref_slice %arg5[%add3A_320] : memref<25600xi32, #tpu.memory_space<vmem>> -> memref<96xi32, #tpu.memory_space<vmem>>
      %dma_wait3A_327 = arith.constant 0 : i32
      %dma_wait3A_328 = arith.constant 0 : i32
      %dma_wait3A_329 = tpu.memref_slice %arg3[%dma_wait3A_327, %dma_wait3A_328] : memref<100000x64xf32, #tpu.memory_space<hbm>> -> memref<100000x64xf32, #tpu.memory_space<hbm>>
      tpu.wait_indirect_dma semaphore(%arg9 : memref<!tpu.dma_semaphore, #tpu.memory_space<semaphore_mem>>) src(%dma_wait3A_329 : memref<100000x64xf32, #tpu.memory_space<hbm>>) dst(%dma_wait3A_325 : memref<96x64xf32, #tpu.memory_space<vmem>>)
      %add3A_330 = arith.constant 1 : i32
      %add3A_331 = arith.addi %mul3A_241, %add3A_330 : i32
      %broadcast_in_dim3A_332 = arith.constant 0.000000e+00 : f32
      %broadcast_in_dim3A_333 = vector.broadcast %broadcast_in_dim3A_332 : f32 to vector<16xf32>
      %scan3A_334 = arith.constant 0 : i32
      %scan3A_335 = arith.constant 50 : i32
      %scan3A_336 = arith.addi %scan3A_334, %scan3A_335 : i32
      %scan3A_337 = arith.constant 1 : i32
      %scan3A_338:4 = scf.for %scan3A_629 = %scan3A_334 to %scan3A_336 step %scan3A_337 iter_args(%scan3A_630 = %broadcast_in_dim3A_333, %scan3A_631 = %broadcast_in_dim3A_333, %scan3A_632 = %broadcast_in_dim3A_333, %scan3A_633 = %broadcast_in_dim3A_333) -> (vector<16xf32>, vector<16xf32>, vector<16xf32>, vector<16xf32>)  : i32 {
        %mul3A_634 = arith.constant 4 : i32
        %mul3A_635 = arith.muli %mul3A_634, %scan3A_629 : i32
        %add3A_636 = arith.constant 0 : i32
        %add3A_637 = arith.addi %mul3A_635, %add3A_636 : i32
        %get3A = arith.constant 1 : i32
        %get3A_638 = arith.index_cast %get3A : i32 to index
        %get3A_639 = arith.index_cast %add3A_637 : i32 to index
        %get3A_640 = arith.constant 0 : index
        %get3A_641 = tpu.vector_load %arg6[%get3A_638, %get3A_639, %get3A_640] {strides = array<i32>} : memref<6x200x64xf32, #tpu.memory_space<vmem>>, vector<16xf32>,
        %add3A_642 = arith.addf %scan3A_630, %get3A_641 : vector<16xf32>
        %get3A_643 = arith.constant 1 : i32
        %get3A_644 = arith.index_cast %get3A_643 : i32 to index
        %get3A_645 = arith.index_cast %add3A_637 : i32 to index
        %get3A_646 = arith.constant 16 : index
        %get3A_647 = tpu.vector_load %arg6[%get3A_644, %get3A_645, %get3A_646] {strides = array<i32>} : memref<6x200x64xf32, #tpu.memory_space<vmem>>, vector<16xf32>,
        %add3A_648 = arith.addf %scan3A_631, %get3A_647 : vector<16xf32>
        %get3A_649 = arith.constant 1 : i32
        %get3A_650 = arith.index_cast %get3A_649 : i32 to index
        %get3A_651 = arith.index_cast %add3A_637 : i32 to index
        %get3A_652 = arith.constant 32 : index
        %get3A_653 = tpu.vector_load %arg6[%get3A_650, %get3A_651, %get3A_652] {strides = array<i32>} : memref<6x200x64xf32, #tpu.memory_space<vmem>>, vector<16xf32>,
        %add3A_654 = arith.addf %scan3A_632, %get3A_653 : vector<16xf32>
        %get3A_655 = arith.constant 1 : i32
        %get3A_656 = arith.index_cast %get3A_655 : i32 to index
        %get3A_657 = arith.index_cast %add3A_637 : i32 to index
        %get3A_658 = arith.constant 48 : index
        %get3A_659 = tpu.vector_load %arg6[%get3A_656, %get3A_657, %get3A_658] {strides = array<i32>} : memref<6x200x64xf32, #tpu.memory_space<vmem>>, vector<16xf32>,
        %add3A_660 = arith.addf %scan3A_633, %get3A_659 : vector<16xf32>
        %mul3A_661 = arith.constant 4 : i32
        %mul3A_662 = arith.muli %mul3A_661, %scan3A_629 : i32
        %add3A_663 = arith.constant 1 : i32
        %add3A_664 = arith.addi %mul3A_662, %add3A_663 : i32
        %get3A_665 = arith.constant 1 : i32
        %get3A_666 = arith.index_cast %get3A_665 : i32 to index
        %get3A_667 = arith.index_cast %add3A_664 : i32 to index
        %get3A_668 = arith.constant 0 : index
        %get3A_669 = tpu.vector_load %arg6[%get3A_666, %get3A_667, %get3A_668] {strides = array<i32>} : memref<6x200x64xf32, #tpu.memory_space<vmem>>, vector<16xf32>,
        %add3A_670 = arith.addf %add3A_642, %get3A_669 : vector<16xf32>
        %get3A_671 = arith.constant 1 : i32
        %get3A_672 = arith.index_cast %get3A_671 : i32 to index
        %get3A_673 = arith.index_cast %add3A_664 : i32 to index
        %get3A_674 = arith.constant 16 : index
        %get3A_675 = tpu.vector_load %arg6[%get3A_672, %get3A_673, %get3A_674] {strides = array<i32>} : memref<6x200x64xf32, #tpu.memory_space<vmem>>, vector<16xf32>,
        %add3A_676 = arith.addf %add3A_648, %get3A_675 : vector<16xf32>
        %get3A_677 = arith.constant 1 : i32
        %get3A_678 = arith.index_cast %get3A_677 : i32 to index
        %get3A_679 = arith.index_cast %add3A_664 : i32 to index
        %get3A_680 = arith.constant 32 : index
        %get3A_681 = tpu.vector_load %arg6[%get3A_678, %get3A_679, %get3A_680] {strides = array<i32>} : memref<6x200x64xf32, #tpu.memory_space<vmem>>, vector<16xf32>,
        %add3A_682 = arith.addf %add3A_654, %get3A_681 : vector<16xf32>
        %get3A_683 = arith.constant 1 : i32
        %get3A_684 = arith.index_cast %get3A_683 : i32 to index
        %get3A_685 = arith.index_cast %add3A_664 : i32 to index
        %get3A_686 = arith.constant 48 : index
        %get3A_687 = tpu.vector_load %arg6[%get3A_684, %get3A_685, %get3A_686] {strides = array<i32>} : memref<6x200x64xf32, #tpu.memory_space<vmem>>, vector<16xf32>,
        %add3A_688 = arith.addf %add3A_660, %get3A_687 : vector<16xf32>
        %mul3A_689 = arith.constant 4 : i32
        %mul3A_690 = arith.muli %mul3A_689, %scan3A_629 : i32
        %add3A_691 = arith.constant 2 : i32
        %add3A_692 = arith.addi %mul3A_690, %add3A_691 : i32
        %get3A_693 = arith.constant 1 : i32
        %get3A_694 = arith.index_cast %get3A_693 : i32 to index
        %get3A_695 = arith.index_cast %add3A_692 : i32 to index
        %get3A_696 = arith.constant 0 : index
        %get3A_697 = tpu.vector_load %arg6[%get3A_694, %get3A_695, %get3A_696] {strides = array<i32>} : memref<6x200x64xf32, #tpu.memory_space<vmem>>, vector<16xf32>,
        %add3A_698 = arith.addf %add3A_670, %get3A_697 : vector<16xf32>
        %get3A_699 = arith.constant 1 : i32
        %get3A_700 = arith.index_cast %get3A_699 : i32 to index
        %get3A_701 = arith.index_cast %add3A_692 : i32 to index
        %get3A_702 = arith.constant 16 : index
        %get3A_703 = tpu.vector_load %arg6[%get3A_700, %get3A_701, %get3A_702] {strides = array<i32>} : memref<6x200x64xf32, #tpu.memory_space<vmem>>, vector<16xf32>,
        %add3A_704 = arith.addf %add3A_676, %get3A_703 : vector<16xf32>
        %get3A_705 = arith.constant 1 : i32
        %get3A_706 = arith.index_cast %get3A_705 : i32 to index
        %get3A_707 = arith.index_cast %add3A_692 : i32 to index
        %get3A_708 = arith.constant 32 : index
        %get3A_709 = tpu.vector_load %arg6[%get3A_706, %get3A_707, %get3A_708] {strides = array<i32>} : memref<6x200x64xf32, #tpu.memory_space<vmem>>, vector<16xf32>,
        %add3A_710 = arith.addf %add3A_682, %get3A_709 : vector<16xf32>
        %get3A_711 = arith.constant 1 : i32
        %get3A_712 = arith.index_cast %get3A_711 : i32 to index
        %get3A_713 = arith.index_cast %add3A_692 : i32 to index
        %get3A_714 = arith.constant 48 : index
        %get3A_715 = tpu.vector_load %arg6[%get3A_712, %get3A_713, %get3A_714] {strides = array<i32>} : memref<6x200x64xf32, #tpu.memory_space<vmem>>, vector<16xf32>,
        %add3A_716 = arith.addf %add3A_688, %get3A_715 : vector<16xf32>
        %mul3A_717 = arith.constant 4 : i32
        %mul3A_718 = arith.muli %mul3A_717, %scan3A_629 : i32
        %add3A_719 = arith.constant 3 : i32
        %add3A_720 = arith.addi %mul3A_718, %add3A_719 : i32
        %get3A_721 = arith.constant 1 : i32
        %get3A_722 = arith.index_cast %get3A_721 : i32 to index
        %get3A_723 = arith.index_cast %add3A_720 : i32 to index
        %get3A_724 = arith.constant 0 : index
        %get3A_725 = tpu.vector_load %arg6[%get3A_722, %get3A_723, %get3A_724] {strides = array<i32>} : memref<6x200x64xf32, #tpu.memory_space<vmem>>, vector<16xf32>,
        %add3A_726 = arith.addf %add3A_698, %get3A_725 : vector<16xf32>
        %get3A_727 = arith.constant 1 : i32
        %get3A_728 = arith.index_cast %get3A_727 : i32 to index
        %get3A_729 = arith.index_cast %add3A_720 : i32 to index
        %get3A_730 = arith.constant 16 : index
        %get3A_731 = tpu.vector_load %arg6[%get3A_728, %get3A_729, %get3A_730] {strides = array<i32>} : memref<6x200x64xf32, #tpu.memory_space<vmem>>, vector<16xf32>,
        %add3A_732 = arith.addf %add3A_704, %get3A_731 : vector<16xf32>
        %get3A_733 = arith.constant 1 : i32
        %get3A_734 = arith.index_cast %get3A_733 : i32 to index
        %get3A_735 = arith.index_cast %add3A_720 : i32 to index
        %get3A_736 = arith.constant 32 : index
        %get3A_737 = tpu.vector_load %arg6[%get3A_734, %get3A_735, %get3A_736] {strides = array<i32>} : memref<6x200x64xf32, #tpu.memory_space<vmem>>, vector<16xf32>,
        %add3A_738 = arith.addf %add3A_710, %get3A_737 : vector<16xf32>
        %get3A_739 = arith.constant 1 : i32
        %get3A_740 = arith.index_cast %get3A_739 : i32 to index
        %get3A_741 = arith.index_cast %add3A_720 : i32 to index
        %get3A_742 = arith.constant 48 : index
        %get3A_743 = tpu.vector_load %arg6[%get3A_740, %get3A_741, %get3A_742] {strides = array<i32>} : memref<6x200x64xf32, #tpu.memory_space<vmem>>, vector<16xf32>,
        %add3A_744 = arith.addf %add3A_716, %get3A_743 : vector<16xf32>
        scf.yield %add3A_726, %add3A_732, %add3A_738, %add3A_744 : vector<16xf32>, vector<16xf32>, vector<16xf32>, vector<16xf32>
      }
      %scan3A_339 = arith.constant 50 : i32
      %mul3A_340 = vector.broadcast %scan3A_122 : f32 to vector<16xf32>
      %mul3A_341 = arith.mulf %scan3A_338#0, %mul3A_340 : vector<16xf32>
      %swap3A_342 = arith.index_cast %add3A_331 : i32 to index
      %swap3A_343 = arith.constant 0 : index
      %swap3A_344 = tpu.vector_load %arg7[%swap3A_342, %swap3A_343] {strides = array<i32>} : memref<128x64xf32, #tpu.memory_space<vmem>>, vector<16xf32>,
      tpu.vector_store %arg7[%swap3A_342, %swap3A_343], %mul3A_341 {strides = array<i32>} : memref<128x64xf32, #tpu.memory_space<vmem>>, vector<16xf32>,
      %mul3A_345 = vector.broadcast %scan3A_122 : f32 to vector<16xf32>
      %mul3A_346 = arith.mulf %scan3A_338#1, %mul3A_345 : vector<16xf32>
      %swap3A_347 = arith.index_cast %add3A_331 : i32 to index
      %swap3A_348 = arith.constant 16 : index
      %swap3A_349 = tpu.vector_load %arg7[%swap3A_347, %swap3A_348] {strides = array<i32>} : memref<128x64xf32, #tpu.memory_space<vmem>>, vector<16xf32>,
      tpu.vector_store %arg7[%swap3A_347, %swap3A_348], %mul3A_346 {strides = array<i32>} : memref<128x64xf32, #tpu.memory_space<vmem>>, vector<16xf32>,
      %mul3A_350 = vector.broadcast %scan3A_122 : f32 to vector<16xf32>
      %mul3A_351 = arith.mulf %scan3A_338#2, %mul3A_350 : vector<16xf32>
      %swap3A_352 = arith.index_cast %add3A_331 : i32 to index
      %swap3A_353 = arith.constant 32 : index
      %swap3A_354 = tpu.vector_load %arg7[%swap3A_352, %swap3A_353] {strides = array<i32>} : memref<128x64xf32, #tpu.memory_space<vmem>>, vector<16xf32>,
      tpu.vector_store %arg7[%swap3A_352, %swap3A_353], %mul3A_351 {strides = array<i32>} : memref<128x64xf32, #tpu.memory_space<vmem>>, vector<16xf32>,
      %mul3A_355 = vector.broadcast %scan3A_122 : f32 to vector<16xf32>
      %mul3A_356 = arith.mulf %scan3A_338#3, %mul3A_355 : vector<16xf32>
      %swap3A_357 = arith.index_cast %add3A_331 : i32 to index
      %swap3A_358 = arith.constant 48 : index
      %swap3A_359 = tpu.vector_load %arg7[%swap3A_357, %swap3A_358] {strides = array<i32>} : memref<128x64xf32, #tpu.memory_space<vmem>>, vector<16xf32>,
      tpu.vector_store %arg7[%swap3A_357, %swap3A_358], %mul3A_356 {strides = array<i32>} : memref<128x64xf32, #tpu.memory_space<vmem>>, vector<16xf32>,
      %add3A_360 = arith.constant 1 : i32
      %add3A_361 = arith.addi %mul3A_241, %add3A_360 : i32
      %add3A_362 = arith.constant 6 : i32
      %add3A_363 = arith.addi %add3A_361, %add3A_362 : i32
      %lt3A_364 = arith.constant 128 : i32
      %lt3A_365 = arith.cmpi slt, %add3A_363, %lt3A_364 : i32
      %convert_element_type3A_366 = arith.extui %lt3A_365 : i1 to i32
      %cond3A_367 = arith.constant 0 : i32
      %cond3A_368 = arith.cmpi ne, %convert_element_type3A_366, %cond3A_367 : i32
      scf.if %cond3A_368 {
        %add3A_629 = arith.constant 1 : i32
        %add3A_630 = arith.addi %mul3A_241, %add3A_629 : i32
        %add3A_631 = arith.constant 6 : i32
        %add3A_632 = arith.addi %add3A_630, %add3A_631 : i32
        %mul3A_633 = arith.constant 200 : i32
        %mul3A_634 = arith.muli %add3A_632, %mul3A_633 : i32
        %dma_start3A_635 = arith.constant 1 : i32
        %dma_start3A_636 = arith.constant 0 : i32
        %dma_start3A_637 = arith.constant 0 : i32
        %dma_start3A_638 = tpu.memref_slice %arg6[%dma_start3A_635, %dma_start3A_636, %dma_start3A_637] : memref<6x200x64xf32, #tpu.memory_space<vmem>> -> memref<1x104x64xf32, #tpu.memory_space<vmem>>
        %dma_start3A_639 = tpu.memref_squeeze %dma_start3A_638 : memref<1x104x64xf32, #tpu.memory_space<vmem>> -> memref<104x64xf32, #tpu.memory_space<vmem>>
        %dma_start3A_640 = tpu.memref_slice %arg5[%mul3A_634] : memref<25600xi32, #tpu.memory_space<vmem>> -> memref<104xi32, #tpu.memory_space<vmem>>
        %dma_start3A_641 = arith.constant 0 : i32
        %dma_start3A_642 = arith.constant 0 : i32
        %dma_start3A_643 = tpu.memref_slice %arg3[%dma_start3A_641, %dma_start3A_642] : memref<100000x64xf32, #tpu.memory_space<hbm>> -> memref<100000x64xf32, #tpu.memory_space<hbm>>
        tpu.enqueue_indirect_dma source(%dma_start3A_643 : memref<100000x64xf32, #tpu.memory_space<hbm>>) target(%dma_start3A_639 : memref<104x64xf32, #tpu.memory_space<vmem>>) offsets(%dma_start3A_640 : memref<104xi32, #tpu.memory_space<vmem>>) semaphore(%arg9 : memref<!tpu.dma_semaphore, #tpu.memory_space<semaphore_mem>>)
        %mul3A_644 = arith.constant 200 : i32
        %mul3A_645 = arith.muli %add3A_632, %mul3A_644 : i32
        %add3A_646 = arith.constant 104 : i32
        %add3A_647 = arith.addi %mul3A_645, %add3A_646 : i32
        %dma_start3A_648 = arith.constant 1 : i32
        %dma_start3A_649 = arith.constant 104 : i32
        %dma_start3A_650 = arith.constant 0 : i32
        %dma_start3A_651 = tpu.memref_slice %arg6[%dma_start3A_648, %dma_start3A_649, %dma_start3A_650] : memref<6x200x64xf32, #tpu.memory_space<vmem>> -> memref<1x96x64xf32, #tpu.memory_space<vmem>>
        %dma_start3A_652 = tpu.memref_squeeze %dma_start3A_651 : memref<1x96x64xf32, #tpu.memory_space<vmem>> -> memref<96x64xf32, #tpu.memory_space<vmem>>
        %dma_start3A_653 = tpu.memref_slice %arg5[%add3A_647] : memref<25600xi32, #tpu.memory_space<vmem>> -> memref<96xi32, #tpu.memory_space<vmem>>
        %dma_start3A_654 = arith.constant 0 : i32
        %dma_start3A_655 = arith.constant 0 : i32
        %dma_start3A_656 = tpu.memref_slice %arg3[%dma_start3A_654, %dma_start3A_655] : memref<100000x64xf32, #tpu.memory_space<hbm>> -> memref<100000x64xf32, #tpu.memory_space<hbm>>
        tpu.enqueue_indirect_dma source(%dma_start3A_656 : memref<100000x64xf32, #tpu.memory_space<hbm>>) target(%dma_start3A_652 : memref<96x64xf32, #tpu.memory_space<vmem>>) offsets(%dma_start3A_653 : memref<96xi32, #tpu.memory_space<vmem>>) semaphore(%arg9 : memref<!tpu.dma_semaphore, #tpu.memory_space<semaphore_mem>>)
      } else {
      }
      %add3A_369 = arith.constant 2 : i32
      %add3A_370 = arith.addi %mul3A_241, %add3A_369 : i32
      %mul3A_371 = arith.constant 200 : i32
      %mul3A_372 = arith.muli %add3A_370, %mul3A_371 : i32
      %dma_wait3A_373 = arith.constant 2 : i32
      %dma_wait3A_374 = arith.constant 0 : i32
      %dma_wait3A_375 = arith.constant 0 : i32
      %dma_wait3A_376 = tpu.memref_slice %arg6[%dma_wait3A_373, %dma_wait3A_374, %dma_wait3A_375] : memref<6x200x64xf32, #tpu.memory_space<vmem>> -> memref<1x104x64xf32, #tpu.memory_space<vmem>>
      %dma_wait3A_377 = tpu.memref_squeeze %dma_wait3A_376 : memref<1x104x64xf32, #tpu.memory_space<vmem>> -> memref<104x64xf32, #tpu.memory_space<vmem>>
      %dma_wait3A_378 = tpu.memref_slice %arg5[%mul3A_372] : memref<25600xi32, #tpu.memory_space<vmem>> -> memref<104xi32, #tpu.memory_space<vmem>>
      %dma_wait3A_379 = arith.constant 0 : i32
      %dma_wait3A_380 = arith.constant 0 : i32
      %dma_wait3A_381 = tpu.memref_slice %arg3[%dma_wait3A_379, %dma_wait3A_380] : memref<100000x64xf32, #tpu.memory_space<hbm>> -> memref<100000x64xf32, #tpu.memory_space<hbm>>
      tpu.wait_indirect_dma semaphore(%arg10 : memref<!tpu.dma_semaphore, #tpu.memory_space<semaphore_mem>>) src(%dma_wait3A_381 : memref<100000x64xf32, #tpu.memory_space<hbm>>) dst(%dma_wait3A_377 : memref<104x64xf32, #tpu.memory_space<vmem>>)
      %mul3A_382 = arith.constant 200 : i32
      %mul3A_383 = arith.muli %add3A_370, %mul3A_382 : i32
      %add3A_384 = arith.constant 104 : i32
      %add3A_385 = arith.addi %mul3A_383, %add3A_384 : i32
      %dma_wait3A_386 = arith.constant 2 : i32
      %dma_wait3A_387 = arith.constant 104 : i32
      %dma_wait3A_388 = arith.constant 0 : i32
      %dma_wait3A_389 = tpu.memref_slice %arg6[%dma_wait3A_386, %dma_wait3A_387, %dma_wait3A_388] : memref<6x200x64xf32, #tpu.memory_space<vmem>> -> memref<1x96x64xf32, #tpu.memory_space<vmem>>
      %dma_wait3A_390 = tpu.memref_squeeze %dma_wait3A_389 : memref<1x96x64xf32, #tpu.memory_space<vmem>> -> memref<96x64xf32, #tpu.memory_space<vmem>>
      %dma_wait3A_391 = tpu.memref_slice %arg5[%add3A_385] : memref<25600xi32, #tpu.memory_space<vmem>> -> memref<96xi32, #tpu.memory_space<vmem>>
      %dma_wait3A_392 = arith.constant 0 : i32
      %dma_wait3A_393 = arith.constant 0 : i32
      %dma_wait3A_394 = tpu.memref_slice %arg3[%dma_wait3A_392, %dma_wait3A_393] : memref<100000x64xf32, #tpu.memory_space<hbm>> -> memref<100000x64xf32, #tpu.memory_space<hbm>>
      tpu.wait_indirect_dma semaphore(%arg10 : memref<!tpu.dma_semaphore, #tpu.memory_space<semaphore_mem>>) src(%dma_wait3A_394 : memref<100000x64xf32, #tpu.memory_space<hbm>>) dst(%dma_wait3A_390 : memref<96x64xf32, #tpu.memory_space<vmem>>)
      %add3A_395 = arith.constant 2 : i32
      %add3A_396 = arith.addi %mul3A_241, %add3A_395 : i32
      %broadcast_in_dim3A_397 = arith.constant 0.000000e+00 : f32
      %broadcast_in_dim3A_398 = vector.broadcast %broadcast_in_dim3A_397 : f32 to vector<16xf32>
      %scan3A_399 = arith.constant 0 : i32
      %scan3A_400 = arith.constant 50 : i32
      %scan3A_401 = arith.addi %scan3A_399, %scan3A_400 : i32
      %scan3A_402 = arith.constant 1 : i32
      %scan3A_403:4 = scf.for %scan3A_629 = %scan3A_399 to %scan3A_401 step %scan3A_402 iter_args(%scan3A_630 = %broadcast_in_dim3A_398, %scan3A_631 = %broadcast_in_dim3A_398, %scan3A_632 = %broadcast_in_dim3A_398, %scan3A_633 = %broadcast_in_dim3A_398) -> (vector<16xf32>, vector<16xf32>, vector<16xf32>, vector<16xf32>)  : i32 {
        %mul3A_634 = arith.constant 4 : i32
        %mul3A_635 = arith.muli %mul3A_634, %scan3A_629 : i32
        %add3A_636 = arith.constant 0 : i32
        %add3A_637 = arith.addi %mul3A_635, %add3A_636 : i32
        %get3A = arith.constant 2 : i32
        %get3A_638 = arith.index_cast %get3A : i32 to index
        %get3A_639 = arith.index_cast %add3A_637 : i32 to index
        %get3A_640 = arith.constant 0 : index
        %get3A_641 = tpu.vector_load %arg6[%get3A_638, %get3A_639, %get3A_640] {strides = array<i32>} : memref<6x200x64xf32, #tpu.memory_space<vmem>>, vector<16xf32>,
        %add3A_642 = arith.addf %scan3A_630, %get3A_641 : vector<16xf32>
        %get3A_643 = arith.constant 2 : i32
        %get3A_644 = arith.index_cast %get3A_643 : i32 to index
        %get3A_645 = arith.index_cast %add3A_637 : i32 to index
        %get3A_646 = arith.constant 16 : index
        %get3A_647 = tpu.vector_load %arg6[%get3A_644, %get3A_645, %get3A_646] {strides = array<i32>} : memref<6x200x64xf32, #tpu.memory_space<vmem>>, vector<16xf32>,
        %add3A_648 = arith.addf %scan3A_631, %get3A_647 : vector<16xf32>
        %get3A_649 = arith.constant 2 : i32
        %get3A_650 = arith.index_cast %get3A_649 : i32 to index
        %get3A_651 = arith.index_cast %add3A_637 : i32 to index
        %get3A_652 = arith.constant 32 : index
        %get3A_653 = tpu.vector_load %arg6[%get3A_650, %get3A_651, %get3A_652] {strides = array<i32>} : memref<6x200x64xf32, #tpu.memory_space<vmem>>, vector<16xf32>,
        %add3A_654 = arith.addf %scan3A_632, %get3A_653 : vector<16xf32>
        %get3A_655 = arith.constant 2 : i32
        %get3A_656 = arith.index_cast %get3A_655 : i32 to index
        %get3A_657 = arith.index_cast %add3A_637 : i32 to index
        %get3A_658 = arith.constant 48 : index
        %get3A_659 = tpu.vector_load %arg6[%get3A_656, %get3A_657, %get3A_658] {strides = array<i32>} : memref<6x200x64xf32, #tpu.memory_space<vmem>>, vector<16xf32>,
        %add3A_660 = arith.addf %scan3A_633, %get3A_659 : vector<16xf32>
        %mul3A_661 = arith.constant 4 : i32
        %mul3A_662 = arith.muli %mul3A_661, %scan3A_629 : i32
        %add3A_663 = arith.constant 1 : i32
        %add3A_664 = arith.addi %mul3A_662, %add3A_663 : i32
        %get3A_665 = arith.constant 2 : i32
        %get3A_666 = arith.index_cast %get3A_665 : i32 to index
        %get3A_667 = arith.index_cast %add3A_664 : i32 to index
        %get3A_668 = arith.constant 0 : index
        %get3A_669 = tpu.vector_load %arg6[%get3A_666, %get3A_667, %get3A_668] {strides = array<i32>} : memref<6x200x64xf32, #tpu.memory_space<vmem>>, vector<16xf32>,
        %add3A_670 = arith.addf %add3A_642, %get3A_669 : vector<16xf32>
        %get3A_671 = arith.constant 2 : i32
        %get3A_672 = arith.index_cast %get3A_671 : i32 to index
        %get3A_673 = arith.index_cast %add3A_664 : i32 to index
        %get3A_674 = arith.constant 16 : index
        %get3A_675 = tpu.vector_load %arg6[%get3A_672, %get3A_673, %get3A_674] {strides = array<i32>} : memref<6x200x64xf32, #tpu.memory_space<vmem>>, vector<16xf32>,
        %add3A_676 = arith.addf %add3A_648, %get3A_675 : vector<16xf32>
        %get3A_677 = arith.constant 2 : i32
        %get3A_678 = arith.index_cast %get3A_677 : i32 to index
        %get3A_679 = arith.index_cast %add3A_664 : i32 to index
        %get3A_680 = arith.constant 32 : index
        %get3A_681 = tpu.vector_load %arg6[%get3A_678, %get3A_679, %get3A_680] {strides = array<i32>} : memref<6x200x64xf32, #tpu.memory_space<vmem>>, vector<16xf32>,
        %add3A_682 = arith.addf %add3A_654, %get3A_681 : vector<16xf32>
        %get3A_683 = arith.constant 2 : i32
        %get3A_684 = arith.index_cast %get3A_683 : i32 to index
        %get3A_685 = arith.index_cast %add3A_664 : i32 to index
        %get3A_686 = arith.constant 48 : index
        %get3A_687 = tpu.vector_load %arg6[%get3A_684, %get3A_685, %get3A_686] {strides = array<i32>} : memref<6x200x64xf32, #tpu.memory_space<vmem>>, vector<16xf32>,
        %add3A_688 = arith.addf %add3A_660, %get3A_687 : vector<16xf32>
        %mul3A_689 = arith.constant 4 : i32
        %mul3A_690 = arith.muli %mul3A_689, %scan3A_629 : i32
        %add3A_691 = arith.constant 2 : i32
        %add3A_692 = arith.addi %mul3A_690, %add3A_691 : i32
        %get3A_693 = arith.constant 2 : i32
        %get3A_694 = arith.index_cast %get3A_693 : i32 to index
        %get3A_695 = arith.index_cast %add3A_692 : i32 to index
        %get3A_696 = arith.constant 0 : index
        %get3A_697 = tpu.vector_load %arg6[%get3A_694, %get3A_695, %get3A_696] {strides = array<i32>} : memref<6x200x64xf32, #tpu.memory_space<vmem>>, vector<16xf32>,
        %add3A_698 = arith.addf %add3A_670, %get3A_697 : vector<16xf32>
        %get3A_699 = arith.constant 2 : i32
        %get3A_700 = arith.index_cast %get3A_699 : i32 to index
        %get3A_701 = arith.index_cast %add3A_692 : i32 to index
        %get3A_702 = arith.constant 16 : index
        %get3A_703 = tpu.vector_load %arg6[%get3A_700, %get3A_701, %get3A_702] {strides = array<i32>} : memref<6x200x64xf32, #tpu.memory_space<vmem>>, vector<16xf32>,
        %add3A_704 = arith.addf %add3A_676, %get3A_703 : vector<16xf32>
        %get3A_705 = arith.constant 2 : i32
        %get3A_706 = arith.index_cast %get3A_705 : i32 to index
        %get3A_707 = arith.index_cast %add3A_692 : i32 to index
        %get3A_708 = arith.constant 32 : index
        %get3A_709 = tpu.vector_load %arg6[%get3A_706, %get3A_707, %get3A_708] {strides = array<i32>} : memref<6x200x64xf32, #tpu.memory_space<vmem>>, vector<16xf32>,
        %add3A_710 = arith.addf %add3A_682, %get3A_709 : vector<16xf32>
        %get3A_711 = arith.constant 2 : i32
        %get3A_712 = arith.index_cast %get3A_711 : i32 to index
        %get3A_713 = arith.index_cast %add3A_692 : i32 to index
        %get3A_714 = arith.constant 48 : index
        %get3A_715 = tpu.vector_load %arg6[%get3A_712, %get3A_713, %get3A_714] {strides = array<i32>} : memref<6x200x64xf32, #tpu.memory_space<vmem>>, vector<16xf32>,
        %add3A_716 = arith.addf %add3A_688, %get3A_715 : vector<16xf32>
        %mul3A_717 = arith.constant 4 : i32
        %mul3A_718 = arith.muli %mul3A_717, %scan3A_629 : i32
        %add3A_719 = arith.constant 3 : i32
        %add3A_720 = arith.addi %mul3A_718, %add3A_719 : i32
        %get3A_721 = arith.constant 2 : i32
        %get3A_722 = arith.index_cast %get3A_721 : i32 to index
        %get3A_723 = arith.index_cast %add3A_720 : i32 to index
        %get3A_724 = arith.constant 0 : index
        %get3A_725 = tpu.vector_load %arg6[%get3A_722, %get3A_723, %get3A_724] {strides = array<i32>} : memref<6x200x64xf32, #tpu.memory_space<vmem>>, vector<16xf32>,
        %add3A_726 = arith.addf %add3A_698, %get3A_725 : vector<16xf32>
        %get3A_727 = arith.constant 2 : i32
        %get3A_728 = arith.index_cast %get3A_727 : i32 to index
        %get3A_729 = arith.index_cast %add3A_720 : i32 to index
        %get3A_730 = arith.constant 16 : index
        %get3A_731 = tpu.vector_load %arg6[%get3A_728, %get3A_729, %get3A_730] {strides = array<i32>} : memref<6x200x64xf32, #tpu.memory_space<vmem>>, vector<16xf32>,
        %add3A_732 = arith.addf %add3A_704, %get3A_731 : vector<16xf32>
        %get3A_733 = arith.constant 2 : i32
        %get3A_734 = arith.index_cast %get3A_733 : i32 to index
        %get3A_735 = arith.index_cast %add3A_720 : i32 to index
        %get3A_736 = arith.constant 32 : index
        %get3A_737 = tpu.vector_load %arg6[%get3A_734, %get3A_735, %get3A_736] {strides = array<i32>} : memref<6x200x64xf32, #tpu.memory_space<vmem>>, vector<16xf32>,
        %add3A_738 = arith.addf %add3A_710, %get3A_737 : vector<16xf32>
        %get3A_739 = arith.constant 2 : i32
        %get3A_740 = arith.index_cast %get3A_739 : i32 to index
        %get3A_741 = arith.index_cast %add3A_720 : i32 to index
        %get3A_742 = arith.constant 48 : index
        %get3A_743 = tpu.vector_load %arg6[%get3A_740, %get3A_741, %get3A_742] {strides = array<i32>} : memref<6x200x64xf32, #tpu.memory_space<vmem>>, vector<16xf32>,
        %add3A_744 = arith.addf %add3A_716, %get3A_743 : vector<16xf32>
        scf.yield %add3A_726, %add3A_732, %add3A_738, %add3A_744 : vector<16xf32>, vector<16xf32>, vector<16xf32>, vector<16xf32>
      }
      %scan3A_404 = arith.constant 50 : i32
      %mul3A_405 = vector.broadcast %scan3A_122 : f32 to vector<16xf32>
      %mul3A_406 = arith.mulf %scan3A_403#0, %mul3A_405 : vector<16xf32>
      %swap3A_407 = arith.index_cast %add3A_396 : i32 to index
      %swap3A_408 = arith.constant 0 : index
      %swap3A_409 = tpu.vector_load %arg7[%swap3A_407, %swap3A_408] {strides = array<i32>} : memref<128x64xf32, #tpu.memory_space<vmem>>, vector<16xf32>,
      tpu.vector_store %arg7[%swap3A_407, %swap3A_408], %mul3A_406 {strides = array<i32>} : memref<128x64xf32, #tpu.memory_space<vmem>>, vector<16xf32>,
      %mul3A_410 = vector.broadcast %scan3A_122 : f32 to vector<16xf32>
      %mul3A_411 = arith.mulf %scan3A_403#1, %mul3A_410 : vector<16xf32>
      %swap3A_412 = arith.index_cast %add3A_396 : i32 to index
      %swap3A_413 = arith.constant 16 : index
      %swap3A_414 = tpu.vector_load %arg7[%swap3A_412, %swap3A_413] {strides = array<i32>} : memref<128x64xf32, #tpu.memory_space<vmem>>, vector<16xf32>,
      tpu.vector_store %arg7[%swap3A_412, %swap3A_413], %mul3A_411 {strides = array<i32>} : memref<128x64xf32, #tpu.memory_space<vmem>>, vector<16xf32>,
      %mul3A_415 = vector.broadcast %scan3A_122 : f32 to vector<16xf32>
      %mul3A_416 = arith.mulf %scan3A_403#2, %mul3A_415 : vector<16xf32>
      %swap3A_417 = arith.index_cast %add3A_396 : i32 to index
      %swap3A_418 = arith.constant 32 : index
      %swap3A_419 = tpu.vector_load %arg7[%swap3A_417, %swap3A_418] {strides = array<i32>} : memref<128x64xf32, #tpu.memory_space<vmem>>, vector<16xf32>,
      tpu.vector_store %arg7[%swap3A_417, %swap3A_418], %mul3A_416 {strides = array<i32>} : memref<128x64xf32, #tpu.memory_space<vmem>>, vector<16xf32>,
      %mul3A_420 = vector.broadcast %scan3A_122 : f32 to vector<16xf32>
      %mul3A_421 = arith.mulf %scan3A_403#3, %mul3A_420 : vector<16xf32>
      %swap3A_422 = arith.index_cast %add3A_396 : i32 to index
      %swap3A_423 = arith.constant 48 : index
      %swap3A_424 = tpu.vector_load %arg7[%swap3A_422, %swap3A_423] {strides = array<i32>} : memref<128x64xf32, #tpu.memory_space<vmem>>, vector<16xf32>,
      tpu.vector_store %arg7[%swap3A_422, %swap3A_423], %mul3A_421 {strides = array<i32>} : memref<128x64xf32, #tpu.memory_space<vmem>>, vector<16xf32>,
      %add3A_425 = arith.constant 2 : i32
      %add3A_426 = arith.addi %mul3A_241, %add3A_425 : i32
      %add3A_427 = arith.constant 6 : i32
      %add3A_428 = arith.addi %add3A_426, %add3A_427 : i32
      %lt3A_429 = arith.constant 128 : i32
      %lt3A_430 = arith.cmpi slt, %add3A_428, %lt3A_429 : i32
      %convert_element_type3A_431 = arith.extui %lt3A_430 : i1 to i32
      %cond3A_432 = arith.constant 0 : i32
      %cond3A_433 = arith.cmpi ne, %convert_element_type3A_431, %cond3A_432 : i32
      scf.if %cond3A_433 {
        %add3A_629 = arith.constant 2 : i32
        %add3A_630 = arith.addi %mul3A_241, %add3A_629 : i32
        %add3A_631 = arith.constant 6 : i32
        %add3A_632 = arith.addi %add3A_630, %add3A_631 : i32
        %mul3A_633 = arith.constant 200 : i32
        %mul3A_634 = arith.muli %add3A_632, %mul3A_633 : i32
        %dma_start3A_635 = arith.constant 2 : i32
        %dma_start3A_636 = arith.constant 0 : i32
        %dma_start3A_637 = arith.constant 0 : i32
        %dma_start3A_638 = tpu.memref_slice %arg6[%dma_start3A_635, %dma_start3A_636, %dma_start3A_637] : memref<6x200x64xf32, #tpu.memory_space<vmem>> -> memref<1x104x64xf32, #tpu.memory_space<vmem>>
        %dma_start3A_639 = tpu.memref_squeeze %dma_start3A_638 : memref<1x104x64xf32, #tpu.memory_space<vmem>> -> memref<104x64xf32, #tpu.memory_space<vmem>>
        %dma_start3A_640 = tpu.memref_slice %arg5[%mul3A_634] : memref<25600xi32, #tpu.memory_space<vmem>> -> memref<104xi32, #tpu.memory_space<vmem>>
        %dma_start3A_641 = arith.constant 0 : i32
        %dma_start3A_642 = arith.constant 0 : i32
        %dma_start3A_643 = tpu.memref_slice %arg3[%dma_start3A_641, %dma_start3A_642] : memref<100000x64xf32, #tpu.memory_space<hbm>> -> memref<100000x64xf32, #tpu.memory_space<hbm>>
        tpu.enqueue_indirect_dma source(%dma_start3A_643 : memref<100000x64xf32, #tpu.memory_space<hbm>>) target(%dma_start3A_639 : memref<104x64xf32, #tpu.memory_space<vmem>>) offsets(%dma_start3A_640 : memref<104xi32, #tpu.memory_space<vmem>>) semaphore(%arg10 : memref<!tpu.dma_semaphore, #tpu.memory_space<semaphore_mem>>)
        %mul3A_644 = arith.constant 200 : i32
        %mul3A_645 = arith.muli %add3A_632, %mul3A_644 : i32
        %add3A_646 = arith.constant 104 : i32
        %add3A_647 = arith.addi %mul3A_645, %add3A_646 : i32
        %dma_start3A_648 = arith.constant 2 : i32
        %dma_start3A_649 = arith.constant 104 : i32
        %dma_start3A_650 = arith.constant 0 : i32
        %dma_start3A_651 = tpu.memref_slice %arg6[%dma_start3A_648, %dma_start3A_649, %dma_start3A_650] : memref<6x200x64xf32, #tpu.memory_space<vmem>> -> memref<1x96x64xf32, #tpu.memory_space<vmem>>
        %dma_start3A_652 = tpu.memref_squeeze %dma_start3A_651 : memref<1x96x64xf32, #tpu.memory_space<vmem>> -> memref<96x64xf32, #tpu.memory_space<vmem>>
        %dma_start3A_653 = tpu.memref_slice %arg5[%add3A_647] : memref<25600xi32, #tpu.memory_space<vmem>> -> memref<96xi32, #tpu.memory_space<vmem>>
        %dma_start3A_654 = arith.constant 0 : i32
        %dma_start3A_655 = arith.constant 0 : i32
        %dma_start3A_656 = tpu.memref_slice %arg3[%dma_start3A_654, %dma_start3A_655] : memref<100000x64xf32, #tpu.memory_space<hbm>> -> memref<100000x64xf32, #tpu.memory_space<hbm>>
        tpu.enqueue_indirect_dma source(%dma_start3A_656 : memref<100000x64xf32, #tpu.memory_space<hbm>>) target(%dma_start3A_652 : memref<96x64xf32, #tpu.memory_space<vmem>>) offsets(%dma_start3A_653 : memref<96xi32, #tpu.memory_space<vmem>>) semaphore(%arg10 : memref<!tpu.dma_semaphore, #tpu.memory_space<semaphore_mem>>)
      } else {
      }
      %add3A_434 = arith.constant 3 : i32
      %add3A_435 = arith.addi %mul3A_241, %add3A_434 : i32
      %mul3A_436 = arith.constant 200 : i32
      %mul3A_437 = arith.muli %add3A_435, %mul3A_436 : i32
      %dma_wait3A_438 = arith.constant 3 : i32
      %dma_wait3A_439 = arith.constant 0 : i32
      %dma_wait3A_440 = arith.constant 0 : i32
      %dma_wait3A_441 = tpu.memref_slice %arg6[%dma_wait3A_438, %dma_wait3A_439, %dma_wait3A_440] : memref<6x200x64xf32, #tpu.memory_space<vmem>> -> memref<1x104x64xf32, #tpu.memory_space<vmem>>
      %dma_wait3A_442 = tpu.memref_squeeze %dma_wait3A_441 : memref<1x104x64xf32, #tpu.memory_space<vmem>> -> memref<104x64xf32, #tpu.memory_space<vmem>>
      %dma_wait3A_443 = tpu.memref_slice %arg5[%mul3A_437] : memref<25600xi32, #tpu.memory_space<vmem>> -> memref<104xi32, #tpu.memory_space<vmem>>
      %dma_wait3A_444 = arith.constant 0 : i32
      %dma_wait3A_445 = arith.constant 0 : i32
      %dma_wait3A_446 = tpu.memref_slice %arg3[%dma_wait3A_444, %dma_wait3A_445] : memref<100000x64xf32, #tpu.memory_space<hbm>> -> memref<100000x64xf32, #tpu.memory_space<hbm>>
      tpu.wait_indirect_dma semaphore(%arg11 : memref<!tpu.dma_semaphore, #tpu.memory_space<semaphore_mem>>) src(%dma_wait3A_446 : memref<100000x64xf32, #tpu.memory_space<hbm>>) dst(%dma_wait3A_442 : memref<104x64xf32, #tpu.memory_space<vmem>>)
      %mul3A_447 = arith.constant 200 : i32
      %mul3A_448 = arith.muli %add3A_435, %mul3A_447 : i32
      %add3A_449 = arith.constant 104 : i32
      %add3A_450 = arith.addi %mul3A_448, %add3A_449 : i32
      %dma_wait3A_451 = arith.constant 3 : i32
      %dma_wait3A_452 = arith.constant 104 : i32
      %dma_wait3A_453 = arith.constant 0 : i32
      %dma_wait3A_454 = tpu.memref_slice %arg6[%dma_wait3A_451, %dma_wait3A_452, %dma_wait3A_453] : memref<6x200x64xf32, #tpu.memory_space<vmem>> -> memref<1x96x64xf32, #tpu.memory_space<vmem>>
      %dma_wait3A_455 = tpu.memref_squeeze %dma_wait3A_454 : memref<1x96x64xf32, #tpu.memory_space<vmem>> -> memref<96x64xf32, #tpu.memory_space<vmem>>
      %dma_wait3A_456 = tpu.memref_slice %arg5[%add3A_450] : memref<25600xi32, #tpu.memory_space<vmem>> -> memref<96xi32, #tpu.memory_space<vmem>>
      %dma_wait3A_457 = arith.constant 0 : i32
      %dma_wait3A_458 = arith.constant 0 : i32
      %dma_wait3A_459 = tpu.memref_slice %arg3[%dma_wait3A_457, %dma_wait3A_458] : memref<100000x64xf32, #tpu.memory_space<hbm>> -> memref<100000x64xf32, #tpu.memory_space<hbm>>
      tpu.wait_indirect_dma semaphore(%arg11 : memref<!tpu.dma_semaphore, #tpu.memory_space<semaphore_mem>>) src(%dma_wait3A_459 : memref<100000x64xf32, #tpu.memory_space<hbm>>) dst(%dma_wait3A_455 : memref<96x64xf32, #tpu.memory_space<vmem>>)
      %add3A_460 = arith.constant 3 : i32
      %add3A_461 = arith.addi %mul3A_241, %add3A_460 : i32
      %broadcast_in_dim3A_462 = arith.constant 0.000000e+00 : f32
      %broadcast_in_dim3A_463 = vector.broadcast %broadcast_in_dim3A_462 : f32 to vector<16xf32>
      %scan3A_464 = arith.constant 0 : i32
      %scan3A_465 = arith.constant 50 : i32
      %scan3A_466 = arith.addi %scan3A_464, %scan3A_465 : i32
      %scan3A_467 = arith.constant 1 : i32
      %scan3A_468:4 = scf.for %scan3A_629 = %scan3A_464 to %scan3A_466 step %scan3A_467 iter_args(%scan3A_630 = %broadcast_in_dim3A_463, %scan3A_631 = %broadcast_in_dim3A_463, %scan3A_632 = %broadcast_in_dim3A_463, %scan3A_633 = %broadcast_in_dim3A_463) -> (vector<16xf32>, vector<16xf32>, vector<16xf32>, vector<16xf32>)  : i32 {
        %mul3A_634 = arith.constant 4 : i32
        %mul3A_635 = arith.muli %mul3A_634, %scan3A_629 : i32
        %add3A_636 = arith.constant 0 : i32
        %add3A_637 = arith.addi %mul3A_635, %add3A_636 : i32
        %get3A = arith.constant 3 : i32
        %get3A_638 = arith.index_cast %get3A : i32 to index
        %get3A_639 = arith.index_cast %add3A_637 : i32 to index
        %get3A_640 = arith.constant 0 : index
        %get3A_641 = tpu.vector_load %arg6[%get3A_638, %get3A_639, %get3A_640] {strides = array<i32>} : memref<6x200x64xf32, #tpu.memory_space<vmem>>, vector<16xf32>,
        %add3A_642 = arith.addf %scan3A_630, %get3A_641 : vector<16xf32>
        %get3A_643 = arith.constant 3 : i32
        %get3A_644 = arith.index_cast %get3A_643 : i32 to index
        %get3A_645 = arith.index_cast %add3A_637 : i32 to index
        %get3A_646 = arith.constant 16 : index
        %get3A_647 = tpu.vector_load %arg6[%get3A_644, %get3A_645, %get3A_646] {strides = array<i32>} : memref<6x200x64xf32, #tpu.memory_space<vmem>>, vector<16xf32>,
        %add3A_648 = arith.addf %scan3A_631, %get3A_647 : vector<16xf32>
        %get3A_649 = arith.constant 3 : i32
        %get3A_650 = arith.index_cast %get3A_649 : i32 to index
        %get3A_651 = arith.index_cast %add3A_637 : i32 to index
        %get3A_652 = arith.constant 32 : index
        %get3A_653 = tpu.vector_load %arg6[%get3A_650, %get3A_651, %get3A_652] {strides = array<i32>} : memref<6x200x64xf32, #tpu.memory_space<vmem>>, vector<16xf32>,
        %add3A_654 = arith.addf %scan3A_632, %get3A_653 : vector<16xf32>
        %get3A_655 = arith.constant 3 : i32
        %get3A_656 = arith.index_cast %get3A_655 : i32 to index
        %get3A_657 = arith.index_cast %add3A_637 : i32 to index
        %get3A_658 = arith.constant 48 : index
        %get3A_659 = tpu.vector_load %arg6[%get3A_656, %get3A_657, %get3A_658] {strides = array<i32>} : memref<6x200x64xf32, #tpu.memory_space<vmem>>, vector<16xf32>,
        %add3A_660 = arith.addf %scan3A_633, %get3A_659 : vector<16xf32>
        %mul3A_661 = arith.constant 4 : i32
        %mul3A_662 = arith.muli %mul3A_661, %scan3A_629 : i32
        %add3A_663 = arith.constant 1 : i32
        %add3A_664 = arith.addi %mul3A_662, %add3A_663 : i32
        %get3A_665 = arith.constant 3 : i32
        %get3A_666 = arith.index_cast %get3A_665 : i32 to index
        %get3A_667 = arith.index_cast %add3A_664 : i32 to index
        %get3A_668 = arith.constant 0 : index
        %get3A_669 = tpu.vector_load %arg6[%get3A_666, %get3A_667, %get3A_668] {strides = array<i32>} : memref<6x200x64xf32, #tpu.memory_space<vmem>>, vector<16xf32>,
        %add3A_670 = arith.addf %add3A_642, %get3A_669 : vector<16xf32>
        %get3A_671 = arith.constant 3 : i32
        %get3A_672 = arith.index_cast %get3A_671 : i32 to index
        %get3A_673 = arith.index_cast %add3A_664 : i32 to index
        %get3A_674 = arith.constant 16 : index
        %get3A_675 = tpu.vector_load %arg6[%get3A_672, %get3A_673, %get3A_674] {strides = array<i32>} : memref<6x200x64xf32, #tpu.memory_space<vmem>>, vector<16xf32>,
        %add3A_676 = arith.addf %add3A_648, %get3A_675 : vector<16xf32>
        %get3A_677 = arith.constant 3 : i32
        %get3A_678 = arith.index_cast %get3A_677 : i32 to index
        %get3A_679 = arith.index_cast %add3A_664 : i32 to index
        %get3A_680 = arith.constant 32 : index
        %get3A_681 = tpu.vector_load %arg6[%get3A_678, %get3A_679, %get3A_680] {strides = array<i32>} : memref<6x200x64xf32, #tpu.memory_space<vmem>>, vector<16xf32>,
        %add3A_682 = arith.addf %add3A_654, %get3A_681 : vector<16xf32>
        %get3A_683 = arith.constant 3 : i32
        %get3A_684 = arith.index_cast %get3A_683 : i32 to index
        %get3A_685 = arith.index_cast %add3A_664 : i32 to index
        %get3A_686 = arith.constant 48 : index
        %get3A_687 = tpu.vector_load %arg6[%get3A_684, %get3A_685, %get3A_686] {strides = array<i32>} : memref<6x200x64xf32, #tpu.memory_space<vmem>>, vector<16xf32>,
        %add3A_688 = arith.addf %add3A_660, %get3A_687 : vector<16xf32>
        %mul3A_689 = arith.constant 4 : i32
        %mul3A_690 = arith.muli %mul3A_689, %scan3A_629 : i32
        %add3A_691 = arith.constant 2 : i32
        %add3A_692 = arith.addi %mul3A_690, %add3A_691 : i32
        %get3A_693 = arith.constant 3 : i32
        %get3A_694 = arith.index_cast %get3A_693 : i32 to index
        %get3A_695 = arith.index_cast %add3A_692 : i32 to index
        %get3A_696 = arith.constant 0 : index
        %get3A_697 = tpu.vector_load %arg6[%get3A_694, %get3A_695, %get3A_696] {strides = array<i32>} : memref<6x200x64xf32, #tpu.memory_space<vmem>>, vector<16xf32>,
        %add3A_698 = arith.addf %add3A_670, %get3A_697 : vector<16xf32>
        %get3A_699 = arith.constant 3 : i32
        %get3A_700 = arith.index_cast %get3A_699 : i32 to index
        %get3A_701 = arith.index_cast %add3A_692 : i32 to index
        %get3A_702 = arith.constant 16 : index
        %get3A_703 = tpu.vector_load %arg6[%get3A_700, %get3A_701, %get3A_702] {strides = array<i32>} : memref<6x200x64xf32, #tpu.memory_space<vmem>>, vector<16xf32>,
        %add3A_704 = arith.addf %add3A_676, %get3A_703 : vector<16xf32>
        %get3A_705 = arith.constant 3 : i32
        %get3A_706 = arith.index_cast %get3A_705 : i32 to index
        %get3A_707 = arith.index_cast %add3A_692 : i32 to index
        %get3A_708 = arith.constant 32 : index
        %get3A_709 = tpu.vector_load %arg6[%get3A_706, %get3A_707, %get3A_708] {strides = array<i32>} : memref<6x200x64xf32, #tpu.memory_space<vmem>>, vector<16xf32>,
        %add3A_710 = arith.addf %add3A_682, %get3A_709 : vector<16xf32>
        %get3A_711 = arith.constant 3 : i32
        %get3A_712 = arith.index_cast %get3A_711 : i32 to index
        %get3A_713 = arith.index_cast %add3A_692 : i32 to index
        %get3A_714 = arith.constant 48 : index
        %get3A_715 = tpu.vector_load %arg6[%get3A_712, %get3A_713, %get3A_714] {strides = array<i32>} : memref<6x200x64xf32, #tpu.memory_space<vmem>>, vector<16xf32>,
        %add3A_716 = arith.addf %add3A_688, %get3A_715 : vector<16xf32>
        %mul3A_717 = arith.constant 4 : i32
        %mul3A_718 = arith.muli %mul3A_717, %scan3A_629 : i32
        %add3A_719 = arith.constant 3 : i32
        %add3A_720 = arith.addi %mul3A_718, %add3A_719 : i32
        %get3A_721 = arith.constant 3 : i32
        %get3A_722 = arith.index_cast %get3A_721 : i32 to index
        %get3A_723 = arith.index_cast %add3A_720 : i32 to index
        %get3A_724 = arith.constant 0 : index
        %get3A_725 = tpu.vector_load %arg6[%get3A_722, %get3A_723, %get3A_724] {strides = array<i32>} : memref<6x200x64xf32, #tpu.memory_space<vmem>>, vector<16xf32>,
        %add3A_726 = arith.addf %add3A_698, %get3A_725 : vector<16xf32>
        %get3A_727 = arith.constant 3 : i32
        %get3A_728 = arith.index_cast %get3A_727 : i32 to index
        %get3A_729 = arith.index_cast %add3A_720 : i32 to index
        %get3A_730 = arith.constant 16 : index
        %get3A_731 = tpu.vector_load %arg6[%get3A_728, %get3A_729, %get3A_730] {strides = array<i32>} : memref<6x200x64xf32, #tpu.memory_space<vmem>>, vector<16xf32>,
        %add3A_732 = arith.addf %add3A_704, %get3A_731 : vector<16xf32>
        %get3A_733 = arith.constant 3 : i32
        %get3A_734 = arith.index_cast %get3A_733 : i32 to index
        %get3A_735 = arith.index_cast %add3A_720 : i32 to index
        %get3A_736 = arith.constant 32 : index
        %get3A_737 = tpu.vector_load %arg6[%get3A_734, %get3A_735, %get3A_736] {strides = array<i32>} : memref<6x200x64xf32, #tpu.memory_space<vmem>>, vector<16xf32>,
        %add3A_738 = arith.addf %add3A_710, %get3A_737 : vector<16xf32>
        %get3A_739 = arith.constant 3 : i32
        %get3A_740 = arith.index_cast %get3A_739 : i32 to index
        %get3A_741 = arith.index_cast %add3A_720 : i32 to index
        %get3A_742 = arith.constant 48 : index
        %get3A_743 = tpu.vector_load %arg6[%get3A_740, %get3A_741, %get3A_742] {strides = array<i32>} : memref<6x200x64xf32, #tpu.memory_space<vmem>>, vector<16xf32>,
        %add3A_744 = arith.addf %add3A_716, %get3A_743 : vector<16xf32>
        scf.yield %add3A_726, %add3A_732, %add3A_738, %add3A_744 : vector<16xf32>, vector<16xf32>, vector<16xf32>, vector<16xf32>
      }
      %scan3A_469 = arith.constant 50 : i32
      %mul3A_470 = vector.broadcast %scan3A_122 : f32 to vector<16xf32>
      %mul3A_471 = arith.mulf %scan3A_468#0, %mul3A_470 : vector<16xf32>
      %swap3A_472 = arith.index_cast %add3A_461 : i32 to index
      %swap3A_473 = arith.constant 0 : index
      %swap3A_474 = tpu.vector_load %arg7[%swap3A_472, %swap3A_473] {strides = array<i32>} : memref<128x64xf32, #tpu.memory_space<vmem>>, vector<16xf32>,
      tpu.vector_store %arg7[%swap3A_472, %swap3A_473], %mul3A_471 {strides = array<i32>} : memref<128x64xf32, #tpu.memory_space<vmem>>, vector<16xf32>,
      %mul3A_475 = vector.broadcast %scan3A_122 : f32 to vector<16xf32>
      %mul3A_476 = arith.mulf %scan3A_468#1, %mul3A_475 : vector<16xf32>
      %swap3A_477 = arith.index_cast %add3A_461 : i32 to index
      %swap3A_478 = arith.constant 16 : index
      %swap3A_479 = tpu.vector_load %arg7[%swap3A_477, %swap3A_478] {strides = array<i32>} : memref<128x64xf32, #tpu.memory_space<vmem>>, vector<16xf32>,
      tpu.vector_store %arg7[%swap3A_477, %swap3A_478], %mul3A_476 {strides = array<i32>} : memref<128x64xf32, #tpu.memory_space<vmem>>, vector<16xf32>,
      %mul3A_480 = vector.broadcast %scan3A_122 : f32 to vector<16xf32>
      %mul3A_481 = arith.mulf %scan3A_468#2, %mul3A_480 : vector<16xf32>
      %swap3A_482 = arith.index_cast %add3A_461 : i32 to index
      %swap3A_483 = arith.constant 32 : index
      %swap3A_484 = tpu.vector_load %arg7[%swap3A_482, %swap3A_483] {strides = array<i32>} : memref<128x64xf32, #tpu.memory_space<vmem>>, vector<16xf32>,
      tpu.vector_store %arg7[%swap3A_482, %swap3A_483], %mul3A_481 {strides = array<i32>} : memref<128x64xf32, #tpu.memory_space<vmem>>, vector<16xf32>,
      %mul3A_485 = vector.broadcast %scan3A_122 : f32 to vector<16xf32>
      %mul3A_486 = arith.mulf %scan3A_468#3, %mul3A_485 : vector<16xf32>
      %swap3A_487 = arith.index_cast %add3A_461 : i32 to index
      %swap3A_488 = arith.constant 48 : index
      %swap3A_489 = tpu.vector_load %arg7[%swap3A_487, %swap3A_488] {strides = array<i32>} : memref<128x64xf32, #tpu.memory_space<vmem>>, vector<16xf32>,
      tpu.vector_store %arg7[%swap3A_487, %swap3A_488], %mul3A_486 {strides = array<i32>} : memref<128x64xf32, #tpu.memory_space<vmem>>, vector<16xf32>,
      %add3A_490 = arith.constant 3 : i32
      %add3A_491 = arith.addi %mul3A_241, %add3A_490 : i32
      %add3A_492 = arith.constant 6 : i32
      %add3A_493 = arith.addi %add3A_491, %add3A_492 : i32
      %lt3A_494 = arith.constant 128 : i32
      %lt3A_495 = arith.cmpi slt, %add3A_493, %lt3A_494 : i32
      %convert_element_type3A_496 = arith.extui %lt3A_495 : i1 to i32
      %cond3A_497 = arith.constant 0 : i32
      %cond3A_498 = arith.cmpi ne, %convert_element_type3A_496, %cond3A_497 : i32
      scf.if %cond3A_498 {
        %add3A_629 = arith.constant 3 : i32
        %add3A_630 = arith.addi %mul3A_241, %add3A_629 : i32
        %add3A_631 = arith.constant 6 : i32
        %add3A_632 = arith.addi %add3A_630, %add3A_631 : i32
        %mul3A_633 = arith.constant 200 : i32
        %mul3A_634 = arith.muli %add3A_632, %mul3A_633 : i32
        %dma_start3A_635 = arith.constant 3 : i32
        %dma_start3A_636 = arith.constant 0 : i32
        %dma_start3A_637 = arith.constant 0 : i32
        %dma_start3A_638 = tpu.memref_slice %arg6[%dma_start3A_635, %dma_start3A_636, %dma_start3A_637] : memref<6x200x64xf32, #tpu.memory_space<vmem>> -> memref<1x104x64xf32, #tpu.memory_space<vmem>>
        %dma_start3A_639 = tpu.memref_squeeze %dma_start3A_638 : memref<1x104x64xf32, #tpu.memory_space<vmem>> -> memref<104x64xf32, #tpu.memory_space<vmem>>
        %dma_start3A_640 = tpu.memref_slice %arg5[%mul3A_634] : memref<25600xi32, #tpu.memory_space<vmem>> -> memref<104xi32, #tpu.memory_space<vmem>>
        %dma_start3A_641 = arith.constant 0 : i32
        %dma_start3A_642 = arith.constant 0 : i32
        %dma_start3A_643 = tpu.memref_slice %arg3[%dma_start3A_641, %dma_start3A_642] : memref<100000x64xf32, #tpu.memory_space<hbm>> -> memref<100000x64xf32, #tpu.memory_space<hbm>>
        tpu.enqueue_indirect_dma source(%dma_start3A_643 : memref<100000x64xf32, #tpu.memory_space<hbm>>) target(%dma_start3A_639 : memref<104x64xf32, #tpu.memory_space<vmem>>) offsets(%dma_start3A_640 : memref<104xi32, #tpu.memory_space<vmem>>) semaphore(%arg11 : memref<!tpu.dma_semaphore, #tpu.memory_space<semaphore_mem>>)
        %mul3A_644 = arith.constant 200 : i32
        %mul3A_645 = arith.muli %add3A_632, %mul3A_644 : i32
        %add3A_646 = arith.constant 104 : i32
        %add3A_647 = arith.addi %mul3A_645, %add3A_646 : i32
        %dma_start3A_648 = arith.constant 3 : i32
        %dma_start3A_649 = arith.constant 104 : i32
        %dma_start3A_650 = arith.constant 0 : i32
        %dma_start3A_651 = tpu.memref_slice %arg6[%dma_start3A_648, %dma_start3A_649, %dma_start3A_650] : memref<6x200x64xf32, #tpu.memory_space<vmem>> -> memref<1x96x64xf32, #tpu.memory_space<vmem>>
        %dma_start3A_652 = tpu.memref_squeeze %dma_start3A_651 : memref<1x96x64xf32, #tpu.memory_space<vmem>> -> memref<96x64xf32, #tpu.memory_space<vmem>>
        %dma_start3A_653 = tpu.memref_slice %arg5[%add3A_647] : memref<25600xi32, #tpu.memory_space<vmem>> -> memref<96xi32, #tpu.memory_space<vmem>>
        %dma_start3A_654 = arith.constant 0 : i32
        %dma_start3A_655 = arith.constant 0 : i32
        %dma_start3A_656 = tpu.memref_slice %arg3[%dma_start3A_654, %dma_start3A_655] : memref<100000x64xf32, #tpu.memory_space<hbm>> -> memref<100000x64xf32, #tpu.memory_space<hbm>>
        tpu.enqueue_indirect_dma source(%dma_start3A_656 : memref<100000x64xf32, #tpu.memory_space<hbm>>) target(%dma_start3A_652 : memref<96x64xf32, #tpu.memory_space<vmem>>) offsets(%dma_start3A_653 : memref<96xi32, #tpu.memory_space<vmem>>) semaphore(%arg11 : memref<!tpu.dma_semaphore, #tpu.memory_space<semaphore_mem>>)
      } else {
      }
      %add3A_499 = arith.constant 4 : i32
      %add3A_500 = arith.addi %mul3A_241, %add3A_499 : i32
      %mul3A_501 = arith.constant 200 : i32
      %mul3A_502 = arith.muli %add3A_500, %mul3A_501 : i32
      %dma_wait3A_503 = arith.constant 4 : i32
      %dma_wait3A_504 = arith.constant 0 : i32
      %dma_wait3A_505 = arith.constant 0 : i32
      %dma_wait3A_506 = tpu.memref_slice %arg6[%dma_wait3A_503, %dma_wait3A_504, %dma_wait3A_505] : memref<6x200x64xf32, #tpu.memory_space<vmem>> -> memref<1x104x64xf32, #tpu.memory_space<vmem>>
      %dma_wait3A_507 = tpu.memref_squeeze %dma_wait3A_506 : memref<1x104x64xf32, #tpu.memory_space<vmem>> -> memref<104x64xf32, #tpu.memory_space<vmem>>
      %dma_wait3A_508 = tpu.memref_slice %arg5[%mul3A_502] : memref<25600xi32, #tpu.memory_space<vmem>> -> memref<104xi32, #tpu.memory_space<vmem>>
      %dma_wait3A_509 = arith.constant 0 : i32
      %dma_wait3A_510 = arith.constant 0 : i32
      %dma_wait3A_511 = tpu.memref_slice %arg3[%dma_wait3A_509, %dma_wait3A_510] : memref<100000x64xf32, #tpu.memory_space<hbm>> -> memref<100000x64xf32, #tpu.memory_space<hbm>>
      tpu.wait_indirect_dma semaphore(%arg12 : memref<!tpu.dma_semaphore, #tpu.memory_space<semaphore_mem>>) src(%dma_wait3A_511 : memref<100000x64xf32, #tpu.memory_space<hbm>>) dst(%dma_wait3A_507 : memref<104x64xf32, #tpu.memory_space<vmem>>)
      %mul3A_512 = arith.constant 200 : i32
      %mul3A_513 = arith.muli %add3A_500, %mul3A_512 : i32
      %add3A_514 = arith.constant 104 : i32
      %add3A_515 = arith.addi %mul3A_513, %add3A_514 : i32
      %dma_wait3A_516 = arith.constant 4 : i32
      %dma_wait3A_517 = arith.constant 104 : i32
      %dma_wait3A_518 = arith.constant 0 : i32
      %dma_wait3A_519 = tpu.memref_slice %arg6[%dma_wait3A_516, %dma_wait3A_517, %dma_wait3A_518] : memref<6x200x64xf32, #tpu.memory_space<vmem>> -> memref<1x96x64xf32, #tpu.memory_space<vmem>>
      %dma_wait3A_520 = tpu.memref_squeeze %dma_wait3A_519 : memref<1x96x64xf32, #tpu.memory_space<vmem>> -> memref<96x64xf32, #tpu.memory_space<vmem>>
      %dma_wait3A_521 = tpu.memref_slice %arg5[%add3A_515] : memref<25600xi32, #tpu.memory_space<vmem>> -> memref<96xi32, #tpu.memory_space<vmem>>
      %dma_wait3A_522 = arith.constant 0 : i32
      %dma_wait3A_523 = arith.constant 0 : i32
      %dma_wait3A_524 = tpu.memref_slice %arg3[%dma_wait3A_522, %dma_wait3A_523] : memref<100000x64xf32, #tpu.memory_space<hbm>> -> memref<100000x64xf32, #tpu.memory_space<hbm>>
      tpu.wait_indirect_dma semaphore(%arg12 : memref<!tpu.dma_semaphore, #tpu.memory_space<semaphore_mem>>) src(%dma_wait3A_524 : memref<100000x64xf32, #tpu.memory_space<hbm>>) dst(%dma_wait3A_520 : memref<96x64xf32, #tpu.memory_space<vmem>>)
      %add3A_525 = arith.constant 4 : i32
      %add3A_526 = arith.addi %mul3A_241, %add3A_525 : i32
      %broadcast_in_dim3A_527 = arith.constant 0.000000e+00 : f32
      %broadcast_in_dim3A_528 = vector.broadcast %broadcast_in_dim3A_527 : f32 to vector<16xf32>
      %scan3A_529 = arith.constant 0 : i32
      %scan3A_530 = arith.constant 50 : i32
      %scan3A_531 = arith.addi %scan3A_529, %scan3A_530 : i32
      %scan3A_532 = arith.constant 1 : i32
      %scan3A_533:4 = scf.for %scan3A_629 = %scan3A_529 to %scan3A_531 step %scan3A_532 iter_args(%scan3A_630 = %broadcast_in_dim3A_528, %scan3A_631 = %broadcast_in_dim3A_528, %scan3A_632 = %broadcast_in_dim3A_528, %scan3A_633 = %broadcast_in_dim3A_528) -> (vector<16xf32>, vector<16xf32>, vector<16xf32>, vector<16xf32>)  : i32 {
        %mul3A_634 = arith.constant 4 : i32
        %mul3A_635 = arith.muli %mul3A_634, %scan3A_629 : i32
        %add3A_636 = arith.constant 0 : i32
        %add3A_637 = arith.addi %mul3A_635, %add3A_636 : i32
        %get3A = arith.constant 4 : i32
        %get3A_638 = arith.index_cast %get3A : i32 to index
        %get3A_639 = arith.index_cast %add3A_637 : i32 to index
        %get3A_640 = arith.constant 0 : index
        %get3A_641 = tpu.vector_load %arg6[%get3A_638, %get3A_639, %get3A_640] {strides = array<i32>} : memref<6x200x64xf32, #tpu.memory_space<vmem>>, vector<16xf32>,
        %add3A_642 = arith.addf %scan3A_630, %get3A_641 : vector<16xf32>
        %get3A_643 = arith.constant 4 : i32
        %get3A_644 = arith.index_cast %get3A_643 : i32 to index
        %get3A_645 = arith.index_cast %add3A_637 : i32 to index
        %get3A_646 = arith.constant 16 : index
        %get3A_647 = tpu.vector_load %arg6[%get3A_644, %get3A_645, %get3A_646] {strides = array<i32>} : memref<6x200x64xf32, #tpu.memory_space<vmem>>, vector<16xf32>,
        %add3A_648 = arith.addf %scan3A_631, %get3A_647 : vector<16xf32>
        %get3A_649 = arith.constant 4 : i32
        %get3A_650 = arith.index_cast %get3A_649 : i32 to index
        %get3A_651 = arith.index_cast %add3A_637 : i32 to index
        %get3A_652 = arith.constant 32 : index
        %get3A_653 = tpu.vector_load %arg6[%get3A_650, %get3A_651, %get3A_652] {strides = array<i32>} : memref<6x200x64xf32, #tpu.memory_space<vmem>>, vector<16xf32>,
        %add3A_654 = arith.addf %scan3A_632, %get3A_653 : vector<16xf32>
        %get3A_655 = arith.constant 4 : i32
        %get3A_656 = arith.index_cast %get3A_655 : i32 to index
        %get3A_657 = arith.index_cast %add3A_637 : i32 to index
        %get3A_658 = arith.constant 48 : index
        %get3A_659 = tpu.vector_load %arg6[%get3A_656, %get3A_657, %get3A_658] {strides = array<i32>} : memref<6x200x64xf32, #tpu.memory_space<vmem>>, vector<16xf32>,
        %add3A_660 = arith.addf %scan3A_633, %get3A_659 : vector<16xf32>
        %mul3A_661 = arith.constant 4 : i32
        %mul3A_662 = arith.muli %mul3A_661, %scan3A_629 : i32
        %add3A_663 = arith.constant 1 : i32
        %add3A_664 = arith.addi %mul3A_662, %add3A_663 : i32
        %get3A_665 = arith.constant 4 : i32
        %get3A_666 = arith.index_cast %get3A_665 : i32 to index
        %get3A_667 = arith.index_cast %add3A_664 : i32 to index
        %get3A_668 = arith.constant 0 : index
        %get3A_669 = tpu.vector_load %arg6[%get3A_666, %get3A_667, %get3A_668] {strides = array<i32>} : memref<6x200x64xf32, #tpu.memory_space<vmem>>, vector<16xf32>,
        %add3A_670 = arith.addf %add3A_642, %get3A_669 : vector<16xf32>
        %get3A_671 = arith.constant 4 : i32
        %get3A_672 = arith.index_cast %get3A_671 : i32 to index
        %get3A_673 = arith.index_cast %add3A_664 : i32 to index
        %get3A_674 = arith.constant 16 : index
        %get3A_675 = tpu.vector_load %arg6[%get3A_672, %get3A_673, %get3A_674] {strides = array<i32>} : memref<6x200x64xf32, #tpu.memory_space<vmem>>, vector<16xf32>,
        %add3A_676 = arith.addf %add3A_648, %get3A_675 : vector<16xf32>
        %get3A_677 = arith.constant 4 : i32
        %get3A_678 = arith.index_cast %get3A_677 : i32 to index
        %get3A_679 = arith.index_cast %add3A_664 : i32 to index
        %get3A_680 = arith.constant 32 : index
        %get3A_681 = tpu.vector_load %arg6[%get3A_678, %get3A_679, %get3A_680] {strides = array<i32>} : memref<6x200x64xf32, #tpu.memory_space<vmem>>, vector<16xf32>,
        %add3A_682 = arith.addf %add3A_654, %get3A_681 : vector<16xf32>
        %get3A_683 = arith.constant 4 : i32
        %get3A_684 = arith.index_cast %get3A_683 : i32 to index
        %get3A_685 = arith.index_cast %add3A_664 : i32 to index
        %get3A_686 = arith.constant 48 : index
        %get3A_687 = tpu.vector_load %arg6[%get3A_684, %get3A_685, %get3A_686] {strides = array<i32>} : memref<6x200x64xf32, #tpu.memory_space<vmem>>, vector<16xf32>,
        %add3A_688 = arith.addf %add3A_660, %get3A_687 : vector<16xf32>
        %mul3A_689 = arith.constant 4 : i32
        %mul3A_690 = arith.muli %mul3A_689, %scan3A_629 : i32
        %add3A_691 = arith.constant 2 : i32
        %add3A_692 = arith.addi %mul3A_690, %add3A_691 : i32
        %get3A_693 = arith.constant 4 : i32
        %get3A_694 = arith.index_cast %get3A_693 : i32 to index
        %get3A_695 = arith.index_cast %add3A_692 : i32 to index
        %get3A_696 = arith.constant 0 : index
        %get3A_697 = tpu.vector_load %arg6[%get3A_694, %get3A_695, %get3A_696] {strides = array<i32>} : memref<6x200x64xf32, #tpu.memory_space<vmem>>, vector<16xf32>,
        %add3A_698 = arith.addf %add3A_670, %get3A_697 : vector<16xf32>
        %get3A_699 = arith.constant 4 : i32
        %get3A_700 = arith.index_cast %get3A_699 : i32 to index
        %get3A_701 = arith.index_cast %add3A_692 : i32 to index
        %get3A_702 = arith.constant 16 : index
        %get3A_703 = tpu.vector_load %arg6[%get3A_700, %get3A_701, %get3A_702] {strides = array<i32>} : memref<6x200x64xf32, #tpu.memory_space<vmem>>, vector<16xf32>,
        %add3A_704 = arith.addf %add3A_676, %get3A_703 : vector<16xf32>
        %get3A_705 = arith.constant 4 : i32
        %get3A_706 = arith.index_cast %get3A_705 : i32 to index
        %get3A_707 = arith.index_cast %add3A_692 : i32 to index
        %get3A_708 = arith.constant 32 : index
        %get3A_709 = tpu.vector_load %arg6[%get3A_706, %get3A_707, %get3A_708] {strides = array<i32>} : memref<6x200x64xf32, #tpu.memory_space<vmem>>, vector<16xf32>,
        %add3A_710 = arith.addf %add3A_682, %get3A_709 : vector<16xf32>
        %get3A_711 = arith.constant 4 : i32
        %get3A_712 = arith.index_cast %get3A_711 : i32 to index
        %get3A_713 = arith.index_cast %add3A_692 : i32 to index
        %get3A_714 = arith.constant 48 : index
        %get3A_715 = tpu.vector_load %arg6[%get3A_712, %get3A_713, %get3A_714] {strides = array<i32>} : memref<6x200x64xf32, #tpu.memory_space<vmem>>, vector<16xf32>,
        %add3A_716 = arith.addf %add3A_688, %get3A_715 : vector<16xf32>
        %mul3A_717 = arith.constant 4 : i32
        %mul3A_718 = arith.muli %mul3A_717, %scan3A_629 : i32
        %add3A_719 = arith.constant 3 : i32
        %add3A_720 = arith.addi %mul3A_718, %add3A_719 : i32
        %get3A_721 = arith.constant 4 : i32
        %get3A_722 = arith.index_cast %get3A_721 : i32 to index
        %get3A_723 = arith.index_cast %add3A_720 : i32 to index
        %get3A_724 = arith.constant 0 : index
        %get3A_725 = tpu.vector_load %arg6[%get3A_722, %get3A_723, %get3A_724] {strides = array<i32>} : memref<6x200x64xf32, #tpu.memory_space<vmem>>, vector<16xf32>,
        %add3A_726 = arith.addf %add3A_698, %get3A_725 : vector<16xf32>
        %get3A_727 = arith.constant 4 : i32
        %get3A_728 = arith.index_cast %get3A_727 : i32 to index
        %get3A_729 = arith.index_cast %add3A_720 : i32 to index
        %get3A_730 = arith.constant 16 : index
        %get3A_731 = tpu.vector_load %arg6[%get3A_728, %get3A_729, %get3A_730] {strides = array<i32>} : memref<6x200x64xf32, #tpu.memory_space<vmem>>, vector<16xf32>,
        %add3A_732 = arith.addf %add3A_704, %get3A_731 : vector<16xf32>
        %get3A_733 = arith.constant 4 : i32
        %get3A_734 = arith.index_cast %get3A_733 : i32 to index
        %get3A_735 = arith.index_cast %add3A_720 : i32 to index
        %get3A_736 = arith.constant 32 : index
        %get3A_737 = tpu.vector_load %arg6[%get3A_734, %get3A_735, %get3A_736] {strides = array<i32>} : memref<6x200x64xf32, #tpu.memory_space<vmem>>, vector<16xf32>,
        %add3A_738 = arith.addf %add3A_710, %get3A_737 : vector<16xf32>
        %get3A_739 = arith.constant 4 : i32
        %get3A_740 = arith.index_cast %get3A_739 : i32 to index
        %get3A_741 = arith.index_cast %add3A_720 : i32 to index
        %get3A_742 = arith.constant 48 : index
        %get3A_743 = tpu.vector_load %arg6[%get3A_740, %get3A_741, %get3A_742] {strides = array<i32>} : memref<6x200x64xf32, #tpu.memory_space<vmem>>, vector<16xf32>,
        %add3A_744 = arith.addf %add3A_716, %get3A_743 : vector<16xf32>
        scf.yield %add3A_726, %add3A_732, %add3A_738, %add3A_744 : vector<16xf32>, vector<16xf32>, vector<16xf32>, vector<16xf32>
      }
      %scan3A_534 = arith.constant 50 : i32
      %mul3A_535 = vector.broadcast %scan3A_122 : f32 to vector<16xf32>
      %mul3A_536 = arith.mulf %scan3A_533#0, %mul3A_535 : vector<16xf32>
      %swap3A_537 = arith.index_cast %add3A_526 : i32 to index
      %swap3A_538 = arith.constant 0 : index
      %swap3A_539 = tpu.vector_load %arg7[%swap3A_537, %swap3A_538] {strides = array<i32>} : memref<128x64xf32, #tpu.memory_space<vmem>>, vector<16xf32>,
      tpu.vector_store %arg7[%swap3A_537, %swap3A_538], %mul3A_536 {strides = array<i32>} : memref<128x64xf32, #tpu.memory_space<vmem>>, vector<16xf32>,
      %mul3A_540 = vector.broadcast %scan3A_122 : f32 to vector<16xf32>
      %mul3A_541 = arith.mulf %scan3A_533#1, %mul3A_540 : vector<16xf32>
      %swap3A_542 = arith.index_cast %add3A_526 : i32 to index
      %swap3A_543 = arith.constant 16 : index
      %swap3A_544 = tpu.vector_load %arg7[%swap3A_542, %swap3A_543] {strides = array<i32>} : memref<128x64xf32, #tpu.memory_space<vmem>>, vector<16xf32>,
      tpu.vector_store %arg7[%swap3A_542, %swap3A_543], %mul3A_541 {strides = array<i32>} : memref<128x64xf32, #tpu.memory_space<vmem>>, vector<16xf32>,
      %mul3A_545 = vector.broadcast %scan3A_122 : f32 to vector<16xf32>
      %mul3A_546 = arith.mulf %scan3A_533#2, %mul3A_545 : vector<16xf32>
      %swap3A_547 = arith.index_cast %add3A_526 : i32 to index
      %swap3A_548 = arith.constant 32 : index
      %swap3A_549 = tpu.vector_load %arg7[%swap3A_547, %swap3A_548] {strides = array<i32>} : memref<128x64xf32, #tpu.memory_space<vmem>>, vector<16xf32>,
      tpu.vector_store %arg7[%swap3A_547, %swap3A_548], %mul3A_546 {strides = array<i32>} : memref<128x64xf32, #tpu.memory_space<vmem>>, vector<16xf32>,
      %mul3A_550 = vector.broadcast %scan3A_122 : f32 to vector<16xf32>
      %mul3A_551 = arith.mulf %scan3A_533#3, %mul3A_550 : vector<16xf32>
      %swap3A_552 = arith.index_cast %add3A_526 : i32 to index
      %swap3A_553 = arith.constant 48 : index
      %swap3A_554 = tpu.vector_load %arg7[%swap3A_552, %swap3A_553] {strides = array<i32>} : memref<128x64xf32, #tpu.memory_space<vmem>>, vector<16xf32>,
      tpu.vector_store %arg7[%swap3A_552, %swap3A_553], %mul3A_551 {strides = array<i32>} : memref<128x64xf32, #tpu.memory_space<vmem>>, vector<16xf32>,
      %add3A_555 = arith.constant 4 : i32
      %add3A_556 = arith.addi %mul3A_241, %add3A_555 : i32
      %add3A_557 = arith.constant 6 : i32
      %add3A_558 = arith.addi %add3A_556, %add3A_557 : i32
      %lt3A_559 = arith.constant 128 : i32
      %lt3A_560 = arith.cmpi slt, %add3A_558, %lt3A_559 : i32
      %convert_element_type3A_561 = arith.extui %lt3A_560 : i1 to i32
      %cond3A_562 = arith.constant 0 : i32
      %cond3A_563 = arith.cmpi ne, %convert_element_type3A_561, %cond3A_562 : i32
      scf.if %cond3A_563 {
        %add3A_629 = arith.constant 4 : i32
        %add3A_630 = arith.addi %mul3A_241, %add3A_629 : i32
        %add3A_631 = arith.constant 6 : i32
        %add3A_632 = arith.addi %add3A_630, %add3A_631 : i32
        %mul3A_633 = arith.constant 200 : i32
        %mul3A_634 = arith.muli %add3A_632, %mul3A_633 : i32
        %dma_start3A_635 = arith.constant 4 : i32
        %dma_start3A_636 = arith.constant 0 : i32
        %dma_start3A_637 = arith.constant 0 : i32
        %dma_start3A_638 = tpu.memref_slice %arg6[%dma_start3A_635, %dma_start3A_636, %dma_start3A_637] : memref<6x200x64xf32, #tpu.memory_space<vmem>> -> memref<1x104x64xf32, #tpu.memory_space<vmem>>
        %dma_start3A_639 = tpu.memref_squeeze %dma_start3A_638 : memref<1x104x64xf32, #tpu.memory_space<vmem>> -> memref<104x64xf32, #tpu.memory_space<vmem>>
        %dma_start3A_640 = tpu.memref_slice %arg5[%mul3A_634] : memref<25600xi32, #tpu.memory_space<vmem>> -> memref<104xi32, #tpu.memory_space<vmem>>
        %dma_start3A_641 = arith.constant 0 : i32
        %dma_start3A_642 = arith.constant 0 : i32
        %dma_start3A_643 = tpu.memref_slice %arg3[%dma_start3A_641, %dma_start3A_642] : memref<100000x64xf32, #tpu.memory_space<hbm>> -> memref<100000x64xf32, #tpu.memory_space<hbm>>
        tpu.enqueue_indirect_dma source(%dma_start3A_643 : memref<100000x64xf32, #tpu.memory_space<hbm>>) target(%dma_start3A_639 : memref<104x64xf32, #tpu.memory_space<vmem>>) offsets(%dma_start3A_640 : memref<104xi32, #tpu.memory_space<vmem>>) semaphore(%arg12 : memref<!tpu.dma_semaphore, #tpu.memory_space<semaphore_mem>>)
        %mul3A_644 = arith.constant 200 : i32
        %mul3A_645 = arith.muli %add3A_632, %mul3A_644 : i32
        %add3A_646 = arith.constant 104 : i32
        %add3A_647 = arith.addi %mul3A_645, %add3A_646 : i32
        %dma_start3A_648 = arith.constant 4 : i32
        %dma_start3A_649 = arith.constant 104 : i32
        %dma_start3A_650 = arith.constant 0 : i32
        %dma_start3A_651 = tpu.memref_slice %arg6[%dma_start3A_648, %dma_start3A_649, %dma_start3A_650] : memref<6x200x64xf32, #tpu.memory_space<vmem>> -> memref<1x96x64xf32, #tpu.memory_space<vmem>>
        %dma_start3A_652 = tpu.memref_squeeze %dma_start3A_651 : memref<1x96x64xf32, #tpu.memory_space<vmem>> -> memref<96x64xf32, #tpu.memory_space<vmem>>
        %dma_start3A_653 = tpu.memref_slice %arg5[%add3A_647] : memref<25600xi32, #tpu.memory_space<vmem>> -> memref<96xi32, #tpu.memory_space<vmem>>
        %dma_start3A_654 = arith.constant 0 : i32
        %dma_start3A_655 = arith.constant 0 : i32
        %dma_start3A_656 = tpu.memref_slice %arg3[%dma_start3A_654, %dma_start3A_655] : memref<100000x64xf32, #tpu.memory_space<hbm>> -> memref<100000x64xf32, #tpu.memory_space<hbm>>
        tpu.enqueue_indirect_dma source(%dma_start3A_656 : memref<100000x64xf32, #tpu.memory_space<hbm>>) target(%dma_start3A_652 : memref<96x64xf32, #tpu.memory_space<vmem>>) offsets(%dma_start3A_653 : memref<96xi32, #tpu.memory_space<vmem>>) semaphore(%arg12 : memref<!tpu.dma_semaphore, #tpu.memory_space<semaphore_mem>>)
      } else {
      }
      %add3A_564 = arith.constant 5 : i32
      %add3A_565 = arith.addi %mul3A_241, %add3A_564 : i32
      %mul3A_566 = arith.constant 200 : i32
      %mul3A_567 = arith.muli %add3A_565, %mul3A_566 : i32
      %dma_wait3A_568 = arith.constant 5 : i32
      %dma_wait3A_569 = arith.constant 0 : i32
      %dma_wait3A_570 = arith.constant 0 : i32
      %dma_wait3A_571 = tpu.memref_slice %arg6[%dma_wait3A_568, %dma_wait3A_569, %dma_wait3A_570] : memref<6x200x64xf32, #tpu.memory_space<vmem>> -> memref<1x104x64xf32, #tpu.memory_space<vmem>>
      %dma_wait3A_572 = tpu.memref_squeeze %dma_wait3A_571 : memref<1x104x64xf32, #tpu.memory_space<vmem>> -> memref<104x64xf32, #tpu.memory_space<vmem>>
      %dma_wait3A_573 = tpu.memref_slice %arg5[%mul3A_567] : memref<25600xi32, #tpu.memory_space<vmem>> -> memref<104xi32, #tpu.memory_space<vmem>>
      %dma_wait3A_574 = arith.constant 0 : i32
      %dma_wait3A_575 = arith.constant 0 : i32
      %dma_wait3A_576 = tpu.memref_slice %arg3[%dma_wait3A_574, %dma_wait3A_575] : memref<100000x64xf32, #tpu.memory_space<hbm>> -> memref<100000x64xf32, #tpu.memory_space<hbm>>
      tpu.wait_indirect_dma semaphore(%arg13 : memref<!tpu.dma_semaphore, #tpu.memory_space<semaphore_mem>>) src(%dma_wait3A_576 : memref<100000x64xf32, #tpu.memory_space<hbm>>) dst(%dma_wait3A_572 : memref<104x64xf32, #tpu.memory_space<vmem>>)
      %mul3A_577 = arith.constant 200 : i32
      %mul3A_578 = arith.muli %add3A_565, %mul3A_577 : i32
      %add3A_579 = arith.constant 104 : i32
      %add3A_580 = arith.addi %mul3A_578, %add3A_579 : i32
      %dma_wait3A_581 = arith.constant 5 : i32
      %dma_wait3A_582 = arith.constant 104 : i32
      %dma_wait3A_583 = arith.constant 0 : i32
      %dma_wait3A_584 = tpu.memref_slice %arg6[%dma_wait3A_581, %dma_wait3A_582, %dma_wait3A_583] : memref<6x200x64xf32, #tpu.memory_space<vmem>> -> memref<1x96x64xf32, #tpu.memory_space<vmem>>
      %dma_wait3A_585 = tpu.memref_squeeze %dma_wait3A_584 : memref<1x96x64xf32, #tpu.memory_space<vmem>> -> memref<96x64xf32, #tpu.memory_space<vmem>>
      %dma_wait3A_586 = tpu.memref_slice %arg5[%add3A_580] : memref<25600xi32, #tpu.memory_space<vmem>> -> memref<96xi32, #tpu.memory_space<vmem>>
      %dma_wait3A_587 = arith.constant 0 : i32
      %dma_wait3A_588 = arith.constant 0 : i32
      %dma_wait3A_589 = tpu.memref_slice %arg3[%dma_wait3A_587, %dma_wait3A_588] : memref<100000x64xf32, #tpu.memory_space<hbm>> -> memref<100000x64xf32, #tpu.memory_space<hbm>>
      tpu.wait_indirect_dma semaphore(%arg13 : memref<!tpu.dma_semaphore, #tpu.memory_space<semaphore_mem>>) src(%dma_wait3A_589 : memref<100000x64xf32, #tpu.memory_space<hbm>>) dst(%dma_wait3A_585 : memref<96x64xf32, #tpu.memory_space<vmem>>)
      %add3A_590 = arith.constant 5 : i32
      %add3A_591 = arith.addi %mul3A_241, %add3A_590 : i32
      %broadcast_in_dim3A_592 = arith.constant 0.000000e+00 : f32
      %broadcast_in_dim3A_593 = vector.broadcast %broadcast_in_dim3A_592 : f32 to vector<16xf32>
      %scan3A_594 = arith.constant 0 : i32
      %scan3A_595 = arith.constant 50 : i32
      %scan3A_596 = arith.addi %scan3A_594, %scan3A_595 : i32
      %scan3A_597 = arith.constant 1 : i32
      %scan3A_598:4 = scf.for %scan3A_629 = %scan3A_594 to %scan3A_596 step %scan3A_597 iter_args(%scan3A_630 = %broadcast_in_dim3A_593, %scan3A_631 = %broadcast_in_dim3A_593, %scan3A_632 = %broadcast_in_dim3A_593, %scan3A_633 = %broadcast_in_dim3A_593) -> (vector<16xf32>, vector<16xf32>, vector<16xf32>, vector<16xf32>)  : i32 {
        %mul3A_634 = arith.constant 4 : i32
        %mul3A_635 = arith.muli %mul3A_634, %scan3A_629 : i32
        %add3A_636 = arith.constant 0 : i32
        %add3A_637 = arith.addi %mul3A_635, %add3A_636 : i32
        %get3A = arith.constant 5 : i32
        %get3A_638 = arith.index_cast %get3A : i32 to index
        %get3A_639 = arith.index_cast %add3A_637 : i32 to index
        %get3A_640 = arith.constant 0 : index
        %get3A_641 = tpu.vector_load %arg6[%get3A_638, %get3A_639, %get3A_640] {strides = array<i32>} : memref<6x200x64xf32, #tpu.memory_space<vmem>>, vector<16xf32>,
        %add3A_642 = arith.addf %scan3A_630, %get3A_641 : vector<16xf32>
        %get3A_643 = arith.constant 5 : i32
        %get3A_644 = arith.index_cast %get3A_643 : i32 to index
        %get3A_645 = arith.index_cast %add3A_637 : i32 to index
        %get3A_646 = arith.constant 16 : index
        %get3A_647 = tpu.vector_load %arg6[%get3A_644, %get3A_645, %get3A_646] {strides = array<i32>} : memref<6x200x64xf32, #tpu.memory_space<vmem>>, vector<16xf32>,
        %add3A_648 = arith.addf %scan3A_631, %get3A_647 : vector<16xf32>
        %get3A_649 = arith.constant 5 : i32
        %get3A_650 = arith.index_cast %get3A_649 : i32 to index
        %get3A_651 = arith.index_cast %add3A_637 : i32 to index
        %get3A_652 = arith.constant 32 : index
        %get3A_653 = tpu.vector_load %arg6[%get3A_650, %get3A_651, %get3A_652] {strides = array<i32>} : memref<6x200x64xf32, #tpu.memory_space<vmem>>, vector<16xf32>,
        %add3A_654 = arith.addf %scan3A_632, %get3A_653 : vector<16xf32>
        %get3A_655 = arith.constant 5 : i32
        %get3A_656 = arith.index_cast %get3A_655 : i32 to index
        %get3A_657 = arith.index_cast %add3A_637 : i32 to index
        %get3A_658 = arith.constant 48 : index
        %get3A_659 = tpu.vector_load %arg6[%get3A_656, %get3A_657, %get3A_658] {strides = array<i32>} : memref<6x200x64xf32, #tpu.memory_space<vmem>>, vector<16xf32>,
        %add3A_660 = arith.addf %scan3A_633, %get3A_659 : vector<16xf32>
        %mul3A_661 = arith.constant 4 : i32
        %mul3A_662 = arith.muli %mul3A_661, %scan3A_629 : i32
        %add3A_663 = arith.constant 1 : i32
        %add3A_664 = arith.addi %mul3A_662, %add3A_663 : i32
        %get3A_665 = arith.constant 5 : i32
        %get3A_666 = arith.index_cast %get3A_665 : i32 to index
        %get3A_667 = arith.index_cast %add3A_664 : i32 to index
        %get3A_668 = arith.constant 0 : index
        %get3A_669 = tpu.vector_load %arg6[%get3A_666, %get3A_667, %get3A_668] {strides = array<i32>} : memref<6x200x64xf32, #tpu.memory_space<vmem>>, vector<16xf32>,
        %add3A_670 = arith.addf %add3A_642, %get3A_669 : vector<16xf32>
        %get3A_671 = arith.constant 5 : i32
        %get3A_672 = arith.index_cast %get3A_671 : i32 to index
        %get3A_673 = arith.index_cast %add3A_664 : i32 to index
        %get3A_674 = arith.constant 16 : index
        %get3A_675 = tpu.vector_load %arg6[%get3A_672, %get3A_673, %get3A_674] {strides = array<i32>} : memref<6x200x64xf32, #tpu.memory_space<vmem>>, vector<16xf32>,
        %add3A_676 = arith.addf %add3A_648, %get3A_675 : vector<16xf32>
        %get3A_677 = arith.constant 5 : i32
        %get3A_678 = arith.index_cast %get3A_677 : i32 to index
        %get3A_679 = arith.index_cast %add3A_664 : i32 to index
        %get3A_680 = arith.constant 32 : index
        %get3A_681 = tpu.vector_load %arg6[%get3A_678, %get3A_679, %get3A_680] {strides = array<i32>} : memref<6x200x64xf32, #tpu.memory_space<vmem>>, vector<16xf32>,
        %add3A_682 = arith.addf %add3A_654, %get3A_681 : vector<16xf32>
        %get3A_683 = arith.constant 5 : i32
        %get3A_684 = arith.index_cast %get3A_683 : i32 to index
        %get3A_685 = arith.index_cast %add3A_664 : i32 to index
        %get3A_686 = arith.constant 48 : index
        %get3A_687 = tpu.vector_load %arg6[%get3A_684, %get3A_685, %get3A_686] {strides = array<i32>} : memref<6x200x64xf32, #tpu.memory_space<vmem>>, vector<16xf32>,
        %add3A_688 = arith.addf %add3A_660, %get3A_687 : vector<16xf32>
        %mul3A_689 = arith.constant 4 : i32
        %mul3A_690 = arith.muli %mul3A_689, %scan3A_629 : i32
        %add3A_691 = arith.constant 2 : i32
        %add3A_692 = arith.addi %mul3A_690, %add3A_691 : i32
        %get3A_693 = arith.constant 5 : i32
        %get3A_694 = arith.index_cast %get3A_693 : i32 to index
        %get3A_695 = arith.index_cast %add3A_692 : i32 to index
        %get3A_696 = arith.constant 0 : index
        %get3A_697 = tpu.vector_load %arg6[%get3A_694, %get3A_695, %get3A_696] {strides = array<i32>} : memref<6x200x64xf32, #tpu.memory_space<vmem>>, vector<16xf32>,
        %add3A_698 = arith.addf %add3A_670, %get3A_697 : vector<16xf32>
        %get3A_699 = arith.constant 5 : i32
        %get3A_700 = arith.index_cast %get3A_699 : i32 to index
        %get3A_701 = arith.index_cast %add3A_692 : i32 to index
        %get3A_702 = arith.constant 16 : index
        %get3A_703 = tpu.vector_load %arg6[%get3A_700, %get3A_701, %get3A_702] {strides = array<i32>} : memref<6x200x64xf32, #tpu.memory_space<vmem>>, vector<16xf32>,
        %add3A_704 = arith.addf %add3A_676, %get3A_703 : vector<16xf32>
        %get3A_705 = arith.constant 5 : i32
        %get3A_706 = arith.index_cast %get3A_705 : i32 to index
        %get3A_707 = arith.index_cast %add3A_692 : i32 to index
        %get3A_708 = arith.constant 32 : index
        %get3A_709 = tpu.vector_load %arg6[%get3A_706, %get3A_707, %get3A_708] {strides = array<i32>} : memref<6x200x64xf32, #tpu.memory_space<vmem>>, vector<16xf32>,
        %add3A_710 = arith.addf %add3A_682, %get3A_709 : vector<16xf32>
        %get3A_711 = arith.constant 5 : i32
        %get3A_712 = arith.index_cast %get3A_711 : i32 to index
        %get3A_713 = arith.index_cast %add3A_692 : i32 to index
        %get3A_714 = arith.constant 48 : index
        %get3A_715 = tpu.vector_load %arg6[%get3A_712, %get3A_713, %get3A_714] {strides = array<i32>} : memref<6x200x64xf32, #tpu.memory_space<vmem>>, vector<16xf32>,
        %add3A_716 = arith.addf %add3A_688, %get3A_715 : vector<16xf32>
        %mul3A_717 = arith.constant 4 : i32
        %mul3A_718 = arith.muli %mul3A_717, %scan3A_629 : i32
        %add3A_719 = arith.constant 3 : i32
        %add3A_720 = arith.addi %mul3A_718, %add3A_719 : i32
        %get3A_721 = arith.constant 5 : i32
        %get3A_722 = arith.index_cast %get3A_721 : i32 to index
        %get3A_723 = arith.index_cast %add3A_720 : i32 to index
        %get3A_724 = arith.constant 0 : index
        %get3A_725 = tpu.vector_load %arg6[%get3A_722, %get3A_723, %get3A_724] {strides = array<i32>} : memref<6x200x64xf32, #tpu.memory_space<vmem>>, vector<16xf32>,
        %add3A_726 = arith.addf %add3A_698, %get3A_725 : vector<16xf32>
        %get3A_727 = arith.constant 5 : i32
        %get3A_728 = arith.index_cast %get3A_727 : i32 to index
        %get3A_729 = arith.index_cast %add3A_720 : i32 to index
        %get3A_730 = arith.constant 16 : index
        %get3A_731 = tpu.vector_load %arg6[%get3A_728, %get3A_729, %get3A_730] {strides = array<i32>} : memref<6x200x64xf32, #tpu.memory_space<vmem>>, vector<16xf32>,
        %add3A_732 = arith.addf %add3A_704, %get3A_731 : vector<16xf32>
        %get3A_733 = arith.constant 5 : i32
        %get3A_734 = arith.index_cast %get3A_733 : i32 to index
        %get3A_735 = arith.index_cast %add3A_720 : i32 to index
        %get3A_736 = arith.constant 32 : index
        %get3A_737 = tpu.vector_load %arg6[%get3A_734, %get3A_735, %get3A_736] {strides = array<i32>} : memref<6x200x64xf32, #tpu.memory_space<vmem>>, vector<16xf32>,
        %add3A_738 = arith.addf %add3A_710, %get3A_737 : vector<16xf32>
        %get3A_739 = arith.constant 5 : i32
        %get3A_740 = arith.index_cast %get3A_739 : i32 to index
        %get3A_741 = arith.index_cast %add3A_720 : i32 to index
        %get3A_742 = arith.constant 48 : index
        %get3A_743 = tpu.vector_load %arg6[%get3A_740, %get3A_741, %get3A_742] {strides = array<i32>} : memref<6x200x64xf32, #tpu.memory_space<vmem>>, vector<16xf32>,
        %add3A_744 = arith.addf %add3A_716, %get3A_743 : vector<16xf32>
        scf.yield %add3A_726, %add3A_732, %add3A_738, %add3A_744 : vector<16xf32>, vector<16xf32>, vector<16xf32>, vector<16xf32>
      }
      %scan3A_599 = arith.constant 50 : i32
      %mul3A_600 = vector.broadcast %scan3A_122 : f32 to vector<16xf32>
      %mul3A_601 = arith.mulf %scan3A_598#0, %mul3A_600 : vector<16xf32>
      %swap3A_602 = arith.index_cast %add3A_591 : i32 to index
      %swap3A_603 = arith.constant 0 : index
      %swap3A_604 = tpu.vector_load %arg7[%swap3A_602, %swap3A_603] {strides = array<i32>} : memref<128x64xf32, #tpu.memory_space<vmem>>, vector<16xf32>,
      tpu.vector_store %arg7[%swap3A_602, %swap3A_603], %mul3A_601 {strides = array<i32>} : memref<128x64xf32, #tpu.memory_space<vmem>>, vector<16xf32>,
      %mul3A_605 = vector.broadcast %scan3A_122 : f32 to vector<16xf32>
      %mul3A_606 = arith.mulf %scan3A_598#1, %mul3A_605 : vector<16xf32>
      %swap3A_607 = arith.index_cast %add3A_591 : i32 to index
      %swap3A_608 = arith.constant 16 : index
      %swap3A_609 = tpu.vector_load %arg7[%swap3A_607, %swap3A_608] {strides = array<i32>} : memref<128x64xf32, #tpu.memory_space<vmem>>, vector<16xf32>,
      tpu.vector_store %arg7[%swap3A_607, %swap3A_608], %mul3A_606 {strides = array<i32>} : memref<128x64xf32, #tpu.memory_space<vmem>>, vector<16xf32>,
      %mul3A_610 = vector.broadcast %scan3A_122 : f32 to vector<16xf32>
      %mul3A_611 = arith.mulf %scan3A_598#2, %mul3A_610 : vector<16xf32>
      %swap3A_612 = arith.index_cast %add3A_591 : i32 to index
      %swap3A_613 = arith.constant 32 : index
      %swap3A_614 = tpu.vector_load %arg7[%swap3A_612, %swap3A_613] {strides = array<i32>} : memref<128x64xf32, #tpu.memory_space<vmem>>, vector<16xf32>,
      tpu.vector_store %arg7[%swap3A_612, %swap3A_613], %mul3A_611 {strides = array<i32>} : memref<128x64xf32, #tpu.memory_space<vmem>>, vector<16xf32>,
      %mul3A_615 = vector.broadcast %scan3A_122 : f32 to vector<16xf32>
      %mul3A_616 = arith.mulf %scan3A_598#3, %mul3A_615 : vector<16xf32>
      %swap3A_617 = arith.index_cast %add3A_591 : i32 to index
      %swap3A_618 = arith.constant 48 : index
      %swap3A_619 = tpu.vector_load %arg7[%swap3A_617, %swap3A_618] {strides = array<i32>} : memref<128x64xf32, #tpu.memory_space<vmem>>, vector<16xf32>,
      tpu.vector_store %arg7[%swap3A_617, %swap3A_618], %mul3A_616 {strides = array<i32>} : memref<128x64xf32, #tpu.memory_space<vmem>>, vector<16xf32>,
      %add3A_620 = arith.constant 5 : i32
      %add3A_621 = arith.addi %mul3A_241, %add3A_620 : i32
      %add3A_622 = arith.constant 6 : i32
      %add3A_623 = arith.addi %add3A_621, %add3A_622 : i32
      %lt3A_624 = arith.constant 128 : i32
      %lt3A_625 = arith.cmpi slt, %add3A_623, %lt3A_624 : i32
      %convert_element_type3A_626 = arith.extui %lt3A_625 : i1 to i32
      %cond3A_627 = arith.constant 0 : i32
      %cond3A_628 = arith.cmpi ne, %convert_element_type3A_626, %cond3A_627 : i32
      scf.if %cond3A_628 {
        %add3A_629 = arith.constant 5 : i32
        %add3A_630 = arith.addi %mul3A_241, %add3A_629 : i32
        %add3A_631 = arith.constant 6 : i32
        %add3A_632 = arith.addi %add3A_630, %add3A_631 : i32
        %mul3A_633 = arith.constant 200 : i32
        %mul3A_634 = arith.muli %add3A_632, %mul3A_633 : i32
        %dma_start3A_635 = arith.constant 5 : i32
        %dma_start3A_636 = arith.constant 0 : i32
        %dma_start3A_637 = arith.constant 0 : i32
        %dma_start3A_638 = tpu.memref_slice %arg6[%dma_start3A_635, %dma_start3A_636, %dma_start3A_637] : memref<6x200x64xf32, #tpu.memory_space<vmem>> -> memref<1x104x64xf32, #tpu.memory_space<vmem>>
        %dma_start3A_639 = tpu.memref_squeeze %dma_start3A_638 : memref<1x104x64xf32, #tpu.memory_space<vmem>> -> memref<104x64xf32, #tpu.memory_space<vmem>>
        %dma_start3A_640 = tpu.memref_slice %arg5[%mul3A_634] : memref<25600xi32, #tpu.memory_space<vmem>> -> memref<104xi32, #tpu.memory_space<vmem>>
        %dma_start3A_641 = arith.constant 0 : i32
        %dma_start3A_642 = arith.constant 0 : i32
        %dma_start3A_643 = tpu.memref_slice %arg3[%dma_start3A_641, %dma_start3A_642] : memref<100000x64xf32, #tpu.memory_space<hbm>> -> memref<100000x64xf32, #tpu.memory_space<hbm>>
        tpu.enqueue_indirect_dma source(%dma_start3A_643 : memref<100000x64xf32, #tpu.memory_space<hbm>>) target(%dma_start3A_639 : memref<104x64xf32, #tpu.memory_space<vmem>>) offsets(%dma_start3A_640 : memref<104xi32, #tpu.memory_space<vmem>>) semaphore(%arg13 : memref<!tpu.dma_semaphore, #tpu.memory_space<semaphore_mem>>)
        %mul3A_644 = arith.constant 200 : i32
        %mul3A_645 = arith.muli %add3A_632, %mul3A_644 : i32
        %add3A_646 = arith.constant 104 : i32
        %add3A_647 = arith.addi %mul3A_645, %add3A_646 : i32
        %dma_start3A_648 = arith.constant 5 : i32
        %dma_start3A_649 = arith.constant 104 : i32
        %dma_start3A_650 = arith.constant 0 : i32
        %dma_start3A_651 = tpu.memref_slice %arg6[%dma_start3A_648, %dma_start3A_649, %dma_start3A_650] : memref<6x200x64xf32, #tpu.memory_space<vmem>> -> memref<1x96x64xf32, #tpu.memory_space<vmem>>
        %dma_start3A_652 = tpu.memref_squeeze %dma_start3A_651 : memref<1x96x64xf32, #tpu.memory_space<vmem>> -> memref<96x64xf32, #tpu.memory_space<vmem>>
        %dma_start3A_653 = tpu.memref_slice %arg5[%add3A_647] : memref<25600xi32, #tpu.memory_space<vmem>> -> memref<96xi32, #tpu.memory_space<vmem>>
        %dma_start3A_654 = arith.constant 0 : i32
        %dma_start3A_655 = arith.constant 0 : i32
        %dma_start3A_656 = tpu.memref_slice %arg3[%dma_start3A_654, %dma_start3A_655] : memref<100000x64xf32, #tpu.memory_space<hbm>> -> memref<100000x64xf32, #tpu.memory_space<hbm>>
        tpu.enqueue_indirect_dma source(%dma_start3A_656 : memref<100000x64xf32, #tpu.memory_space<hbm>>) target(%dma_start3A_652 : memref<96x64xf32, #tpu.memory_space<vmem>>) offsets(%dma_start3A_653 : memref<96xi32, #tpu.memory_space<vmem>>) semaphore(%arg13 : memref<!tpu.dma_semaphore, #tpu.memory_space<semaphore_mem>>)
      } else {
      }
    }
    %scan3A_127 = arith.constant 21 : i32
    %dma_wait3A = arith.constant 0 : i32
    %dma_wait3A_128 = arith.constant 0 : i32
    %dma_wait3A_129 = arith.constant 0 : i32
    %dma_wait3A_130 = tpu.memref_slice %arg6[%dma_wait3A, %dma_wait3A_128, %dma_wait3A_129] : memref<6x200x64xf32, #tpu.memory_space<vmem>> -> memref<1x104x64xf32, #tpu.memory_space<vmem>>
    %dma_wait3A_131 = tpu.memref_squeeze %dma_wait3A_130 : memref<1x104x64xf32, #tpu.memory_space<vmem>> -> memref<104x64xf32, #tpu.memory_space<vmem>>
    %dma_wait3A_132 = arith.constant 25200 : i32
    %dma_wait3A_133 = tpu.memref_slice %arg5[%dma_wait3A_132] : memref<25600xi32, #tpu.memory_space<vmem>> -> memref<104xi32, #tpu.memory_space<vmem>>
    %dma_wait3A_134 = arith.constant 0 : i32
    %dma_wait3A_135 = arith.constant 0 : i32
    %dma_wait3A_136 = tpu.memref_slice %arg3[%dma_wait3A_134, %dma_wait3A_135] : memref<100000x64xf32, #tpu.memory_space<hbm>> -> memref<100000x64xf32, #tpu.memory_space<hbm>>
    tpu.wait_indirect_dma semaphore(%arg8 : memref<!tpu.dma_semaphore, #tpu.memory_space<semaphore_mem>>) src(%dma_wait3A_136 : memref<100000x64xf32, #tpu.memory_space<hbm>>) dst(%dma_wait3A_131 : memref<104x64xf32, #tpu.memory_space<vmem>>)
    %dma_wait3A_137 = arith.constant 0 : i32
    %dma_wait3A_138 = arith.constant 104 : i32
    %dma_wait3A_139 = arith.constant 0 : i32
    %dma_wait3A_140 = tpu.memref_slice %arg6[%dma_wait3A_137, %dma_wait3A_138, %dma_wait3A_139] : memref<6x200x64xf32, #tpu.memory_space<vmem>> -> memref<1x96x64xf32, #tpu.memory_space<vmem>>
    %dma_wait3A_141 = tpu.memref_squeeze %dma_wait3A_140 : memref<1x96x64xf32, #tpu.memory_space<vmem>> -> memref<96x64xf32, #tpu.memory_space<vmem>>
    %dma_wait3A_142 = arith.constant 25304 : i32
    %dma_wait3A_143 = tpu.memref_slice %arg5[%dma_wait3A_142] : memref<25600xi32, #tpu.memory_space<vmem>> -> memref<96xi32, #tpu.memory_space<vmem>>
    %dma_wait3A_144 = arith.constant 0 : i32
    %dma_wait3A_145 = arith.constant 0 : i32
    %dma_wait3A_146 = tpu.memref_slice %arg3[%dma_wait3A_144, %dma_wait3A_145] : memref<100000x64xf32, #tpu.memory_space<hbm>> -> memref<100000x64xf32, #tpu.memory_space<hbm>>
    tpu.wait_indirect_dma semaphore(%arg8 : memref<!tpu.dma_semaphore, #tpu.memory_space<semaphore_mem>>) src(%dma_wait3A_146 : memref<100000x64xf32, #tpu.memory_space<hbm>>) dst(%dma_wait3A_141 : memref<96x64xf32, #tpu.memory_space<vmem>>)
    %broadcast_in_dim3A = arith.constant 0.000000e+00 : f32
    %broadcast_in_dim3A_147 = vector.broadcast %broadcast_in_dim3A : f32 to vector<16xf32>
    %scan3A_148 = arith.constant 0 : i32
    %scan3A_149 = arith.constant 50 : i32
    %scan3A_150 = arith.addi %scan3A_148, %scan3A_149 : i32
    %scan3A_151 = arith.constant 1 : i32
    %scan3A_152:4 = scf.for %scan3A_239 = %scan3A_148 to %scan3A_150 step %scan3A_151 iter_args(%scan3A_240 = %broadcast_in_dim3A_147, %scan3A_241 = %broadcast_in_dim3A_147, %scan3A_242 = %broadcast_in_dim3A_147, %scan3A_243 = %broadcast_in_dim3A_147) -> (vector<16xf32>, vector<16xf32>, vector<16xf32>, vector<16xf32>)  : i32 {
      %mul3A_244 = arith.constant 4 : i32
      %mul3A_245 = arith.muli %mul3A_244, %scan3A_239 : i32
      %add3A_246 = arith.constant 0 : i32
      %add3A_247 = arith.addi %mul3A_245, %add3A_246 : i32
      %get3A = arith.constant 0 : i32
      %get3A_248 = arith.index_cast %get3A : i32 to index
      %get3A_249 = arith.index_cast %add3A_247 : i32 to index
      %get3A_250 = arith.constant 0 : index
      %get3A_251 = tpu.vector_load %arg6[%get3A_248, %get3A_249, %get3A_250] {strides = array<i32>} : memref<6x200x64xf32, #tpu.memory_space<vmem>>, vector<16xf32>,
      %add3A_252 = arith.addf %scan3A_240, %get3A_251 : vector<16xf32>
      %get3A_253 = arith.constant 0 : i32
      %get3A_254 = arith.index_cast %get3A_253 : i32 to index
      %get3A_255 = arith.index_cast %add3A_247 : i32 to index
      %get3A_256 = arith.constant 16 : index
      %get3A_257 = tpu.vector_load %arg6[%get3A_254, %get3A_255, %get3A_256] {strides = array<i32>} : memref<6x200x64xf32, #tpu.memory_space<vmem>>, vector<16xf32>,
      %add3A_258 = arith.addf %scan3A_241, %get3A_257 : vector<16xf32>
      %get3A_259 = arith.constant 0 : i32
      %get3A_260 = arith.index_cast %get3A_259 : i32 to index
      %get3A_261 = arith.index_cast %add3A_247 : i32 to index
      %get3A_262 = arith.constant 32 : index
      %get3A_263 = tpu.vector_load %arg6[%get3A_260, %get3A_261, %get3A_262] {strides = array<i32>} : memref<6x200x64xf32, #tpu.memory_space<vmem>>, vector<16xf32>,
      %add3A_264 = arith.addf %scan3A_242, %get3A_263 : vector<16xf32>
      %get3A_265 = arith.constant 0 : i32
      %get3A_266 = arith.index_cast %get3A_265 : i32 to index
      %get3A_267 = arith.index_cast %add3A_247 : i32 to index
      %get3A_268 = arith.constant 48 : index
      %get3A_269 = tpu.vector_load %arg6[%get3A_266, %get3A_267, %get3A_268] {strides = array<i32>} : memref<6x200x64xf32, #tpu.memory_space<vmem>>, vector<16xf32>,
      %add3A_270 = arith.addf %scan3A_243, %get3A_269 : vector<16xf32>
      %mul3A_271 = arith.constant 4 : i32
      %mul3A_272 = arith.muli %mul3A_271, %scan3A_239 : i32
      %add3A_273 = arith.constant 1 : i32
      %add3A_274 = arith.addi %mul3A_272, %add3A_273 : i32
      %get3A_275 = arith.constant 0 : i32
      %get3A_276 = arith.index_cast %get3A_275 : i32 to index
      %get3A_277 = arith.index_cast %add3A_274 : i32 to index
      %get3A_278 = arith.constant 0 : index
      %get3A_279 = tpu.vector_load %arg6[%get3A_276, %get3A_277, %get3A_278] {strides = array<i32>} : memref<6x200x64xf32, #tpu.memory_space<vmem>>, vector<16xf32>,
      %add3A_280 = arith.addf %add3A_252, %get3A_279 : vector<16xf32>
      %get3A_281 = arith.constant 0 : i32
      %get3A_282 = arith.index_cast %get3A_281 : i32 to index
      %get3A_283 = arith.index_cast %add3A_274 : i32 to index
      %get3A_284 = arith.constant 16 : index
      %get3A_285 = tpu.vector_load %arg6[%get3A_282, %get3A_283, %get3A_284] {strides = array<i32>} : memref<6x200x64xf32, #tpu.memory_space<vmem>>, vector<16xf32>,
      %add3A_286 = arith.addf %add3A_258, %get3A_285 : vector<16xf32>
      %get3A_287 = arith.constant 0 : i32
      %get3A_288 = arith.index_cast %get3A_287 : i32 to index
      %get3A_289 = arith.index_cast %add3A_274 : i32 to index
      %get3A_290 = arith.constant 32 : index
      %get3A_291 = tpu.vector_load %arg6[%get3A_288, %get3A_289, %get3A_290] {strides = array<i32>} : memref<6x200x64xf32, #tpu.memory_space<vmem>>, vector<16xf32>,
      %add3A_292 = arith.addf %add3A_264, %get3A_291 : vector<16xf32>
      %get3A_293 = arith.constant 0 : i32
      %get3A_294 = arith.index_cast %get3A_293 : i32 to index
      %get3A_295 = arith.index_cast %add3A_274 : i32 to index
      %get3A_296 = arith.constant 48 : index
      %get3A_297 = tpu.vector_load %arg6[%get3A_294, %get3A_295, %get3A_296] {strides = array<i32>} : memref<6x200x64xf32, #tpu.memory_space<vmem>>, vector<16xf32>,
      %add3A_298 = arith.addf %add3A_270, %get3A_297 : vector<16xf32>
      %mul3A_299 = arith.constant 4 : i32
      %mul3A_300 = arith.muli %mul3A_299, %scan3A_239 : i32
      %add3A_301 = arith.constant 2 : i32
      %add3A_302 = arith.addi %mul3A_300, %add3A_301 : i32
      %get3A_303 = arith.constant 0 : i32
      %get3A_304 = arith.index_cast %get3A_303 : i32 to index
      %get3A_305 = arith.index_cast %add3A_302 : i32 to index
      %get3A_306 = arith.constant 0 : index
      %get3A_307 = tpu.vector_load %arg6[%get3A_304, %get3A_305, %get3A_306] {strides = array<i32>} : memref<6x200x64xf32, #tpu.memory_space<vmem>>, vector<16xf32>,
      %add3A_308 = arith.addf %add3A_280, %get3A_307 : vector<16xf32>
      %get3A_309 = arith.constant 0 : i32
      %get3A_310 = arith.index_cast %get3A_309 : i32 to index
      %get3A_311 = arith.index_cast %add3A_302 : i32 to index
      %get3A_312 = arith.constant 16 : index
      %get3A_313 = tpu.vector_load %arg6[%get3A_310, %get3A_311, %get3A_312] {strides = array<i32>} : memref<6x200x64xf32, #tpu.memory_space<vmem>>, vector<16xf32>,
      %add3A_314 = arith.addf %add3A_286, %get3A_313 : vector<16xf32>
      %get3A_315 = arith.constant 0 : i32
      %get3A_316 = arith.index_cast %get3A_315 : i32 to index
      %get3A_317 = arith.index_cast %add3A_302 : i32 to index
      %get3A_318 = arith.constant 32 : index
      %get3A_319 = tpu.vector_load %arg6[%get3A_316, %get3A_317, %get3A_318] {strides = array<i32>} : memref<6x200x64xf32, #tpu.memory_space<vmem>>, vector<16xf32>,
      %add3A_320 = arith.addf %add3A_292, %get3A_319 : vector<16xf32>
      %get3A_321 = arith.constant 0 : i32
      %get3A_322 = arith.index_cast %get3A_321 : i32 to index
      %get3A_323 = arith.index_cast %add3A_302 : i32 to index
      %get3A_324 = arith.constant 48 : index
      %get3A_325 = tpu.vector_load %arg6[%get3A_322, %get3A_323, %get3A_324] {strides = array<i32>} : memref<6x200x64xf32, #tpu.memory_space<vmem>>, vector<16xf32>,
      %add3A_326 = arith.addf %add3A_298, %get3A_325 : vector<16xf32>
      %mul3A_327 = arith.constant 4 : i32
      %mul3A_328 = arith.muli %mul3A_327, %scan3A_239 : i32
      %add3A_329 = arith.constant 3 : i32
      %add3A_330 = arith.addi %mul3A_328, %add3A_329 : i32
      %get3A_331 = arith.constant 0 : i32
      %get3A_332 = arith.index_cast %get3A_331 : i32 to index
      %get3A_333 = arith.index_cast %add3A_330 : i32 to index
      %get3A_334 = arith.constant 0 : index
      %get3A_335 = tpu.vector_load %arg6[%get3A_332, %get3A_333, %get3A_334] {strides = array<i32>} : memref<6x200x64xf32, #tpu.memory_space<vmem>>, vector<16xf32>,
      %add3A_336 = arith.addf %add3A_308, %get3A_335 : vector<16xf32>
      %get3A_337 = arith.constant 0 : i32
      %get3A_338 = arith.index_cast %get3A_337 : i32 to index
      %get3A_339 = arith.index_cast %add3A_330 : i32 to index
      %get3A_340 = arith.constant 16 : index
      %get3A_341 = tpu.vector_load %arg6[%get3A_338, %get3A_339, %get3A_340] {strides = array<i32>} : memref<6x200x64xf32, #tpu.memory_space<vmem>>, vector<16xf32>,
      %add3A_342 = arith.addf %add3A_314, %get3A_341 : vector<16xf32>
      %get3A_343 = arith.constant 0 : i32
      %get3A_344 = arith.index_cast %get3A_343 : i32 to index
      %get3A_345 = arith.index_cast %add3A_330 : i32 to index
      %get3A_346 = arith.constant 32 : index
      %get3A_347 = tpu.vector_load %arg6[%get3A_344, %get3A_345, %get3A_346] {strides = array<i32>} : memref<6x200x64xf32, #tpu.memory_space<vmem>>, vector<16xf32>,
      %add3A_348 = arith.addf %add3A_320, %get3A_347 : vector<16xf32>
      %get3A_349 = arith.constant 0 : i32
      %get3A_350 = arith.index_cast %get3A_349 : i32 to index
      %get3A_351 = arith.index_cast %add3A_330 : i32 to index
      %get3A_352 = arith.constant 48 : index
      %get3A_353 = tpu.vector_load %arg6[%get3A_350, %get3A_351, %get3A_352] {strides = array<i32>} : memref<6x200x64xf32, #tpu.memory_space<vmem>>, vector<16xf32>,
      %add3A_354 = arith.addf %add3A_326, %get3A_353 : vector<16xf32>
      scf.yield %add3A_336, %add3A_342, %add3A_348, %add3A_354 : vector<16xf32>, vector<16xf32>, vector<16xf32>, vector<16xf32>
    }
    %scan3A_153 = arith.constant 50 : i32
    %mul3A_154 = arith.constant 5.000000e-03 : f32
    %mul3A_155 = vector.broadcast %mul3A_154 : f32 to vector<16xf32>
    %mul3A_156 = arith.mulf %scan3A_152#0, %mul3A_155 : vector<16xf32>
    %swap3A = arith.constant 126 : i32
    %swap3A_157 = arith.index_cast %swap3A : i32 to index
    %swap3A_158 = arith.constant 0 : index
    %swap3A_159 = tpu.vector_load %arg7[%swap3A_157, %swap3A_158] {strides = array<i32>} : memref<128x64xf32, #tpu.memory_space<vmem>>, vector<16xf32>,
    tpu.vector_store %arg7[%swap3A_157, %swap3A_158], %mul3A_156 {strides = array<i32>} : memref<128x64xf32, #tpu.memory_space<vmem>>, vector<16xf32>,
    %mul3A_160 = arith.constant 5.000000e-03 : f32
    %mul3A_161 = vector.broadcast %mul3A_160 : f32 to vector<16xf32>
    %mul3A_162 = arith.mulf %scan3A_152#1, %mul3A_161 : vector<16xf32>
    %swap3A_163 = arith.constant 126 : i32
    %swap3A_164 = arith.index_cast %swap3A_163 : i32 to index
    %swap3A_165 = arith.constant 16 : index
    %swap3A_166 = tpu.vector_load %arg7[%swap3A_164, %swap3A_165] {strides = array<i32>} : memref<128x64xf32, #tpu.memory_space<vmem>>, vector<16xf32>,
    tpu.vector_store %arg7[%swap3A_164, %swap3A_165], %mul3A_162 {strides = array<i32>} : memref<128x64xf32, #tpu.memory_space<vmem>>, vector<16xf32>,
    %mul3A_167 = arith.constant 5.000000e-03 : f32
    %mul3A_168 = vector.broadcast %mul3A_167 : f32 to vector<16xf32>
    %mul3A_169 = arith.mulf %scan3A_152#2, %mul3A_168 : vector<16xf32>
    %swap3A_170 = arith.constant 126 : i32
    %swap3A_171 = arith.index_cast %swap3A_170 : i32 to index
    %swap3A_172 = arith.constant 32 : index
    %swap3A_173 = tpu.vector_load %arg7[%swap3A_171, %swap3A_172] {strides = array<i32>} : memref<128x64xf32, #tpu.memory_space<vmem>>, vector<16xf32>,
    tpu.vector_store %arg7[%swap3A_171, %swap3A_172], %mul3A_169 {strides = array<i32>} : memref<128x64xf32, #tpu.memory_space<vmem>>, vector<16xf32>,
    %mul3A_174 = arith.constant 5.000000e-03 : f32
    %mul3A_175 = vector.broadcast %mul3A_174 : f32 to vector<16xf32>
    %mul3A_176 = arith.mulf %scan3A_152#3, %mul3A_175 : vector<16xf32>
    %swap3A_177 = arith.constant 126 : i32
    %swap3A_178 = arith.index_cast %swap3A_177 : i32 to index
    %swap3A_179 = arith.constant 48 : index
    %swap3A_180 = tpu.vector_load %arg7[%swap3A_178, %swap3A_179] {strides = array<i32>} : memref<128x64xf32, #tpu.memory_space<vmem>>, vector<16xf32>,
    tpu.vector_store %arg7[%swap3A_178, %swap3A_179], %mul3A_176 {strides = array<i32>} : memref<128x64xf32, #tpu.memory_space<vmem>>, vector<16xf32>,
    %dma_wait3A_181 = arith.constant 1 : i32
    %dma_wait3A_182 = arith.constant 0 : i32
    %dma_wait3A_183 = arith.constant 0 : i32
    %dma_wait3A_184 = tpu.memref_slice %arg6[%dma_wait3A_181, %dma_wait3A_182, %dma_wait3A_183] : memref<6x200x64xf32, #tpu.memory_space<vmem>> -> memref<1x104x64xf32, #tpu.memory_space<vmem>>
    %dma_wait3A_185 = tpu.memref_squeeze %dma_wait3A_184 : memref<1x104x64xf32, #tpu.memory_space<vmem>> -> memref<104x64xf32, #tpu.memory_space<vmem>>
    %dma_wait3A_186 = arith.constant 25400 : i32
    %dma_wait3A_187 = tpu.memref_slice %arg5[%dma_wait3A_186] : memref<25600xi32, #tpu.memory_space<vmem>> -> memref<104xi32, #tpu.memory_space<vmem>>
    %dma_wait3A_188 = arith.constant 0 : i32
    %dma_wait3A_189 = arith.constant 0 : i32
    %dma_wait3A_190 = tpu.memref_slice %arg3[%dma_wait3A_188, %dma_wait3A_189] : memref<100000x64xf32, #tpu.memory_space<hbm>> -> memref<100000x64xf32, #tpu.memory_space<hbm>>
    tpu.wait_indirect_dma semaphore(%arg9 : memref<!tpu.dma_semaphore, #tpu.memory_space<semaphore_mem>>) src(%dma_wait3A_190 : memref<100000x64xf32, #tpu.memory_space<hbm>>) dst(%dma_wait3A_185 : memref<104x64xf32, #tpu.memory_space<vmem>>)
    %dma_wait3A_191 = arith.constant 1 : i32
    %dma_wait3A_192 = arith.constant 104 : i32
    %dma_wait3A_193 = arith.constant 0 : i32
    %dma_wait3A_194 = tpu.memref_slice %arg6[%dma_wait3A_191, %dma_wait3A_192, %dma_wait3A_193] : memref<6x200x64xf32, #tpu.memory_space<vmem>> -> memref<1x96x64xf32, #tpu.memory_space<vmem>>
    %dma_wait3A_195 = tpu.memref_squeeze %dma_wait3A_194 : memref<1x96x64xf32, #tpu.memory_space<vmem>> -> memref<96x64xf32, #tpu.memory_space<vmem>>
    %dma_wait3A_196 = arith.constant 25504 : i32
    %dma_wait3A_197 = tpu.memref_slice %arg5[%dma_wait3A_196] : memref<25600xi32, #tpu.memory_space<vmem>> -> memref<96xi32, #tpu.memory_space<vmem>>
    %dma_wait3A_198 = arith.constant 0 : i32
    %dma_wait3A_199 = arith.constant 0 : i32
    %dma_wait3A_200 = tpu.memref_slice %arg3[%dma_wait3A_198, %dma_wait3A_199] : memref<100000x64xf32, #tpu.memory_space<hbm>> -> memref<100000x64xf32, #tpu.memory_space<hbm>>
    tpu.wait_indirect_dma semaphore(%arg9 : memref<!tpu.dma_semaphore, #tpu.memory_space<semaphore_mem>>) src(%dma_wait3A_200 : memref<100000x64xf32, #tpu.memory_space<hbm>>) dst(%dma_wait3A_195 : memref<96x64xf32, #tpu.memory_space<vmem>>)
    %broadcast_in_dim3A_201 = arith.constant 0.000000e+00 : f32
    %broadcast_in_dim3A_202 = vector.broadcast %broadcast_in_dim3A_201 : f32 to vector<16xf32>
    %scan3A_203 = arith.constant 0 : i32
    %scan3A_204 = arith.constant 50 : i32
    %scan3A_205 = arith.addi %scan3A_203, %scan3A_204 : i32
    %scan3A_206 = arith.constant 1 : i32
    %scan3A_207:4 = scf.for %scan3A_239 = %scan3A_203 to %scan3A_205 step %scan3A_206 iter_args(%scan3A_240 = %broadcast_in_dim3A_202, %scan3A_241 = %broadcast_in_dim3A_202, %scan3A_242 = %broadcast_in_dim3A_202, %scan3A_243 = %broadcast_in_dim3A_202) -> (vector<16xf32>, vector<16xf32>, vector<16xf32>, vector<16xf32>)  : i32 {
      %mul3A_244 = arith.constant 4 : i32
      %mul3A_245 = arith.muli %mul3A_244, %scan3A_239 : i32
      %add3A_246 = arith.constant 0 : i32
      %add3A_247 = arith.addi %mul3A_245, %add3A_246 : i32
      %get3A = arith.constant 1 : i32
      %get3A_248 = arith.index_cast %get3A : i32 to index
      %get3A_249 = arith.index_cast %add3A_247 : i32 to index
      %get3A_250 = arith.constant 0 : index
      %get3A_251 = tpu.vector_load %arg6[%get3A_248, %get3A_249, %get3A_250] {strides = array<i32>} : memref<6x200x64xf32, #tpu.memory_space<vmem>>, vector<16xf32>,
      %add3A_252 = arith.addf %scan3A_240, %get3A_251 : vector<16xf32>
      %get3A_253 = arith.constant 1 : i32
      %get3A_254 = arith.index_cast %get3A_253 : i32 to index
      %get3A_255 = arith.index_cast %add3A_247 : i32 to index
      %get3A_256 = arith.constant 16 : index
      %get3A_257 = tpu.vector_load %arg6[%get3A_254, %get3A_255, %get3A_256] {strides = array<i32>} : memref<6x200x64xf32, #tpu.memory_space<vmem>>, vector<16xf32>,
      %add3A_258 = arith.addf %scan3A_241, %get3A_257 : vector<16xf32>
      %get3A_259 = arith.constant 1 : i32
      %get3A_260 = arith.index_cast %get3A_259 : i32 to index
      %get3A_261 = arith.index_cast %add3A_247 : i32 to index
      %get3A_262 = arith.constant 32 : index
      %get3A_263 = tpu.vector_load %arg6[%get3A_260, %get3A_261, %get3A_262] {strides = array<i32>} : memref<6x200x64xf32, #tpu.memory_space<vmem>>, vector<16xf32>,
      %add3A_264 = arith.addf %scan3A_242, %get3A_263 : vector<16xf32>
      %get3A_265 = arith.constant 1 : i32
      %get3A_266 = arith.index_cast %get3A_265 : i32 to index
      %get3A_267 = arith.index_cast %add3A_247 : i32 to index
      %get3A_268 = arith.constant 48 : index
      %get3A_269 = tpu.vector_load %arg6[%get3A_266, %get3A_267, %get3A_268] {strides = array<i32>} : memref<6x200x64xf32, #tpu.memory_space<vmem>>, vector<16xf32>,
      %add3A_270 = arith.addf %scan3A_243, %get3A_269 : vector<16xf32>
      %mul3A_271 = arith.constant 4 : i32
      %mul3A_272 = arith.muli %mul3A_271, %scan3A_239 : i32
      %add3A_273 = arith.constant 1 : i32
      %add3A_274 = arith.addi %mul3A_272, %add3A_273 : i32
      %get3A_275 = arith.constant 1 : i32
      %get3A_276 = arith.index_cast %get3A_275 : i32 to index
      %get3A_277 = arith.index_cast %add3A_274 : i32 to index
      %get3A_278 = arith.constant 0 : index
      %get3A_279 = tpu.vector_load %arg6[%get3A_276, %get3A_277, %get3A_278] {strides = array<i32>} : memref<6x200x64xf32, #tpu.memory_space<vmem>>, vector<16xf32>,
      %add3A_280 = arith.addf %add3A_252, %get3A_279 : vector<16xf32>
      %get3A_281 = arith.constant 1 : i32
      %get3A_282 = arith.index_cast %get3A_281 : i32 to index
      %get3A_283 = arith.index_cast %add3A_274 : i32 to index
      %get3A_284 = arith.constant 16 : index
      %get3A_285 = tpu.vector_load %arg6[%get3A_282, %get3A_283, %get3A_284] {strides = array<i32>} : memref<6x200x64xf32, #tpu.memory_space<vmem>>, vector<16xf32>,
      %add3A_286 = arith.addf %add3A_258, %get3A_285 : vector<16xf32>
      %get3A_287 = arith.constant 1 : i32
      %get3A_288 = arith.index_cast %get3A_287 : i32 to index
      %get3A_289 = arith.index_cast %add3A_274 : i32 to index
      %get3A_290 = arith.constant 32 : index
      %get3A_291 = tpu.vector_load %arg6[%get3A_288, %get3A_289, %get3A_290] {strides = array<i32>} : memref<6x200x64xf32, #tpu.memory_space<vmem>>, vector<16xf32>,
      %add3A_292 = arith.addf %add3A_264, %get3A_291 : vector<16xf32>
      %get3A_293 = arith.constant 1 : i32
      %get3A_294 = arith.index_cast %get3A_293 : i32 to index
      %get3A_295 = arith.index_cast %add3A_274 : i32 to index
      %get3A_296 = arith.constant 48 : index
      %get3A_297 = tpu.vector_load %arg6[%get3A_294, %get3A_295, %get3A_296] {strides = array<i32>} : memref<6x200x64xf32, #tpu.memory_space<vmem>>, vector<16xf32>,
      %add3A_298 = arith.addf %add3A_270, %get3A_297 : vector<16xf32>
      %mul3A_299 = arith.constant 4 : i32
      %mul3A_300 = arith.muli %mul3A_299, %scan3A_239 : i32
      %add3A_301 = arith.constant 2 : i32
      %add3A_302 = arith.addi %mul3A_300, %add3A_301 : i32
      %get3A_303 = arith.constant 1 : i32
      %get3A_304 = arith.index_cast %get3A_303 : i32 to index
      %get3A_305 = arith.index_cast %add3A_302 : i32 to index
      %get3A_306 = arith.constant 0 : index
      %get3A_307 = tpu.vector_load %arg6[%get3A_304, %get3A_305, %get3A_306] {strides = array<i32>} : memref<6x200x64xf32, #tpu.memory_space<vmem>>, vector<16xf32>,
      %add3A_308 = arith.addf %add3A_280, %get3A_307 : vector<16xf32>
      %get3A_309 = arith.constant 1 : i32
      %get3A_310 = arith.index_cast %get3A_309 : i32 to index
      %get3A_311 = arith.index_cast %add3A_302 : i32 to index
      %get3A_312 = arith.constant 16 : index
      %get3A_313 = tpu.vector_load %arg6[%get3A_310, %get3A_311, %get3A_312] {strides = array<i32>} : memref<6x200x64xf32, #tpu.memory_space<vmem>>, vector<16xf32>,
      %add3A_314 = arith.addf %add3A_286, %get3A_313 : vector<16xf32>
      %get3A_315 = arith.constant 1 : i32
      %get3A_316 = arith.index_cast %get3A_315 : i32 to index
      %get3A_317 = arith.index_cast %add3A_302 : i32 to index
      %get3A_318 = arith.constant 32 : index
      %get3A_319 = tpu.vector_load %arg6[%get3A_316, %get3A_317, %get3A_318] {strides = array<i32>} : memref<6x200x64xf32, #tpu.memory_space<vmem>>, vector<16xf32>,
      %add3A_320 = arith.addf %add3A_292, %get3A_319 : vector<16xf32>
      %get3A_321 = arith.constant 1 : i32
      %get3A_322 = arith.index_cast %get3A_321 : i32 to index
      %get3A_323 = arith.index_cast %add3A_302 : i32 to index
      %get3A_324 = arith.constant 48 : index
      %get3A_325 = tpu.vector_load %arg6[%get3A_322, %get3A_323, %get3A_324] {strides = array<i32>} : memref<6x200x64xf32, #tpu.memory_space<vmem>>, vector<16xf32>,
      %add3A_326 = arith.addf %add3A_298, %get3A_325 : vector<16xf32>
      %mul3A_327 = arith.constant 4 : i32
      %mul3A_328 = arith.muli %mul3A_327, %scan3A_239 : i32
      %add3A_329 = arith.constant 3 : i32
      %add3A_330 = arith.addi %mul3A_328, %add3A_329 : i32
      %get3A_331 = arith.constant 1 : i32
      %get3A_332 = arith.index_cast %get3A_331 : i32 to index
      %get3A_333 = arith.index_cast %add3A_330 : i32 to index
      %get3A_334 = arith.constant 0 : index
      %get3A_335 = tpu.vector_load %arg6[%get3A_332, %get3A_333, %get3A_334] {strides = array<i32>} : memref<6x200x64xf32, #tpu.memory_space<vmem>>, vector<16xf32>,
      %add3A_336 = arith.addf %add3A_308, %get3A_335 : vector<16xf32>
      %get3A_337 = arith.constant 1 : i32
      %get3A_338 = arith.index_cast %get3A_337 : i32 to index
      %get3A_339 = arith.index_cast %add3A_330 : i32 to index
      %get3A_340 = arith.constant 16 : index
      %get3A_341 = tpu.vector_load %arg6[%get3A_338, %get3A_339, %get3A_340] {strides = array<i32>} : memref<6x200x64xf32, #tpu.memory_space<vmem>>, vector<16xf32>,
      %add3A_342 = arith.addf %add3A_314, %get3A_341 : vector<16xf32>
      %get3A_343 = arith.constant 1 : i32
      %get3A_344 = arith.index_cast %get3A_343 : i32 to index
      %get3A_345 = arith.index_cast %add3A_330 : i32 to index
      %get3A_346 = arith.constant 32 : index
      %get3A_347 = tpu.vector_load %arg6[%get3A_344, %get3A_345, %get3A_346] {strides = array<i32>} : memref<6x200x64xf32, #tpu.memory_space<vmem>>, vector<16xf32>,
      %add3A_348 = arith.addf %add3A_320, %get3A_347 : vector<16xf32>
      %get3A_349 = arith.constant 1 : i32
      %get3A_350 = arith.index_cast %get3A_349 : i32 to index
      %get3A_351 = arith.index_cast %add3A_330 : i32 to index
      %get3A_352 = arith.constant 48 : index
      %get3A_353 = tpu.vector_load %arg6[%get3A_350, %get3A_351, %get3A_352] {strides = array<i32>} : memref<6x200x64xf32, #tpu.memory_space<vmem>>, vector<16xf32>,
      %add3A_354 = arith.addf %add3A_326, %get3A_353 : vector<16xf32>
      scf.yield %add3A_336, %add3A_342, %add3A_348, %add3A_354 : vector<16xf32>, vector<16xf32>, vector<16xf32>, vector<16xf32>
    }
    %scan3A_208 = arith.constant 50 : i32
    %mul3A_209 = arith.constant 5.000000e-03 : f32
    %mul3A_210 = vector.broadcast %mul3A_209 : f32 to vector<16xf32>
    %mul3A_211 = arith.mulf %scan3A_207#0, %mul3A_210 : vector<16xf32>
    %swap3A_212 = arith.constant 127 : i32
    %swap3A_213 = arith.index_cast %swap3A_212 : i32 to index
    %swap3A_214 = arith.constant 0 : index
    %swap3A_215 = tpu.vector_load %arg7[%swap3A_213, %swap3A_214] {strides = array<i32>} : memref<128x64xf32, #tpu.memory_space<vmem>>, vector<16xf32>,
    tpu.vector_store %arg7[%swap3A_213, %swap3A_214], %mul3A_211 {strides = array<i32>} : memref<128x64xf32, #tpu.memory_space<vmem>>, vector<16xf32>,
    %mul3A_216 = arith.constant 5.000000e-03 : f32
    %mul3A_217 = vector.broadcast %mul3A_216 : f32 to vector<16xf32>
    %mul3A_218 = arith.mulf %scan3A_207#1, %mul3A_217 : vector<16xf32>
    %swap3A_219 = arith.constant 127 : i32
    %swap3A_220 = arith.index_cast %swap3A_219 : i32 to index
    %swap3A_221 = arith.constant 16 : index
    %swap3A_222 = tpu.vector_load %arg7[%swap3A_220, %swap3A_221] {strides = array<i32>} : memref<128x64xf32, #tpu.memory_space<vmem>>, vector<16xf32>,
    tpu.vector_store %arg7[%swap3A_220, %swap3A_221], %mul3A_218 {strides = array<i32>} : memref<128x64xf32, #tpu.memory_space<vmem>>, vector<16xf32>,
    %mul3A_223 = arith.constant 5.000000e-03 : f32
    %mul3A_224 = vector.broadcast %mul3A_223 : f32 to vector<16xf32>
    %mul3A_225 = arith.mulf %scan3A_207#2, %mul3A_224 : vector<16xf32>
    %swap3A_226 = arith.constant 127 : i32
    %swap3A_227 = arith.index_cast %swap3A_226 : i32 to index
    %swap3A_228 = arith.constant 32 : index
    %swap3A_229 = tpu.vector_load %arg7[%swap3A_227, %swap3A_228] {strides = array<i32>} : memref<128x64xf32, #tpu.memory_space<vmem>>, vector<16xf32>,
    tpu.vector_store %arg7[%swap3A_227, %swap3A_228], %mul3A_225 {strides = array<i32>} : memref<128x64xf32, #tpu.memory_space<vmem>>, vector<16xf32>,
    %mul3A_230 = arith.constant 5.000000e-03 : f32
    %mul3A_231 = vector.broadcast %mul3A_230 : f32 to vector<16xf32>
    %mul3A_232 = arith.mulf %scan3A_207#3, %mul3A_231 : vector<16xf32>
    %swap3A_233 = arith.constant 127 : i32
    %swap3A_234 = arith.index_cast %swap3A_233 : i32 to index
    %swap3A_235 = arith.constant 48 : index
    %swap3A_236 = tpu.vector_load %arg7[%swap3A_234, %swap3A_235] {strides = array<i32>} : memref<128x64xf32, #tpu.memory_space<vmem>>, vector<16xf32>,
    tpu.vector_store %arg7[%swap3A_234, %swap3A_235], %mul3A_232 {strides = array<i32>} : memref<128x64xf32, #tpu.memory_space<vmem>>, vector<16xf32>,
    %mul3A_237 = arith.constant 128 : i32
    %mul3A_238 = arith.muli %add3A, %mul3A_237 : i32
    "tpu.region"() ({
      %run_scoped3A = tpu.sem_alloc : memref<!tpu.dma_semaphore, #tpu.memory_space<semaphore_mem>>
      %dma_start3A_239 = arith.constant 0 : i32
      %dma_start3A_240 = tpu.memref_slice %arg4[%mul3A_238, %dma_start3A_239] : memref<4096x64xf32, #tpu.memory_space<hbm>> -> memref<128x64xf32, #tpu.memory_space<hbm>>
      %dma_start3A_241 = arith.constant 0 : i32
      %dma_start3A_242 = tpu.memref_slice %arg4[%mul3A_238, %dma_start3A_241] : memref<4096x64xf32, #tpu.memory_space<hbm>> -> memref<128x64xf32, #tpu.memory_space<hbm>>
      tpu.enqueue_dma source(%arg7 : memref<128x64xf32, #tpu.memory_space<vmem>>) target(%dma_start3A_242 : memref<128x64xf32, #tpu.memory_space<hbm>>) target_semaphore(%run_scoped3A : memref<!tpu.dma_semaphore, #tpu.memory_space<semaphore_mem>>)
      %dma_wait3A_243 = arith.constant 0 : i32
      %dma_wait3A_244 = tpu.memref_slice %arg4[%mul3A_238, %dma_wait3A_243] : memref<4096x64xf32, #tpu.memory_space<hbm>> -> memref<128x64xf32, #tpu.memory_space<hbm>>
      %dma_wait3A_245 = arith.constant 0 : i32
      %dma_wait3A_246 = tpu.memref_slice %arg4[%mul3A_238, %dma_wait3A_245] : memref<4096x64xf32, #tpu.memory_space<hbm>> -> memref<128x64xf32, #tpu.memory_space<hbm>>
      tpu.wait_dma2 semaphore(%run_scoped3A : memref<!tpu.dma_semaphore, #tpu.memory_space<semaphore_mem>>) src(%arg7 : memref<128x64xf32, #tpu.memory_space<vmem>>) dst(%dma_wait3A_246 : memref<128x64xf32, #tpu.memory_space<hbm>>)
      tpu.yield
    }) : () -> ()
    return
  }
}

module attributes {stable_mosaic.version = 14 : i64} {
  func.func @_mlp_body(%arg0: i32, %arg1: memref<512x64xf32, #tpu.memory_space<vmem>>, %arg2: memref<512x64xf32, #tpu.memory_space<vmem>>, %arg3: memref<64x256xf32, #tpu.memory_space<vmem>>, %arg4: memref<64x256xf32, #tpu.memory_space<vmem>>, %arg5: memref<1x256xf32, #tpu.memory_space<vmem>>, %arg6: memref<256x128xf32, #tpu.memory_space<vmem>>, %arg7: memref<1x128xf32, #tpu.memory_space<vmem>>, %arg8: memref<512x128xf32, #tpu.memory_space<vmem>>) attributes {dimension_semantics = [#tpu.dimension_semantics<arbitrary>], iteration_bounds = array<i64: 8>, scalar_prefetch = 0 : i64, scratch_operands = 0 : i64, tpu.core_type = #tpu.core_type<tc>, window_params = [{transform_indices = @transform_0, window_bounds = array<i64: 512, 64>}, {transform_indices = @transform_1, window_bounds = array<i64: 512, 64>}, {pipeline_mode = #tpu.pipeline_mode<synchronous>, transform_indices = @transform_2, window_bounds = array<i64: 64, 256>}, {pipeline_mode = #tpu.pipeline_mode<synchronous>, transform_indices = @transform_3, window_bounds = array<i64: 64, 256>}, {pipeline_mode = #tpu.pipeline_mode<synchronous>, transform_indices = @transform_4, window_bounds = array<i64: 1, 256>}, {pipeline_mode = #tpu.pipeline_mode<synchronous>, transform_indices = @transform_5, window_bounds = array<i64: 256, 128>}, {pipeline_mode = #tpu.pipeline_mode<synchronous>, transform_indices = @transform_6, window_bounds = array<i64: 1, 128>}, {transform_indices = @transform_7, window_bounds = array<i64: 512, 128>}]} {
    %get3A = arith.constant 0 : index
    %get3A_0 = arith.constant 0 : index
    %get3A_1 = vector.load %arg1[%get3A, %get3A_0] : memref<512x64xf32, #tpu.memory_space<vmem>>, vector<512x64xf32>
    %get3A_2 = arith.constant 0 : index
    %get3A_3 = arith.constant 0 : index
    %get3A_4 = vector.load %arg3[%get3A_2, %get3A_3] : memref<64x256xf32, #tpu.memory_space<vmem>>, vector<64x256xf32>
    %dot_general3A = arith.constant dense<0.000000e+00> : vector<512x256xf32>
    %dot_general3A_5 = tpu.matmul %get3A_1, %get3A_4, %dot_general3A {dimension_numbers = #tpu.dot_dimension_numbers<[1], [0], [0], [1], [0, 0, 1, 1], [], []>, transpose_lhs_hint = false} : vector<512x64xf32>, vector<64x256xf32>, vector<512x256xf32> -> vector<512x256xf32>
    %get3A_6 = arith.constant 0 : index
    %get3A_7 = arith.constant 0 : index
    %get3A_8 = vector.load %arg2[%get3A_6, %get3A_7] : memref<512x64xf32, #tpu.memory_space<vmem>>, vector<512x64xf32>
    %get3A_9 = arith.constant 0 : index
    %get3A_10 = arith.constant 0 : index
    %get3A_11 = vector.load %arg4[%get3A_9, %get3A_10] : memref<64x256xf32, #tpu.memory_space<vmem>>, vector<64x256xf32>
    %dot_general3A_12 = arith.constant dense<0.000000e+00> : vector<512x256xf32>
    %dot_general3A_13 = tpu.matmul %get3A_8, %get3A_11, %dot_general3A_12 {dimension_numbers = #tpu.dot_dimension_numbers<[1], [0], [0], [1], [0, 0, 1, 1], [], []>, transpose_lhs_hint = false} : vector<512x64xf32>, vector<64x256xf32>, vector<512x256xf32> -> vector<512x256xf32>
    %add3A = arith.addf %dot_general3A_5, %dot_general3A_13 : vector<512x256xf32>
    %get3A_14 = arith.constant 0 : index
    %get3A_15 = arith.constant 0 : index
    %get3A_16 = vector.load %arg5[%get3A_14, %get3A_15] : memref<1x256xf32, #tpu.memory_space<vmem>>, vector<1x256xf32>
    %add3A_17 = vector.broadcast %get3A_16 : vector<1x256xf32> to vector<512x256xf32>
    %add3A_18 = arith.addf %add3A, %add3A_17 : vector<512x256xf32>
    %max3A = arith.constant 0.000000e+00 : f32
    %max3A_19 = vector.broadcast %max3A : f32 to vector<512x256xf32>
    %max3A_20 = arith.maximumf %add3A_18, %max3A_19 : vector<512x256xf32>
    %get3A_21 = arith.constant 0 : index
    %get3A_22 = arith.constant 0 : index
    %get3A_23 = vector.load %arg6[%get3A_21, %get3A_22] : memref<256x128xf32, #tpu.memory_space<vmem>>, vector<256x128xf32>
    %dot_general3A_24 = arith.constant dense<0.000000e+00> : vector<512x128xf32>
    %dot_general3A_25 = tpu.matmul %max3A_20, %get3A_23, %dot_general3A_24 {dimension_numbers = #tpu.dot_dimension_numbers<[1], [0], [0], [1], [0, 0, 1, 1], [], []>, transpose_lhs_hint = false} : vector<512x256xf32>, vector<256x128xf32>, vector<512x128xf32> -> vector<512x128xf32>
    %get3A_26 = arith.constant 0 : index
    %get3A_27 = arith.constant 0 : index
    %get3A_28 = vector.load %arg7[%get3A_26, %get3A_27] : memref<1x128xf32, #tpu.memory_space<vmem>>, vector<1x128xf32>
    %add3A_29 = vector.broadcast %get3A_28 : vector<1x128xf32> to vector<512x128xf32>
    %add3A_30 = arith.addf %dot_general3A_25, %add3A_29 : vector<512x128xf32>
    %swap3A = arith.constant 0 : index
    %swap3A_31 = arith.constant 0 : index
    %swap3A_32 = vector.load %arg8[%swap3A, %swap3A_31] : memref<512x128xf32, #tpu.memory_space<vmem>>, vector<512x128xf32>
    tpu.vector_store %arg8[%swap3A, %swap3A_31], %add3A_30 {strides = array<i32>} : memref<512x128xf32, #tpu.memory_space<vmem>>, vector<512x128xf32>,
    return
  }
  func.func @transform_0(%arg0: i32) -> (i32, i32) {
    %c0_i32 = arith.constant 0 : i32
    %c0_i32_0 = arith.constant 0 : i32
    return %arg0, %c0_i32 : i32, i32
  }
  func.func @transform_1(%arg0: i32) -> (i32, i32) {
    %c0_i32 = arith.constant 0 : i32
    %c0_i32_0 = arith.constant 0 : i32
    return %arg0, %c0_i32 : i32, i32
  }
  func.func @transform_2(%arg0: i32) -> (i32, i32) {
    %c0_i32 = arith.constant 0 : i32
    %c0_i32_0 = arith.constant 0 : i32
    %c0_i32_1 = arith.constant 0 : i32
    return %c0_i32, %c0_i32_0 : i32, i32
  }
  func.func @transform_3(%arg0: i32) -> (i32, i32) {
    %c0_i32 = arith.constant 0 : i32
    %c0_i32_0 = arith.constant 0 : i32
    %c0_i32_1 = arith.constant 0 : i32
    return %c0_i32, %c0_i32_0 : i32, i32
  }
  func.func @transform_4(%arg0: i32) -> (i32, i32) {
    %c0_i32 = arith.constant 0 : i32
    %c0_i32_0 = arith.constant 0 : i32
    %c0_i32_1 = arith.constant 0 : i32
    return %c0_i32, %c0_i32_0 : i32, i32
  }
  func.func @transform_5(%arg0: i32) -> (i32, i32) {
    %c0_i32 = arith.constant 0 : i32
    %c0_i32_0 = arith.constant 0 : i32
    %c0_i32_1 = arith.constant 0 : i32
    return %c0_i32, %c0_i32_0 : i32, i32
  }
  func.func @transform_6(%arg0: i32) -> (i32, i32) {
    %c0_i32 = arith.constant 0 : i32
    %c0_i32_0 = arith.constant 0 : i32
    %c0_i32_1 = arith.constant 0 : i32
    return %c0_i32, %c0_i32_0 : i32, i32
  }
  func.func @transform_7(%arg0: i32) -> (i32, i32) {
    %c0_i32 = arith.constant 0 : i32
    %c0_i32_0 = arith.constant 0 : i32
    return %arg0, %c0_i32 : i32, i32
  }
}

</mosaic_0001>

<sc_bundles>
// kernel: kernel.5.cloned.1.call-start
scs
__scs_entry_jumppad:
0x0: {  	(pc) =	sbr.rel $0x88, $3  }
0x1: {  	(tag) =	ssettag $0x0;
	lr =	simm.s32 $0x1  }
0x2: {  	[smem:$0x3F99] =	sst lr;
	_ =	strace $0xD0000000  }
0x3: {  	_ = 	snop  }
0x4: {  	_ = 	snop  }
0x5: {  	_ = 	snop  }
0x6: {  	_ = 	snop  }
0x7: {  	_ = 	snop  }
__scs_overlays_trampoline_lowered:
0x8: {  	[smem:$0x3FA8] =	sst s0  }
0x9: {  	[smem:$0x3FA9] =	sst s1  }
0xa: {  	[smem:$0x3FAA] =	sst s2  }
0xb: {  	[smem:$0x3FAB] =	sst s3  }
0xc: {  	[smem:$0x3FAC] =	sst s4  }
0xd: {  	[smem:$0x3FAD] =	sst s5  }
0xe: {  	[smem:$0x3FAE] =	sst s6  }
0xf: {  	[smem:$0x3FAF] =	sst s7  }
0x10: {  	[smem:$0x3FB0] =	sst s8  }
0x11: {  	[smem:$0x3FB1] =	sst s9;
	s0 =	simm.s32 @!p0 $0x0  }
0x12: {  	s1 =	sld [smem:$0x3F97];
	s0 =	simm.s32 @p0 $0x1  }
0x13: {  	[smem:$0x3FB2] =	sst s0;
	s0 =	simm.s32 @!p1 $0x0  }
0x14: {  	s2 =	sld [smem:$0x3F96];
	s0 =	simm.s32 @p1 $0x1  }
0x15: {  	[smem:$0x3FB3] =	sst s0;
	s0 =	simm.s32 @!p2 $0x0  }
0x16: {  	s3 =	sld [smem:$0x3FDB];
	s0 =	simm.s32 @p2 $0x1  }
0x17: {  	s4 =	simm.s32 $0x1BF5;
	[smem:$0x3FB5] =	sst s0  }
0x18: {  	s0 =	sld [smem:$0x3F98];
	_ =	swait.ge [sflag:s4], $0x0  }
0x19: {  	s7 =	sld [smem:$0x3F99]  }
0x1a: {  	s8 =	sadd.s32 $0xFFFFE003, lr  }
0x1b: {  	s9 =	sadd.s32 $0xFFFFFEF7, lr;
	s5 =	simm.s32 $0xFFFFFFFF;
	p2 =	slt.u32 s8, $0xFFFFF086  }
0x1c: {  	p1 =	slt.u32 s9, $0xF7A;
	s5 =	simm.s32 @!p2 $0x0  }
0x1d: {  	s5 =	simm.s32 @p1 $0x1;
	p0 =	seq.s32 s7, s2  }
0x1e: {  	s7 =	smul.u32 @!p0 $0xF7A, s2;
	p2 =	seq.s32 @!p0 s5, $0x0  }
0x1f: {  	s9 =	smul.u32 $0xF7A, s1;
	s8 =	simm.s32 @!p0 $0x1BF5;
	p2 =	por !p2, p0  }
0x20: {  	[sflag:s8] =	ssyncset.s32 @!p0 $0xFFFFF086;
	s6 =	sadd.s32 @!p0 s3, s7;
	s7 =	simm.s32 @!p0 $0x108  }
0x21: {  	s3 =	sadd.s32 s3, s9;
	s6 =	sadd.s32 @!p0 $0x88, s6;
	s7 =	simm.s32 @p2 $0x1082  }
0x22: {  	[simem:s7], [sflag:s8] =	dma.local @!p0 [hbm:s6], $0xF7A  }
0x23: {  	s9 =	sor.u32 $0xD0000000, s2;
	s6 =	simm.s32 $0x108;
	_ =	swait.ge @!p0 [sflag:s8], $0x0  }
0x24: {  	s3 =	sadd.s32 $0x88, s3;
	s6 =	simm.s32 @!p1 $0x1082;
	[sflag:s4] =	ssyncset.s32 $0xFFFFF086  }
0x25: {  	[simem:s6], [sflag:s4] =	dma.local [hbm:s3], $0xF7A  }
0x26: {  	[smem:$0x3F99] =	sst s1;
	(tag) =	ssettag s2;
	_ =	strace s9  }
0x27: {  	s1 =	sld [smem:$0x3FA9]  }
0x28: {  	s2 =	sld [smem:$0x3FAA]  }
0x29: {  	s4 =	sld [smem:$0x3FAC]  }
0x2a: {  	p0 =	seq.s32 s5, $0x0;
	s5 =	sld [smem:$0x3FAD]  }
0x2b: {  	s6 =	sld [smem:$0x3FAE]  }
0x2c: {  	s7 =	sld [smem:$0x3FAF]  }
0x2d: {  	s3 =	simm.s32 $0x108;
	s8 =	sld [smem:$0x3FB0]  }
0x2e: {  	s3 =	simm.s32 @!p0 $0x1082;
	s9 =	sld [smem:$0x3FB1]  }
0x2f: {  	lr =	sadd.s32 s0, s3;
	s0 =	sld [smem:$0x3FA8]  }
0x30: {  	s3 =	sld [smem:$0x3FAB]  }
0x31: {  	[smem:$0x3FB4] =	sst s10  }
0x32: {  	s10 =	sld [smem:$0x3FB2];
	_ =	sdelay $0x3  }
0x33: {  	p0 =	seq.s32 s10, $0x1;
	s10 =	sld [smem:$0x3FB4];
	_ =	sdelay $0x3  }
0x34: {  	[smem:$0x3FB4] =	sst s10  }
0x35: {  	s10 =	sld [smem:$0x3FB3];
	_ =	sdelay $0x3  }
0x36: {  	p1 =	seq.s32 s10, $0x1;
	s10 =	sld [smem:$0x3FB4];
	_ =	sdelay $0x3  }
0x37: {  	[smem:$0x3FB4] =	sst s10  }
0x38: {  	s10 =	sld [smem:$0x3FB5]  }
0x39: {  	_ = 	snop;
	(pc) =	sbr.ind lr, $3  }
0x3a: {  	_ = 	snop  }
0x3b: {  	_ = 	snop  }
0x3c: {  	p2 =	seq.s32 s10, $0x1;
	s10 =	sld [smem:$0x3FB4]  }
0x3d: {  	_ =	shalt  }
0x3e: {  	_ =	shalt  }
0x3f: {  	_ =	shalt  }
0x40: {  	_ =	shalt  }
0x41: {  	_ =	shalt  }
0x42: {  	_ =	shalt  }
0x43: {  	_ =	shalt  }
0x44: {  	_ =	shalt  }
0x45: {  	_ =	shalt  }
0x46: {  	_ =	shalt  }
0x47: {  	_ =	shalt  }
0x48: {  	_ =	shalt  }
0x49: {  	_ =	shalt  }
0x4a: {  	_ =	shalt  }
0x4b: {  	_ =	shalt  }
0x4c: {  	_ =	shalt  }
0x4d: {  	_ =	shalt  }
0x4e: {  	_ =	shalt  }
0x4f: {  	_ =	shalt  }
0x50: {  	_ =	shalt  }
0x51: {  	_ =	shalt  }
0x52: {  	_ =	shalt  }
0x53: {  	_ =	shalt  }
0x54: {  	_ =	shalt  }
0x55: {  	_ =	shalt  }
0x56: {  	_ =	shalt  }
0x57: {  	_ =	shalt  }
0x58: {  	_ =	shalt  }
0x59: {  	_ =	shalt  }
0x5a: {  	_ =	shalt  }
0x5b: {  	_ =	shalt  }
0x5c: {  	_ =	shalt  }
0x5d: {  	_ =	shalt  }
0x5e: {  	_ =	shalt  }
0x5f: {  	_ =	shalt  }
0x60: {  	_ =	shalt  }
0x61: {  	_ =	shalt  }
0x62: {  	_ =	shalt  }
0x63: {  	_ =	shalt  }
0x64: {  	_ =	shalt  }
0x65: {  	_ =	shalt  }
0x66: {  	_ =	shalt  }
0x67: {  	_ =	shalt  }
0x68: {  	_ =	shalt  }
0x69: {  	_ =	shalt  }
0x6a: {  	_ =	shalt  }
0x6b: {  	_ =	shalt  }
0x6c: {  	_ =	shalt  }
0x6d: {  	_ =	shalt  }
0x6e: {  	_ =	shalt  }
0x6f: {  	_ =	shalt  }
0x70: {  	_ =	shalt  }
0x71: {  	_ =	shalt  }
0x72: {  	_ =	shalt  }
0x73: {  	_ =	shalt  }
0x74: {  	_ =	shalt  }
0x75: {  	_ =	shalt  }
0x76: {  	_ =	shalt  }
0x77: {  	_ =	shalt  }
0x78: {  	_ =	shalt  }
0x79: {  	_ =	shalt  }
0x7a: {  	_ =	shalt  }
0x7b: {  	_ =	shalt  }
0x7c: {  	_ =	shalt  }
0x7d: {  	_ =	shalt  }
0x7e: {  	_ =	shalt  }
0x7f: {  	_ =	shalt  }
0x80: {  	_ =	shalt  }
0x81: {  	_ =	shalt  }
0x82: {  	_ =	shalt  }
0x83: {  	_ =	shalt  }
0x84: {  	_ =	shalt  }
0x85: {  	_ =	shalt  }
0x86: {  	_ =	shalt  }
0x87: {  	_ =	shalt  }
.Lfunc_end0:
.L_simem_size_0:
called_computation_lowered:
.L_overlay_start_0:
0x88: {  	s2 =	sld [smem:$0x3FD9]  }
0x89: {  	s3 =	sld [smem:$0x3FFE];
	_ =	sdelay $0x1  }
0x8a: {  	s1 =	srdreg.scid  }
0x8b: {  	s0 =	sand.u32 $0x1, s1  }
0x8c: {  	s16 =	sshll.u32 s0, $0xA;
	s2 =	sadd.s32 s3, s2  }
0x8d: {  	s2 =	sadd.s32 s2, s16  }
0x8e: {  	[smem:$0x3FC0] =	sst s2  }
0x8f: {  	_ = 	snop  }
0x90: {  	(tm) =	ssettm $0x1  }
0x91: {  	s17 =	sld [smem:$0x3FFB];
	_ =	sdelay $0x3  }
0x92: {  	_ =	strace s17  }
0x93: {  	s2 =	sld [smem:$0x3FFC];
	_ =	sdelay $0x3  }
0x94: {  	_ =	strace s2  }
0x95: {  	s2 =	sld [smem:$0x3FFD];
	_ =	sdelay $0x3  }
0x96: {  	_ =	strace s2  }
0x97: {  	_ =	strace $0x8FFFFFFF  }
0x98: {  	s18 =	sld [smem:$0x3FDB];
	_ =	sdelay $0x1  }
0x99: {  	s19 =	simm.s32 $_scs_section_size  }
0x9a: {  	s4 =	simm.s32 $_size__tile_overlayer_lowered;
	s5 =	simm.s32 $_tile_overlayer_lowered  }
0x9b: {  	s22 =	simm.s32 $0x1BFF;
	s21 =	sshll.u32 s5, $0x1;
	s2 =	sadd.s32 s19, s18  }
0x9c: {  	s6 =	simm.s32 $0x0;
	s20 =	sshll.u32 s4, $0x1;
	s4 =	sadd.s32 s21, s2  }
0x9d: {  	[timem:s6], [sflag:s22] =	dma.local [hbm:s4], s20  }
0x9e: {  	_ =	swait.ge [sflag:s22], s20  }
0x9f: {  	s3 =	ssub.s32 $0x0, s20;
	[sflag:s22] =	ssyncset.done $0x0  }
0xa0: {  	[sflag:s22] =	ssyncadd.s32 s3;
	_ =	sdelay $0x1  }
0xa1: {  	s23 =	simm.s32 $0x1B8B  }
0xa2: {  	_ =	swait.ge [sflag:s23], $0x1  }
0xa3: {  	[sflag:s23] =	ssyncset.done $0x0  }
0xa4: {  	s25 =	simm.s32 $0x1B8E;
	s24 =	sld [smem:$0x3FFE];
	[sflag:s23] =	ssyncadd.s32 $0xFFFFFFFF  }
0xa5: {  	s26 =	simm.s32 $execute0_lowered;
	[smem:$0x3FD2] =	sst s25  }
0xa6: {  	s4 =	sshll.u32 s26, $0x1;
	_ =	strace $0x80000046;
	[dreg:$0x1] =	wrdreg $0xFFFFFFFF  }
0xa7: {  	s28 =	simm.s32 $_size_execute0_lowered;
	s2 =	sadd.s32 s2, s4;
	[dreg:$0x0] =	wrdreg $0x0  }
0xa8: {  	s4 =	sshll.u32 s28, $0x1;
	[dreg:$0x2] =	wrdreg s2  }
0xa9: {  	[dreg:$0x3] =	wrdreg s4  }
0xaa: {  	[dreg:$0x4] =	wrdreg $0xC0  }
0xab: {  	_ =	task [dreg:s6], $0x5FFFF  }
0xac: {  	[dreg:$0x1] =	wrdreg $0xFFFFFFFF  }
0xad: {  	[dreg:$0x0] =	wrdreg $0x60  }
0xae: {  	[dreg:$0x2] =	wrdreg s24  }
0xaf: {  	[dreg:$0x3] =	wrdreg $0x9  }
0xb0: {  	_ =	task.clear_ibuf [dreg:s6], $0x4FFFF;
	_ =	strace $0x90000046  }
0xb1: {  	s29 =	simm.s32 $0x9;
	_ =	strace $0x80000048  }
0xb2: {  	_ =	swait.ge [sflag:s29], $0x1  }
0xb3: {  	[sflag:s29] =	ssyncadd.s32 $0xFFFFFFFF  }
0xb4: {  	_ =	strace $0x90000048  }
0xb5: {  	_ =	sfence  }
0xb6: {  	s30 =	sld [smem:$0x0];
	_ =	sdelay $0x2  }
0xb7: {  	s31 =	sshll.u32 s1, $0xD;
	s1 =	sshrl.u32 s1, $0x2  }
0xb8: {  	s3 =	sand.u32 $0x4000, s31;
	s1 =	sadd.s32 s1, s30  }
0xb9: {  	s0 =	sor.u32 s3, s0;
	s1 =	sshll.u32 s1, $0x11  }
0xba: {  	s0 =	sor.u32 s1, s0  }
0xbb: {  	s0 =	sadd.s32 $0x8F2B, s0  }
0xbc: {  	[sflag:s0] =	ssyncadd.remote.s32 $0x1  }
0xbd: {  	_ =	sfence.sel $0xFFFF  }
0xbe: {  	[dreg:$0x0] =	wrdreg $0xFFFFFFFF;
	(pc) =	sbr.abs _section_cstart, $3  }
0xbf: {  	[dreg:$0x1] =	wrdreg $0xFFFFFFFF  }
0xc0: {  	_ =	task.clear_ibuf [dreg:s6], $0x2FFFF;
	_ =	strace $0x9FFFFFFF  }
0xc1: {  	(tm) =	ssettm $0x7FFFFFFF  }
tec
execute0_lowered:
.L_overlay_start_1:
0x0: {  	(tag) =	ssettag $0x1  }
0x1: {  	s0 =	srdreg.scid  }
0x2: {  	s1 =	rddreg [dreg:$0x0];
	s4 =	stileid.u32;
	s2 =	simm.s32 $0x0  }
0x3: {  	s7 =	simm.s32 $0x7;
	s8 =	simm.s32 $0x68;
	s9 =	simm.s32 $0x6400  }
0x4: {  	s10 =	simm.s32 $0x60;
	s11 =	simm.s32 $0x7E00;
	s13 =	simm.s32 $0x9600  }
0x5: {  	s15 =	simm.s32 $0xB000;
	s28 =	simm.s32 $0x14600;
	s29 =	simm.s32 $0x3E8  }
0x6: {  	s30 =	simm.s32 $0x15E00;
	s31 =	simm.s32 $0x450;
	s12 =	simm.s32 $0x2  }
0x7: {  	s14 =	simm.s32 $0x3;
	s16 =	simm.s32 $0x4;
	s17 =	simm.s32 $0x5  }
0x8: {  	s18 =	simm.s32 $0x6;
	s19 =	simm.s32 $0x19000;
	s0 =	sand.u32 $0x1, s0  }
0x9: {  	s20 =	simm.s32 $0x0;
	s3 =	sshll.u32 s0, $0x4;
	s0 =	ssub.s32 $0x2, s0  }
0xa: {  	[smem:$0x7FF] =	sst s2;
	s3 =	sor.u32 s4, s3;
	s6 =	sshrl.u32 s0, $0x1  }
0xb: {  	_ =	strace $0x80000047;
	s4 =	smul.u32 $0xC80, s3;
	s0 =	ssub.s32 s0, s6  }
0xc: {  	s5 =	sshll.u32 s3, $0xA;
	s3 =	sadd.s32 $0xF43600, s1;
	s6 =	smax.u32 s0, $0x1  }
0xd: {  	s0 =	simm.s32 $0x17800;
	s4 =	sadd.s32 s4, s1;
	s1 =	sadd.s32 s5, s1  }
0xe: {  	s4 =	sadd.s32 $0x1200, s4;
	s5 =	sadd.s32 $0x1A200, s1;
	s1 =	simm.s32 $0x1  }
.LBB2_1:
0xf: {  	[tilespmem:s2], [sflag:$0x7] =	stream.linear.gather [hbm4b:s4+s2], $0x6400, $0x38;
	[tilespmem:$0x1B000] =	vst v63  }
0x10: {  	_ =	swait.ge [sflag:s7], $0x6400  }
0x11: {  	[sflag:s7] =	ssyncset.done $0x0  }
0x12: {  	[sflag:s7] =	ssyncadd.s32 $0xFFFF9C00  }
0x13: {  	[tilespmem:s9], [sflag:$0x1] =	stream.indirect.gather [hbm4b:s3+s8], $0x40, s2, s8, $0xb8;
	[tilespmem:$0x1B000] =	vst v63  }
0x14: {  	_ = 	snop  }
0x15: {  	[tilespmem:s11], [sflag:$0x1] =	stream.indirect.gather [hbm4b:s3+s10], $0x40, s8, s10, $0xb8;
	[tilespmem:$0x1B000] =	vst v63  }
0x16: {  	s21 =	simm.s32 $0xC8  }
0x17: {  	[tilespmem:s13], [sflag:$0x2] =	stream.indirect.gather [hbm4b:s3+s8], $0x40, s21, s8, $0xb8;
	[tilespmem:$0x1B000] =	vst v63  }
0x18: {  	s25 =	simm.s32 $0x130  }
0x19: {  	[tilespmem:s15], [sflag:$0x2] =	stream.indirect.gather [hbm4b:s3+s10], $0x40, s25, s10, $0xb8;
	[tilespmem:$0x1B000] =	vst v63  }
0x1a: {  	s26 =	simm.s32 $0x190;
	s22 =	simm.s32 $0xC800  }
0x1b: {  	[tilespmem:s22], [sflag:$0x3] =	stream.indirect.gather [hbm4b:s3+s8], $0x40, s26, s8, $0xb8;
	[tilespmem:$0x1B000] =	vst v63  }
0x1c: {  	s23 =	simm.s32 $0x1F8;
	s24 =	simm.s32 $0xE200  }
0x1d: {  	[tilespmem:s24], [sflag:$0x3] =	stream.indirect.gather [hbm4b:s3+s10], $0x40, s23, s10, $0xb8;
	[tilespmem:$0x1B000] =	vst v63  }
0x1e: {  	s25 =	simm.s32 $0x258;
	s26 =	simm.s32 $0xFA00  }
0x1f: {  	[tilespmem:s26], [sflag:$0x4] =	stream.indirect.gather [hbm4b:s3+s8], $0x40, s25, s8, $0xb8;
	[tilespmem:$0x1B000] =	vst v63  }
0x20: {  	s22 =	simm.s32 $0x2C0;
	s23 =	simm.s32 $0x11400  }
0x21: {  	[tilespmem:s23], [sflag:$0x4] =	stream.indirect.gather [hbm4b:s3+s10], $0x40, s22, s10, $0xb8;
	[tilespmem:$0x1B000] =	vst v63  }
0x22: {  	s24 =	simm.s32 $0x320;
	s25 =	simm.s32 $0x12C00  }
0x23: {  	[tilespmem:s25], [sflag:$0x5] =	stream.indirect.gather [hbm4b:s3+s8], $0x40, s24, s8, $0xb8;
	[tilespmem:$0x1B000] =	vst v63  }
0x24: {  	s26 =	simm.s32 $0x388  }
0x25: {  	[tilespmem:s28], [sflag:$0x5] =	stream.indirect.gather [hbm4b:s3+s10], $0x40, s26, s10, $0xb8;
	[tilespmem:$0x1B000] =	vst v63  }
0x26: {  	_ = 	snop  }
0x27: {  	[tilespmem:s30], [sflag:$0x6] =	stream.indirect.gather [hbm4b:s3+s8], $0x40, s29, s8, $0xb8;
	[tilespmem:$0x1B000] =	vst v63  }
0x28: {  	s21 =	simm.s32 $0x0  }
0x29: {  	[tilespmem:s0], [sflag:$0x6] =	stream.indirect.gather [hbm4b:s3+s10], $0x40, s31, s10, $0xb8;
	[tilespmem:$0x1B000] =	vst v63  }
.LBB2_2:
0x2a: {  	_ =	swait.ge [sflag:s1], $0x1A00  }
0x2b: {  	[sflag:s1] =	ssyncset.done $0x0  }
0x2c: {  	[sflag:s1] =	ssyncadd.s32 $0xFFFFE600  }
0x2d: {  	_ =	swait.ge [sflag:s1], $0x1800  }
0x2e: {  	[sflag:s1] =	ssyncset.done $0x0  }
0x2f: {  	s22 =	simm.s32 $0x0;
	[sflag:s1] =	ssyncadd.s32 $0xFFFFE800  }
0x30: {  	v0 =	vld [tilespmem:s22+$0x64C0]  }
0x31: {  	v1 =	vld [tilespmem:s22+$0x64D0]  }
0x32: {  	v2 =	vld [tilespmem:s22+$0x6480]  }
0x33: {  	v3 =	vld [tilespmem:s22+$0x6490]  }
0x34: {  	v4 =	vld [tilespmem:s22+$0x6440]  }
0x35: {  	v5 =	vld [tilespmem:s22+$0x6450]  }
0x36: {  	v10 =	vld [tilespmem:s22+$0x6400]  }
0x37: {  	v6 =	vimm.f32 $0.0e+00;
	v12 =	vld [tilespmem:s22+$0x6410]  }
0x38: {  	s23 =	simm.s32 $0x400;
	v9 =	vimm.f32 $0.0e+00;
	v8 =	vimm.f32 $0.0e+00;
	v7 =	vimm.f32 $0.0e+00;
	v11 =	vld [tilespmem:s22+$0x6420]  }
.LBB2_3:
0x39: {  	p0 =	sne.s32 s23, $0xC400;
	v13 =	vld [tilespmem:s22+$0x6430]  }
0x3a: {  	v14 =	vld [tilespmem:s22+$0x6460]  }
0x3b: {  	v15 =	vld [tilespmem:s22+$0x6470]  }
0x3c: {  	v16 =	vld [tilespmem:s22+$0x64A0]  }
0x3d: {  	v6 =	vadd.f32 v10, v6;
	v9 =	vadd.f32 v12, v9;
	v10 =	vld [tilespmem:s22+$0x64B0]  }
0x3e: {  	v8 =	vadd.f32 v11, v8;
	v7 =	vadd.f32 v13, v7;
	v11 =	vld [tilespmem:s22+$0x64E0]  }
0x3f: {  	v4 =	vadd.f32 v4, v6;
	v5 =	vadd.f32 v5, v9;
	v12 =	vld [tilespmem:s22+$0x64F0];
	s22 =	sshra.s32 s23, $0x2  }
0x40: {  	v6 =	vadd.f32 v14, v8;
	v13 =	vld [tilespmem:s22+$0x64C0];
	v7 =	vadd.f32 v15, v7  }
0x41: {  	v4 =	vadd.f32 v2, v4;
	v5 =	vadd.f32 v3, v5;
	v14 =	vld [tilespmem:s22+$0x64D0]  }
0x42: {  	v8 =	vadd.f32 v16, v6;
	v2 =	vld [tilespmem:s22+$0x6480];
	v7 =	vadd.f32 v10, v7  }
0x43: {  	v6 =	vadd.f32 v0, v4;
	v9 =	vadd.f32 v1, v5;
	v3 =	vld [tilespmem:s22+$0x6490]  }
.Ltmp0:
0x44: {  	v8 =	vadd.f32 v11, v8;
	v4 =	vld [tilespmem:s22+$0x6440];
	v7 =	vadd.f32 v12, v7;
	(pc) =	sbr.rel @p0 .LBB2_3-.Ltmp0, $4  }
0x45: {  	v5 =	vld [tilespmem:s22+$0x6450];
	v0 =	vmov v13  }
0x46: {  	v10 =	vld [tilespmem:s22+$0x6400];
	v1 =	vmov v14  }
0x47: {  	v12 =	vld [tilespmem:s22+$0x6410]  }
0x48: {  	s23 =	sadd.s32 $0x400, s23;
	v11 =	vld [tilespmem:s22+$0x6420]  }
0x49: {  	v13 =	vld [tilespmem:s22+$0x6430]  }
0x4a: {  	v14 =	vld [tilespmem:s22+$0x6460]  }
0x4b: {  	v15 =	vld [tilespmem:s22+$0x6470];
	v6 =	vadd.f32 v10, v6  }
0x4c: {  	v10 =	vld [tilespmem:s22+$0x64A0];
	v9 =	vadd.f32 v12, v9  }
0x4d: {  	v12 =	vld [tilespmem:s22+$0x64B0];
	v8 =	vadd.f32 v11, v8;
	v4 =	vadd.f32 v4, v6  }
0x4e: {  	v6 =	vadd.f32 v13, v7;
	v7 =	vld [tilespmem:s22+$0x64E0];
	v5 =	vadd.f32 v5, v9  }
0x4f: {  	v9 =	vld [tilespmem:s22+$0x64F0];
	v8 =	vadd.f32 v14, v8;
	v2 =	vadd.f32 v2, v4  }
0x50: {  	v4 =	vadd.f32 v15, v6;
	v3 =	vadd.f32 v3, v5  }
0x51: {  	v5 =	vadd.f32 v10, v8;
	v0 =	vadd.f32 v0, v2  }
0x52: {  	s25 =	smul.u32 $0x600, s21;
	v2 =	vadd.f32 v12, v4;
	v1 =	vadd.f32 v1, v3  }
0x53: {  	v3 =	vadd.f32 v7, v5;
	v0 =	vmul.f32 $4.999999890e-03, v0  }
0x54: {  	s22 =	sshra.s32 s25, $0x2;
	v2 =	vadd.f32 v9, v2;
	v1 =	vmul.f32 $4.999999890e-03, v1  }
0x55: {  	s23 =	smul.u32 $0x12C0, s21;
	[tilespmem:s22+$0x19000] =	vst v0;
	v0 =	vmul.f32 $4.999999890e-03, v3  }
0x56: {  	[tilespmem:s22+$0x19010] =	vst v1;
	v1 =	vmul.f32 $4.999999890e-03, v2  }
0x57: {  	s23 =	sshra.s32 s23, $0x2;
	[tilespmem:s22+$0x19020] =	vst v0  }
0x58: {  	s24 =	sadd.s32 $0x4B0, s23;
	[tilespmem:s22+$0x19030] =	vst v1  }
0x59: {  	[tilespmem:s9], [sflag:$0x1] =	stream.indirect.gather [hbm4b:s3+s8], $0x40, s24, s8, $0xb8;
	[tilespmem:$0x1B000] =	vst v63  }
0x5a: {  	s26 =	sadd.s32 $0x518, s23  }
0x5b: {  	[tilespmem:s11], [sflag:$0x1] =	stream.indirect.gather [hbm4b:s3+s10], $0x40, s26, s10, $0xb8;
	[tilespmem:$0x1B000] =	vst v63  }
0x5c: {  	_ =	swait.ge [sflag:s12], $0x1A00  }
0x5d: {  	[sflag:s12] =	ssyncset.done $0x0  }
0x5e: {  	[sflag:s12] =	ssyncadd.s32 $0xFFFFE600  }
0x5f: {  	_ =	swait.ge [sflag:s12], $0x1800  }
0x60: {  	[sflag:s12] =	ssyncset.done $0x0  }
0x61: {  	s24 =	simm.s32 $0x0;
	[sflag:s12] =	ssyncadd.s32 $0xFFFFE800  }
0x62: {  	v0 =	vld [tilespmem:s24+$0x96C0]  }
0x63: {  	v1 =	vld [tilespmem:s24+$0x96D0]  }
0x64: {  	v2 =	vld [tilespmem:s24+$0x9680]  }
0x65: {  	v3 =	vld [tilespmem:s24+$0x9690]  }
0x66: {  	v4 =	vld [tilespmem:s24+$0x9640]  }
0x67: {  	v5 =	vld [tilespmem:s24+$0x9650]  }
0x68: {  	v10 =	vld [tilespmem:s24+$0x9600]  }
0x69: {  	v6 =	vimm.f32 $0.0e+00;
	v12 =	vld [tilespmem:s24+$0x9610]  }
0x6a: {  	s25 =	simm.s32 $0x400;
	v8 =	vimm.f32 $0.0e+00;
	v7 =	vimm.f32 $0.0e+00;
	v9 =	vimm.f32 $0.0e+00;
	v11 =	vld [tilespmem:s24+$0x9620]  }
.LBB2_5:
0x6b: {  	p0 =	sne.s32 s25, $0xC400;
	v13 =	vld [tilespmem:s24+$0x9630]  }
0x6c: {  	v14 =	vld [tilespmem:s24+$0x9660]  }
0x6d: {  	v15 =	vld [tilespmem:s24+$0x9670]  }
0x6e: {  	v16 =	vld [tilespmem:s24+$0x96A0]  }
0x6f: {  	v6 =	vadd.f32 v10, v6;
	v9 =	vadd.f32 v12, v9;
	v10 =	vld [tilespmem:s24+$0x96B0]  }
0x70: {  	v8 =	vadd.f32 v11, v8;
	v7 =	vadd.f32 v13, v7;
	v11 =	vld [tilespmem:s24+$0x96E0]  }
0x71: {  	v4 =	vadd.f32 v4, v6;
	v5 =	vadd.f32 v5, v9;
	v12 =	vld [tilespmem:s24+$0x96F0];
	s24 =	sshra.s32 s25, $0x2  }
0x72: {  	v6 =	vadd.f32 v14, v8;
	v13 =	vld [tilespmem:s24+$0x96C0];
	v7 =	vadd.f32 v15, v7  }
0x73: {  	v4 =	vadd.f32 v2, v4;
	v5 =	vadd.f32 v3, v5;
	v14 =	vld [tilespmem:s24+$0x96D0]  }
0x74: {  	v8 =	vadd.f32 v16, v6;
	v2 =	vld [tilespmem:s24+$0x9680];
	v7 =	vadd.f32 v10, v7  }
0x75: {  	v6 =	vadd.f32 v0, v4;
	v9 =	vadd.f32 v1, v5;
	v3 =	vld [tilespmem:s24+$0x9690]  }
.Ltmp1:
0x76: {  	v8 =	vadd.f32 v11, v8;
	v4 =	vld [tilespmem:s24+$0x9640];
	v7 =	vadd.f32 v12, v7;
	(pc) =	sbr.rel @p0 .LBB2_5-.Ltmp1, $4  }
0x77: {  	v5 =	vld [tilespmem:s24+$0x9650];
	v0 =	vmov v13  }
0x78: {  	v10 =	vld [tilespmem:s24+$0x9600];
	v1 =	vmov v14  }
0x79: {  	v12 =	vld [tilespmem:s24+$0x9610]  }
0x7a: {  	s25 =	sadd.s32 $0x400, s25;
	v11 =	vld [tilespmem:s24+$0x9620]  }
0x7b: {  	v13 =	vld [tilespmem:s24+$0x9630]  }
0x7c: {  	v14 =	vld [tilespmem:s24+$0x9660]  }
0x7d: {  	v15 =	vld [tilespmem:s24+$0x9670];
	v6 =	vadd.f32 v10, v6  }
0x7e: {  	v10 =	vld [tilespmem:s24+$0x96A0];
	v9 =	vadd.f32 v12, v9  }
0x7f: {  	v12 =	vld [tilespmem:s24+$0x96B0];
	v8 =	vadd.f32 v11, v8;
	v4 =	vadd.f32 v4, v6  }
0x80: {  	v6 =	vadd.f32 v13, v7;
	v7 =	vld [tilespmem:s24+$0x96E0];
	v5 =	vadd.f32 v5, v9  }
0x81: {  	v9 =	vld [tilespmem:s24+$0x96F0];
	v8 =	vadd.f32 v14, v8;
	v2 =	vadd.f32 v2, v4  }
0x82: {  	v4 =	vadd.f32 v15, v6;
	v3 =	vadd.f32 v3, v5  }
0x83: {  	v5 =	vadd.f32 v10, v8;
	v0 =	vadd.f32 v0, v2  }
0x84: {  	v2 =	vadd.f32 v12, v4;
	v1 =	vadd.f32 v1, v3  }
0x85: {  	v3 =	vadd.f32 v7, v5;
	v0 =	vmul.f32 $4.999999890e-03, v0  }
0x86: {  	v2 =	vadd.f32 v9, v2;
	v1 =	vmul.f32 $4.999999890e-03, v1  }
0x87: {  	[tilespmem:s22+$0x19040] =	vst v0;
	v0 =	vmul.f32 $4.999999890e-03, v3  }
0x88: {  	[tilespmem:s22+$0x19050] =	vst v1;
	v1 =	vmul.f32 $4.999999890e-03, v2  }
0x89: {  	[tilespmem:s22+$0x19060] =	vst v0  }
0x8a: {  	s25 =	sadd.s32 $0x578, s23;
	[tilespmem:s22+$0x19070] =	vst v1  }
0x8b: {  	[tilespmem:s13], [sflag:$0x2] =	stream.indirect.gather [hbm4b:s3+s8], $0x40, s25, s8, $0xb8;
	[tilespmem:$0x1B000] =	vst v63  }
0x8c: {  	s26 =	sadd.s32 $0x5E0, s23  }
0x8d: {  	[tilespmem:s15], [sflag:$0x2] =	stream.indirect.gather [hbm4b:s3+s10], $0x40, s26, s10, $0xb8;
	[tilespmem:$0x1B000] =	vst v63  }
0x8e: {  	_ =	swait.ge [sflag:s14], $0x1A00  }
0x8f: {  	[sflag:s14] =	ssyncset.done $0x0  }
0x90: {  	[sflag:s14] =	ssyncadd.s32 $0xFFFFE600  }
0x91: {  	_ =	swait.ge [sflag:s14], $0x1800  }
0x92: {  	[sflag:s14] =	ssyncset.done $0x0  }
0x93: {  	s24 =	simm.s32 $0x0;
	[sflag:s14] =	ssyncadd.s32 $0xFFFFE800  }
0x94: {  	v0 =	vld [tilespmem:s24+$0xC8C0]  }
0x95: {  	v1 =	vld [tilespmem:s24+$0xC8D0]  }
0x96: {  	v2 =	vld [tilespmem:s24+$0xC880]  }
0x97: {  	v3 =	vld [tilespmem:s24+$0xC890]  }
0x98: {  	v4 =	vld [tilespmem:s24+$0xC840]  }
0x99: {  	v5 =	vld [tilespmem:s24+$0xC850]  }
0x9a: {  	v10 =	vld [tilespmem:s24+$0xC800]  }
0x9b: {  	v6 =	vimm.f32 $0.0e+00;
	v12 =	vld [tilespmem:s24+$0xC810]  }
0x9c: {  	v8 =	vimm.f32 $0.0e+00;
	v7 =	vimm.f32 $0.0e+00;
	v9 =	vimm.f32 $0.0e+00;
	s25 =	simm.s32 $0x400;
	v11 =	vld [tilespmem:s24+$0xC820]  }
.LBB2_7:
0x9d: {  	p0 =	sne.s32 s25, $0xC400;
	v13 =	vld [tilespmem:s24+$0xC830]  }
0x9e: {  	v14 =	vld [tilespmem:s24+$0xC860]  }
0x9f: {  	v15 =	vld [tilespmem:s24+$0xC870]  }
0xa0: {  	v16 =	vld [tilespmem:s24+$0xC8A0]  }
0xa1: {  	v6 =	vadd.f32 v10, v6;
	v9 =	vadd.f32 v12, v9;
	v10 =	vld [tilespmem:s24+$0xC8B0]  }
0xa2: {  	v8 =	vadd.f32 v11, v8;
	v7 =	vadd.f32 v13, v7;
	v11 =	vld [tilespmem:s24+$0xC8E0]  }
0xa3: {  	v4 =	vadd.f32 v4, v6;
	v5 =	vadd.f32 v5, v9;
	v12 =	vld [tilespmem:s24+$0xC8F0];
	s24 =	sshra.s32 s25, $0x2  }
0xa4: {  	v6 =	vadd.f32 v14, v8;
	v13 =	vld [tilespmem:s24+$0xC8C0];
	v7 =	vadd.f32 v15, v7  }
0xa5: {  	v4 =	vadd.f32 v2, v4;
	v5 =	vadd.f32 v3, v5;
	v14 =	vld [tilespmem:s24+$0xC8D0]  }
0xa6: {  	v8 =	vadd.f32 v16, v6;
	v2 =	vld [tilespmem:s24+$0xC880];
	v7 =	vadd.f32 v10, v7  }
0xa7: {  	v6 =	vadd.f32 v0, v4;
	v9 =	vadd.f32 v1, v5;
	v3 =	vld [tilespmem:s24+$0xC890]  }
.Ltmp2:
0xa8: {  	v8 =	vadd.f32 v11, v8;
	v4 =	vld [tilespmem:s24+$0xC840];
	v7 =	vadd.f32 v12, v7;
	(pc) =	sbr.rel @p0 .LBB2_7-.Ltmp2, $4  }
0xa9: {  	v5 =	vld [tilespmem:s24+$0xC850];
	v0 =	vmov v13  }
0xaa: {  	v10 =	vld [tilespmem:s24+$0xC800];
	v1 =	vmov v14  }
0xab: {  	v12 =	vld [tilespmem:s24+$0xC810]  }
0xac: {  	s25 =	sadd.s32 $0x400, s25;
	v11 =	vld [tilespmem:s24+$0xC820]  }
0xad: {  	v13 =	vld [tilespmem:s24+$0xC830]  }
0xae: {  	v14 =	vld [tilespmem:s24+$0xC860]  }
0xaf: {  	v15 =	vld [tilespmem:s24+$0xC870];
	v6 =	vadd.f32 v10, v6  }
0xb0: {  	v10 =	vld [tilespmem:s24+$0xC8A0];
	v9 =	vadd.f32 v12, v9  }
0xb1: {  	v12 =	vld [tilespmem:s24+$0xC8B0];
	v8 =	vadd.f32 v11, v8;
	v4 =	vadd.f32 v4, v6  }
0xb2: {  	v6 =	vadd.f32 v13, v7;
	v7 =	vld [tilespmem:s24+$0xC8E0];
	v5 =	vadd.f32 v5, v9  }
0xb3: {  	v9 =	vld [tilespmem:s24+$0xC8F0];
	v8 =	vadd.f32 v14, v8;
	v2 =	vadd.f32 v2, v4  }
0xb4: {  	v4 =	vadd.f32 v15, v6;
	v3 =	vadd.f32 v3, v5  }
0xb5: {  	v5 =	vadd.f32 v10, v8;
	v0 =	vadd.f32 v0, v2  }
0xb6: {  	v2 =	vadd.f32 v12, v4;
	v1 =	vadd.f32 v1, v3  }
0xb7: {  	v3 =	vadd.f32 v7, v5;
	v0 =	vmul.f32 $4.999999890e-03, v0  }
0xb8: {  	v2 =	vadd.f32 v9, v2;
	v1 =	vmul.f32 $4.999999890e-03, v1  }
0xb9: {  	[tilespmem:s22+$0x19080] =	vst v0;
	v0 =	vmul.f32 $4.999999890e-03, v3  }
0xba: {  	[tilespmem:s22+$0x19090] =	vst v1;
	v1 =	vmul.f32 $4.999999890e-03, v2  }
0xbb: {  	p0 =	seq.s32 s21, $0x14;
	[tilespmem:s22+$0x190A0] =	vst v0  }
0xbc: {  	s25 =	simm.s32 @!p0 $0x68;
	s26 =	simm.s32 @!p0 $0xC800;
	s24 =	sadd.s32 @!p0 $0x640, s23;
	[tilespmem:s22+$0x190B0] =	vst v1  }
0xbd: {  	[tilespmem:s26], [sflag:$0x3] =	stream.indirect.gather @!p0 [hbm4b:s3+s25], $0x40, s24, s25, $0xb8;
	[tilespmem:$0x1B000] =	vst v63  }
0xbe: {  	s24 =	sadd.s32 @!p0 $0x6A8, s23;
	s25 =	simm.s32 @!p0 $0x60;
	s26 =	simm.s32 @!p0 $0xE200  }
0xbf: {  	[tilespmem:s26], [sflag:$0x3] =	stream.indirect.gather @!p0 [hbm4b:s3+s25], $0x40, s24, s25, $0xb8;
	[tilespmem:$0x1B000] =	vst v63  }
0xc0: {  	_ =	swait.ge [sflag:s16], $0x1A00  }
0xc1: {  	[sflag:s16] =	ssyncset.done $0x0  }
0xc2: {  	[sflag:s16] =	ssyncadd.s32 $0xFFFFE600  }
0xc3: {  	_ =	swait.ge [sflag:s16], $0x1800  }
0xc4: {  	[sflag:s16] =	ssyncset.done $0x0  }
0xc5: {  	s24 =	simm.s32 $0x0;
	[sflag:s16] =	ssyncadd.s32 $0xFFFFE800  }
0xc6: {  	v0 =	vld [tilespmem:s24+$0xFAC0]  }
0xc7: {  	v1 =	vld [tilespmem:s24+$0xFAD0]  }
0xc8: {  	v2 =	vld [tilespmem:s24+$0xFA80]  }
0xc9: {  	v3 =	vld [tilespmem:s24+$0xFA90]  }
0xca: {  	v4 =	vld [tilespmem:s24+$0xFA40]  }
0xcb: {  	v5 =	vld [tilespmem:s24+$0xFA50]  }
0xcc: {  	v10 =	vld [tilespmem:s24+$0xFA00]  }
0xcd: {  	v6 =	vimm.f32 $0.0e+00;
	v12 =	vld [tilespmem:s24+$0xFA10]  }
0xce: {  	v8 =	vimm.f32 $0.0e+00;
	v7 =	vimm.f32 $0.0e+00;
	v9 =	vimm.f32 $0.0e+00;
	s25 =	simm.s32 $0x400;
	v11 =	vld [tilespmem:s24+$0xFA20]  }
.LBB2_9:
0xcf: {  	p1 =	sne.s32 s25, $0xC400;
	v13 =	vld [tilespmem:s24+$0xFA30]  }
0xd0: {  	v14 =	vld [tilespmem:s24+$0xFA60]  }
0xd1: {  	v15 =	vld [tilespmem:s24+$0xFA70]  }
0xd2: {  	v16 =	vld [tilespmem:s24+$0xFAA0]  }
0xd3: {  	v6 =	vadd.f32 v10, v6;
	v9 =	vadd.f32 v12, v9;
	v10 =	vld [tilespmem:s24+$0xFAB0]  }
0xd4: {  	v8 =	vadd.f32 v11, v8;
	v7 =	vadd.f32 v13, v7;
	v11 =	vld [tilespmem:s24+$0xFAE0]  }
0xd5: {  	v4 =	vadd.f32 v4, v6;
	v5 =	vadd.f32 v5, v9;
	v12 =	vld [tilespmem:s24+$0xFAF0];
	s24 =	sshra.s32 s25, $0x2  }
0xd6: {  	v6 =	vadd.f32 v14, v8;
	v13 =	vld [tilespmem:s24+$0xFAC0];
	v7 =	vadd.f32 v15, v7  }
0xd7: {  	v4 =	vadd.f32 v2, v4;
	v5 =	vadd.f32 v3, v5;
	v14 =	vld [tilespmem:s24+$0xFAD0]  }
0xd8: {  	v8 =	vadd.f32 v16, v6;
	v2 =	vld [tilespmem:s24+$0xFA80];
	v7 =	vadd.f32 v10, v7  }
0xd9: {  	v6 =	vadd.f32 v0, v4;
	v9 =	vadd.f32 v1, v5;
	v3 =	vld [tilespmem:s24+$0xFA90]  }
.Ltmp3:
0xda: {  	v8 =	vadd.f32 v11, v8;
	v4 =	vld [tilespmem:s24+$0xFA40];
	v7 =	vadd.f32 v12, v7;
	(pc) =	sbr.rel @p1 .LBB2_9-.Ltmp3, $4  }
0xdb: {  	v5 =	vld [tilespmem:s24+$0xFA50];
	v0 =	vmov v13  }
0xdc: {  	v10 =	vld [tilespmem:s24+$0xFA00];
	v1 =	vmov v14  }
0xdd: {  	v12 =	vld [tilespmem:s24+$0xFA10]  }
0xde: {  	s25 =	sadd.s32 $0x400, s25;
	v11 =	vld [tilespmem:s24+$0xFA20]  }
0xdf: {  	v13 =	vld [tilespmem:s24+$0xFA30]  }
0xe0: {  	v14 =	vld [tilespmem:s24+$0xFA60]  }
0xe1: {  	v15 =	vld [tilespmem:s24+$0xFA70];
	v6 =	vadd.f32 v10, v6  }
0xe2: {  	v10 =	vld [tilespmem:s24+$0xFAA0];
	v9 =	vadd.f32 v12, v9  }
0xe3: {  	v12 =	vld [tilespmem:s24+$0xFAB0];
	v8 =	vadd.f32 v11, v8;
	v4 =	vadd.f32 v4, v6  }
0xe4: {  	v6 =	vadd.f32 v13, v7;
	v7 =	vld [tilespmem:s24+$0xFAE0];
	v5 =	vadd.f32 v5, v9  }
0xe5: {  	v9 =	vld [tilespmem:s24+$0xFAF0];
	v8 =	vadd.f32 v14, v8;
	v2 =	vadd.f32 v2, v4  }
0xe6: {  	v4 =	vadd.f32 v15, v6;
	v3 =	vadd.f32 v3, v5  }
0xe7: {  	v5 =	vadd.f32 v10, v8;
	v0 =	vadd.f32 v0, v2  }
0xe8: {  	v2 =	vadd.f32 v12, v4;
	v1 =	vadd.f32 v1, v3  }
0xe9: {  	v3 =	vadd.f32 v7, v5;
	v0 =	vmul.f32 $4.999999890e-03, v0  }
0xea: {  	v2 =	vadd.f32 v9, v2;
	v1 =	vmul.f32 $4.999999890e-03, v1  }
0xeb: {  	[tilespmem:s22+$0x190C0] =	vst v0;
	v0 =	vmul.f32 $4.999999890e-03, v3  }
0xec: {  	[tilespmem:s22+$0x190D0] =	vst v1;
	v1 =	vmul.f32 $4.999999890e-03, v2  }
0xed: {  	[tilespmem:s22+$0x190E0] =	vst v0  }
0xee: {  	s25 =	simm.s32 @!p0 $0x68;
	s26 =	simm.s32 @!p0 $0xFA00;
	s24 =	sadd.s32 @!p0 $0x708, s23;
	[tilespmem:s22+$0x190F0] =	vst v1  }
0xef: {  	[tilespmem:s26], [sflag:$0x4] =	stream.indirect.gather @!p0 [hbm4b:s3+s25], $0x40, s24, s25, $0xb8;
	[tilespmem:$0x1B000] =	vst v63  }
0xf0: {  	s24 =	sadd.s32 @!p0 $0x770, s23;
	s25 =	simm.s32 @!p0 $0x60;
	s26 =	simm.s32 @!p0 $0x11400  }
0xf1: {  	[tilespmem:s26], [sflag:$0x4] =	stream.indirect.gather @!p0 [hbm4b:s3+s25], $0x40, s24, s25, $0xb8;
	[tilespmem:$0x1B000] =	vst v63  }
0xf2: {  	_ =	swait.ge [sflag:s17], $0x1A00  }
0xf3: {  	[sflag:s17] =	ssyncset.done $0x0  }
0xf4: {  	[sflag:s17] =	ssyncadd.s32 $0xFFFFE600  }
0xf5: {  	_ =	swait.ge [sflag:s17], $0x1800  }
0xf6: {  	[sflag:s17] =	ssyncset.done $0x0  }
0xf7: {  	s24 =	simm.s32 $0x0;
	[sflag:s17] =	ssyncadd.s32 $0xFFFFE800  }
0xf8: {  	v0 =	vld [tilespmem:s24+$0x12CC0]  }
0xf9: {  	v1 =	vld [tilespmem:s24+$0x12CD0]  }
0xfa: {  	v2 =	vld [tilespmem:s24+$0x12C80]  }
0xfb: {  	v3 =	vld [tilespmem:s24+$0x12C90]  }
0xfc: {  	v4 =	vld [tilespmem:s24+$0x12C40]  }
0xfd: {  	v5 =	vld [tilespmem:s24+$0x12C50]  }
0xfe: {  	v10 =	vld [tilespmem:s24+$0x12C00]  }
0xff: {  	v6 =	vimm.f32 $0.0e+00;
	v12 =	vld [tilespmem:s24+$0x12C10]  }
0x100: {  	v8 =	vimm.f32 $0.0e+00;
	v7 =	vimm.f32 $0.0e+00;
	v9 =	vimm.f32 $0.0e+00;
	s25 =	simm.s32 $0x400;
	v11 =	vld [tilespmem:s24+$0x12C20]  }
.LBB2_11:
0x101: {  	p1 =	sne.s32 s25, $0xC400;
	v13 =	vld [tilespmem:s24+$0x12C30]  }
0x102: {  	v14 =	vld [tilespmem:s24+$0x12C60]  }
0x103: {  	v15 =	vld [tilespmem:s24+$0x12C70]  }
0x104: {  	v16 =	vld [tilespmem:s24+$0x12CA0]  }
0x105: {  	v6 =	vadd.f32 v10, v6;
	v9 =	vadd.f32 v12, v9;
	v10 =	vld [tilespmem:s24+$0x12CB0]  }
0x106: {  	v8 =	vadd.f32 v11, v8;
	v7 =	vadd.f32 v13, v7;
	v11 =	vld [tilespmem:s24+$0x12CE0]  }
0x107: {  	v4 =	vadd.f32 v4, v6;
	v5 =	vadd.f32 v5, v9;
	v12 =	vld [tilespmem:s24+$0x12CF0];
	s24 =	sshra.s32 s25, $0x2  }
0x108: {  	v6 =	vadd.f32 v14, v8;
	v13 =	vld [tilespmem:s24+$0x12CC0];
	v7 =	vadd.f32 v15, v7  }
0x109: {  	v4 =	vadd.f32 v2, v4;
	v5 =	vadd.f32 v3, v5;
	v14 =	vld [tilespmem:s24+$0x12CD0]  }
0x10a: {  	v8 =	vadd.f32 v16, v6;
	v2 =	vld [tilespmem:s24+$0x12C80];
	v7 =	vadd.f32 v10, v7  }
0x10b: {  	v6 =	vadd.f32 v0, v4;
	v9 =	vadd.f32 v1, v5;
	v3 =	vld [tilespmem:s24+$0x12C90]  }
.Ltmp4:
0x10c: {  	v8 =	vadd.f32 v11, v8;
	v4 =	vld [tilespmem:s24+$0x12C40];
	v7 =	vadd.f32 v12, v7;
	(pc) =	sbr.rel @p1 .LBB2_11-.Ltmp4, $4  }
0x10d: {  	v5 =	vld [tilespmem:s24+$0x12C50];
	v0 =	vmov v13  }
0x10e: {  	v10 =	vld [tilespmem:s24+$0x12C00];
	v1 =	vmov v14  }
0x10f: {  	v12 =	vld [tilespmem:s24+$0x12C10]  }
0x110: {  	s25 =	sadd.s32 $0x400, s25;
	v11 =	vld [tilespmem:s24+$0x12C20]  }
0x111: {  	v13 =	vld [tilespmem:s24+$0x12C30]  }
0x112: {  	v14 =	vld [tilespmem:s24+$0x12C60]  }
0x113: {  	v15 =	vld [tilespmem:s24+$0x12C70];
	v6 =	vadd.f32 v10, v6  }
0x114: {  	v10 =	vld [tilespmem:s24+$0x12CA0];
	v9 =	vadd.f32 v12, v9  }
0x115: {  	v12 =	vld [tilespmem:s24+$0x12CB0];
	v8 =	vadd.f32 v11, v8;
	v4 =	vadd.f32 v4, v6  }
0x116: {  	v6 =	vadd.f32 v13, v7;
	v7 =	vld [tilespmem:s24+$0x12CE0];
	v5 =	vadd.f32 v5, v9  }
0x117: {  	v9 =	vld [tilespmem:s24+$0x12CF0];
	v8 =	vadd.f32 v14, v8;
	v2 =	vadd.f32 v2, v4  }
0x118: {  	v4 =	vadd.f32 v15, v6;
	v3 =	vadd.f32 v3, v5  }
0x119: {  	v5 =	vadd.f32 v10, v8;
	v0 =	vadd.f32 v0, v2  }
0x11a: {  	v2 =	vadd.f32 v12, v4;
	v1 =	vadd.f32 v1, v3  }
0x11b: {  	v3 =	vadd.f32 v7, v5;
	v0 =	vmul.f32 $4.999999890e-03, v0  }
0x11c: {  	v2 =	vadd.f32 v9, v2;
	v1 =	vmul.f32 $4.999999890e-03, v1  }
0x11d: {  	[tilespmem:s22+$0x19100] =	vst v0;
	v0 =	vmul.f32 $4.999999890e-03, v3  }
0x11e: {  	[tilespmem:s22+$0x19110] =	vst v1;
	v1 =	vmul.f32 $4.999999890e-03, v2  }
0x11f: {  	[tilespmem:s22+$0x19120] =	vst v0  }
0x120: {  	s25 =	simm.s32 @!p0 $0x68;
	s26 =	simm.s32 @!p0 $0x12C00;
	s24 =	sadd.s32 @!p0 $0x7D0, s23;
	[tilespmem:s22+$0x19130] =	vst v1  }
0x121: {  	[tilespmem:s26], [sflag:$0x5] =	stream.indirect.gather @!p0 [hbm4b:s3+s25], $0x40, s24, s25, $0xb8;
	[tilespmem:$0x1B000] =	vst v63  }
0x122: {  	s24 =	sadd.s32 @!p0 $0x838, s23;
	s25 =	simm.s32 @!p0 $0x60;
	s26 =	simm.s32 @!p0 $0x14600  }
0x123: {  	[tilespmem:s26], [sflag:$0x5] =	stream.indirect.gather @!p0 [hbm4b:s3+s25], $0x40, s24, s25, $0xb8;
	[tilespmem:$0x1B000] =	vst v63  }
0x124: {  	_ =	swait.ge [sflag:s18], $0x1A00  }
0x125: {  	[sflag:s18] =	ssyncset.done $0x0  }
0x126: {  	[sflag:s18] =	ssyncadd.s32 $0xFFFFE600  }
0x127: {  	_ =	swait.ge [sflag:s18], $0x1800  }
0x128: {  	[sflag:s18] =	ssyncset.done $0x0  }
0x129: {  	s24 =	simm.s32 $0x0;
	[sflag:s18] =	ssyncadd.s32 $0xFFFFE800  }
0x12a: {  	v0 =	vld [tilespmem:s24+$0x15EC0]  }
0x12b: {  	v1 =	vld [tilespmem:s24+$0x15ED0]  }
0x12c: {  	v2 =	vld [tilespmem:s24+$0x15E80]  }
0x12d: {  	v3 =	vld [tilespmem:s24+$0x15E90]  }
0x12e: {  	v4 =	vld [tilespmem:s24+$0x15E40]  }
0x12f: {  	v5 =	vld [tilespmem:s24+$0x15E50]  }
0x130: {  	v10 =	vld [tilespmem:s24+$0x15E00]  }
0x131: {  	v6 =	vimm.f32 $0.0e+00;
	v12 =	vld [tilespmem:s24+$0x15E10]  }
0x132: {  	v8 =	vimm.f32 $0.0e+00;
	v7 =	vimm.f32 $0.0e+00;
	v9 =	vimm.f32 $0.0e+00;
	s25 =	simm.s32 $0x400;
	v11 =	vld [tilespmem:s24+$0x15E20]  }
.LBB2_13:
0x133: {  	p1 =	sne.s32 s25, $0xC400;
	v13 =	vld [tilespmem:s24+$0x15E30]  }
0x134: {  	v14 =	vld [tilespmem:s24+$0x15E60]  }
0x135: {  	v15 =	vld [tilespmem:s24+$0x15E70]  }
0x136: {  	v16 =	vld [tilespmem:s24+$0x15EA0]  }
0x137: {  	v6 =	vadd.f32 v10, v6;
	v9 =	vadd.f32 v12, v9;
	v10 =	vld [tilespmem:s24+$0x15EB0]  }
0x138: {  	v8 =	vadd.f32 v11, v8;
	v7 =	vadd.f32 v13, v7;
	v11 =	vld [tilespmem:s24+$0x15EE0]  }
0x139: {  	v4 =	vadd.f32 v4, v6;
	v5 =	vadd.f32 v5, v9;
	v12 =	vld [tilespmem:s24+$0x15EF0];
	s24 =	sshra.s32 s25, $0x2  }
0x13a: {  	v6 =	vadd.f32 v14, v8;
	v13 =	vld [tilespmem:s24+$0x15EC0];
	v7 =	vadd.f32 v15, v7  }
0x13b: {  	v4 =	vadd.f32 v2, v4;
	v5 =	vadd.f32 v3, v5;
	v14 =	vld [tilespmem:s24+$0x15ED0]  }
0x13c: {  	v8 =	vadd.f32 v16, v6;
	v2 =	vld [tilespmem:s24+$0x15E80];
	v7 =	vadd.f32 v10, v7  }
0x13d: {  	v6 =	vadd.f32 v0, v4;
	v9 =	vadd.f32 v1, v5;
	v3 =	vld [tilespmem:s24+$0x15E90]  }
.Ltmp5:
0x13e: {  	v8 =	vadd.f32 v11, v8;
	v4 =	vld [tilespmem:s24+$0x15E40];
	v7 =	vadd.f32 v12, v7;
	(pc) =	sbr.rel @p1 .LBB2_13-.Ltmp5, $4  }
0x13f: {  	v5 =	vld [tilespmem:s24+$0x15E50];
	v0 =	vmov v13  }
0x140: {  	v10 =	vld [tilespmem:s24+$0x15E00];
	v1 =	vmov v14  }
0x141: {  	v12 =	vld [tilespmem:s24+$0x15E10]  }
0x142: {  	s25 =	sadd.s32 $0x400, s25;
	v11 =	vld [tilespmem:s24+$0x15E20]  }
0x143: {  	v13 =	vld [tilespmem:s24+$0x15E30]  }
0x144: {  	v14 =	vld [tilespmem:s24+$0x15E60]  }
0x145: {  	v15 =	vld [tilespmem:s24+$0x15E70];
	v6 =	vadd.f32 v10, v6  }
0x146: {  	v53 =	vld [tilespmem:s24+$0x15EA0];
	v9 =	vadd.f32 v12, v9  }
0x147: {  	v54 =	vld [tilespmem:s24+$0x15EB0];
	v8 =	vadd.f32 v11, v8;
	v4 =	vadd.f32 v4, v6  }
0x148: {  	v56 =	vld [tilespmem:s24+$0x15EE0];
	v55 =	vadd.f32 v13, v7;
	v5 =	vadd.f32 v5, v9  }
0x149: {  	v57 =	vld [tilespmem:s24+$0x15EF0];
	v8 =	vadd.f32 v14, v8;
	v2 =	vadd.f32 v2, v4  }
0x14a: {  	v58 =	vadd.f32 v15, v55;
	v3 =	vadd.f32 v3, v5  }
0x14b: {  	v59 =	vadd.f32 v53, v8;
	v0 =	vadd.f32 v0, v2  }
0x14c: {  	v60 =	vadd.f32 v54, v58;
	v1 =	vadd.f32 v1, v3  }
0x14d: {  	v61 =	vadd.f32 v56, v59;
	v0 =	vmul.f32 $4.999999890e-03, v0  }
.Ltmp6:
0x14e: {  	v2 =	vadd.f32 v57, v60;
	v1 =	vmul.f32 $4.999999890e-03, v1;
	(pc) =	sbr.rel @p0 .LBB2_16-.Ltmp6, $4  }
0x14f: {  	[tilespmem:s22+$0x19140] =	vst v0;
	v62 =	vmul.f32 $4.999999890e-03, v61  }
0x150: {  	[tilespmem:s22+$0x19150] =	vst v1;
	v63 =	vmul.f32 $4.999999890e-03, v2  }
0x151: {  	[tilespmem:s22+$0x19160] =	vst v62  }
0x152: {  	[tilespmem:s22+$0x19170] =	vst v63  }
.Ltmp7:
0x153: {  	(pc) =	sbr.rel .LBB2_2-.Ltmp7, $4  }
0x154: {  	s22 =	sadd.s32 $0x898, s23  }
0x155: {  	[tilespmem:s30], [sflag:$0x6] =	stream.indirect.gather [hbm4b:s3+s8], $0x40, s22, s8, $0xb8;
	[tilespmem:$0x1B000] =	vst v63  }
0x156: {  	s26 =	sadd.s32 $0x900, s23;
	s21 =	sadd.s32 $0x1, s21  }
0x157: {  	[tilespmem:s0], [sflag:$0x6] =	stream.indirect.gather [hbm4b:s3+s10], $0x40, s26, s10, $0xb8;
	[tilespmem:$0x1B000] =	vst v63  }
.LBB2_16:
0x158: {  	_ =	swait.ge [sflag:s1], $0x1A00  }
0x159: {  	[sflag:s1] =	ssyncset.done $0x0  }
0x15a: {  	[sflag:s1] =	ssyncadd.s32 $0xFFFFE600  }
0x15b: {  	_ =	swait.ge [sflag:s1], $0x1800  }
0x15c: {  	[sflag:s1] =	ssyncset.done $0x0  }
0x15d: {  	s21 =	simm.s32 $0x0;
	[sflag:s1] =	ssyncadd.s32 $0xFFFFE800  }
0x15e: {  	v0 =	vld [tilespmem:s21+$0x64C0]  }
0x15f: {  	v1 =	vld [tilespmem:s21+$0x64D0]  }
0x160: {  	v2 =	vld [tilespmem:s21+$0x6480]  }
0x161: {  	v3 =	vld [tilespmem:s21+$0x6490]  }
0x162: {  	v4 =	vld [tilespmem:s21+$0x6440]  }
0x163: {  	v5 =	vld [tilespmem:s21+$0x6450]  }
0x164: {  	v10 =	vld [tilespmem:s21+$0x6400]  }
0x165: {  	v6 =	vimm.f32 $0.0e+00;
	v12 =	vld [tilespmem:s21+$0x6410]  }
0x166: {  	s22 =	simm.s32 $0x400;
	v9 =	vimm.f32 $0.0e+00;
	v8 =	vimm.f32 $0.0e+00;
	v7 =	vimm.f32 $0.0e+00;
	v11 =	vld [tilespmem:s21+$0x6420]  }
.LBB2_17:
0x167: {  	p0 =	sne.s32 s22, $0xC400;
	v13 =	vld [tilespmem:s21+$0x6430]  }
0x168: {  	v14 =	vld [tilespmem:s21+$0x6460]  }
0x169: {  	v15 =	vld [tilespmem:s21+$0x6470]  }
0x16a: {  	v16 =	vld [tilespmem:s21+$0x64A0]  }
0x16b: {  	v6 =	vadd.f32 v10, v6;
	v9 =	vadd.f32 v12, v9;
	v10 =	vld [tilespmem:s21+$0x64B0]  }
0x16c: {  	v8 =	vadd.f32 v11, v8;
	v7 =	vadd.f32 v13, v7;
	v11 =	vld [tilespmem:s21+$0x64E0]  }
0x16d: {  	v4 =	vadd.f32 v4, v6;
	v5 =	vadd.f32 v5, v9;
	v12 =	vld [tilespmem:s21+$0x64F0];
	s21 =	sshra.s32 s22, $0x2  }
0x16e: {  	v6 =	vadd.f32 v14, v8;
	v13 =	vld [tilespmem:s21+$0x64C0];
	v7 =	vadd.f32 v15, v7  }
0x16f: {  	v4 =	vadd.f32 v2, v4;
	v5 =	vadd.f32 v3, v5;
	v14 =	vld [tilespmem:s21+$0x64D0]  }
0x170: {  	v8 =	vadd.f32 v16, v6;
	v2 =	vld [tilespmem:s21+$0x6480];
	v7 =	vadd.f32 v10, v7  }
0x171: {  	v6 =	vadd.f32 v0, v4;
	v9 =	vadd.f32 v1, v5;
	v3 =	vld [tilespmem:s21+$0x6490]  }
.Ltmp8:
0x172: {  	v8 =	vadd.f32 v11, v8;
	v4 =	vld [tilespmem:s21+$0x6440];
	v7 =	vadd.f32 v12, v7;
	(pc) =	sbr.rel @p0 .LBB2_17-.Ltmp8, $4  }
0x173: {  	v5 =	vld [tilespmem:s21+$0x6450];
	v0 =	vmov v13  }
0x174: {  	v10 =	vld [tilespmem:s21+$0x6400];
	v1 =	vmov v14  }
0x175: {  	v12 =	vld [tilespmem:s21+$0x6410]  }
0x176: {  	s22 =	sadd.s32 $0x400, s22;
	v11 =	vld [tilespmem:s21+$0x6420]  }
0x177: {  	v13 =	vld [tilespmem:s21+$0x6430]  }
0x178: {  	v14 =	vld [tilespmem:s21+$0x6460]  }
0x179: {  	v15 =	vld [tilespmem:s21+$0x6470];
	v6 =	vadd.f32 v10, v6  }
0x17a: {  	v10 =	vld [tilespmem:s21+$0x64A0];
	v9 =	vadd.f32 v12, v9  }
0x17b: {  	v12 =	vld [tilespmem:s21+$0x64B0];
	v8 =	vadd.f32 v11, v8;
	v4 =	vadd.f32 v4, v6  }
0x17c: {  	v6 =	vadd.f32 v13, v7;
	v7 =	vld [tilespmem:s21+$0x64E0];
	v5 =	vadd.f32 v5, v9  }
0x17d: {  	v9 =	vld [tilespmem:s21+$0x64F0];
	v8 =	vadd.f32 v14, v8;
	v2 =	vadd.f32 v2, v4  }
0x17e: {  	v4 =	vadd.f32 v15, v6;
	v3 =	vadd.f32 v3, v5  }
0x17f: {  	v5 =	vadd.f32 v10, v8;
	v0 =	vadd.f32 v0, v2  }
0x180: {  	v2 =	vadd.f32 v12, v4;
	v1 =	vadd.f32 v1, v3  }
0x181: {  	v3 =	vadd.f32 v7, v5;
	v0 =	vmul.f32 $4.999999890e-03, v0  }
0x182: {  	v2 =	vadd.f32 v9, v2;
	v1 =	vmul.f32 $4.999999890e-03, v1  }
0x183: {  	[tilespmem:$0x1AF80] =	vst v0;
	v0 =	vmul.f32 $4.999999890e-03, v3  }
0x184: {  	[tilespmem:$0x1AF90] =	vst v1;
	v1 =	vmul.f32 $4.999999890e-03, v2  }
0x185: {  	[tilespmem:$0x1AFA0] =	vst v0  }
0x186: {  	[tilespmem:$0x1AFB0] =	vst v1  }
0x187: {  	_ =	swait.ge [sflag:s12], $0x1A00  }
0x188: {  	[sflag:s12] =	ssyncset.done $0x0  }
0x189: {  	[sflag:s12] =	ssyncadd.s32 $0xFFFFE600  }
0x18a: {  	_ =	swait.ge [sflag:s12], $0x1800  }
0x18b: {  	[sflag:s12] =	ssyncset.done $0x0  }
0x18c: {  	s21 =	simm.s32 $0x0;
	[sflag:s12] =	ssyncadd.s32 $0xFFFFE800  }
0x18d: {  	v0 =	vld [tilespmem:s21+$0x96C0]  }
0x18e: {  	v1 =	vld [tilespmem:s21+$0x96D0]  }
0x18f: {  	v2 =	vld [tilespmem:s21+$0x9680]  }
0x190: {  	v3 =	vld [tilespmem:s21+$0x9690]  }
0x191: {  	v4 =	vld [tilespmem:s21+$0x9640]  }
0x192: {  	v5 =	vld [tilespmem:s21+$0x9650]  }
0x193: {  	v10 =	vld [tilespmem:s21+$0x9600]  }
0x194: {  	v6 =	vimm.f32 $0.0e+00;
	v12 =	vld [tilespmem:s21+$0x9610]  }
0x195: {  	s22 =	simm.s32 $0x400;
	v8 =	vimm.f32 $0.0e+00;
	v7 =	vimm.f32 $0.0e+00;
	v9 =	vimm.f32 $0.0e+00;
	v11 =	vld [tilespmem:s21+$0x9620]  }
.LBB2_19:
0x196: {  	p0 =	sne.s32 s22, $0xC400;
	v13 =	vld [tilespmem:s21+$0x9630]  }
0x197: {  	v14 =	vld [tilespmem:s21+$0x9660]  }
0x198: {  	v15 =	vld [tilespmem:s21+$0x9670]  }
0x199: {  	v16 =	vld [tilespmem:s21+$0x96A0]  }
0x19a: {  	v6 =	vadd.f32 v10, v6;
	v9 =	vadd.f32 v12, v9;
	v10 =	vld [tilespmem:s21+$0x96B0]  }
0x19b: {  	v8 =	vadd.f32 v11, v8;
	v7 =	vadd.f32 v13, v7;
	v11 =	vld [tilespmem:s21+$0x96E0]  }
0x19c: {  	v4 =	vadd.f32 v4, v6;
	v5 =	vadd.f32 v5, v9;
	v12 =	vld [tilespmem:s21+$0x96F0];
	s21 =	sshra.s32 s22, $0x2  }
0x19d: {  	v6 =	vadd.f32 v14, v8;
	v13 =	vld [tilespmem:s21+$0x96C0];
	v7 =	vadd.f32 v15, v7  }
0x19e: {  	v4 =	vadd.f32 v2, v4;
	v5 =	vadd.f32 v3, v5;
	v14 =	vld [tilespmem:s21+$0x96D0]  }
0x19f: {  	v8 =	vadd.f32 v16, v6;
	v2 =	vld [tilespmem:s21+$0x9680];
	v7 =	vadd.f32 v10, v7  }
0x1a0: {  	v6 =	vadd.f32 v0, v4;
	v9 =	vadd.f32 v1, v5;
	v3 =	vld [tilespmem:s21+$0x9690]  }
.Ltmp9:
0x1a1: {  	v8 =	vadd.f32 v11, v8;
	v4 =	vld [tilespmem:s21+$0x9640];
	v7 =	vadd.f32 v12, v7;
	(pc) =	sbr.rel @p0 .LBB2_19-.Ltmp9, $4  }
0x1a2: {  	v5 =	vld [tilespmem:s21+$0x9650];
	v0 =	vmov v13  }
0x1a3: {  	v10 =	vld [tilespmem:s21+$0x9600];
	v1 =	vmov v14  }
0x1a4: {  	v12 =	vld [tilespmem:s21+$0x9610]  }
0x1a5: {  	s22 =	sadd.s32 $0x400, s22;
	v11 =	vld [tilespmem:s21+$0x9620]  }
0x1a6: {  	v13 =	vld [tilespmem:s21+$0x9630]  }
0x1a7: {  	v14 =	vld [tilespmem:s21+$0x9660]  }
0x1a8: {  	v15 =	vld [tilespmem:s21+$0x9670];
	v6 =	vadd.f32 v10, v6  }
0x1a9: {  	v53 =	vld [tilespmem:s21+$0x96A0];
	v9 =	vadd.f32 v12, v9  }
0x1aa: {  	v54 =	vld [tilespmem:s21+$0x96B0];
	v8 =	vadd.f32 v11, v8;
	v4 =	vadd.f32 v4, v6  }
0x1ab: {  	v56 =	vld [tilespmem:s21+$0x96E0];
	v55 =	vadd.f32 v13, v7;
	v5 =	vadd.f32 v5, v9  }
0x1ac: {  	v57 =	vld [tilespmem:s21+$0x96F0];
	v8 =	vadd.f32 v14, v8;
	v2 =	vadd.f32 v2, v4  }
0x1ad: {  	v58 =	vadd.f32 v15, v55;
	v3 =	vadd.f32 v3, v5  }
0x1ae: {  	v59 =	vadd.f32 v53, v8;
	v0 =	vadd.f32 v0, v2  }
0x1af: {  	v60 =	vadd.f32 v54, v58;
	v1 =	vadd.f32 v1, v3  }
0x1b0: {  	v61 =	vadd.f32 v56, v59;
	v0 =	vmul.f32 $4.999999890e-03, v0  }
0x1b1: {  	v2 =	vadd.f32 v57, v60;
	v1 =	vmul.f32 $4.999999890e-03, v1  }
0x1b2: {  	[tilespmem:$0x1AFC0] =	vst v0;
	v62 =	vmul.f32 $4.999999890e-03, v61  }
0x1b3: {  	s20 =	sadd.s32 $0x1, s20;
	[tilespmem:$0x1AFD0] =	vst v1;
	v63 =	vmul.f32 $4.999999890e-03, v2  }
0x1b4: {  	p0 =	sne.s32 s20, s6;
	[tilespmem:$0x1AFE0] =	vst v62  }
.Ltmp10:
0x1b5: {  	[tilespmem:$0x1AFF0] =	vst v63;
	(pc) =	sbr.rel @p0 .LBB2_1-.Ltmp10, $4  }
0x1b6: {  	[hbm4b:s5+s2] =	stream.linear.scatter [tilespmem:s19], [sflag:$0x7], $0x2000, $0x38;
	[tilespmem:$0x1B000] =	vst v63  }
0x1b7: {  	_ =	swait.ge [sflag:s7], $0x2000  }
0x1b8: {  	[sflag:s7] =	ssyncset.done $0x0  }
0x1b9: {  	[sflag:s7] =	ssyncadd.s32 $0xFFFFE000  }
0x1ba: {  	_ =	sfence.sel $0x180000  }
0x1bb: {  	[bflag:$0x0] =	sbarrier.arrive $0xFFFF  }
0x1bc: {  	_ =	strace $0x90000047  }
0x1bd: {  	s0 =	stileid.u32;
	[bflag:$0x2] =	sbarrier.arrive $0xFFFF  }
0x1be: {  	p0 =	sne.s32 s0, $0x0;
	s0 =	rddreg [dreg:$0x1]  }
0x1bf: {  	s0 =	sadd.s32 @!p0 $0x100000, s0  }
0x1c0: {  	[sflag:s0] =	ssyncadd.tile.s32 @!p0 $0x1;
	_ =	shalt  }
.Lfunc_end2:
_tile_overlayer_lowered:
.L_overlay_start_2:
0x1c1: {  	(tag) =	ssettag $0x2  }
0x1c2: {  	s0 =	rddreg [dreg:$0x0];
	s2 =	stileid.u32  }
0x1c3: {  	s1 =	rddreg [dreg:$0x1];
	p0 =	sne.s32 s2, $0x0  }
0x1c4: {  	s3 =	rddreg [dreg:$0x2];
	[bflag:$0x3] =	sbarrier.arrive $0xFFFF;
	s2 =	simm.s32 @!p0 $0x1C07  }
0x1c5: {  	[timem:s3], [sflag:s2] =	dma.local @!p0 [hbm:s0], s1  }
0x1c6: {  	s0 =	simm.s32 @!p0 $0x7  }
0x1c7: {  	_ =	swait.ge @!p0 [sflag:s0], s1  }
0x1c8: {  	s1 =	ssub.s32 @!p0 $0x0, s1;
	[sflag:s0] =	ssyncset.done @!p0 $0x0  }
0x1c9: {  	[sflag:s0] =	ssyncadd.s32 @!p0 s1  }
0x1ca: {  	[bflag:$0x3] =	sbarrier.arrive $0xFFFF  }
0x1cb: {  	_ =	shalt  }

// kernel: kernel.8.cloned.1.call-start
scs
__scs_entry_jumppad:
0x0: {  	(pc) =	sbr.rel $0x88, $3  }
0x1: {  	(tag) =	ssettag $0x0;
	lr =	simm.s32 $0x1  }
0x2: {  	[smem:$0x3F99] =	sst lr;
	_ =	strace $0xD0000000  }
0x3: {  	_ = 	snop  }
0x4: {  	_ = 	snop  }
0x5: {  	_ = 	snop  }
0x6: {  	_ = 	snop  }
0x7: {  	_ = 	snop  }
__scs_overlays_trampoline_lowered:
0x8: {  	[smem:$0x3FA8] =	sst s0  }
0x9: {  	[smem:$0x3FA9] =	sst s1  }
0xa: {  	[smem:$0x3FAA] =	sst s2  }
0xb: {  	[smem:$0x3FAB] =	sst s3  }
0xc: {  	[smem:$0x3FAC] =	sst s4  }
0xd: {  	[smem:$0x3FAD] =	sst s5  }
0xe: {  	[smem:$0x3FAE] =	sst s6  }
0xf: {  	[smem:$0x3FAF] =	sst s7  }
0x10: {  	[smem:$0x3FB0] =	sst s8  }
0x11: {  	[smem:$0x3FB1] =	sst s9;
	s0 =	simm.s32 @!p0 $0x0  }
0x12: {  	s1 =	sld [smem:$0x3F97];
	s0 =	simm.s32 @p0 $0x1  }
0x13: {  	[smem:$0x3FB2] =	sst s0;
	s0 =	simm.s32 @!p1 $0x0  }
0x14: {  	s2 =	sld [smem:$0x3F96];
	s0 =	simm.s32 @p1 $0x1  }
0x15: {  	[smem:$0x3FB3] =	sst s0;
	s0 =	simm.s32 @!p2 $0x0  }
0x16: {  	s3 =	sld [smem:$0x3FDB];
	s0 =	simm.s32 @p2 $0x1  }
0x17: {  	s4 =	simm.s32 $0x1BF5;
	[smem:$0x3FB5] =	sst s0  }
0x18: {  	s0 =	sld [smem:$0x3F98];
	_ =	swait.ge [sflag:s4], $0x0  }
0x19: {  	s7 =	sld [smem:$0x3F99]  }
0x1a: {  	s8 =	sadd.s32 $0xFFFFE003, lr  }
0x1b: {  	s9 =	sadd.s32 $0xFFFFFEF7, lr;
	s5 =	simm.s32 $0xFFFFFFFF;
	p2 =	slt.u32 s8, $0xFFFFF086  }
0x1c: {  	p1 =	slt.u32 s9, $0xF7A;
	s5 =	simm.s32 @!p2 $0x0  }
0x1d: {  	s5 =	simm.s32 @p1 $0x1;
	p0 =	seq.s32 s7, s2  }
0x1e: {  	s7 =	smul.u32 @!p0 $0xF7A, s2;
	p2 =	seq.s32 @!p0 s5, $0x0  }
0x1f: {  	s9 =	smul.u32 $0xF7A, s1;
	s8 =	simm.s32 @!p0 $0x1BF5;
	p2 =	por !p2, p0  }
0x20: {  	[sflag:s8] =	ssyncset.s32 @!p0 $0xFFFFF086;
	s6 =	sadd.s32 @!p0 s3, s7;
	s7 =	simm.s32 @!p0 $0x108  }
0x21: {  	s3 =	sadd.s32 s3, s9;
	s6 =	sadd.s32 @!p0 $0x88, s6;
	s7 =	simm.s32 @p2 $0x1082  }
0x22: {  	[simem:s7], [sflag:s8] =	dma.local @!p0 [hbm:s6], $0xF7A  }
0x23: {  	s9 =	sor.u32 $0xD0000000, s2;
	s6 =	simm.s32 $0x108;
	_ =	swait.ge @!p0 [sflag:s8], $0x0  }
0x24: {  	s3 =	sadd.s32 $0x88, s3;
	s6 =	simm.s32 @!p1 $0x1082;
	[sflag:s4] =	ssyncset.s32 $0xFFFFF086  }
0x25: {  	[simem:s6], [sflag:s4] =	dma.local [hbm:s3], $0xF7A  }
0x26: {  	[smem:$0x3F99] =	sst s1;
	(tag) =	ssettag s2;
	_ =	strace s9  }
0x27: {  	s1 =	sld [smem:$0x3FA9]  }
0x28: {  	s2 =	sld [smem:$0x3FAA]  }
0x29: {  	s4 =	sld [smem:$0x3FAC]  }
0x2a: {  	p0 =	seq.s32 s5, $0x0;
	s5 =	sld [smem:$0x3FAD]  }
0x2b: {  	s6 =	sld [smem:$0x3FAE]  }
0x2c: {  	s7 =	sld [smem:$0x3FAF]  }
0x2d: {  	s3 =	simm.s32 $0x108;
	s8 =	sld [smem:$0x3FB0]  }
0x2e: {  	s3 =	simm.s32 @!p0 $0x1082;
	s9 =	sld [smem:$0x3FB1]  }
0x2f: {  	lr =	sadd.s32 s0, s3;
	s0 =	sld [smem:$0x3FA8]  }
0x30: {  	s3 =	sld [smem:$0x3FAB]  }
0x31: {  	[smem:$0x3FB4] =	sst s10  }
0x32: {  	s10 =	sld [smem:$0x3FB2];
	_ =	sdelay $0x3  }
0x33: {  	p0 =	seq.s32 s10, $0x1;
	s10 =	sld [smem:$0x3FB4];
	_ =	sdelay $0x3  }
0x34: {  	[smem:$0x3FB4] =	sst s10  }
0x35: {  	s10 =	sld [smem:$0x3FB3];
	_ =	sdelay $0x3  }
0x36: {  	p1 =	seq.s32 s10, $0x1;
	s10 =	sld [smem:$0x3FB4];
	_ =	sdelay $0x3  }
0x37: {  	[smem:$0x3FB4] =	sst s10  }
0x38: {  	s10 =	sld [smem:$0x3FB5]  }
0x39: {  	_ = 	snop;
	(pc) =	sbr.ind lr, $3  }
0x3a: {  	_ = 	snop  }
0x3b: {  	_ = 	snop  }
0x3c: {  	p2 =	seq.s32 s10, $0x1;
	s10 =	sld [smem:$0x3FB4]  }
0x3d: {  	_ =	shalt  }
0x3e: {  	_ =	shalt  }
0x3f: {  	_ =	shalt  }
0x40: {  	_ =	shalt  }
0x41: {  	_ =	shalt  }
0x42: {  	_ =	shalt  }
0x43: {  	_ =	shalt  }
0x44: {  	_ =	shalt  }
0x45: {  	_ =	shalt  }
0x46: {  	_ =	shalt  }
0x47: {  	_ =	shalt  }
0x48: {  	_ =	shalt  }
0x49: {  	_ =	shalt  }
0x4a: {  	_ =	shalt  }
0x4b: {  	_ =	shalt  }
0x4c: {  	_ =	shalt  }
0x4d: {  	_ =	shalt  }
0x4e: {  	_ =	shalt  }
0x4f: {  	_ =	shalt  }
0x50: {  	_ =	shalt  }
0x51: {  	_ =	shalt  }
0x52: {  	_ =	shalt  }
0x53: {  	_ =	shalt  }
0x54: {  	_ =	shalt  }
0x55: {  	_ =	shalt  }
0x56: {  	_ =	shalt  }
0x57: {  	_ =	shalt  }
0x58: {  	_ =	shalt  }
0x59: {  	_ =	shalt  }
0x5a: {  	_ =	shalt  }
0x5b: {  	_ =	shalt  }
0x5c: {  	_ =	shalt  }
0x5d: {  	_ =	shalt  }
0x5e: {  	_ =	shalt  }
0x5f: {  	_ =	shalt  }
0x60: {  	_ =	shalt  }
0x61: {  	_ =	shalt  }
0x62: {  	_ =	shalt  }
0x63: {  	_ =	shalt  }
0x64: {  	_ =	shalt  }
0x65: {  	_ =	shalt  }
0x66: {  	_ =	shalt  }
0x67: {  	_ =	shalt  }
0x68: {  	_ =	shalt  }
0x69: {  	_ =	shalt  }
0x6a: {  	_ =	shalt  }
0x6b: {  	_ =	shalt  }
0x6c: {  	_ =	shalt  }
0x6d: {  	_ =	shalt  }
0x6e: {  	_ =	shalt  }
0x6f: {  	_ =	shalt  }
0x70: {  	_ =	shalt  }
0x71: {  	_ =	shalt  }
0x72: {  	_ =	shalt  }
0x73: {  	_ =	shalt  }
0x74: {  	_ =	shalt  }
0x75: {  	_ =	shalt  }
0x76: {  	_ =	shalt  }
0x77: {  	_ =	shalt  }
0x78: {  	_ =	shalt  }
0x79: {  	_ =	shalt  }
0x7a: {  	_ =	shalt  }
0x7b: {  	_ =	shalt  }
0x7c: {  	_ =	shalt  }
0x7d: {  	_ =	shalt  }
0x7e: {  	_ =	shalt  }
0x7f: {  	_ =	shalt  }
0x80: {  	_ =	shalt  }
0x81: {  	_ =	shalt  }
0x82: {  	_ =	shalt  }
0x83: {  	_ =	shalt  }
0x84: {  	_ =	shalt  }
0x85: {  	_ =	shalt  }
0x86: {  	_ =	shalt  }
0x87: {  	_ =	shalt  }
.Lfunc_end0:
.L_simem_size_0:
called_computation.1_lowered:
.L_overlay_start_0:
0x88: {  	s2 =	sld [smem:$0x3FD9]  }
0x89: {  	s3 =	sld [smem:$0x3FFE];
	_ =	sdelay $0x1  }
0x8a: {  	s1 =	srdreg.scid  }
0x8b: {  	s0 =	sand.u32 $0x1, s1  }
0x8c: {  	s17 =	sshll.u32 s0, $0xA;
	s2 =	sadd.s32 s3, s2  }
0x8d: {  	s2 =	sadd.s32 s2, s17  }
0x8e: {  	[smem:$0x3FC0] =	sst s2  }
0x8f: {  	_ = 	snop  }
0x90: {  	(tm) =	ssettm $0x1  }
0x91: {  	s18 =	sld [smem:$0x3FFB];
	_ =	sdelay $0x3  }
0x92: {  	_ =	strace s18  }
0x93: {  	s2 =	sld [smem:$0x3FFC];
	_ =	sdelay $0x3  }
0x94: {  	_ =	strace s2  }
0x95: {  	s2 =	sld [smem:$0x3FFD];
	_ =	sdelay $0x3  }
0x96: {  	_ =	strace s2  }
0x97: {  	_ =	strace $0x8FFFFFFF  }
0x98: {  	s19 =	sld [smem:$0x3FDB];
	_ =	sdelay $0x1  }
0x99: {  	s20 =	simm.s32 $_scs_section_size  }
0x9a: {  	s4 =	simm.s32 $_size__tile_overlayer_lowered;
	s5 =	simm.s32 $_tile_overlayer_lowered  }
0x9b: {  	s6 =	simm.s32 $0x1BFF;
	s21 =	sshll.u32 s5, $0x1;
	s3 =	sadd.s32 s20, s19  }
0x9c: {  	s22 =	simm.s32 $0x0;
	s4 =	sshll.u32 s4, $0x1;
	s5 =	sadd.s32 s21, s3  }
0x9d: {  	[timem:s22], [sflag:s6] =	dma.local [hbm:s5], s4  }
0x9e: {  	_ =	swait.ge [sflag:s6], s4  }
0x9f: {  	s4 =	ssub.s32 $0x0, s4;
	[sflag:s6] =	ssyncset.done $0x0  }
0xa0: {  	[sflag:s6] =	ssyncadd.s32 s4;
	_ =	sdelay $0x1  }
0xa1: {  	s23 =	simm.s32 $0x1B8B  }
0xa2: {  	_ =	swait.ge [sflag:s23], $0x1  }
0xa3: {  	[sflag:s23] =	ssyncset.done $0x0  }
0xa4: {  	[sflag:s23] =	ssyncadd.s32 $0xFFFFFFFF  }
0xa5: {  	s4 =	sld [smem:$0x0]  }
0xa6: {  	s5 =	sand.u32 $0xFFFFFFFE, s1  }
0xa7: {  	p0 =	sne.s32 s1, s5  }
0xa8: {  	s5 =	sshll.u32 @p0 s5, $0xE  }
0xa9: {  	s5 =	sadd.s32 @p0 $0x11B8D, s5;
	s6 =	sshll.u32 @p0 s4, $0x11  }
0xaa: {  	s5 =	sor.u32 @p0 s6, s5  }
0xab: {  	[sflag:s5] =	ssyncadd.remote.s32 @p0 $0x1;
	_ =	sdelay $0x1  }
0xac: {  	s5 =	simm.s32 @p0 $0x1B8D  }
0xad: {  	_ =	swait.eq @p0 [sflag:s5], $0x1  }
0xae: {  	[sflag:s5] =	ssyncadd.s32 @p0 $0xFFFFFFFF  }
0xaf: {  	s6 =	sshll.u32 @!p0 s1, $0xE  }
0xb0: {  	s6 =	sor.u32 @!p0 $0x4000, s6;
	s5 =	simm.s32 @!p0 $0x1B8D  }
0xb1: {  	s4 =	sshll.u32 @!p0 s4, $0x11;
	s6 =	sadd.s32 @!p0 $0x11B8D, s6;
	_ =	swait.eq @!p0 [sflag:s5], $0x1  }
0xb2: {  	s4 =	sor.u32 @!p0 s4, s6;
	[sflag:s5] =	ssyncadd.s32 @!p0 $0xFFFFFFFF  }
0xb3: {  	s25 =	simm.s32 $0x1B8E;
	s24 =	sld [smem:$0x3FFE];
	[sflag:s4] =	ssyncadd.remote.s32 @!p0 $0x1  }
0xb4: {  	s26 =	simm.s32 $execute0_lowered;
	[smem:$0x3FD2] =	sst s25  }
0xb5: {  	s5 =	sshll.u32 s26, $0x1;
	_ =	strace $0x80000049;
	[dreg:$0x1] =	wrdreg $0xFFFFFFFF  }
0xb6: {  	s28 =	simm.s32 $_size_execute0_lowered;
	s3 =	sadd.s32 s3, s5;
	[dreg:$0x0] =	wrdreg $0x0  }
0xb7: {  	s5 =	sshll.u32 s28, $0x1;
	[dreg:$0x2] =	wrdreg s3  }
0xb8: {  	[dreg:$0x3] =	wrdreg s5  }
0xb9: {  	[dreg:$0x4] =	wrdreg $0xC0  }
0xba: {  	_ =	task [dreg:s22], $0x5FFFF  }
0xbb: {  	[dreg:$0x1] =	wrdreg $0xFFFFFFFF  }
0xbc: {  	[dreg:$0x0] =	wrdreg $0x60  }
0xbd: {  	[dreg:$0x2] =	wrdreg s24  }
0xbe: {  	[dreg:$0x3] =	wrdreg $0xA  }
0xbf: {  	_ =	task.clear_ibuf [dreg:s22], $0x4FFFF;
	_ =	strace $0x90000049  }
0xc0: {  	s29 =	simm.s32 $0xA;
	_ =	strace $0x8000004B  }
0xc1: {  	_ =	swait.ge [sflag:s29], $0x1  }
0xc2: {  	[sflag:s29] =	ssyncadd.s32 $0xFFFFFFFF  }
0xc3: {  	_ =	strace $0x9000004B  }
0xc4: {  	_ =	sfence  }
0xc5: {  	s30 =	sld [smem:$0x0];
	_ =	sdelay $0x2  }
0xc6: {  	s31 =	sshll.u32 s1, $0xD;
	s1 =	sshrl.u32 s1, $0x2  }
0xc7: {  	s4 =	sand.u32 $0x4000, s31;
	s1 =	sadd.s32 s1, s30  }
0xc8: {  	s0 =	sor.u32 s4, s0;
	s1 =	sshll.u32 s1, $0x11  }
0xc9: {  	s0 =	sor.u32 s1, s0  }
0xca: {  	s0 =	sadd.s32 $0x8F2B, s0  }
0xcb: {  	[sflag:s0] =	ssyncadd.remote.s32 $0x1  }
0xcc: {  	_ =	sfence.sel $0xFFFF  }
0xcd: {  	[dreg:$0x0] =	wrdreg $0xFFFFFFFF;
	(pc) =	sbr.abs _section_cstart, $3  }
0xce: {  	[dreg:$0x1] =	wrdreg $0xFFFFFFFF  }
0xcf: {  	_ =	task.clear_ibuf [dreg:s22], $0x2FFFF;
	_ =	strace $0x9FFFFFFF  }
0xd0: {  	(tm) =	ssettm $0x7FFFFFFF  }
0xd1: {  	_ =	shalt  }
tec
execute0_lowered:
.L_overlay_start_1:
0x0: {  	(tag) =	ssettag $0x1  }
0x1: {  	s0 =	srdreg.scid  }
0x2: {  	s1 =	rddreg [dreg:$0x0];
	s4 =	stileid.u32;
	s2 =	simm.s32 $0x0  }
0x3: {  	s7 =	simm.s32 $0x7;
	s8 =	simm.s32 $0x68;
	s9 =	simm.s32 $0x6400  }
0x4: {  	s10 =	simm.s32 $0x60;
	s11 =	simm.s32 $0x7E00;
	s13 =	simm.s32 $0x9600  }
0x5: {  	s15 =	simm.s32 $0xB000;
	s28 =	simm.s32 $0x14600;
	s29 =	simm.s32 $0x3E8  }
0x6: {  	s30 =	simm.s32 $0x15E00;
	s31 =	simm.s32 $0x450;
	s12 =	simm.s32 $0x2  }
0x7: {  	s14 =	simm.s32 $0x3;
	s16 =	simm.s32 $0x4;
	s17 =	simm.s32 $0x5  }
0x8: {  	s18 =	simm.s32 $0x6;
	s19 =	simm.s32 $0x19000;
	s0 =	sand.u32 $0x1, s0  }
0x9: {  	s20 =	simm.s32 $0x0;
	s3 =	sshll.u32 s0, $0x4;
	s0 =	ssub.s32 $0x2, s0  }
0xa: {  	[smem:$0x7FF] =	sst s2;
	s3 =	sor.u32 s4, s3;
	s6 =	sshrl.u32 s0, $0x1  }
0xb: {  	_ =	strace $0x8000004A;
	s4 =	smul.u32 $0xC80, s3;
	s0 =	ssub.s32 s0, s6  }
0xc: {  	s5 =	sshll.u32 s3, $0xA;
	s3 =	sadd.s32 $0x1A8C00, s1;
	s6 =	smax.u32 s0, $0x1  }
0xd: {  	s0 =	simm.s32 $0x17800;
	s4 =	sadd.s32 s4, s1;
	s1 =	sadd.s32 s5, s1  }
0xe: {  	s4 =	sadd.s32 $0x22200, s4;
	s5 =	sadd.s32 $0x3B200, s1;
	s1 =	simm.s32 $0x1  }
.LBB2_1:
0xf: {  	[tilespmem:s2], [sflag:$0x7] =	stream.linear.gather [hbm4b:s4+s2], $0x6400, $0x38;
	[tilespmem:$0x1B000] =	vst v63  }
0x10: {  	_ =	swait.ge [sflag:s7], $0x6400  }
0x11: {  	[sflag:s7] =	ssyncset.done $0x0  }
0x12: {  	[sflag:s7] =	ssyncadd.s32 $0xFFFF9C00  }
0x13: {  	[tilespmem:s9], [sflag:$0x1] =	stream.indirect.gather [hbm4b:s3+s8], $0x40, s2, s8, $0xb8;
	[tilespmem:$0x1B000] =	vst v63  }
0x14: {  	_ = 	snop  }
0x15: {  	[tilespmem:s11], [sflag:$0x1] =	stream.indirect.gather [hbm4b:s3+s10], $0x40, s8, s10, $0xb8;
	[tilespmem:$0x1B000] =	vst v63  }
0x16: {  	s21 =	simm.s32 $0xC8  }
0x17: {  	[tilespmem:s13], [sflag:$0x2] =	stream.indirect.gather [hbm4b:s3+s8], $0x40, s21, s8, $0xb8;
	[tilespmem:$0x1B000] =	vst v63  }
0x18: {  	s25 =	simm.s32 $0x130  }
0x19: {  	[tilespmem:s15], [sflag:$0x2] =	stream.indirect.gather [hbm4b:s3+s10], $0x40, s25, s10, $0xb8;
	[tilespmem:$0x1B000] =	vst v63  }
0x1a: {  	s26 =	simm.s32 $0x190;
	s22 =	simm.s32 $0xC800  }
0x1b: {  	[tilespmem:s22], [sflag:$0x3] =	stream.indirect.gather [hbm4b:s3+s8], $0x40, s26, s8, $0xb8;
	[tilespmem:$0x1B000] =	vst v63  }
0x1c: {  	s23 =	simm.s32 $0x1F8;
	s24 =	simm.s32 $0xE200  }
0x1d: {  	[tilespmem:s24], [sflag:$0x3] =	stream.indirect.gather [hbm4b:s3+s10], $0x40, s23, s10, $0xb8;
	[tilespmem:$0x1B000] =	vst v63  }
0x1e: {  	s25 =	simm.s32 $0x258;
	s26 =	simm.s32 $0xFA00  }
0x1f: {  	[tilespmem:s26], [sflag:$0x4] =	stream.indirect.gather [hbm4b:s3+s8], $0x40, s25, s8, $0xb8;
	[tilespmem:$0x1B000] =	vst v63  }
0x20: {  	s22 =	simm.s32 $0x2C0;
	s23 =	simm.s32 $0x11400  }
0x21: {  	[tilespmem:s23], [sflag:$0x4] =	stream.indirect.gather [hbm4b:s3+s10], $0x40, s22, s10, $0xb8;
	[tilespmem:$0x1B000] =	vst v63  }
0x22: {  	s24 =	simm.s32 $0x320;
	s25 =	simm.s32 $0x12C00  }
0x23: {  	[tilespmem:s25], [sflag:$0x5] =	stream.indirect.gather [hbm4b:s3+s8], $0x40, s24, s8, $0xb8;
	[tilespmem:$0x1B000] =	vst v63  }
0x24: {  	s26 =	simm.s32 $0x388  }
0x25: {  	[tilespmem:s28], [sflag:$0x5] =	stream.indirect.gather [hbm4b:s3+s10], $0x40, s26, s10, $0xb8;
	[tilespmem:$0x1B000] =	vst v63  }
0x26: {  	_ = 	snop  }
0x27: {  	[tilespmem:s30], [sflag:$0x6] =	stream.indirect.gather [hbm4b:s3+s8], $0x40, s29, s8, $0xb8;
	[tilespmem:$0x1B000] =	vst v63  }
0x28: {  	s21 =	simm.s32 $0x0  }
0x29: {  	[tilespmem:s0], [sflag:$0x6] =	stream.indirect.gather [hbm4b:s3+s10], $0x40, s31, s10, $0xb8;
	[tilespmem:$0x1B000] =	vst v63  }
.LBB2_2:
0x2a: {  	_ =	swait.ge [sflag:s1], $0x1A00  }
0x2b: {  	[sflag:s1] =	ssyncset.done $0x0  }
0x2c: {  	[sflag:s1] =	ssyncadd.s32 $0xFFFFE600  }
0x2d: {  	_ =	swait.ge [sflag:s1], $0x1800  }
0x2e: {  	[sflag:s1] =	ssyncset.done $0x0  }
0x2f: {  	s22 =	simm.s32 $0x0;
	[sflag:s1] =	ssyncadd.s32 $0xFFFFE800  }
0x30: {  	v0 =	vld [tilespmem:s22+$0x64C0]  }
0x31: {  	v1 =	vld [tilespmem:s22+$0x64D0]  }
0x32: {  	v2 =	vld [tilespmem:s22+$0x6480]  }
0x33: {  	v3 =	vld [tilespmem:s22+$0x6490]  }
0x34: {  	v4 =	vld [tilespmem:s22+$0x6440]  }
0x35: {  	v5 =	vld [tilespmem:s22+$0x6450]  }
0x36: {  	v10 =	vld [tilespmem:s22+$0x6400]  }
0x37: {  	v6 =	vimm.f32 $0.0e+00;
	v12 =	vld [tilespmem:s22+$0x6410]  }
0x38: {  	s23 =	simm.s32 $0x400;
	v9 =	vimm.f32 $0.0e+00;
	v8 =	vimm.f32 $0.0e+00;
	v7 =	vimm.f32 $0.0e+00;
	v11 =	vld [tilespmem:s22+$0x6420]  }
.LBB2_3:
0x39: {  	p0 =	sne.s32 s23, $0xC400;
	v13 =	vld [tilespmem:s22+$0x6430]  }
0x3a: {  	v14 =	vld [tilespmem:s22+$0x6460]  }
0x3b: {  	v15 =	vld [tilespmem:s22+$0x6470]  }
0x3c: {  	v16 =	vld [tilespmem:s22+$0x64A0]  }
0x3d: {  	v6 =	vadd.f32 v10, v6;
	v9 =	vadd.f32 v12, v9;
	v10 =	vld [tilespmem:s22+$0x64B0]  }
0x3e: {  	v8 =	vadd.f32 v11, v8;
	v7 =	vadd.f32 v13, v7;
	v11 =	vld [tilespmem:s22+$0x64E0]  }
0x3f: {  	v4 =	vadd.f32 v4, v6;
	v5 =	vadd.f32 v5, v9;
	v12 =	vld [tilespmem:s22+$0x64F0];
	s22 =	sshra.s32 s23, $0x2  }
0x40: {  	v6 =	vadd.f32 v14, v8;
	v13 =	vld [tilespmem:s22+$0x64C0];
	v7 =	vadd.f32 v15, v7  }
0x41: {  	v4 =	vadd.f32 v2, v4;
	v5 =	vadd.f32 v3, v5;
	v14 =	vld [tilespmem:s22+$0x64D0]  }
0x42: {  	v8 =	vadd.f32 v16, v6;
	v2 =	vld [tilespmem:s22+$0x6480];
	v7 =	vadd.f32 v10, v7  }
0x43: {  	v6 =	vadd.f32 v0, v4;
	v9 =	vadd.f32 v1, v5;
	v3 =	vld [tilespmem:s22+$0x6490]  }
.Ltmp0:
0x44: {  	v8 =	vadd.f32 v11, v8;
	v4 =	vld [tilespmem:s22+$0x6440];
	v7 =	vadd.f32 v12, v7;
	(pc) =	sbr.rel @p0 .LBB2_3-.Ltmp0, $4  }
0x45: {  	v5 =	vld [tilespmem:s22+$0x6450];
	v0 =	vmov v13  }
0x46: {  	v10 =	vld [tilespmem:s22+$0x6400];
	v1 =	vmov v14  }
0x47: {  	v12 =	vld [tilespmem:s22+$0x6410]  }
0x48: {  	s23 =	sadd.s32 $0x400, s23;
	v11 =	vld [tilespmem:s22+$0x6420]  }
0x49: {  	v13 =	vld [tilespmem:s22+$0x6430]  }
0x4a: {  	v14 =	vld [tilespmem:s22+$0x6460]  }
0x4b: {  	v15 =	vld [tilespmem:s22+$0x6470];
	v6 =	vadd.f32 v10, v6  }
0x4c: {  	v10 =	vld [tilespmem:s22+$0x64A0];
	v9 =	vadd.f32 v12, v9  }
0x4d: {  	v12 =	vld [tilespmem:s22+$0x64B0];
	v8 =	vadd.f32 v11, v8;
	v4 =	vadd.f32 v4, v6  }
0x4e: {  	v6 =	vadd.f32 v13, v7;
	v7 =	vld [tilespmem:s22+$0x64E0];
	v5 =	vadd.f32 v5, v9  }
0x4f: {  	v9 =	vld [tilespmem:s22+$0x64F0];
	v8 =	vadd.f32 v14, v8;
	v2 =	vadd.f32 v2, v4  }
0x50: {  	v4 =	vadd.f32 v15, v6;
	v3 =	vadd.f32 v3, v5  }
0x51: {  	v5 =	vadd.f32 v10, v8;
	v0 =	vadd.f32 v0, v2  }
0x52: {  	s25 =	smul.u32 $0x600, s21;
	v2 =	vadd.f32 v12, v4;
	v1 =	vadd.f32 v1, v3  }
0x53: {  	v3 =	vadd.f32 v7, v5;
	v0 =	vmul.f32 $4.999999890e-03, v0  }
0x54: {  	s22 =	sshra.s32 s25, $0x2;
	v2 =	vadd.f32 v9, v2;
	v1 =	vmul.f32 $4.999999890e-03, v1  }
0x55: {  	s23 =	smul.u32 $0x12C0, s21;
	[tilespmem:s22+$0x19000] =	vst v0;
	v0 =	vmul.f32 $4.999999890e-03, v3  }
0x56: {  	[tilespmem:s22+$0x19010] =	vst v1;
	v1 =	vmul.f32 $4.999999890e-03, v2  }
0x57: {  	s23 =	sshra.s32 s23, $0x2;
	[tilespmem:s22+$0x19020] =	vst v0  }
0x58: {  	s24 =	sadd.s32 $0x4B0, s23;
	[tilespmem:s22+$0x19030] =	vst v1  }
0x59: {  	[tilespmem:s9], [sflag:$0x1] =	stream.indirect.gather [hbm4b:s3+s8], $0x40, s24, s8, $0xb8;
	[tilespmem:$0x1B000] =	vst v63  }
0x5a: {  	s26 =	sadd.s32 $0x518, s23  }
0x5b: {  	[tilespmem:s11], [sflag:$0x1] =	stream.indirect.gather [hbm4b:s3+s10], $0x40, s26, s10, $0xb8;
	[tilespmem:$0x1B000] =	vst v63  }
0x5c: {  	_ =	swait.ge [sflag:s12], $0x1A00  }
0x5d: {  	[sflag:s12] =	ssyncset.done $0x0  }
0x5e: {  	[sflag:s12] =	ssyncadd.s32 $0xFFFFE600  }
0x5f: {  	_ =	swait.ge [sflag:s12], $0x1800  }
0x60: {  	[sflag:s12] =	ssyncset.done $0x0  }
0x61: {  	s24 =	simm.s32 $0x0;
	[sflag:s12] =	ssyncadd.s32 $0xFFFFE800  }
0x62: {  	v0 =	vld [tilespmem:s24+$0x96C0]  }
0x63: {  	v1 =	vld [tilespmem:s24+$0x96D0]  }
0x64: {  	v2 =	vld [tilespmem:s24+$0x9680]  }
0x65: {  	v3 =	vld [tilespmem:s24+$0x9690]  }
0x66: {  	v4 =	vld [tilespmem:s24+$0x9640]  }
0x67: {  	v5 =	vld [tilespmem:s24+$0x9650]  }
0x68: {  	v10 =	vld [tilespmem:s24+$0x9600]  }
0x69: {  	v6 =	vimm.f32 $0.0e+00;
	v12 =	vld [tilespmem:s24+$0x9610]  }
0x6a: {  	s25 =	simm.s32 $0x400;
	v8 =	vimm.f32 $0.0e+00;
	v7 =	vimm.f32 $0.0e+00;
	v9 =	vimm.f32 $0.0e+00;
	v11 =	vld [tilespmem:s24+$0x9620]  }
.LBB2_5:
0x6b: {  	p0 =	sne.s32 s25, $0xC400;
	v13 =	vld [tilespmem:s24+$0x9630]  }
0x6c: {  	v14 =	vld [tilespmem:s24+$0x9660]  }
0x6d: {  	v15 =	vld [tilespmem:s24+$0x9670]  }
0x6e: {  	v16 =	vld [tilespmem:s24+$0x96A0]  }
0x6f: {  	v6 =	vadd.f32 v10, v6;
	v9 =	vadd.f32 v12, v9;
	v10 =	vld [tilespmem:s24+$0x96B0]  }
0x70: {  	v8 =	vadd.f32 v11, v8;
	v7 =	vadd.f32 v13, v7;
	v11 =	vld [tilespmem:s24+$0x96E0]  }
0x71: {  	v4 =	vadd.f32 v4, v6;
	v5 =	vadd.f32 v5, v9;
	v12 =	vld [tilespmem:s24+$0x96F0];
	s24 =	sshra.s32 s25, $0x2  }
0x72: {  	v6 =	vadd.f32 v14, v8;
	v13 =	vld [tilespmem:s24+$0x96C0];
	v7 =	vadd.f32 v15, v7  }
0x73: {  	v4 =	vadd.f32 v2, v4;
	v5 =	vadd.f32 v3, v5;
	v14 =	vld [tilespmem:s24+$0x96D0]  }
0x74: {  	v8 =	vadd.f32 v16, v6;
	v2 =	vld [tilespmem:s24+$0x9680];
	v7 =	vadd.f32 v10, v7  }
0x75: {  	v6 =	vadd.f32 v0, v4;
	v9 =	vadd.f32 v1, v5;
	v3 =	vld [tilespmem:s24+$0x9690]  }
.Ltmp1:
0x76: {  	v8 =	vadd.f32 v11, v8;
	v4 =	vld [tilespmem:s24+$0x9640];
	v7 =	vadd.f32 v12, v7;
	(pc) =	sbr.rel @p0 .LBB2_5-.Ltmp1, $4  }
0x77: {  	v5 =	vld [tilespmem:s24+$0x9650];
	v0 =	vmov v13  }
0x78: {  	v10 =	vld [tilespmem:s24+$0x9600];
	v1 =	vmov v14  }
0x79: {  	v12 =	vld [tilespmem:s24+$0x9610]  }
0x7a: {  	s25 =	sadd.s32 $0x400, s25;
	v11 =	vld [tilespmem:s24+$0x9620]  }
0x7b: {  	v13 =	vld [tilespmem:s24+$0x9630]  }
0x7c: {  	v14 =	vld [tilespmem:s24+$0x9660]  }
0x7d: {  	v15 =	vld [tilespmem:s24+$0x9670];
	v6 =	vadd.f32 v10, v6  }
0x7e: {  	v10 =	vld [tilespmem:s24+$0x96A0];
	v9 =	vadd.f32 v12, v9  }
0x7f: {  	v12 =	vld [tilespmem:s24+$0x96B0];
	v8 =	vadd.f32 v11, v8;
	v4 =	vadd.f32 v4, v6  }
0x80: {  	v6 =	vadd.f32 v13, v7;
	v7 =	vld [tilespmem:s24+$0x96E0];
	v5 =	vadd.f32 v5, v9  }
0x81: {  	v9 =	vld [tilespmem:s24+$0x96F0];
	v8 =	vadd.f32 v14, v8;
	v2 =	vadd.f32 v2, v4  }
0x82: {  	v4 =	vadd.f32 v15, v6;
	v3 =	vadd.f32 v3, v5  }
0x83: {  	v5 =	vadd.f32 v10, v8;
	v0 =	vadd.f32 v0, v2  }
0x84: {  	v2 =	vadd.f32 v12, v4;
	v1 =	vadd.f32 v1, v3  }
0x85: {  	v3 =	vadd.f32 v7, v5;
	v0 =	vmul.f32 $4.999999890e-03, v0  }
0x86: {  	v2 =	vadd.f32 v9, v2;
	v1 =	vmul.f32 $4.999999890e-03, v1  }
0x87: {  	[tilespmem:s22+$0x19040] =	vst v0;
	v0 =	vmul.f32 $4.999999890e-03, v3  }
0x88: {  	[tilespmem:s22+$0x19050] =	vst v1;
	v1 =	vmul.f32 $4.999999890e-03, v2  }
0x89: {  	[tilespmem:s22+$0x19060] =	vst v0  }
0x8a: {  	s25 =	sadd.s32 $0x578, s23;
	[tilespmem:s22+$0x19070] =	vst v1  }
0x8b: {  	[tilespmem:s13], [sflag:$0x2] =	stream.indirect.gather [hbm4b:s3+s8], $0x40, s25, s8, $0xb8;
	[tilespmem:$0x1B000] =	vst v63  }
0x8c: {  	s26 =	sadd.s32 $0x5E0, s23  }
0x8d: {  	[tilespmem:s15], [sflag:$0x2] =	stream.indirect.gather [hbm4b:s3+s10], $0x40, s26, s10, $0xb8;
	[tilespmem:$0x1B000] =	vst v63  }
0x8e: {  	_ =	swait.ge [sflag:s14], $0x1A00  }
0x8f: {  	[sflag:s14] =	ssyncset.done $0x0  }
0x90: {  	[sflag:s14] =	ssyncadd.s32 $0xFFFFE600  }
0x91: {  	_ =	swait.ge [sflag:s14], $0x1800  }
0x92: {  	[sflag:s14] =	ssyncset.done $0x0  }
0x93: {  	s24 =	simm.s32 $0x0;
	[sflag:s14] =	ssyncadd.s32 $0xFFFFE800  }
0x94: {  	v0 =	vld [tilespmem:s24+$0xC8C0]  }
0x95: {  	v1 =	vld [tilespmem:s24+$0xC8D0]  }
0x96: {  	v2 =	vld [tilespmem:s24+$0xC880]  }
0x97: {  	v3 =	vld [tilespmem:s24+$0xC890]  }
0x98: {  	v4 =	vld [tilespmem:s24+$0xC840]  }
0x99: {  	v5 =	vld [tilespmem:s24+$0xC850]  }
0x9a: {  	v10 =	vld [tilespmem:s24+$0xC800]  }
0x9b: {  	v6 =	vimm.f32 $0.0e+00;
	v12 =	vld [tilespmem:s24+$0xC810]  }
0x9c: {  	v8 =	vimm.f32 $0.0e+00;
	v7 =	vimm.f32 $0.0e+00;
	v9 =	vimm.f32 $0.0e+00;
	s25 =	simm.s32 $0x400;
	v11 =	vld [tilespmem:s24+$0xC820]  }
.LBB2_7:
0x9d: {  	p0 =	sne.s32 s25, $0xC400;
	v13 =	vld [tilespmem:s24+$0xC830]  }
0x9e: {  	v14 =	vld [tilespmem:s24+$0xC860]  }
0x9f: {  	v15 =	vld [tilespmem:s24+$0xC870]  }
0xa0: {  	v16 =	vld [tilespmem:s24+$0xC8A0]  }
0xa1: {  	v6 =	vadd.f32 v10, v6;
	v9 =	vadd.f32 v12, v9;
	v10 =	vld [tilespmem:s24+$0xC8B0]  }
0xa2: {  	v8 =	vadd.f32 v11, v8;
	v7 =	vadd.f32 v13, v7;
	v11 =	vld [tilespmem:s24+$0xC8E0]  }
0xa3: {  	v4 =	vadd.f32 v4, v6;
	v5 =	vadd.f32 v5, v9;
	v12 =	vld [tilespmem:s24+$0xC8F0];
	s24 =	sshra.s32 s25, $0x2  }
0xa4: {  	v6 =	vadd.f32 v14, v8;
	v13 =	vld [tilespmem:s24+$0xC8C0];
	v7 =	vadd.f32 v15, v7  }
0xa5: {  	v4 =	vadd.f32 v2, v4;
	v5 =	vadd.f32 v3, v5;
	v14 =	vld [tilespmem:s24+$0xC8D0]  }
0xa6: {  	v8 =	vadd.f32 v16, v6;
	v2 =	vld [tilespmem:s24+$0xC880];
	v7 =	vadd.f32 v10, v7  }
0xa7: {  	v6 =	vadd.f32 v0, v4;
	v9 =	vadd.f32 v1, v5;
	v3 =	vld [tilespmem:s24+$0xC890]  }
.Ltmp2:
0xa8: {  	v8 =	vadd.f32 v11, v8;
	v4 =	vld [tilespmem:s24+$0xC840];
	v7 =	vadd.f32 v12, v7;
	(pc) =	sbr.rel @p0 .LBB2_7-.Ltmp2, $4  }
0xa9: {  	v5 =	vld [tilespmem:s24+$0xC850];
	v0 =	vmov v13  }
0xaa: {  	v10 =	vld [tilespmem:s24+$0xC800];
	v1 =	vmov v14  }
0xab: {  	v12 =	vld [tilespmem:s24+$0xC810]  }
0xac: {  	s25 =	sadd.s32 $0x400, s25;
	v11 =	vld [tilespmem:s24+$0xC820]  }
0xad: {  	v13 =	vld [tilespmem:s24+$0xC830]  }
0xae: {  	v14 =	vld [tilespmem:s24+$0xC860]  }
0xaf: {  	v15 =	vld [tilespmem:s24+$0xC870];
	v6 =	vadd.f32 v10, v6  }
0xb0: {  	v10 =	vld [tilespmem:s24+$0xC8A0];
	v9 =	vadd.f32 v12, v9  }
0xb1: {  	v12 =	vld [tilespmem:s24+$0xC8B0];
	v8 =	vadd.f32 v11, v8;
	v4 =	vadd.f32 v4, v6  }
0xb2: {  	v6 =	vadd.f32 v13, v7;
	v7 =	vld [tilespmem:s24+$0xC8E0];
	v5 =	vadd.f32 v5, v9  }
0xb3: {  	v9 =	vld [tilespmem:s24+$0xC8F0];
	v8 =	vadd.f32 v14, v8;
	v2 =	vadd.f32 v2, v4  }
0xb4: {  	v4 =	vadd.f32 v15, v6;
	v3 =	vadd.f32 v3, v5  }
0xb5: {  	v5 =	vadd.f32 v10, v8;
	v0 =	vadd.f32 v0, v2  }
0xb6: {  	v2 =	vadd.f32 v12, v4;
	v1 =	vadd.f32 v1, v3  }
0xb7: {  	v3 =	vadd.f32 v7, v5;
	v0 =	vmul.f32 $4.999999890e-03, v0  }
0xb8: {  	v2 =	vadd.f32 v9, v2;
	v1 =	vmul.f32 $4.999999890e-03, v1  }
0xb9: {  	[tilespmem:s22+$0x19080] =	vst v0;
	v0 =	vmul.f32 $4.999999890e-03, v3  }
0xba: {  	[tilespmem:s22+$0x19090] =	vst v1;
	v1 =	vmul.f32 $4.999999890e-03, v2  }
0xbb: {  	p0 =	seq.s32 s21, $0x14;
	[tilespmem:s22+$0x190A0] =	vst v0  }
0xbc: {  	s25 =	simm.s32 @!p0 $0x68;
	s26 =	simm.s32 @!p0 $0xC800;
	s24 =	sadd.s32 @!p0 $0x640, s23;
	[tilespmem:s22+$0x190B0] =	vst v1  }
0xbd: {  	[tilespmem:s26], [sflag:$0x3] =	stream.indirect.gather @!p0 [hbm4b:s3+s25], $0x40, s24, s25, $0xb8;
	[tilespmem:$0x1B000] =	vst v63  }
0xbe: {  	s24 =	sadd.s32 @!p0 $0x6A8, s23;
	s25 =	simm.s32 @!p0 $0x60;
	s26 =	simm.s32 @!p0 $0xE200  }
0xbf: {  	[tilespmem:s26], [sflag:$0x3] =	stream.indirect.gather @!p0 [hbm4b:s3+s25], $0x40, s24, s25, $0xb8;
	[tilespmem:$0x1B000] =	vst v63  }
0xc0: {  	_ =	swait.ge [sflag:s16], $0x1A00  }
0xc1: {  	[sflag:s16] =	ssyncset.done $0x0  }
0xc2: {  	[sflag:s16] =	ssyncadd.s32 $0xFFFFE600  }
0xc3: {  	_ =	swait.ge [sflag:s16], $0x1800  }
0xc4: {  	[sflag:s16] =	ssyncset.done $0x0  }
0xc5: {  	s24 =	simm.s32 $0x0;
	[sflag:s16] =	ssyncadd.s32 $0xFFFFE800  }
0xc6: {  	v0 =	vld [tilespmem:s24+$0xFAC0]  }
0xc7: {  	v1 =	vld [tilespmem:s24+$0xFAD0]  }
0xc8: {  	v2 =	vld [tilespmem:s24+$0xFA80]  }
0xc9: {  	v3 =	vld [tilespmem:s24+$0xFA90]  }
0xca: {  	v4 =	vld [tilespmem:s24+$0xFA40]  }
0xcb: {  	v5 =	vld [tilespmem:s24+$0xFA50]  }
0xcc: {  	v10 =	vld [tilespmem:s24+$0xFA00]  }
0xcd: {  	v6 =	vimm.f32 $0.0e+00;
	v12 =	vld [tilespmem:s24+$0xFA10]  }
0xce: {  	v8 =	vimm.f32 $0.0e+00;
	v7 =	vimm.f32 $0.0e+00;
	v9 =	vimm.f32 $0.0e+00;
	s25 =	simm.s32 $0x400;
	v11 =	vld [tilespmem:s24+$0xFA20]  }
.LBB2_9:
0xcf: {  	p1 =	sne.s32 s25, $0xC400;
	v13 =	vld [tilespmem:s24+$0xFA30]  }
0xd0: {  	v14 =	vld [tilespmem:s24+$0xFA60]  }
0xd1: {  	v15 =	vld [tilespmem:s24+$0xFA70]  }
0xd2: {  	v16 =	vld [tilespmem:s24+$0xFAA0]  }
0xd3: {  	v6 =	vadd.f32 v10, v6;
	v9 =	vadd.f32 v12, v9;
	v10 =	vld [tilespmem:s24+$0xFAB0]  }
0xd4: {  	v8 =	vadd.f32 v11, v8;
	v7 =	vadd.f32 v13, v7;
	v11 =	vld [tilespmem:s24+$0xFAE0]  }
0xd5: {  	v4 =	vadd.f32 v4, v6;
	v5 =	vadd.f32 v5, v9;
	v12 =	vld [tilespmem:s24+$0xFAF0];
	s24 =	sshra.s32 s25, $0x2  }
0xd6: {  	v6 =	vadd.f32 v14, v8;
	v13 =	vld [tilespmem:s24+$0xFAC0];
	v7 =	vadd.f32 v15, v7  }
0xd7: {  	v4 =	vadd.f32 v2, v4;
	v5 =	vadd.f32 v3, v5;
	v14 =	vld [tilespmem:s24+$0xFAD0]  }
0xd8: {  	v8 =	vadd.f32 v16, v6;
	v2 =	vld [tilespmem:s24+$0xFA80];
	v7 =	vadd.f32 v10, v7  }
0xd9: {  	v6 =	vadd.f32 v0, v4;
	v9 =	vadd.f32 v1, v5;
	v3 =	vld [tilespmem:s24+$0xFA90]  }
.Ltmp3:
0xda: {  	v8 =	vadd.f32 v11, v8;
	v4 =	vld [tilespmem:s24+$0xFA40];
	v7 =	vadd.f32 v12, v7;
	(pc) =	sbr.rel @p1 .LBB2_9-.Ltmp3, $4  }
0xdb: {  	v5 =	vld [tilespmem:s24+$0xFA50];
	v0 =	vmov v13  }
0xdc: {  	v10 =	vld [tilespmem:s24+$0xFA00];
	v1 =	vmov v14  }
0xdd: {  	v12 =	vld [tilespmem:s24+$0xFA10]  }
0xde: {  	s25 =	sadd.s32 $0x400, s25;
	v11 =	vld [tilespmem:s24+$0xFA20]  }
0xdf: {  	v13 =	vld [tilespmem:s24+$0xFA30]  }
0xe0: {  	v14 =	vld [tilespmem:s24+$0xFA60]  }
0xe1: {  	v15 =	vld [tilespmem:s24+$0xFA70];
	v6 =	vadd.f32 v10, v6  }
0xe2: {  	v10 =	vld [tilespmem:s24+$0xFAA0];
	v9 =	vadd.f32 v12, v9  }
0xe3: {  	v12 =	vld [tilespmem:s24+$0xFAB0];
	v8 =	vadd.f32 v11, v8;
	v4 =	vadd.f32 v4, v6  }
0xe4: {  	v6 =	vadd.f32 v13, v7;
	v7 =	vld [tilespmem:s24+$0xFAE0];
	v5 =	vadd.f32 v5, v9  }
0xe5: {  	v9 =	vld [tilespmem:s24+$0xFAF0];
	v8 =	vadd.f32 v14, v8;
	v2 =	vadd.f32 v2, v4  }
0xe6: {  	v4 =	vadd.f32 v15, v6;
	v3 =	vadd.f32 v3, v5  }
0xe7: {  	v5 =	vadd.f32 v10, v8;
	v0 =	vadd.f32 v0, v2  }
0xe8: {  	v2 =	vadd.f32 v12, v4;
	v1 =	vadd.f32 v1, v3  }
0xe9: {  	v3 =	vadd.f32 v7, v5;
	v0 =	vmul.f32 $4.999999890e-03, v0  }
0xea: {  	v2 =	vadd.f32 v9, v2;
	v1 =	vmul.f32 $4.999999890e-03, v1  }
0xeb: {  	[tilespmem:s22+$0x190C0] =	vst v0;
	v0 =	vmul.f32 $4.999999890e-03, v3  }
0xec: {  	[tilespmem:s22+$0x190D0] =	vst v1;
	v1 =	vmul.f32 $4.999999890e-03, v2  }
0xed: {  	[tilespmem:s22+$0x190E0] =	vst v0  }
0xee: {  	s25 =	simm.s32 @!p0 $0x68;
	s26 =	simm.s32 @!p0 $0xFA00;
	s24 =	sadd.s32 @!p0 $0x708, s23;
	[tilespmem:s22+$0x190F0] =	vst v1  }
0xef: {  	[tilespmem:s26], [sflag:$0x4] =	stream.indirect.gather @!p0 [hbm4b:s3+s25], $0x40, s24, s25, $0xb8;
	[tilespmem:$0x1B000] =	vst v63  }
0xf0: {  	s24 =	sadd.s32 @!p0 $0x770, s23;
	s25 =	simm.s32 @!p0 $0x60;
	s26 =	simm.s32 @!p0 $0x11400  }
0xf1: {  	[tilespmem:s26], [sflag:$0x4] =	stream.indirect.gather @!p0 [hbm4b:s3+s25], $0x40, s24, s25, $0xb8;
	[tilespmem:$0x1B000] =	vst v63  }
0xf2: {  	_ =	swait.ge [sflag:s17], $0x1A00  }
0xf3: {  	[sflag:s17] =	ssyncset.done $0x0  }
0xf4: {  	[sflag:s17] =	ssyncadd.s32 $0xFFFFE600  }
0xf5: {  	_ =	swait.ge [sflag:s17], $0x1800  }
0xf6: {  	[sflag:s17] =	ssyncset.done $0x0  }
0xf7: {  	s24 =	simm.s32 $0x0;
	[sflag:s17] =	ssyncadd.s32 $0xFFFFE800  }
0xf8: {  	v0 =	vld [tilespmem:s24+$0x12CC0]  }
0xf9: {  	v1 =	vld [tilespmem:s24+$0x12CD0]  }
0xfa: {  	v2 =	vld [tilespmem:s24+$0x12C80]  }
0xfb: {  	v3 =	vld [tilespmem:s24+$0x12C90]  }
0xfc: {  	v4 =	vld [tilespmem:s24+$0x12C40]  }
0xfd: {  	v5 =	vld [tilespmem:s24+$0x12C50]  }
0xfe: {  	v10 =	vld [tilespmem:s24+$0x12C00]  }
0xff: {  	v6 =	vimm.f32 $0.0e+00;
	v12 =	vld [tilespmem:s24+$0x12C10]  }
0x100: {  	v8 =	vimm.f32 $0.0e+00;
	v7 =	vimm.f32 $0.0e+00;
	v9 =	vimm.f32 $0.0e+00;
	s25 =	simm.s32 $0x400;
	v11 =	vld [tilespmem:s24+$0x12C20]  }
.LBB2_11:
0x101: {  	p1 =	sne.s32 s25, $0xC400;
	v13 =	vld [tilespmem:s24+$0x12C30]  }
0x102: {  	v14 =	vld [tilespmem:s24+$0x12C60]  }
0x103: {  	v15 =	vld [tilespmem:s24+$0x12C70]  }
0x104: {  	v16 =	vld [tilespmem:s24+$0x12CA0]  }
0x105: {  	v6 =	vadd.f32 v10, v6;
	v9 =	vadd.f32 v12, v9;
	v10 =	vld [tilespmem:s24+$0x12CB0]  }
0x106: {  	v8 =	vadd.f32 v11, v8;
	v7 =	vadd.f32 v13, v7;
	v11 =	vld [tilespmem:s24+$0x12CE0]  }
0x107: {  	v4 =	vadd.f32 v4, v6;
	v5 =	vadd.f32 v5, v9;
	v12 =	vld [tilespmem:s24+$0x12CF0];
	s24 =	sshra.s32 s25, $0x2  }
0x108: {  	v6 =	vadd.f32 v14, v8;
	v13 =	vld [tilespmem:s24+$0x12CC0];
	v7 =	vadd.f32 v15, v7  }
0x109: {  	v4 =	vadd.f32 v2, v4;
	v5 =	vadd.f32 v3, v5;
	v14 =	vld [tilespmem:s24+$0x12CD0]  }
0x10a: {  	v8 =	vadd.f32 v16, v6;
	v2 =	vld [tilespmem:s24+$0x12C80];
	v7 =	vadd.f32 v10, v7  }
0x10b: {  	v6 =	vadd.f32 v0, v4;
	v9 =	vadd.f32 v1, v5;
	v3 =	vld [tilespmem:s24+$0x12C90]  }
.Ltmp4:
0x10c: {  	v8 =	vadd.f32 v11, v8;
	v4 =	vld [tilespmem:s24+$0x12C40];
	v7 =	vadd.f32 v12, v7;
	(pc) =	sbr.rel @p1 .LBB2_11-.Ltmp4, $4  }
0x10d: {  	v5 =	vld [tilespmem:s24+$0x12C50];
	v0 =	vmov v13  }
0x10e: {  	v10 =	vld [tilespmem:s24+$0x12C00];
	v1 =	vmov v14  }
0x10f: {  	v12 =	vld [tilespmem:s24+$0x12C10]  }
0x110: {  	s25 =	sadd.s32 $0x400, s25;
	v11 =	vld [tilespmem:s24+$0x12C20]  }
0x111: {  	v13 =	vld [tilespmem:s24+$0x12C30]  }
0x112: {  	v14 =	vld [tilespmem:s24+$0x12C60]  }
0x113: {  	v15 =	vld [tilespmem:s24+$0x12C70];
	v6 =	vadd.f32 v10, v6  }
0x114: {  	v10 =	vld [tilespmem:s24+$0x12CA0];
	v9 =	vadd.f32 v12, v9  }
0x115: {  	v12 =	vld [tilespmem:s24+$0x12CB0];
	v8 =	vadd.f32 v11, v8;
	v4 =	vadd.f32 v4, v6  }
0x116: {  	v6 =	vadd.f32 v13, v7;
	v7 =	vld [tilespmem:s24+$0x12CE0];
	v5 =	vadd.f32 v5, v9  }
0x117: {  	v9 =	vld [tilespmem:s24+$0x12CF0];
	v8 =	vadd.f32 v14, v8;
	v2 =	vadd.f32 v2, v4  }
0x118: {  	v4 =	vadd.f32 v15, v6;
	v3 =	vadd.f32 v3, v5  }
0x119: {  	v5 =	vadd.f32 v10, v8;
	v0 =	vadd.f32 v0, v2  }
0x11a: {  	v2 =	vadd.f32 v12, v4;
	v1 =	vadd.f32 v1, v3  }
0x11b: {  	v3 =	vadd.f32 v7, v5;
	v0 =	vmul.f32 $4.999999890e-03, v0  }
0x11c: {  	v2 =	vadd.f32 v9, v2;
	v1 =	vmul.f32 $4.999999890e-03, v1  }
0x11d: {  	[tilespmem:s22+$0x19100] =	vst v0;
	v0 =	vmul.f32 $4.999999890e-03, v3  }
0x11e: {  	[tilespmem:s22+$0x19110] =	vst v1;
	v1 =	vmul.f32 $4.999999890e-03, v2  }
0x11f: {  	[tilespmem:s22+$0x19120] =	vst v0  }
0x120: {  	s25 =	simm.s32 @!p0 $0x68;
	s26 =	simm.s32 @!p0 $0x12C00;
	s24 =	sadd.s32 @!p0 $0x7D0, s23;
	[tilespmem:s22+$0x19130] =	vst v1  }
0x121: {  	[tilespmem:s26], [sflag:$0x5] =	stream.indirect.gather @!p0 [hbm4b:s3+s25], $0x40, s24, s25, $0xb8;
	[tilespmem:$0x1B000] =	vst v63  }
0x122: {  	s24 =	sadd.s32 @!p0 $0x838, s23;
	s25 =	simm.s32 @!p0 $0x60;
	s26 =	simm.s32 @!p0 $0x14600  }
0x123: {  	[tilespmem:s26], [sflag:$0x5] =	stream.indirect.gather @!p0 [hbm4b:s3+s25], $0x40, s24, s25, $0xb8;
	[tilespmem:$0x1B000] =	vst v63  }
0x124: {  	_ =	swait.ge [sflag:s18], $0x1A00  }
0x125: {  	[sflag:s18] =	ssyncset.done $0x0  }
0x126: {  	[sflag:s18] =	ssyncadd.s32 $0xFFFFE600  }
0x127: {  	_ =	swait.ge [sflag:s18], $0x1800  }
0x128: {  	[sflag:s18] =	ssyncset.done $0x0  }
0x129: {  	s24 =	simm.s32 $0x0;
	[sflag:s18] =	ssyncadd.s32 $0xFFFFE800  }
0x12a: {  	v0 =	vld [tilespmem:s24+$0x15EC0]  }
0x12b: {  	v1 =	vld [tilespmem:s24+$0x15ED0]  }
0x12c: {  	v2 =	vld [tilespmem:s24+$0x15E80]  }
0x12d: {  	v3 =	vld [tilespmem:s24+$0x15E90]  }
0x12e: {  	v4 =	vld [tilespmem:s24+$0x15E40]  }
0x12f: {  	v5 =	vld [tilespmem:s24+$0x15E50]  }
0x130: {  	v10 =	vld [tilespmem:s24+$0x15E00]  }
0x131: {  	v6 =	vimm.f32 $0.0e+00;
	v12 =	vld [tilespmem:s24+$0x15E10]  }
0x132: {  	v8 =	vimm.f32 $0.0e+00;
	v7 =	vimm.f32 $0.0e+00;
	v9 =	vimm.f32 $0.0e+00;
	s25 =	simm.s32 $0x400;
	v11 =	vld [tilespmem:s24+$0x15E20]  }
.LBB2_13:
0x133: {  	p1 =	sne.s32 s25, $0xC400;
	v13 =	vld [tilespmem:s24+$0x15E30]  }
0x134: {  	v14 =	vld [tilespmem:s24+$0x15E60]  }
0x135: {  	v15 =	vld [tilespmem:s24+$0x15E70]  }
0x136: {  	v16 =	vld [tilespmem:s24+$0x15EA0]  }
0x137: {  	v6 =	vadd.f32 v10, v6;
	v9 =	vadd.f32 v12, v9;
	v10 =	vld [tilespmem:s24+$0x15EB0]  }
0x138: {  	v8 =	vadd.f32 v11, v8;
	v7 =	vadd.f32 v13, v7;
	v11 =	vld [tilespmem:s24+$0x15EE0]  }
0x139: {  	v4 =	vadd.f32 v4, v6;
	v5 =	vadd.f32 v5, v9;
	v12 =	vld [tilespmem:s24+$0x15EF0];
	s24 =	sshra.s32 s25, $0x2  }
0x13a: {  	v6 =	vadd.f32 v14, v8;
	v13 =	vld [tilespmem:s24+$0x15EC0];
	v7 =	vadd.f32 v15, v7  }
0x13b: {  	v4 =	vadd.f32 v2, v4;
	v5 =	vadd.f32 v3, v5;
	v14 =	vld [tilespmem:s24+$0x15ED0]  }
0x13c: {  	v8 =	vadd.f32 v16, v6;
	v2 =	vld [tilespmem:s24+$0x15E80];
	v7 =	vadd.f32 v10, v7  }
0x13d: {  	v6 =	vadd.f32 v0, v4;
	v9 =	vadd.f32 v1, v5;
	v3 =	vld [tilespmem:s24+$0x15E90]  }
.Ltmp5:
0x13e: {  	v8 =	vadd.f32 v11, v8;
	v4 =	vld [tilespmem:s24+$0x15E40];
	v7 =	vadd.f32 v12, v7;
	(pc) =	sbr.rel @p1 .LBB2_13-.Ltmp5, $4  }
0x13f: {  	v5 =	vld [tilespmem:s24+$0x15E50];
	v0 =	vmov v13  }
0x140: {  	v10 =	vld [tilespmem:s24+$0x15E00];
	v1 =	vmov v14  }
0x141: {  	v12 =	vld [tilespmem:s24+$0x15E10]  }
0x142: {  	s25 =	sadd.s32 $0x400, s25;
	v11 =	vld [tilespmem:s24+$0x15E20]  }
0x143: {  	v13 =	vld [tilespmem:s24+$0x15E30]  }
0x144: {  	v14 =	vld [tilespmem:s24+$0x15E60]  }
0x145: {  	v15 =	vld [tilespmem:s24+$0x15E70];
	v6 =	vadd.f32 v10, v6  }
0x146: {  	v53 =	vld [tilespmem:s24+$0x15EA0];
	v9 =	vadd.f32 v12, v9  }
0x147: {  	v54 =	vld [tilespmem:s24+$0x15EB0];
	v8 =	vadd.f32 v11, v8;
	v4 =	vadd.f32 v4, v6  }
0x148: {  	v56 =	vld [tilespmem:s24+$0x15EE0];
	v55 =	vadd.f32 v13, v7;
	v5 =	vadd.f32 v5, v9  }
0x149: {  	v57 =	vld [tilespmem:s24+$0x15EF0];
	v8 =	vadd.f32 v14, v8;
	v2 =	vadd.f32 v2, v4  }
0x14a: {  	v58 =	vadd.f32 v15, v55;
	v3 =	vadd.f32 v3, v5  }
0x14b: {  	v59 =	vadd.f32 v53, v8;
	v0 =	vadd.f32 v0, v2  }
0x14c: {  	v60 =	vadd.f32 v54, v58;
	v1 =	vadd.f32 v1, v3  }
0x14d: {  	v61 =	vadd.f32 v56, v59;
	v0 =	vmul.f32 $4.999999890e-03, v0  }
.Ltmp6:
0x14e: {  	v2 =	vadd.f32 v57, v60;
	v1 =	vmul.f32 $4.999999890e-03, v1;
	(pc) =	sbr.rel @p0 .LBB2_16-.Ltmp6, $4  }
0x14f: {  	[tilespmem:s22+$0x19140] =	vst v0;
	v62 =	vmul.f32 $4.999999890e-03, v61  }
0x150: {  	[tilespmem:s22+$0x19150] =	vst v1;
	v63 =	vmul.f32 $4.999999890e-03, v2  }
0x151: {  	[tilespmem:s22+$0x19160] =	vst v62  }
0x152: {  	[tilespmem:s22+$0x19170] =	vst v63  }
.Ltmp7:
0x153: {  	(pc) =	sbr.rel .LBB2_2-.Ltmp7, $4  }
0x154: {  	s22 =	sadd.s32 $0x898, s23  }
0x155: {  	[tilespmem:s30], [sflag:$0x6] =	stream.indirect.gather [hbm4b:s3+s8], $0x40, s22, s8, $0xb8;
	[tilespmem:$0x1B000] =	vst v63  }
0x156: {  	s26 =	sadd.s32 $0x900, s23;
	s21 =	sadd.s32 $0x1, s21  }
0x157: {  	[tilespmem:s0], [sflag:$0x6] =	stream.indirect.gather [hbm4b:s3+s10], $0x40, s26, s10, $0xb8;
	[tilespmem:$0x1B000] =	vst v63  }
.LBB2_16:
0x158: {  	_ =	swait.ge [sflag:s1], $0x1A00  }
0x159: {  	[sflag:s1] =	ssyncset.done $0x0  }
0x15a: {  	[sflag:s1] =	ssyncadd.s32 $0xFFFFE600  }
0x15b: {  	_ =	swait.ge [sflag:s1], $0x1800  }
0x15c: {  	[sflag:s1] =	ssyncset.done $0x0  }
0x15d: {  	s21 =	simm.s32 $0x0;
	[sflag:s1] =	ssyncadd.s32 $0xFFFFE800  }
0x15e: {  	v0 =	vld [tilespmem:s21+$0x64C0]  }
0x15f: {  	v1 =	vld [tilespmem:s21+$0x64D0]  }
0x160: {  	v2 =	vld [tilespmem:s21+$0x6480]  }
0x161: {  	v3 =	vld [tilespmem:s21+$0x6490]  }
0x162: {  	v4 =	vld [tilespmem:s21+$0x6440]  }
0x163: {  	v5 =	vld [tilespmem:s21+$0x6450]  }
0x164: {  	v10 =	vld [tilespmem:s21+$0x6400]  }
0x165: {  	v6 =	vimm.f32 $0.0e+00;
	v12 =	vld [tilespmem:s21+$0x6410]  }
0x166: {  	s22 =	simm.s32 $0x400;
	v9 =	vimm.f32 $0.0e+00;
	v8 =	vimm.f32 $0.0e+00;
	v7 =	vimm.f32 $0.0e+00;
	v11 =	vld [tilespmem:s21+$0x6420]  }
.LBB2_17:
0x167: {  	p0 =	sne.s32 s22, $0xC400;
	v13 =	vld [tilespmem:s21+$0x6430]  }
0x168: {  	v14 =	vld [tilespmem:s21+$0x6460]  }
0x169: {  	v15 =	vld [tilespmem:s21+$0x6470]  }
0x16a: {  	v16 =	vld [tilespmem:s21+$0x64A0]  }
0x16b: {  	v6 =	vadd.f32 v10, v6;
	v9 =	vadd.f32 v12, v9;
	v10 =	vld [tilespmem:s21+$0x64B0]  }
0x16c: {  	v8 =	vadd.f32 v11, v8;
	v7 =	vadd.f32 v13, v7;
	v11 =	vld [tilespmem:s21+$0x64E0]  }
0x16d: {  	v4 =	vadd.f32 v4, v6;
	v5 =	vadd.f32 v5, v9;
	v12 =	vld [tilespmem:s21+$0x64F0];
	s21 =	sshra.s32 s22, $0x2  }
0x16e: {  	v6 =	vadd.f32 v14, v8;
	v13 =	vld [tilespmem:s21+$0x64C0];
	v7 =	vadd.f32 v15, v7  }
0x16f: {  	v4 =	vadd.f32 v2, v4;
	v5 =	vadd.f32 v3, v5;
	v14 =	vld [tilespmem:s21+$0x64D0]  }
0x170: {  	v8 =	vadd.f32 v16, v6;
	v2 =	vld [tilespmem:s21+$0x6480];
	v7 =	vadd.f32 v10, v7  }
0x171: {  	v6 =	vadd.f32 v0, v4;
	v9 =	vadd.f32 v1, v5;
	v3 =	vld [tilespmem:s21+$0x6490]  }
.Ltmp8:
0x172: {  	v8 =	vadd.f32 v11, v8;
	v4 =	vld [tilespmem:s21+$0x6440];
	v7 =	vadd.f32 v12, v7;
	(pc) =	sbr.rel @p0 .LBB2_17-.Ltmp8, $4  }
0x173: {  	v5 =	vld [tilespmem:s21+$0x6450];
	v0 =	vmov v13  }
0x174: {  	v10 =	vld [tilespmem:s21+$0x6400];
	v1 =	vmov v14  }
0x175: {  	v12 =	vld [tilespmem:s21+$0x6410]  }
0x176: {  	s22 =	sadd.s32 $0x400, s22;
	v11 =	vld [tilespmem:s21+$0x6420]  }
0x177: {  	v13 =	vld [tilespmem:s21+$0x6430]  }
0x178: {  	v14 =	vld [tilespmem:s21+$0x6460]  }
0x179: {  	v15 =	vld [tilespmem:s21+$0x6470];
	v6 =	vadd.f32 v10, v6  }
0x17a: {  	v10 =	vld [tilespmem:s21+$0x64A0];
	v9 =	vadd.f32 v12, v9  }
0x17b: {  	v12 =	vld [tilespmem:s21+$0x64B0];
	v8 =	vadd.f32 v11, v8;
	v4 =	vadd.f32 v4, v6  }
0x17c: {  	v6 =	vadd.f32 v13, v7;
	v7 =	vld [tilespmem:s21+$0x64E0];
	v5 =	vadd.f32 v5, v9  }
0x17d: {  	v9 =	vld [tilespmem:s21+$0x64F0];
	v8 =	vadd.f32 v14, v8;
	v2 =	vadd.f32 v2, v4  }
0x17e: {  	v4 =	vadd.f32 v15, v6;
	v3 =	vadd.f32 v3, v5  }
0x17f: {  	v5 =	vadd.f32 v10, v8;
	v0 =	vadd.f32 v0, v2  }
0x180: {  	v2 =	vadd.f32 v12, v4;
	v1 =	vadd.f32 v1, v3  }
0x181: {  	v3 =	vadd.f32 v7, v5;
	v0 =	vmul.f32 $4.999999890e-03, v0  }
0x182: {  	v2 =	vadd.f32 v9, v2;
	v1 =	vmul.f32 $4.999999890e-03, v1  }
0x183: {  	[tilespmem:$0x1AF80] =	vst v0;
	v0 =	vmul.f32 $4.999999890e-03, v3  }
0x184: {  	[tilespmem:$0x1AF90] =	vst v1;
	v1 =	vmul.f32 $4.999999890e-03, v2  }
0x185: {  	[tilespmem:$0x1AFA0] =	vst v0  }
0x186: {  	[tilespmem:$0x1AFB0] =	vst v1  }
0x187: {  	_ =	swait.ge [sflag:s12], $0x1A00  }
0x188: {  	[sflag:s12] =	ssyncset.done $0x0  }
0x189: {  	[sflag:s12] =	ssyncadd.s32 $0xFFFFE600  }
0x18a: {  	_ =	swait.ge [sflag:s12], $0x1800  }
0x18b: {  	[sflag:s12] =	ssyncset.done $0x0  }
0x18c: {  	s21 =	simm.s32 $0x0;
	[sflag:s12] =	ssyncadd.s32 $0xFFFFE800  }
0x18d: {  	v0 =	vld [tilespmem:s21+$0x96C0]  }
0x18e: {  	v1 =	vld [tilespmem:s21+$0x96D0]  }
0x18f: {  	v2 =	vld [tilespmem:s21+$0x9680]  }
0x190: {  	v3 =	vld [tilespmem:s21+$0x9690]  }
0x191: {  	v4 =	vld [tilespmem:s21+$0x9640]  }
0x192: {  	v5 =	vld [tilespmem:s21+$0x9650]  }
0x193: {  	v10 =	vld [tilespmem:s21+$0x9600]  }
0x194: {  	v6 =	vimm.f32 $0.0e+00;
	v12 =	vld [tilespmem:s21+$0x9610]  }
0x195: {  	s22 =	simm.s32 $0x400;
	v8 =	vimm.f32 $0.0e+00;
	v7 =	vimm.f32 $0.0e+00;
	v9 =	vimm.f32 $0.0e+00;
	v11 =	vld [tilespmem:s21+$0x9620]  }
.LBB2_19:
0x196: {  	p0 =	sne.s32 s22, $0xC400;
	v13 =	vld [tilespmem:s21+$0x9630]  }
0x197: {  	v14 =	vld [tilespmem:s21+$0x9660]  }
0x198: {  	v15 =	vld [tilespmem:s21+$0x9670]  }
0x199: {  	v16 =	vld [tilespmem:s21+$0x96A0]  }
0x19a: {  	v6 =	vadd.f32 v10, v6;
	v9 =	vadd.f32 v12, v9;
	v10 =	vld [tilespmem:s21+$0x96B0]  }
0x19b: {  	v8 =	vadd.f32 v11, v8;
	v7 =	vadd.f32 v13, v7;
	v11 =	vld [tilespmem:s21+$0x96E0]  }
0x19c: {  	v4 =	vadd.f32 v4, v6;
	v5 =	vadd.f32 v5, v9;
	v12 =	vld [tilespmem:s21+$0x96F0];
	s21 =	sshra.s32 s22, $0x2  }
0x19d: {  	v6 =	vadd.f32 v14, v8;
	v13 =	vld [tilespmem:s21+$0x96C0];
	v7 =	vadd.f32 v15, v7  }
0x19e: {  	v4 =	vadd.f32 v2, v4;
	v5 =	vadd.f32 v3, v5;
	v14 =	vld [tilespmem:s21+$0x96D0]  }
0x19f: {  	v8 =	vadd.f32 v16, v6;
	v2 =	vld [tilespmem:s21+$0x9680];
	v7 =	vadd.f32 v10, v7  }
0x1a0: {  	v6 =	vadd.f32 v0, v4;
	v9 =	vadd.f32 v1, v5;
	v3 =	vld [tilespmem:s21+$0x9690]  }
.Ltmp9:
0x1a1: {  	v8 =	vadd.f32 v11, v8;
	v4 =	vld [tilespmem:s21+$0x9640];
	v7 =	vadd.f32 v12, v7;
	(pc) =	sbr.rel @p0 .LBB2_19-.Ltmp9, $4  }
0x1a2: {  	v5 =	vld [tilespmem:s21+$0x9650];
	v0 =	vmov v13  }
0x1a3: {  	v10 =	vld [tilespmem:s21+$0x9600];
	v1 =	vmov v14  }
0x1a4: {  	v12 =	vld [tilespmem:s21+$0x9610]  }
0x1a5: {  	s22 =	sadd.s32 $0x400, s22;
	v11 =	vld [tilespmem:s21+$0x9620]  }
0x1a6: {  	v13 =	vld [tilespmem:s21+$0x9630]  }
0x1a7: {  	v14 =	vld [tilespmem:s21+$0x9660]  }
0x1a8: {  	v15 =	vld [tilespmem:s21+$0x9670];
	v6 =	vadd.f32 v10, v6  }
0x1a9: {  	v53 =	vld [tilespmem:s21+$0x96A0];
	v9 =	vadd.f32 v12, v9  }
0x1aa: {  	v54 =	vld [tilespmem:s21+$0x96B0];
	v8 =	vadd.f32 v11, v8;
	v4 =	vadd.f32 v4, v6  }
0x1ab: {  	v56 =	vld [tilespmem:s21+$0x96E0];
	v55 =	vadd.f32 v13, v7;
	v5 =	vadd.f32 v5, v9  }
0x1ac: {  	v57 =	vld [tilespmem:s21+$0x96F0];
	v8 =	vadd.f32 v14, v8;
	v2 =	vadd.f32 v2, v4  }
0x1ad: {  	v58 =	vadd.f32 v15, v55;
	v3 =	vadd.f32 v3, v5  }
0x1ae: {  	v59 =	vadd.f32 v53, v8;
	v0 =	vadd.f32 v0, v2  }
0x1af: {  	v60 =	vadd.f32 v54, v58;
	v1 =	vadd.f32 v1, v3  }
0x1b0: {  	v61 =	vadd.f32 v56, v59;
	v0 =	vmul.f32 $4.999999890e-03, v0  }
0x1b1: {  	v2 =	vadd.f32 v57, v60;
	v1 =	vmul.f32 $4.999999890e-03, v1  }
0x1b2: {  	[tilespmem:$0x1AFC0] =	vst v0;
	v62 =	vmul.f32 $4.999999890e-03, v61  }
0x1b3: {  	s20 =	sadd.s32 $0x1, s20;
	[tilespmem:$0x1AFD0] =	vst v1;
	v63 =	vmul.f32 $4.999999890e-03, v2  }
0x1b4: {  	p0 =	sne.s32 s20, s6;
	[tilespmem:$0x1AFE0] =	vst v62  }
.Ltmp10:
0x1b5: {  	[tilespmem:$0x1AFF0] =	vst v63;
	(pc) =	sbr.rel @p0 .LBB2_1-.Ltmp10, $4  }
0x1b6: {  	[hbm4b:s5+s2] =	stream.linear.scatter [tilespmem:s19], [sflag:$0x7], $0x2000, $0x38;
	[tilespmem:$0x1B000] =	vst v63  }
0x1b7: {  	_ =	swait.ge [sflag:s7], $0x2000  }
0x1b8: {  	[sflag:s7] =	ssyncset.done $0x0  }
0x1b9: {  	[sflag:s7] =	ssyncadd.s32 $0xFFFFE000  }
0x1ba: {  	_ =	sfence.sel $0x180000  }
0x1bb: {  	[bflag:$0x0] =	sbarrier.arrive $0xFFFF  }
0x1bc: {  	_ =	strace $0x9000004A  }
0x1bd: {  	s0 =	stileid.u32;
	[bflag:$0x2] =	sbarrier.arrive $0xFFFF  }
0x1be: {  	p0 =	sne.s32 s0, $0x0;
	s0 =	rddreg [dreg:$0x1]  }
0x1bf: {  	s0 =	sadd.s32 @!p0 $0x100000, s0  }
0x1c0: {  	[sflag:s0] =	ssyncadd.tile.s32 @!p0 $0x1;
	_ =	shalt  }
.Lfunc_end2:
_tile_overlayer_lowered:
.L_overlay_start_2:
0x1c1: {  	(tag) =	ssettag $0x2  }
0x1c2: {  	s0 =	rddreg [dreg:$0x0];
	s2 =	stileid.u32  }
0x1c3: {  	s1 =	rddreg [dreg:$0x1];
	p0 =	sne.s32 s2, $0x0  }
0x1c4: {  	s3 =	rddreg [dreg:$0x2];
	[bflag:$0x3] =	sbarrier.arrive $0xFFFF;
	s2 =	simm.s32 @!p0 $0x1C07  }
0x1c5: {  	[timem:s3], [sflag:s2] =	dma.local @!p0 [hbm:s0], s1  }
0x1c6: {  	s0 =	simm.s32 @!p0 $0x7  }
0x1c7: {  	_ =	swait.ge @!p0 [sflag:s0], s1  }
0x1c8: {  	s1 =	ssub.s32 @!p0 $0x0, s1;
	[sflag:s0] =	ssyncset.done @!p0 $0x0  }
0x1c9: {  	[sflag:s0] =	ssyncadd.s32 @!p0 s1  }
0x1ca: {  	[bflag:$0x3] =	sbarrier.arrive $0xFFFF  }
0x1cb: {  	_ =	shalt  }

</sc_bundles>
